<compile_context>
chip_gen: v7x
topology: tpu7x:2x2x1
jax: 0.10.2.dev20260603
libtpu: 0.0.44.dev20260713+nightly
codegen_flags: <defaults>
</compile_context>

<pallas_src>
import dataclasses
import functools

import jax
import jax.numpy as jnp
from jax import lax
from jax.experimental import pallas as pl
from jax.experimental.pallas import tpu as pltpu
from jax.experimental.pallas import tpu_sc as plsc

_N = 10000
_E = 320000
_D = 128
_R = 8
_B = 4

_NC = 2
_NS = 16
_NW = _NC * _NS
_CH = 128
_CPT = 80
_EPT = _CH * _CPT
_EPAD = _NW * _EPT
_CPH = _CPT // 2
_RPT = 624

_BN = 1000


def _xw_body(coeff_ref, bases_lo_ref, bases_hi_ref, x_ref, out_ref):
    w_lo = coeff_ref[0, 0, 0] * bases_lo_ref[0]
    w_hi = coeff_ref[0, 0, 0] * bases_hi_ref[0]
    for b in range(1, _B):
        w_lo = w_lo + coeff_ref[0, 0, b] * bases_lo_ref[b]
        w_hi = w_hi + coeff_ref[0, 0, b] * bases_hi_ref[b]
    x = x_ref[...]
    dn = (((1,), (0,)), ((), ()))
    y_lo = lax.dot_general(x, w_lo, dn, preferred_element_type=jnp.float32)
    y_hi = lax.dot_general(x, w_hi, dn, preferred_element_type=jnp.float32)
    lo16 = lax.bitcast_convert_type(
        y_lo.astype(jnp.bfloat16), jnp.uint16).astype(jnp.int32)
    hi16 = lax.bitcast_convert_type(
        y_hi.astype(jnp.bfloat16), jnp.uint16).astype(jnp.int32)
    out_ref[0] = jnp.bitwise_or(lax.shift_left(hi16, 16), lo16)


_DW = _D // 2

_xw_call = pl.pallas_call(
    _xw_body,
    grid=(_R, _N // _BN),
    in_specs=[
        pl.BlockSpec((1, 1, _B), lambda r, i: (r, 0, 0)),
        pl.BlockSpec((_B, _D, _DW), lambda r, i: (0, 0, 0)),
        pl.BlockSpec((_B, _D, _DW), lambda r, i: (0, 0, 0)),
        pl.BlockSpec((_BN, _D), lambda r, i: (i, 0)),
    ],
    out_specs=pl.BlockSpec((1, _BN, _DW), lambda r, i: (r, i, 0)),
    out_shape=jax.ShapeDtypeStruct((_R, _N, _DW), jnp.int32),
)

_COLS_LO = [32 * (t // 16) + (t % 16) for t in range(_DW)]
_COLS_HI = [c + 16 for c in _COLS_LO]


_sc_mesh = plsc.VectorSubcoreMesh(core_axis_name="c", subcore_axis_name="s")

_sc_params = pltpu.CompilerParams(
    needs_layout_passes=False, use_tc_tiling_on_sc=False)


@functools.partial(
    pl.kernel,
    out_type=jax.ShapeDtypeStruct((_NC, _N, _D), jnp.float32),
    mesh=_sc_mesh,
    compiler_params=_sc_params,
    scratch_types=[
        pltpu.VMEM((_CPH, _CH), jnp.int32),
        pltpu.VMEM((_CPH, _CH), jnp.int32),
        pltpu.VMEM((_CPH, _CH), jnp.float32),
        pltpu.VMEM((_CH, _DW), jnp.int32),
        pltpu.VMEM((_CH, _DW), jnp.int32),
        pltpu.VMEM((_CH, _D), jnp.float32),
        pltpu.SemaphoreType.DMA,
        pltpu.SemaphoreType.DMA,
        pltpu.VMEM_SHARED((_N, _D), jnp.float32),
    ],
)
def _sc_scatter(table_hbm, gidx_hbm, dst_hbm, norm_hbm, out_hbm,
                gidx_v, dst_v, norm_v, rows_a, rows_b, rows_f, sem_a, sem_b,
                acc_sh):
    c = lax.axis_index("c")
    s = lax.axis_index("s")
    wid = c * _NS + s

    @pl.loop(0, _CH)
    def _zrow(e):
        for j in range(_D // 16):
            rows_f[e, pl.ds(j * 16, 16)] = jnp.zeros((16,), jnp.float32)

    for k in range(_RPT // _CH):
        pltpu.sync_copy(rows_f, acc_sh.at[pl.ds(s * _RPT + k * _CH, _CH)])
    _TAIL = _RPT - (_RPT // _CH) * _CH
    pltpu.sync_copy(rows_f.at[pl.ds(0, _TAIL)],
                    acc_sh.at[pl.ds(s * _RPT + _RPT - _TAIL, _TAIL)])

    @pl.when(s == _NS - 1)
    def _():
        pltpu.sync_copy(rows_f.at[pl.ds(0, _N - _NS * _RPT)],
                        acc_sh.at[pl.ds(_NS * _RPT, _N - _NS * _RPT)])

    plsc.subcore_barrier()

    def _scale(i, rows):
        @pl.loop(0, _CH, step=4)
        def _edge(e0):
            for k in range(4):
                e = e0 + k
                nv = plsc.load_gather(
                    norm_v, [jnp.full((16,), i, jnp.int32),
                             jnp.full((16,), e, jnp.int32)])
                for q in range(_D // 32):
                    w = rows[e, pl.ds(q * 16, 16)]
                    lo = plsc.bitcast(lax.shift_left(w, 16), jnp.float32)
                    hi = plsc.bitcast(
                        jnp.bitwise_and(w, jnp.int32(-65536)), jnp.float32)
                    rows_f[e, pl.ds(q * 32, 16)] = lo * nv
                    rows_f[e, pl.ds(q * 32 + 16, 16)] = hi * nv

    def _gather_start(i, rows, sem):
        pltpu.async_copy(table_hbm.at[gidx_v.at[i]], rows, sem)

    def _gather_wait(rows, sem):
        pltpu.make_async_copy(table_hbm.at[pl.ds(0, _CH)], rows, sem).wait()

    def _process(i, rows):
        _scale(i, rows)
        pltpu.sync_copy(rows_f, acc_sh.at[dst_v.at[i]], add=True)

    for h in range(_CPT // _CPH):
        pltpu.sync_copy(gidx_hbm.at[wid, pl.ds(h * _CPH, _CPH)], gidx_v)
        pltpu.sync_copy(dst_hbm.at[wid, pl.ds(h * _CPH, _CPH)], dst_v)
        pltpu.sync_copy(norm_hbm.at[wid, pl.ds(h * _CPH, _CPH)], norm_v)
        _gather_start(0, rows_a, sem_a)

        @pl.loop(0, _CPH - 2, step=2)
        def _chunk(i):
            _gather_wait(rows_a, sem_a)
            _gather_start(i + 1, rows_b, sem_b)
            _process(i, rows_a)
            _gather_wait(rows_b, sem_b)
            _gather_start(i + 2, rows_a, sem_a)
            _process(i + 1, rows_b)

        _gather_wait(rows_a, sem_a)
        _gather_start(_CPH - 1, rows_b, sem_b)
        _process(_CPH - 2, rows_a)
        _gather_wait(rows_b, sem_b)
        _process(_CPH - 1, rows_b)

    plsc.subcore_barrier()
    pltpu.sync_copy(acc_sh.at[pl.ds(s * _RPT, _RPT)],
                    out_hbm.at[c, pl.ds(s * _RPT, _RPT)])

    @pl.when(s == _NS - 1)
    def _():
        pltpu.sync_copy(acc_sh.at[pl.ds(_NS * _RPT, _N - _NS * _RPT)],
                        out_hbm.at[c, pl.ds(_NS * _RPT, _N - _NS * _RPT)])


def _fin_body(x_ref, lw_ref, bias_ref, agg_ref, out_ref):
    sl = lax.dot_general(
        x_ref[...], lw_ref[...], (((1,), (0,)), ((), ())),
        preferred_element_type=jnp.float32)
    out_ref[...] = jnp.maximum(
        sl + agg_ref[0] + agg_ref[1] + bias_ref[...], 0.0)


_fin_call = pl.pallas_call(
    _fin_body,
    grid=(_N // _BN,),
    in_specs=[
        pl.BlockSpec((_BN, _D), lambda i: (i, 0)),
        pl.BlockSpec((_D, _D), lambda i: (0, 0)),
        pl.BlockSpec((1, _D), lambda i: (0, 0)),
        pl.BlockSpec((_NC, _BN, _D), lambda i: (0, i, 0)),
    ],
    out_specs=pl.BlockSpec((_BN, _D), lambda i: (i, 0)),
    out_shape=jax.ShapeDtypeStruct((_N, _D), jnp.float32),
)


def kernel(x, edge_index, etype, norm, bases, coeff, loop_weight, bias):
    src = edge_index[0]
    dst = edge_index[1]
    gidx = etype.astype(jnp.int32) * _N + src.astype(jnp.int32)
    pad = _EPAD - _E
    gidx_p = jnp.concatenate(
        [gidx, jnp.zeros((pad,), jnp.int32)]).reshape(_NW, _CPT, _CH)
    dst_p = jnp.concatenate(
        [dst.astype(jnp.int32), jnp.zeros((pad,), jnp.int32)]
    ).reshape(_NW, _CPT, _CH)
    norm_p = jnp.concatenate(
        [norm[:, 0].astype(jnp.float32), jnp.zeros((pad,), jnp.float32)]
    ).reshape(_NW, _CPT, _CH)

    bases_lo = bases[:, :, jnp.array(_COLS_LO, dtype=jnp.int32)]
    bases_hi = bases[:, :, jnp.array(_COLS_HI, dtype=jnp.int32)]
    xw = _xw_call(coeff.reshape(_R, 1, _B), bases_lo, bases_hi, x)
    table = xw.reshape(_R * _N, _DW)
    agg = _sc_scatter(table, gidx_p, dst_p, norm_p)
    return _fin_call(x, loop_weight, bias.reshape(1, _D), agg)

# --- scband reference (transcript-rebuilt; emitter-appended) ---
"""Pipeline reference for scband-rgcn-27487790695081 (READ-ONLY COPY).

The authoritative reference and input builder live on the scoring server;
editing this copy changes nothing except your own understanding.
"""

import jax, jax.numpy as jnp
import numpy as np

N = 10000
E = 320000
D = 128
R = 8
B = 4


def setup_inputs(seed: int = 0) -> dict:
    key = jax.random.key(seed)
    ks = jax.random.split(key, 8)
    x = jax.random.normal(ks[0], (N, D), dtype=jnp.float32)
    edge_index = jax.random.randint(ks[1], (2, E), 0, N, dtype=jnp.int32)
    etype = jax.random.randint(ks[2], (E,), 0, R, dtype=jnp.int32)
    norm = jax.random.uniform(ks[3], (E, 1), dtype=jnp.float32)
    # learned parameters: basis decomposition weights, coefficients, self-loop weight, bias
    bases = jax.random.normal(ks[4], (B, D, D), dtype=jnp.float32) * 0.05
    coeff = jax.random.normal(ks[5], (R, B), dtype=jnp.float32)
    loop_weight = jax.random.normal(ks[6], (D, D), dtype=jnp.float32) * 0.05
    bias = jnp.zeros((D,), dtype=jnp.float32)
    return {"x": x, "edge_index": edge_index, "etype": etype, "norm": norm,
            "bases": bases, "coeff": coeff, "loop_weight": loop_weight, "bias": bias}


def reference(x, edge_index, etype, norm, bases, coeff, loop_weight, bias):
    # RelGraphConv with basis regularizer, single hidden layer, self_loop=True, relu, dropout=0
    # W_r = sum_b coeff[r,b] * bases[b]
    W = jnp.einsum('rb,bdo->rdo', coeff, bases)          # [R, D, D]
    # transform all nodes under every relation (low-mem grouped matmul equivalent)
    xW = jnp.einsum('nd,rdo->rno', x, W)                 # [R, N, D]
    src = edge_index[0]
    dst = edge_index[1]
    # per-edge message: gather transformed src feature by (etype, src), scale by edge norm
    msg = xW[etype, src] * norm                          # [E, D]
    # aggregate (sum) messages at destination nodes
    agg = jnp.zeros((N, D), dtype=x.dtype).at[dst].add(msg)
    # bias + self-loop, then activation (dropout=0 is identity)
    out = agg + bias + x @ loop_weight
    out = jax.nn.relu(out)
    return out

if __name__ == "__main__":
    import jax
    _d = setup_inputs()
    print(jax.jit(kernel)(*tuple(_d.values())))

</pallas_src>

<mosaic_0001>
#map = affine_map<(d0, d1) -> (0, 0)>
#map1 = affine_map<(d0, d1) -> (0, 0, 0)>
module attributes {stable_mosaic.version = 14 : i64} {
  func.func @_sc_scatter(%arg0: i32, %arg1: i32, %arg2: memref<80000x64xi32, #tpu.memory_space<hbm>>, %arg3: memref<32x80x128xi32, #tpu.memory_space<hbm>>, %arg4: memref<32x80x128xi32, #tpu.memory_space<hbm>>, %arg5: memref<32x80x128xf32, #tpu.memory_space<hbm>>, %arg6: memref<2x10000x128xf32, #tpu.memory_space<hbm>>, %arg7: memref<40x128xi32, #tpu.memory_space<vmem>>, %arg8: memref<40x128xi32, #tpu.memory_space<vmem>>, %arg9: memref<40x128xf32, #tpu.memory_space<vmem>>, %arg10: memref<128x64xi32, #tpu.memory_space<vmem>>, %arg11: memref<128x64xi32, #tpu.memory_space<vmem>>, %arg12: memref<128x128xf32, #tpu.memory_space<vmem>>, %arg13: memref<!tpu.dma_semaphore, #tpu.memory_space<semaphore_mem>>, %arg14: memref<!tpu.dma_semaphore, #tpu.memory_space<semaphore_mem>>, %arg15: memref<10000x128xf32, #tpu.memory_space<vmem_shared>>) attributes {dimension_semantics = [#tpu.dimension_semantics<core_parallel>, #tpu.dimension_semantics<subcore_parallel>], iteration_bounds = array<i64: 2, 16>, scalar_prefetch = 0 : i64, scratch_operands = 9 : i64, tpu.core_type = #tpu.core_type<sc_vector_subcore>, window_params = [{transform_indices = #map}, {transform_indices = #map1}, {transform_indices = #map1}, {transform_indices = #map1}, {transform_indices = #map1}]} {
    %mul3A = arith.constant 16 : i32
    %mul3A_0 = arith.muli %arg0, %mul3A : i32
    %add3A = arith.addi %mul3A_0, %arg1 : i32
    %scan3A = arith.constant 0 : i32
    %scan3A_1 = arith.constant 128 : i32
    %scan3A_2 = arith.addi %scan3A, %scan3A_1 : i32
    %scan3A_3 = arith.constant 1 : i32
    scf.for %scan3A_121 = %scan3A to %scan3A_2 step %scan3A_3  : i32 {
      %mul3A_122 = arith.constant 1 : i32
      %mul3A_123 = arith.muli %scan3A_121, %mul3A_122 : i32
      %add3A_124 = arith.constant 0 : i32
      %add3A_125 = arith.addi %add3A_124, %mul3A_123 : i32
      %broadcast_in_dim3A = arith.constant 0.000000e+00 : f32
      %broadcast_in_dim3A_126 = vector.broadcast %broadcast_in_dim3A : f32 to vector<16xf32>
      %swap3A = arith.index_cast %add3A_125 : i32 to index
      %swap3A_127 = arith.constant 0 : index
      %swap3A_128 = tpu.vector_load %arg12[%swap3A, %swap3A_127] {strides = array<i32>} : memref<128x128xf32, #tpu.memory_space<vmem>>, vector<16xf32>,
      tpu.vector_store %arg12[%swap3A, %swap3A_127], %broadcast_in_dim3A_126 {strides = array<i32>} : memref<128x128xf32, #tpu.memory_space<vmem>>, vector<16xf32>,
      %broadcast_in_dim3A_129 = arith.constant 0.000000e+00 : f32
      %broadcast_in_dim3A_130 = vector.broadcast %broadcast_in_dim3A_129 : f32 to vector<16xf32>
      %swap3A_131 = arith.index_cast %add3A_125 : i32 to index
      %swap3A_132 = arith.constant 16 : index
      %swap3A_133 = tpu.vector_load %arg12[%swap3A_131, %swap3A_132] {strides = array<i32>} : memref<128x128xf32, #tpu.memory_space<vmem>>, vector<16xf32>,
      tpu.vector_store %arg12[%swap3A_131, %swap3A_132], %broadcast_in_dim3A_130 {strides = array<i32>} : memref<128x128xf32, #tpu.memory_space<vmem>>, vector<16xf32>,
      %broadcast_in_dim3A_134 = arith.constant 0.000000e+00 : f32
      %broadcast_in_dim3A_135 = vector.broadcast %broadcast_in_dim3A_134 : f32 to vector<16xf32>
      %swap3A_136 = arith.index_cast %add3A_125 : i32 to index
      %swap3A_137 = arith.constant 32 : index
      %swap3A_138 = tpu.vector_load %arg12[%swap3A_136, %swap3A_137] {strides = array<i32>} : memref<128x128xf32, #tpu.memory_space<vmem>>, vector<16xf32>,
      tpu.vector_store %arg12[%swap3A_136, %swap3A_137], %broadcast_in_dim3A_135 {strides = array<i32>} : memref<128x128xf32, #tpu.memory_space<vmem>>, vector<16xf32>,
      %broadcast_in_dim3A_139 = arith.constant 0.000000e+00 : f32
      %broadcast_in_dim3A_140 = vector.broadcast %broadcast_in_dim3A_139 : f32 to vector<16xf32>
      %swap3A_141 = arith.index_cast %add3A_125 : i32 to index
      %swap3A_142 = arith.constant 48 : index
      %swap3A_143 = tpu.vector_load %arg12[%swap3A_141, %swap3A_142] {strides = array<i32>} : memref<128x128xf32, #tpu.memory_space<vmem>>, vector<16xf32>,
      tpu.vector_store %arg12[%swap3A_141, %swap3A_142], %broadcast_in_dim3A_140 {strides = array<i32>} : memref<128x128xf32, #tpu.memory_space<vmem>>, vector<16xf32>,
      %broadcast_in_dim3A_144 = arith.constant 0.000000e+00 : f32
      %broadcast_in_dim3A_145 = vector.broadcast %broadcast_in_dim3A_144 : f32 to vector<16xf32>
      %swap3A_146 = arith.index_cast %add3A_125 : i32 to index
      %swap3A_147 = arith.constant 64 : index
      %swap3A_148 = tpu.vector_load %arg12[%swap3A_146, %swap3A_147] {strides = array<i32>} : memref<128x128xf32, #tpu.memory_space<vmem>>, vector<16xf32>,
      tpu.vector_store %arg12[%swap3A_146, %swap3A_147], %broadcast_in_dim3A_145 {strides = array<i32>} : memref<128x128xf32, #tpu.memory_space<vmem>>, vector<16xf32>,
      %broadcast_in_dim3A_149 = arith.constant 0.000000e+00 : f32
      %broadcast_in_dim3A_150 = vector.broadcast %broadcast_in_dim3A_149 : f32 to vector<16xf32>
      %swap3A_151 = arith.index_cast %add3A_125 : i32 to index
      %swap3A_152 = arith.constant 80 : index
      %swap3A_153 = tpu.vector_load %arg12[%swap3A_151, %swap3A_152] {strides = array<i32>} : memref<128x128xf32, #tpu.memory_space<vmem>>, vector<16xf32>,
      tpu.vector_store %arg12[%swap3A_151, %swap3A_152], %broadcast_in_dim3A_150 {strides = array<i32>} : memref<128x128xf32, #tpu.memory_space<vmem>>, vector<16xf32>,
      %broadcast_in_dim3A_154 = arith.constant 0.000000e+00 : f32
      %broadcast_in_dim3A_155 = vector.broadcast %broadcast_in_dim3A_154 : f32 to vector<16xf32>
      %swap3A_156 = arith.index_cast %add3A_125 : i32 to index
      %swap3A_157 = arith.constant 96 : index
      %swap3A_158 = tpu.vector_load %arg12[%swap3A_156, %swap3A_157] {strides = array<i32>} : memref<128x128xf32, #tpu.memory_space<vmem>>, vector<16xf32>,
      tpu.vector_store %arg12[%swap3A_156, %swap3A_157], %broadcast_in_dim3A_155 {strides = array<i32>} : memref<128x128xf32, #tpu.memory_space<vmem>>, vector<16xf32>,
      %broadcast_in_dim3A_159 = arith.constant 0.000000e+00 : f32
      %broadcast_in_dim3A_160 = vector.broadcast %broadcast_in_dim3A_159 : f32 to vector<16xf32>
      %swap3A_161 = arith.index_cast %add3A_125 : i32 to index
      %swap3A_162 = arith.constant 112 : index
      %swap3A_163 = tpu.vector_load %arg12[%swap3A_161, %swap3A_162] {strides = array<i32>} : memref<128x128xf32, #tpu.memory_space<vmem>>, vector<16xf32>,
      tpu.vector_store %arg12[%swap3A_161, %swap3A_162], %broadcast_in_dim3A_160 {strides = array<i32>} : memref<128x128xf32, #tpu.memory_space<vmem>>, vector<16xf32>,
    }
    %scan3A_4 = arith.constant 128 : i32
    %mul3A_5 = arith.constant 624 : i32
    %mul3A_6 = arith.muli %arg1, %mul3A_5 : i32
    %add3A_7 = arith.constant 0 : i32
    %add3A_8 = arith.addi %mul3A_6, %add3A_7 : i32
    "tpu.region"() ({
      %run_scoped3A_121 = tpu.sem_alloc : memref<!tpu.dma_semaphore, #tpu.memory_space<semaphore_mem>>
      %dma_start3A_122 = arith.constant 0 : i32
      %dma_start3A_123 = tpu.memref_slice %arg15[%add3A_8, %dma_start3A_122] : memref<10000x128xf32, #tpu.memory_space<vmem_shared>> -> memref<128x128xf32, #tpu.memory_space<vmem_shared>>
      %dma_start3A_124 = arith.constant 0 : i32
      %dma_start3A_125 = tpu.memref_slice %arg15[%add3A_8, %dma_start3A_124] : memref<10000x128xf32, #tpu.memory_space<vmem_shared>> -> memref<128x128xf32, #tpu.memory_space<vmem_shared>>
      tpu.enqueue_dma source(%arg12 : memref<128x128xf32, #tpu.memory_space<vmem>>) target(%dma_start3A_125 : memref<128x128xf32, #tpu.memory_space<vmem_shared>>) target_semaphore(%run_scoped3A_121 : memref<!tpu.dma_semaphore, #tpu.memory_space<semaphore_mem>>)
      %dma_wait3A_126 = arith.constant 0 : i32
      %dma_wait3A_127 = tpu.memref_slice %arg15[%add3A_8, %dma_wait3A_126] : memref<10000x128xf32, #tpu.memory_space<vmem_shared>> -> memref<128x128xf32, #tpu.memory_space<vmem_shared>>
      %dma_wait3A_128 = arith.constant 0 : i32
      %dma_wait3A_129 = tpu.memref_slice %arg15[%add3A_8, %dma_wait3A_128] : memref<10000x128xf32, #tpu.memory_space<vmem_shared>> -> memref<128x128xf32, #tpu.memory_space<vmem_shared>>
      tpu.wait_dma2 semaphore(%run_scoped3A_121 : memref<!tpu.dma_semaphore, #tpu.memory_space<semaphore_mem>>) src(%arg12 : memref<128x128xf32, #tpu.memory_space<vmem>>) dst(%dma_wait3A_129 : memref<128x128xf32, #tpu.memory_space<vmem_shared>>)
      tpu.yield
    }) : () -> ()
    %mul3A_9 = arith.constant 624 : i32
    %mul3A_10 = arith.muli %arg1, %mul3A_9 : i32
    %add3A_11 = arith.constant 128 : i32
    %add3A_12 = arith.addi %mul3A_10, %add3A_11 : i32
    "tpu.region"() ({
      %run_scoped3A_121 = tpu.sem_alloc : memref<!tpu.dma_semaphore, #tpu.memory_space<semaphore_mem>>
      %dma_start3A_122 = arith.constant 0 : i32
      %dma_start3A_123 = tpu.memref_slice %arg15[%add3A_12, %dma_start3A_122] : memref<10000x128xf32, #tpu.memory_space<vmem_shared>> -> memref<128x128xf32, #tpu.memory_space<vmem_shared>>
      %dma_start3A_124 = arith.constant 0 : i32
      %dma_start3A_125 = tpu.memref_slice %arg15[%add3A_12, %dma_start3A_124] : memref<10000x128xf32, #tpu.memory_space<vmem_shared>> -> memref<128x128xf32, #tpu.memory_space<vmem_shared>>
      tpu.enqueue_dma source(%arg12 : memref<128x128xf32, #tpu.memory_space<vmem>>) target(%dma_start3A_125 : memref<128x128xf32, #tpu.memory_space<vmem_shared>>) target_semaphore(%run_scoped3A_121 : memref<!tpu.dma_semaphore, #tpu.memory_space<semaphore_mem>>)
      %dma_wait3A_126 = arith.constant 0 : i32
      %dma_wait3A_127 = tpu.memref_slice %arg15[%add3A_12, %dma_wait3A_126] : memref<10000x128xf32, #tpu.memory_space<vmem_shared>> -> memref<128x128xf32, #tpu.memory_space<vmem_shared>>
      %dma_wait3A_128 = arith.constant 0 : i32
      %dma_wait3A_129 = tpu.memref_slice %arg15[%add3A_12, %dma_wait3A_128] : memref<10000x128xf32, #tpu.memory_space<vmem_shared>> -> memref<128x128xf32, #tpu.memory_space<vmem_shared>>
      tpu.wait_dma2 semaphore(%run_scoped3A_121 : memref<!tpu.dma_semaphore, #tpu.memory_space<semaphore_mem>>) src(%arg12 : memref<128x128xf32, #tpu.memory_space<vmem>>) dst(%dma_wait3A_129 : memref<128x128xf32, #tpu.memory_space<vmem_shared>>)
      tpu.yield
    }) : () -> ()
    %mul3A_13 = arith.constant 624 : i32
    %mul3A_14 = arith.muli %arg1, %mul3A_13 : i32
    %add3A_15 = arith.constant 256 : i32
    %add3A_16 = arith.addi %mul3A_14, %add3A_15 : i32
    "tpu.region"() ({
      %run_scoped3A_121 = tpu.sem_alloc : memref<!tpu.dma_semaphore, #tpu.memory_space<semaphore_mem>>
      %dma_start3A_122 = arith.constant 0 : i32
      %dma_start3A_123 = tpu.memref_slice %arg15[%add3A_16, %dma_start3A_122] : memref<10000x128xf32, #tpu.memory_space<vmem_shared>> -> memref<128x128xf32, #tpu.memory_space<vmem_shared>>
      %dma_start3A_124 = arith.constant 0 : i32
      %dma_start3A_125 = tpu.memref_slice %arg15[%add3A_16, %dma_start3A_124] : memref<10000x128xf32, #tpu.memory_space<vmem_shared>> -> memref<128x128xf32, #tpu.memory_space<vmem_shared>>
      tpu.enqueue_dma source(%arg12 : memref<128x128xf32, #tpu.memory_space<vmem>>) target(%dma_start3A_125 : memref<128x128xf32, #tpu.memory_space<vmem_shared>>) target_semaphore(%run_scoped3A_121 : memref<!tpu.dma_semaphore, #tpu.memory_space<semaphore_mem>>)
      %dma_wait3A_126 = arith.constant 0 : i32
      %dma_wait3A_127 = tpu.memref_slice %arg15[%add3A_16, %dma_wait3A_126] : memref<10000x128xf32, #tpu.memory_space<vmem_shared>> -> memref<128x128xf32, #tpu.memory_space<vmem_shared>>
      %dma_wait3A_128 = arith.constant 0 : i32
      %dma_wait3A_129 = tpu.memref_slice %arg15[%add3A_16, %dma_wait3A_128] : memref<10000x128xf32, #tpu.memory_space<vmem_shared>> -> memref<128x128xf32, #tpu.memory_space<vmem_shared>>
      tpu.wait_dma2 semaphore(%run_scoped3A_121 : memref<!tpu.dma_semaphore, #tpu.memory_space<semaphore_mem>>) src(%arg12 : memref<128x128xf32, #tpu.memory_space<vmem>>) dst(%dma_wait3A_129 : memref<128x128xf32, #tpu.memory_space<vmem_shared>>)
      tpu.yield
    }) : () -> ()
    %mul3A_17 = arith.constant 624 : i32
    %mul3A_18 = arith.muli %arg1, %mul3A_17 : i32
    %add3A_19 = arith.constant 384 : i32
    %add3A_20 = arith.addi %mul3A_18, %add3A_19 : i32
    "tpu.region"() ({
      %run_scoped3A_121 = tpu.sem_alloc : memref<!tpu.dma_semaphore, #tpu.memory_space<semaphore_mem>>
      %dma_start3A_122 = arith.constant 0 : i32
      %dma_start3A_123 = tpu.memref_slice %arg15[%add3A_20, %dma_start3A_122] : memref<10000x128xf32, #tpu.memory_space<vmem_shared>> -> memref<128x128xf32, #tpu.memory_space<vmem_shared>>
      %dma_start3A_124 = arith.constant 0 : i32
      %dma_start3A_125 = tpu.memref_slice %arg15[%add3A_20, %dma_start3A_124] : memref<10000x128xf32, #tpu.memory_space<vmem_shared>> -> memref<128x128xf32, #tpu.memory_space<vmem_shared>>
      tpu.enqueue_dma source(%arg12 : memref<128x128xf32, #tpu.memory_space<vmem>>) target(%dma_start3A_125 : memref<128x128xf32, #tpu.memory_space<vmem_shared>>) target_semaphore(%run_scoped3A_121 : memref<!tpu.dma_semaphore, #tpu.memory_space<semaphore_mem>>)
      %dma_wait3A_126 = arith.constant 0 : i32
      %dma_wait3A_127 = tpu.memref_slice %arg15[%add3A_20, %dma_wait3A_126] : memref<10000x128xf32, #tpu.memory_space<vmem_shared>> -> memref<128x128xf32, #tpu.memory_space<vmem_shared>>
      %dma_wait3A_128 = arith.constant 0 : i32
      %dma_wait3A_129 = tpu.memref_slice %arg15[%add3A_20, %dma_wait3A_128] : memref<10000x128xf32, #tpu.memory_space<vmem_shared>> -> memref<128x128xf32, #tpu.memory_space<vmem_shared>>
      tpu.wait_dma2 semaphore(%run_scoped3A_121 : memref<!tpu.dma_semaphore, #tpu.memory_space<semaphore_mem>>) src(%arg12 : memref<128x128xf32, #tpu.memory_space<vmem>>) dst(%dma_wait3A_129 : memref<128x128xf32, #tpu.memory_space<vmem_shared>>)
      tpu.yield
    }) : () -> ()
    %mul3A_21 = arith.constant 624 : i32
    %mul3A_22 = arith.muli %arg1, %mul3A_21 : i32
    %add3A_23 = arith.constant 624 : i32
    %add3A_24 = arith.addi %mul3A_22, %add3A_23 : i32
    %sub3A = arith.constant 112 : i32
    %sub3A_25 = arith.subi %add3A_24, %sub3A : i32
    "tpu.region"() ({
      %run_scoped3A_121 = tpu.sem_alloc : memref<!tpu.dma_semaphore, #tpu.memory_space<semaphore_mem>>
      %dma_start3A_122 = arith.constant 0 : i32
      %dma_start3A_123 = arith.constant 0 : i32
      %dma_start3A_124 = tpu.memref_slice %arg12[%dma_start3A_122, %dma_start3A_123] : memref<128x128xf32, #tpu.memory_space<vmem>> -> memref<112x128xf32, #tpu.memory_space<vmem>>
      %dma_start3A_125 = arith.constant 0 : i32
      %dma_start3A_126 = tpu.memref_slice %arg15[%sub3A_25, %dma_start3A_125] : memref<10000x128xf32, #tpu.memory_space<vmem_shared>> -> memref<112x128xf32, #tpu.memory_space<vmem_shared>>
      %dma_start3A_127 = arith.constant 0 : i32
      %dma_start3A_128 = tpu.memref_slice %arg15[%sub3A_25, %dma_start3A_127] : memref<10000x128xf32, #tpu.memory_space<vmem_shared>> -> memref<112x128xf32, #tpu.memory_space<vmem_shared>>
      %dma_start3A_129 = arith.constant 0 : i32
      %dma_start3A_130 = arith.constant 0 : i32
      %dma_start3A_131 = tpu.memref_slice %arg12[%dma_start3A_129, %dma_start3A_130] : memref<128x128xf32, #tpu.memory_space<vmem>> -> memref<112x128xf32, #tpu.memory_space<vmem>>
      tpu.enqueue_dma source(%dma_start3A_131 : memref<112x128xf32, #tpu.memory_space<vmem>>) target(%dma_start3A_128 : memref<112x128xf32, #tpu.memory_space<vmem_shared>>) target_semaphore(%run_scoped3A_121 : memref<!tpu.dma_semaphore, #tpu.memory_space<semaphore_mem>>)
      %dma_wait3A_132 = arith.constant 0 : i32
      %dma_wait3A_133 = arith.constant 0 : i32
      %dma_wait3A_134 = tpu.memref_slice %arg12[%dma_wait3A_132, %dma_wait3A_133] : memref<128x128xf32, #tpu.memory_space<vmem>> -> memref<112x128xf32, #tpu.memory_space<vmem>>
      %dma_wait3A_135 = arith.constant 0 : i32
      %dma_wait3A_136 = tpu.memref_slice %arg15[%sub3A_25, %dma_wait3A_135] : memref<10000x128xf32, #tpu.memory_space<vmem_shared>> -> memref<112x128xf32, #tpu.memory_space<vmem_shared>>
      %dma_wait3A_137 = arith.constant 0 : i32
      %dma_wait3A_138 = tpu.memref_slice %arg15[%sub3A_25, %dma_wait3A_137] : memref<10000x128xf32, #tpu.memory_space<vmem_shared>> -> memref<112x128xf32, #tpu.memory_space<vmem_shared>>
      %dma_wait3A_139 = arith.constant 0 : i32
      %dma_wait3A_140 = arith.constant 0 : i32
      %dma_wait3A_141 = tpu.memref_slice %arg12[%dma_wait3A_139, %dma_wait3A_140] : memref<128x128xf32, #tpu.memory_space<vmem>> -> memref<112x128xf32, #tpu.memory_space<vmem>>
      tpu.wait_dma2 semaphore(%run_scoped3A_121 : memref<!tpu.dma_semaphore, #tpu.memory_space<semaphore_mem>>) src(%dma_wait3A_141 : memref<112x128xf32, #tpu.memory_space<vmem>>) dst(%dma_wait3A_138 : memref<112x128xf32, #tpu.memory_space<vmem_shared>>)
      tpu.yield
    }) : () -> ()
    %eq3A = arith.constant 15 : i32
    %eq3A_26 = arith.cmpi eq, %arg1, %eq3A : i32
    %convert_element_type3A = arith.extui %eq3A_26 : i1 to i32
    %cond3A = arith.constant 0 : i32
    %cond3A_27 = arith.cmpi ne, %convert_element_type3A, %cond3A : i32
    scf.if %cond3A_27 {
      "tpu.region"() ({
        %run_scoped3A_121 = tpu.sem_alloc : memref<!tpu.dma_semaphore, #tpu.memory_space<semaphore_mem>>
        %dma_start3A_122 = arith.constant 0 : i32
        %dma_start3A_123 = arith.constant 0 : i32
        %dma_start3A_124 = tpu.memref_slice %arg12[%dma_start3A_122, %dma_start3A_123] : memref<128x128xf32, #tpu.memory_space<vmem>> -> memref<16x128xf32, #tpu.memory_space<vmem>>
        %dma_start3A_125 = arith.constant 9984 : i32
        %dma_start3A_126 = arith.constant 0 : i32
        %dma_start3A_127 = tpu.memref_slice %arg15[%dma_start3A_125, %dma_start3A_126] : memref<10000x128xf32, #tpu.memory_space<vmem_shared>> -> memref<16x128xf32, #tpu.memory_space<vmem_shared>>
        %dma_start3A_128 = arith.constant 9984 : i32
        %dma_start3A_129 = arith.constant 0 : i32
        %dma_start3A_130 = tpu.memref_slice %arg15[%dma_start3A_128, %dma_start3A_129] : memref<10000x128xf32, #tpu.memory_space<vmem_shared>> -> memref<16x128xf32, #tpu.memory_space<vmem_shared>>
        %dma_start3A_131 = arith.constant 0 : i32
        %dma_start3A_132 = arith.constant 0 : i32
        %dma_start3A_133 = tpu.memref_slice %arg12[%dma_start3A_131, %dma_start3A_132] : memref<128x128xf32, #tpu.memory_space<vmem>> -> memref<16x128xf32, #tpu.memory_space<vmem>>
        tpu.enqueue_dma source(%dma_start3A_133 : memref<16x128xf32, #tpu.memory_space<vmem>>) target(%dma_start3A_130 : memref<16x128xf32, #tpu.memory_space<vmem_shared>>) target_semaphore(%run_scoped3A_121 : memref<!tpu.dma_semaphore, #tpu.memory_space<semaphore_mem>>)
        %dma_wait3A_134 = arith.constant 0 : i32
        %dma_wait3A_135 = arith.constant 0 : i32
        %dma_wait3A_136 = tpu.memref_slice %arg12[%dma_wait3A_134, %dma_wait3A_135] : memref<128x128xf32, #tpu.memory_space<vmem>> -> memref<16x128xf32, #tpu.memory_space<vmem>>
        %dma_wait3A_137 = arith.constant 9984 : i32
        %dma_wait3A_138 = arith.constant 0 : i32
        %dma_wait3A_139 = tpu.memref_slice %arg15[%dma_wait3A_137, %dma_wait3A_138] : memref<10000x128xf32, #tpu.memory_space<vmem_shared>> -> memref<16x128xf32, #tpu.memory_space<vmem_shared>>
        %dma_wait3A_140 = arith.constant 9984 : i32
        %dma_wait3A_141 = arith.constant 0 : i32
        %dma_wait3A_142 = tpu.memref_slice %arg15[%dma_wait3A_140, %dma_wait3A_141] : memref<10000x128xf32, #tpu.memory_space<vmem_shared>> -> memref<16x128xf32, #tpu.memory_space<vmem_shared>>
        %dma_wait3A_143 = arith.constant 0 : i32
        %dma_wait3A_144 = arith.constant 0 : i32
        %dma_wait3A_145 = tpu.memref_slice %arg12[%dma_wait3A_143, %dma_wait3A_144] : memref<128x128xf32, #tpu.memory_space<vmem>> -> memref<16x128xf32, #tpu.memory_space<vmem>>
        tpu.wait_dma2 semaphore(%run_scoped3A_121 : memref<!tpu.dma_semaphore, #tpu.memory_space<semaphore_mem>>) src(%dma_wait3A_145 : memref<16x128xf32, #tpu.memory_space<vmem>>) dst(%dma_wait3A_142 : memref<16x128xf32, #tpu.memory_space<vmem_shared>>)
        tpu.yield
      }) : () -> ()
    } else {
    }
    %barrier3A = arith.constant 0 : index
    tpu.barrier barrier_id(%barrier3A)
    "tpu.region"() ({
      %run_scoped3A_121 = tpu.sem_alloc : memref<!tpu.dma_semaphore, #tpu.memory_space<semaphore_mem>>
      %dma_start3A_122 = arith.constant 0 : i32
      %dma_start3A_123 = arith.constant 0 : i32
      %dma_start3A_124 = tpu.memref_slice %arg3[%add3A, %dma_start3A_122, %dma_start3A_123] : memref<32x80x128xi32, #tpu.memory_space<hbm>> -> memref<1x40x128xi32, #tpu.memory_space<hbm>>
      %dma_start3A_125 = tpu.memref_squeeze %dma_start3A_124 : memref<1x40x128xi32, #tpu.memory_space<hbm>> -> memref<40x128xi32, #tpu.memory_space<hbm>>
      %dma_start3A_126 = arith.constant 0 : i32
      %dma_start3A_127 = arith.constant 0 : i32
      %dma_start3A_128 = tpu.memref_slice %arg3[%add3A, %dma_start3A_126, %dma_start3A_127] : memref<32x80x128xi32, #tpu.memory_space<hbm>> -> memref<1x40x128xi32, #tpu.memory_space<hbm>>
      %dma_start3A_129 = tpu.memref_squeeze %dma_start3A_128 : memref<1x40x128xi32, #tpu.memory_space<hbm>> -> memref<40x128xi32, #tpu.memory_space<hbm>>
      tpu.enqueue_dma source(%dma_start3A_129 : memref<40x128xi32, #tpu.memory_space<hbm>>) target(%arg7 : memref<40x128xi32, #tpu.memory_space<vmem>>) target_semaphore(%run_scoped3A_121 : memref<!tpu.dma_semaphore, #tpu.memory_space<semaphore_mem>>)
      %dma_wait3A_130 = arith.constant 0 : i32
      %dma_wait3A_131 = arith.constant 0 : i32
      %dma_wait3A_132 = tpu.memref_slice %arg3[%add3A, %dma_wait3A_130, %dma_wait3A_131] : memref<32x80x128xi32, #tpu.memory_space<hbm>> -> memref<1x40x128xi32, #tpu.memory_space<hbm>>
      %dma_wait3A_133 = tpu.memref_squeeze %dma_wait3A_132 : memref<1x40x128xi32, #tpu.memory_space<hbm>> -> memref<40x128xi32, #tpu.memory_space<hbm>>
      %dma_wait3A_134 = arith.constant 0 : i32
      %dma_wait3A_135 = arith.constant 0 : i32
      %dma_wait3A_136 = tpu.memref_slice %arg3[%add3A, %dma_wait3A_134, %dma_wait3A_135] : memref<32x80x128xi32, #tpu.memory_space<hbm>> -> memref<1x40x128xi32, #tpu.memory_space<hbm>>
      %dma_wait3A_137 = tpu.memref_squeeze %dma_wait3A_136 : memref<1x40x128xi32, #tpu.memory_space<hbm>> -> memref<40x128xi32, #tpu.memory_space<hbm>>
      tpu.wait_dma2 semaphore(%run_scoped3A_121 : memref<!tpu.dma_semaphore, #tpu.memory_space<semaphore_mem>>) src(%dma_wait3A_137 : memref<40x128xi32, #tpu.memory_space<hbm>>) dst(%arg7 : memref<40x128xi32, #tpu.memory_space<vmem>>)
      tpu.yield
    }) : () -> ()
    "tpu.region"() ({
      %run_scoped3A_121 = tpu.sem_alloc : memref<!tpu.dma_semaphore, #tpu.memory_space<semaphore_mem>>
      %dma_start3A_122 = arith.constant 0 : i32
      %dma_start3A_123 = arith.constant 0 : i32
      %dma_start3A_124 = tpu.memref_slice %arg4[%add3A, %dma_start3A_122, %dma_start3A_123] : memref<32x80x128xi32, #tpu.memory_space<hbm>> -> memref<1x40x128xi32, #tpu.memory_space<hbm>>
      %dma_start3A_125 = tpu.memref_squeeze %dma_start3A_124 : memref<1x40x128xi32, #tpu.memory_space<hbm>> -> memref<40x128xi32, #tpu.memory_space<hbm>>
      %dma_start3A_126 = arith.constant 0 : i32
      %dma_start3A_127 = arith.constant 0 : i32
      %dma_start3A_128 = tpu.memref_slice %arg4[%add3A, %dma_start3A_126, %dma_start3A_127] : memref<32x80x128xi32, #tpu.memory_space<hbm>> -> memref<1x40x128xi32, #tpu.memory_space<hbm>>
      %dma_start3A_129 = tpu.memref_squeeze %dma_start3A_128 : memref<1x40x128xi32, #tpu.memory_space<hbm>> -> memref<40x128xi32, #tpu.memory_space<hbm>>
      tpu.enqueue_dma source(%dma_start3A_129 : memref<40x128xi32, #tpu.memory_space<hbm>>) target(%arg8 : memref<40x128xi32, #tpu.memory_space<vmem>>) target_semaphore(%run_scoped3A_121 : memref<!tpu.dma_semaphore, #tpu.memory_space<semaphore_mem>>)
      %dma_wait3A_130 = arith.constant 0 : i32
      %dma_wait3A_131 = arith.constant 0 : i32
      %dma_wait3A_132 = tpu.memref_slice %arg4[%add3A, %dma_wait3A_130, %dma_wait3A_131] : memref<32x80x128xi32, #tpu.memory_space<hbm>> -> memref<1x40x128xi32, #tpu.memory_space<hbm>>
      %dma_wait3A_133 = tpu.memref_squeeze %dma_wait3A_132 : memref<1x40x128xi32, #tpu.memory_space<hbm>> -> memref<40x128xi32, #tpu.memory_space<hbm>>
      %dma_wait3A_134 = arith.constant 0 : i32
      %dma_wait3A_135 = arith.constant 0 : i32
      %dma_wait3A_136 = tpu.memref_slice %arg4[%add3A, %dma_wait3A_134, %dma_wait3A_135] : memref<32x80x128xi32, #tpu.memory_space<hbm>> -> memref<1x40x128xi32, #tpu.memory_space<hbm>>
      %dma_wait3A_137 = tpu.memref_squeeze %dma_wait3A_136 : memref<1x40x128xi32, #tpu.memory_space<hbm>> -> memref<40x128xi32, #tpu.memory_space<hbm>>
      tpu.wait_dma2 semaphore(%run_scoped3A_121 : memref<!tpu.dma_semaphore, #tpu.memory_space<semaphore_mem>>) src(%dma_wait3A_137 : memref<40x128xi32, #tpu.memory_space<hbm>>) dst(%arg8 : memref<40x128xi32, #tpu.memory_space<vmem>>)
      tpu.yield
    }) : () -> ()
    "tpu.region"() ({
      %run_scoped3A_121 = tpu.sem_alloc : memref<!tpu.dma_semaphore, #tpu.memory_space<semaphore_mem>>
      %dma_start3A_122 = arith.constant 0 : i32
      %dma_start3A_123 = arith.constant 0 : i32
      %dma_start3A_124 = tpu.memref_slice %arg5[%add3A, %dma_start3A_122, %dma_start3A_123] : memref<32x80x128xf32, #tpu.memory_space<hbm>> -> memref<1x40x128xf32, #tpu.memory_space<hbm>>
      %dma_start3A_125 = tpu.memref_squeeze %dma_start3A_124 : memref<1x40x128xf32, #tpu.memory_space<hbm>> -> memref<40x128xf32, #tpu.memory_space<hbm>>
      %dma_start3A_126 = arith.constant 0 : i32
      %dma_start3A_127 = arith.constant 0 : i32
      %dma_start3A_128 = tpu.memref_slice %arg5[%add3A, %dma_start3A_126, %dma_start3A_127] : memref<32x80x128xf32, #tpu.memory_space<hbm>> -> memref<1x40x128xf32, #tpu.memory_space<hbm>>
      %dma_start3A_129 = tpu.memref_squeeze %dma_start3A_128 : memref<1x40x128xf32, #tpu.memory_space<hbm>> -> memref<40x128xf32, #tpu.memory_space<hbm>>
      tpu.enqueue_dma source(%dma_start3A_129 : memref<40x128xf32, #tpu.memory_space<hbm>>) target(%arg9 : memref<40x128xf32, #tpu.memory_space<vmem>>) target_semaphore(%run_scoped3A_121 : memref<!tpu.dma_semaphore, #tpu.memory_space<semaphore_mem>>)
      %dma_wait3A_130 = arith.constant 0 : i32
      %dma_wait3A_131 = arith.constant 0 : i32
      %dma_wait3A_132 = tpu.memref_slice %arg5[%add3A, %dma_wait3A_130, %dma_wait3A_131] : memref<32x80x128xf32, #tpu.memory_space<hbm>> -> memref<1x40x128xf32, #tpu.memory_space<hbm>>
      %dma_wait3A_133 = tpu.memref_squeeze %dma_wait3A_132 : memref<1x40x128xf32, #tpu.memory_space<hbm>> -> memref<40x128xf32, #tpu.memory_space<hbm>>
      %dma_wait3A_134 = arith.constant 0 : i32
      %dma_wait3A_135 = arith.constant 0 : i32
      %dma_wait3A_136 = tpu.memref_slice %arg5[%add3A, %dma_wait3A_134, %dma_wait3A_135] : memref<32x80x128xf32, #tpu.memory_space<hbm>> -> memref<1x40x128xf32, #tpu.memory_space<hbm>>
      %dma_wait3A_137 = tpu.memref_squeeze %dma_wait3A_136 : memref<1x40x128xf32, #tpu.memory_space<hbm>> -> memref<40x128xf32, #tpu.memory_space<hbm>>
      tpu.wait_dma2 semaphore(%run_scoped3A_121 : memref<!tpu.dma_semaphore, #tpu.memory_space<semaphore_mem>>) src(%dma_wait3A_137 : memref<40x128xf32, #tpu.memory_space<hbm>>) dst(%arg9 : memref<40x128xf32, #tpu.memory_space<vmem>>)
      tpu.yield
    }) : () -> ()
    %dma_start3A = arith.constant 0 : i32
    %dma_start3A_28 = arith.constant 0 : i32
    %dma_start3A_29 = tpu.memref_slice %arg7[%dma_start3A, %dma_start3A_28] : memref<40x128xi32, #tpu.memory_space<vmem>> -> memref<1x128xi32, #tpu.memory_space<vmem>>
    %dma_start3A_30 = tpu.memref_squeeze %dma_start3A_29 : memref<1x128xi32, #tpu.memory_space<vmem>> -> memref<128xi32, #tpu.memory_space<vmem>>
    %dma_start3A_31 = arith.constant 0 : i32
    %dma_start3A_32 = arith.constant 0 : i32
    %dma_start3A_33 = tpu.memref_slice %arg2[%dma_start3A_31, %dma_start3A_32] : memref<80000x64xi32, #tpu.memory_space<hbm>> -> memref<80000x64xi32, #tpu.memory_space<hbm>>
    tpu.enqueue_indirect_dma source(%dma_start3A_33 : memref<80000x64xi32, #tpu.memory_space<hbm>>) target(%arg10 : memref<128x64xi32, #tpu.memory_space<vmem>>) offsets(%dma_start3A_30 : memref<128xi32, #tpu.memory_space<vmem>>) semaphore(%arg13 : memref<!tpu.dma_semaphore, #tpu.memory_space<semaphore_mem>>)
    %scan3A_34 = arith.constant 0 : i32
    %scan3A_35 = arith.constant 19 : i32
    %scan3A_36 = arith.addi %scan3A_34, %scan3A_35 : i32
    %scan3A_37 = arith.constant 1 : i32
    scf.for %scan3A_121 = %scan3A_34 to %scan3A_36 step %scan3A_37  : i32 {
      %mul3A_122 = arith.constant 2 : i32
      %mul3A_123 = arith.muli %scan3A_121, %mul3A_122 : i32
      %add3A_124 = arith.constant 0 : i32
      %add3A_125 = arith.addi %add3A_124, %mul3A_123 : i32
      %dma_wait3A_126 = arith.constant 0 : i32
      %dma_wait3A_127 = arith.constant 0 : i32
      %dma_wait3A_128 = tpu.memref_slice %arg2[%dma_wait3A_126, %dma_wait3A_127] : memref<80000x64xi32, #tpu.memory_space<hbm>> -> memref<128x64xi32, #tpu.memory_space<hbm>>
      %dma_wait3A_129 = arith.constant 0 : i32
      %dma_wait3A_130 = arith.constant 0 : i32
      %dma_wait3A_131 = tpu.memref_slice %arg2[%dma_wait3A_129, %dma_wait3A_130] : memref<80000x64xi32, #tpu.memory_space<hbm>> -> memref<128x64xi32, #tpu.memory_space<hbm>>
      tpu.wait_dma2 semaphore(%arg13 : memref<!tpu.dma_semaphore, #tpu.memory_space<semaphore_mem>>) src(%dma_wait3A_131 : memref<128x64xi32, #tpu.memory_space<hbm>>) dst(%arg10 : memref<128x64xi32, #tpu.memory_space<vmem>>)
      %add3A_132 = arith.constant 1 : i32
      %add3A_133 = arith.addi %add3A_125, %add3A_132 : i32
      %dma_start3A_134 = arith.constant 0 : i32
      %dma_start3A_135 = tpu.memref_slice %arg7[%add3A_133, %dma_start3A_134] : memref<40x128xi32, #tpu.memory_space<vmem>> -> memref<1x128xi32, #tpu.memory_space<vmem>>
      %dma_start3A_136 = tpu.memref_squeeze %dma_start3A_135 : memref<1x128xi32, #tpu.memory_space<vmem>> -> memref<128xi32, #tpu.memory_space<vmem>>
      %dma_start3A_137 = arith.constant 0 : i32
      %dma_start3A_138 = arith.constant 0 : i32
      %dma_start3A_139 = tpu.memref_slice %arg2[%dma_start3A_137, %dma_start3A_138] : memref<80000x64xi32, #tpu.memory_space<hbm>> -> memref<80000x64xi32, #tpu.memory_space<hbm>>
      tpu.enqueue_indirect_dma source(%dma_start3A_139 : memref<80000x64xi32, #tpu.memory_space<hbm>>) target(%arg11 : memref<128x64xi32, #tpu.memory_space<vmem>>) offsets(%dma_start3A_136 : memref<128xi32, #tpu.memory_space<vmem>>) semaphore(%arg14 : memref<!tpu.dma_semaphore, #tpu.memory_space<semaphore_mem>>)
      %scan3A_140 = arith.constant 0 : i32
      %scan3A_141 = arith.constant 32 : i32
      %scan3A_142 = arith.addi %scan3A_140, %scan3A_141 : i32
      %scan3A_143 = arith.constant 1 : i32
      scf.for %scan3A_166 = %scan3A_140 to %scan3A_142 step %scan3A_143  : i32 {
        %mul3A_167 = arith.constant 4 : i32
        %mul3A_168 = arith.muli %scan3A_166, %mul3A_167 : i32
        %add3A_169 = arith.constant 0 : i32
        %add3A_170 = arith.addi %add3A_169, %mul3A_168 : i32
        %add3A_171 = arith.constant 0 : i32
        %add3A_172 = arith.addi %add3A_170, %add3A_171 : i32
        %broadcast_in_dim3A = vector.broadcast %add3A_125 : i32 to vector<16xi32>
        %broadcast_in_dim3A_173 = vector.broadcast %add3A_172 : i32 to vector<16xi32>
        %gather3A = tpu.vector_load_idx %arg9[%broadcast_in_dim3A, %broadcast_in_dim3A_173] : memref<40x128xf32, #tpu.memory_space<vmem>>[vector<16xi32>, vector<16xi32>], vector<16xf32>,
        %get3A = arith.index_cast %add3A_172 : i32 to index
        %get3A_174 = arith.constant 0 : index
        %get3A_175 = tpu.vector_load %arg10[%get3A, %get3A_174] {strides = array<i32>} : memref<128x64xi32, #tpu.memory_space<vmem>>, vector<16xi32>,
        %shift_left3A = arith.constant 16 : i32
        %shift_left3A_176 = vector.broadcast %shift_left3A : i32 to vector<16xi32>
        %shift_left3A_177 = arith.shli %get3A_175, %shift_left3A_176 : vector<16xi32>
        %bitcast3A = vector.bitcast %shift_left3A_177 : vector<16xi32> to vector<16xf32>
        %and3A = arith.constant -65536 : i32
        %and3A_178 = vector.broadcast %and3A : i32 to vector<16xi32>
        %and3A_179 = arith.andi %get3A_175, %and3A_178 : vector<16xi32>
        %bitcast3A_180 = vector.bitcast %and3A_179 : vector<16xi32> to vector<16xf32>
        %mul3A_181 = arith.mulf %bitcast3A, %gather3A : vector<16xf32>
        %swap3A = arith.index_cast %add3A_172 : i32 to index
        %swap3A_182 = arith.constant 0 : index
        %swap3A_183 = tpu.vector_load %arg12[%swap3A, %swap3A_182] {strides = array<i32>} : memref<128x128xf32, #tpu.memory_space<vmem>>, vector<16xf32>,
        tpu.vector_store %arg12[%swap3A, %swap3A_182], %mul3A_181 {strides = array<i32>} : memref<128x128xf32, #tpu.memory_space<vmem>>, vector<16xf32>,
        %mul3A_184 = arith.mulf %bitcast3A_180, %gather3A : vector<16xf32>
        %swap3A_185 = arith.index_cast %add3A_172 : i32 to index
        %swap3A_186 = arith.constant 16 : index
        %swap3A_187 = tpu.vector_load %arg12[%swap3A_185, %swap3A_186] {strides = array<i32>} : memref<128x128xf32, #tpu.memory_space<vmem>>, vector<16xf32>,
        tpu.vector_store %arg12[%swap3A_185, %swap3A_186], %mul3A_184 {strides = array<i32>} : memref<128x128xf32, #tpu.memory_space<vmem>>, vector<16xf32>,
        %get3A_188 = arith.index_cast %add3A_172 : i32 to index
        %get3A_189 = arith.constant 16 : index
        %get3A_190 = tpu.vector_load %arg10[%get3A_188, %get3A_189] {strides = array<i32>} : memref<128x64xi32, #tpu.memory_space<vmem>>, vector<16xi32>,
        %shift_left3A_191 = arith.constant 16 : i32
        %shift_left3A_192 = vector.broadcast %shift_left3A_191 : i32 to vector<16xi32>
        %shift_left3A_193 = arith.shli %get3A_190, %shift_left3A_192 : vector<16xi32>
        %bitcast3A_194 = vector.bitcast %shift_left3A_193 : vector<16xi32> to vector<16xf32>
        %and3A_195 = arith.constant -65536 : i32
        %and3A_196 = vector.broadcast %and3A_195 : i32 to vector<16xi32>
        %and3A_197 = arith.andi %get3A_190, %and3A_196 : vector<16xi32>
        %bitcast3A_198 = vector.bitcast %and3A_197 : vector<16xi32> to vector<16xf32>
        %mul3A_199 = arith.mulf %bitcast3A_194, %gather3A : vector<16xf32>
        %swap3A_200 = arith.index_cast %add3A_172 : i32 to index
        %swap3A_201 = arith.constant 32 : index
        %swap3A_202 = tpu.vector_load %arg12[%swap3A_200, %swap3A_201] {strides = array<i32>} : memref<128x128xf32, #tpu.memory_space<vmem>>, vector<16xf32>,
        tpu.vector_store %arg12[%swap3A_200, %swap3A_201], %mul3A_199 {strides = array<i32>} : memref<128x128xf32, #tpu.memory_space<vmem>>, vector<16xf32>,
        %mul3A_203 = arith.mulf %bitcast3A_198, %gather3A : vector<16xf32>
        %swap3A_204 = arith.index_cast %add3A_172 : i32 to index
        %swap3A_205 = arith.constant 48 : index
        %swap3A_206 = tpu.vector_load %arg12[%swap3A_204, %swap3A_205] {strides = array<i32>} : memref<128x128xf32, #tpu.memory_space<vmem>>, vector<16xf32>,
        tpu.vector_store %arg12[%swap3A_204, %swap3A_205], %mul3A_203 {strides = array<i32>} : memref<128x128xf32, #tpu.memory_space<vmem>>, vector<16xf32>,
        %get3A_207 = arith.index_cast %add3A_172 : i32 to index
        %get3A_208 = arith.constant 32 : index
        %get3A_209 = tpu.vector_load %arg10[%get3A_207, %get3A_208] {strides = array<i32>} : memref<128x64xi32, #tpu.memory_space<vmem>>, vector<16xi32>,
        %shift_left3A_210 = arith.constant 16 : i32
        %shift_left3A_211 = vector.broadcast %shift_left3A_210 : i32 to vector<16xi32>
        %shift_left3A_212 = arith.shli %get3A_209, %shift_left3A_211 : vector<16xi32>
        %bitcast3A_213 = vector.bitcast %shift_left3A_212 : vector<16xi32> to vector<16xf32>
        %and3A_214 = arith.constant -65536 : i32
        %and3A_215 = vector.broadcast %and3A_214 : i32 to vector<16xi32>
        %and3A_216 = arith.andi %get3A_209, %and3A_215 : vector<16xi32>
        %bitcast3A_217 = vector.bitcast %and3A_216 : vector<16xi32> to vector<16xf32>
        %mul3A_218 = arith.mulf %bitcast3A_213, %gather3A : vector<16xf32>
        %swap3A_219 = arith.index_cast %add3A_172 : i32 to index
        %swap3A_220 = arith.constant 64 : index
        %swap3A_221 = tpu.vector_load %arg12[%swap3A_219, %swap3A_220] {strides = array<i32>} : memref<128x128xf32, #tpu.memory_space<vmem>>, vector<16xf32>,
        tpu.vector_store %arg12[%swap3A_219, %swap3A_220], %mul3A_218 {strides = array<i32>} : memref<128x128xf32, #tpu.memory_space<vmem>>, vector<16xf32>,
        %mul3A_222 = arith.mulf %bitcast3A_217, %gather3A : vector<16xf32>
        %swap3A_223 = arith.index_cast %add3A_172 : i32 to index
        %swap3A_224 = arith.constant 80 : index
        %swap3A_225 = tpu.vector_load %arg12[%swap3A_223, %swap3A_224] {strides = array<i32>} : memref<128x128xf32, #tpu.memory_space<vmem>>, vector<16xf32>,
        tpu.vector_store %arg12[%swap3A_223, %swap3A_224], %mul3A_222 {strides = array<i32>} : memref<128x128xf32, #tpu.memory_space<vmem>>, vector<16xf32>,
        %get3A_226 = arith.index_cast %add3A_172 : i32 to index
        %get3A_227 = arith.constant 48 : index
        %get3A_228 = tpu.vector_load %arg10[%get3A_226, %get3A_227] {strides = array<i32>} : memref<128x64xi32, #tpu.memory_space<vmem>>, vector<16xi32>,
        %shift_left3A_229 = arith.constant 16 : i32
        %shift_left3A_230 = vector.broadcast %shift_left3A_229 : i32 to vector<16xi32>
        %shift_left3A_231 = arith.shli %get3A_228, %shift_left3A_230 : vector<16xi32>
        %bitcast3A_232 = vector.bitcast %shift_left3A_231 : vector<16xi32> to vector<16xf32>
        %and3A_233 = arith.constant -65536 : i32
        %and3A_234 = vector.broadcast %and3A_233 : i32 to vector<16xi32>
        %and3A_235 = arith.andi %get3A_228, %and3A_234 : vector<16xi32>
        %bitcast3A_236 = vector.bitcast %and3A_235 : vector<16xi32> to vector<16xf32>
        %mul3A_237 = arith.mulf %bitcast3A_232, %gather3A : vector<16xf32>
        %swap3A_238 = arith.index_cast %add3A_172 : i32 to index
        %swap3A_239 = arith.constant 96 : index
        %swap3A_240 = tpu.vector_load %arg12[%swap3A_238, %swap3A_239] {strides = array<i32>} : memref<128x128xf32, #tpu.memory_space<vmem>>, vector<16xf32>,
        tpu.vector_store %arg12[%swap3A_238, %swap3A_239], %mul3A_237 {strides = array<i32>} : memref<128x128xf32, #tpu.memory_space<vmem>>, vector<16xf32>,
        %mul3A_241 = arith.mulf %bitcast3A_236, %gather3A : vector<16xf32>
        %swap3A_242 = arith.index_cast %add3A_172 : i32 to index
        %swap3A_243 = arith.constant 112 : index
        %swap3A_244 = tpu.vector_load %arg12[%swap3A_242, %swap3A_243] {strides = array<i32>} : memref<128x128xf32, #tpu.memory_space<vmem>>, vector<16xf32>,
        tpu.vector_store %arg12[%swap3A_242, %swap3A_243], %mul3A_241 {strides = array<i32>} : memref<128x128xf32, #tpu.memory_space<vmem>>, vector<16xf32>,
        %add3A_245 = arith.constant 1 : i32
        %add3A_246 = arith.addi %add3A_170, %add3A_245 : i32
        %broadcast_in_dim3A_247 = vector.broadcast %add3A_125 : i32 to vector<16xi32>
        %broadcast_in_dim3A_248 = vector.broadcast %add3A_246 : i32 to vector<16xi32>
        %gather3A_249 = tpu.vector_load_idx %arg9[%broadcast_in_dim3A_247, %broadcast_in_dim3A_248] : memref<40x128xf32, #tpu.memory_space<vmem>>[vector<16xi32>, vector<16xi32>], vector<16xf32>,
        %get3A_250 = arith.index_cast %add3A_246 : i32 to index
        %get3A_251 = arith.constant 0 : index
        %get3A_252 = tpu.vector_load %arg10[%get3A_250, %get3A_251] {strides = array<i32>} : memref<128x64xi32, #tpu.memory_space<vmem>>, vector<16xi32>,
        %shift_left3A_253 = arith.constant 16 : i32
        %shift_left3A_254 = vector.broadcast %shift_left3A_253 : i32 to vector<16xi32>
        %shift_left3A_255 = arith.shli %get3A_252, %shift_left3A_254 : vector<16xi32>
        %bitcast3A_256 = vector.bitcast %shift_left3A_255 : vector<16xi32> to vector<16xf32>
        %and3A_257 = arith.constant -65536 : i32
        %and3A_258 = vector.broadcast %and3A_257 : i32 to vector<16xi32>
        %and3A_259 = arith.andi %get3A_252, %and3A_258 : vector<16xi32>
        %bitcast3A_260 = vector.bitcast %and3A_259 : vector<16xi32> to vector<16xf32>
        %mul3A_261 = arith.mulf %bitcast3A_256, %gather3A_249 : vector<16xf32>
        %swap3A_262 = arith.index_cast %add3A_246 : i32 to index
        %swap3A_263 = arith.constant 0 : index
        %swap3A_264 = tpu.vector_load %arg12[%swap3A_262, %swap3A_263] {strides = array<i32>} : memref<128x128xf32, #tpu.memory_space<vmem>>, vector<16xf32>,
        tpu.vector_store %arg12[%swap3A_262, %swap3A_263], %mul3A_261 {strides = array<i32>} : memref<128x128xf32, #tpu.memory_space<vmem>>, vector<16xf32>,
        %mul3A_265 = arith.mulf %bitcast3A_260, %gather3A_249 : vector<16xf32>
        %swap3A_266 = arith.index_cast %add3A_246 : i32 to index
        %swap3A_267 = arith.constant 16 : index
        %swap3A_268 = tpu.vector_load %arg12[%swap3A_266, %swap3A_267] {strides = array<i32>} : memref<128x128xf32, #tpu.memory_space<vmem>>, vector<16xf32>,
        tpu.vector_store %arg12[%swap3A_266, %swap3A_267], %mul3A_265 {strides = array<i32>} : memref<128x128xf32, #tpu.memory_space<vmem>>, vector<16xf32>,
        %get3A_269 = arith.index_cast %add3A_246 : i32 to index
        %get3A_270 = arith.constant 16 : index
        %get3A_271 = tpu.vector_load %arg10[%get3A_269, %get3A_270] {strides = array<i32>} : memref<128x64xi32, #tpu.memory_space<vmem>>, vector<16xi32>,
        %shift_left3A_272 = arith.constant 16 : i32
        %shift_left3A_273 = vector.broadcast %shift_left3A_272 : i32 to vector<16xi32>
        %shift_left3A_274 = arith.shli %get3A_271, %shift_left3A_273 : vector<16xi32>
        %bitcast3A_275 = vector.bitcast %shift_left3A_274 : vector<16xi32> to vector<16xf32>
        %and3A_276 = arith.constant -65536 : i32
        %and3A_277 = vector.broadcast %and3A_276 : i32 to vector<16xi32>
        %and3A_278 = arith.andi %get3A_271, %and3A_277 : vector<16xi32>
        %bitcast3A_279 = vector.bitcast %and3A_278 : vector<16xi32> to vector<16xf32>
        %mul3A_280 = arith.mulf %bitcast3A_275, %gather3A_249 : vector<16xf32>
        %swap3A_281 = arith.index_cast %add3A_246 : i32 to index
        %swap3A_282 = arith.constant 32 : index
        %swap3A_283 = tpu.vector_load %arg12[%swap3A_281, %swap3A_282] {strides = array<i32>} : memref<128x128xf32, #tpu.memory_space<vmem>>, vector<16xf32>,
        tpu.vector_store %arg12[%swap3A_281, %swap3A_282], %mul3A_280 {strides = array<i32>} : memref<128x128xf32, #tpu.memory_space<vmem>>, vector<16xf32>,
        %mul3A_284 = arith.mulf %bitcast3A_279, %gather3A_249 : vector<16xf32>
        %swap3A_285 = arith.index_cast %add3A_246 : i32 to index
        %swap3A_286 = arith.constant 48 : index
        %swap3A_287 = tpu.vector_load %arg12[%swap3A_285, %swap3A_286] {strides = array<i32>} : memref<128x128xf32, #tpu.memory_space<vmem>>, vector<16xf32>,
        tpu.vector_store %arg12[%swap3A_285, %swap3A_286], %mul3A_284 {strides = array<i32>} : memref<128x128xf32, #tpu.memory_space<vmem>>, vector<16xf32>,
        %get3A_288 = arith.index_cast %add3A_246 : i32 to index
        %get3A_289 = arith.constant 32 : index
        %get3A_290 = tpu.vector_load %arg10[%get3A_288, %get3A_289] {strides = array<i32>} : memref<128x64xi32, #tpu.memory_space<vmem>>, vector<16xi32>,
        %shift_left3A_291 = arith.constant 16 : i32
        %shift_left3A_292 = vector.broadcast %shift_left3A_291 : i32 to vector<16xi32>
        %shift_left3A_293 = arith.shli %get3A_290, %shift_left3A_292 : vector<16xi32>
        %bitcast3A_294 = vector.bitcast %shift_left3A_293 : vector<16xi32> to vector<16xf32>
        %and3A_295 = arith.constant -65536 : i32
        %and3A_296 = vector.broadcast %and3A_295 : i32 to vector<16xi32>
        %and3A_297 = arith.andi %get3A_290, %and3A_296 : vector<16xi32>
        %bitcast3A_298 = vector.bitcast %and3A_297 : vector<16xi32> to vector<16xf32>
        %mul3A_299 = arith.mulf %bitcast3A_294, %gather3A_249 : vector<16xf32>
        %swap3A_300 = arith.index_cast %add3A_246 : i32 to index
        %swap3A_301 = arith.constant 64 : index
        %swap3A_302 = tpu.vector_load %arg12[%swap3A_300, %swap3A_301] {strides = array<i32>} : memref<128x128xf32, #tpu.memory_space<vmem>>, vector<16xf32>,
        tpu.vector_store %arg12[%swap3A_300, %swap3A_301], %mul3A_299 {strides = array<i32>} : memref<128x128xf32, #tpu.memory_space<vmem>>, vector<16xf32>,
        %mul3A_303 = arith.mulf %bitcast3A_298, %gather3A_249 : vector<16xf32>
        %swap3A_304 = arith.index_cast %add3A_246 : i32 to index
        %swap3A_305 = arith.constant 80 : index
        %swap3A_306 = tpu.vector_load %arg12[%swap3A_304, %swap3A_305] {strides = array<i32>} : memref<128x128xf32, #tpu.memory_space<vmem>>, vector<16xf32>,
        tpu.vector_store %arg12[%swap3A_304, %swap3A_305], %mul3A_303 {strides = array<i32>} : memref<128x128xf32, #tpu.memory_space<vmem>>, vector<16xf32>,
        %get3A_307 = arith.index_cast %add3A_246 : i32 to index
        %get3A_308 = arith.constant 48 : index
        %get3A_309 = tpu.vector_load %arg10[%get3A_307, %get3A_308] {strides = array<i32>} : memref<128x64xi32, #tpu.memory_space<vmem>>, vector<16xi32>,
        %shift_left3A_310 = arith.constant 16 : i32
        %shift_left3A_311 = vector.broadcast %shift_left3A_310 : i32 to vector<16xi32>
        %shift_left3A_312 = arith.shli %get3A_309, %shift_left3A_311 : vector<16xi32>
        %bitcast3A_313 = vector.bitcast %shift_left3A_312 : vector<16xi32> to vector<16xf32>
        %and3A_314 = arith.constant -65536 : i32
        %and3A_315 = vector.broadcast %and3A_314 : i32 to vector<16xi32>
        %and3A_316 = arith.andi %get3A_309, %and3A_315 : vector<16xi32>
        %bitcast3A_317 = vector.bitcast %and3A_316 : vector<16xi32> to vector<16xf32>
        %mul3A_318 = arith.mulf %bitcast3A_313, %gather3A_249 : vector<16xf32>
        %swap3A_319 = arith.index_cast %add3A_246 : i32 to index
        %swap3A_320 = arith.constant 96 : index
        %swap3A_321 = tpu.vector_load %arg12[%swap3A_319, %swap3A_320] {strides = array<i32>} : memref<128x128xf32, #tpu.memory_space<vmem>>, vector<16xf32>,
        tpu.vector_store %arg12[%swap3A_319, %swap3A_320], %mul3A_318 {strides = array<i32>} : memref<128x128xf32, #tpu.memory_space<vmem>>, vector<16xf32>,
        %mul3A_322 = arith.mulf %bitcast3A_317, %gather3A_249 : vector<16xf32>
        %swap3A_323 = arith.index_cast %add3A_246 : i32 to index
        %swap3A_324 = arith.constant 112 : index
        %swap3A_325 = tpu.vector_load %arg12[%swap3A_323, %swap3A_324] {strides = array<i32>} : memref<128x128xf32, #tpu.memory_space<vmem>>, vector<16xf32>,
        tpu.vector_store %arg12[%swap3A_323, %swap3A_324], %mul3A_322 {strides = array<i32>} : memref<128x128xf32, #tpu.memory_space<vmem>>, vector<16xf32>,
        %add3A_326 = arith.constant 2 : i32
        %add3A_327 = arith.addi %add3A_170, %add3A_326 : i32
        %broadcast_in_dim3A_328 = vector.broadcast %add3A_125 : i32 to vector<16xi32>
        %broadcast_in_dim3A_329 = vector.broadcast %add3A_327 : i32 to vector<16xi32>
        %gather3A_330 = tpu.vector_load_idx %arg9[%broadcast_in_dim3A_328, %broadcast_in_dim3A_329] : memref<40x128xf32, #tpu.memory_space<vmem>>[vector<16xi32>, vector<16xi32>], vector<16xf32>,
        %get3A_331 = arith.index_cast %add3A_327 : i32 to index
        %get3A_332 = arith.constant 0 : index
        %get3A_333 = tpu.vector_load %arg10[%get3A_331, %get3A_332] {strides = array<i32>} : memref<128x64xi32, #tpu.memory_space<vmem>>, vector<16xi32>,
        %shift_left3A_334 = arith.constant 16 : i32
        %shift_left3A_335 = vector.broadcast %shift_left3A_334 : i32 to vector<16xi32>
        %shift_left3A_336 = arith.shli %get3A_333, %shift_left3A_335 : vector<16xi32>
        %bitcast3A_337 = vector.bitcast %shift_left3A_336 : vector<16xi32> to vector<16xf32>
        %and3A_338 = arith.constant -65536 : i32
        %and3A_339 = vector.broadcast %and3A_338 : i32 to vector<16xi32>
        %and3A_340 = arith.andi %get3A_333, %and3A_339 : vector<16xi32>
        %bitcast3A_341 = vector.bitcast %and3A_340 : vector<16xi32> to vector<16xf32>
        %mul3A_342 = arith.mulf %bitcast3A_337, %gather3A_330 : vector<16xf32>
        %swap3A_343 = arith.index_cast %add3A_327 : i32 to index
        %swap3A_344 = arith.constant 0 : index
        %swap3A_345 = tpu.vector_load %arg12[%swap3A_343, %swap3A_344] {strides = array<i32>} : memref<128x128xf32, #tpu.memory_space<vmem>>, vector<16xf32>,
        tpu.vector_store %arg12[%swap3A_343, %swap3A_344], %mul3A_342 {strides = array<i32>} : memref<128x128xf32, #tpu.memory_space<vmem>>, vector<16xf32>,
        %mul3A_346 = arith.mulf %bitcast3A_341, %gather3A_330 : vector<16xf32>
        %swap3A_347 = arith.index_cast %add3A_327 : i32 to index
        %swap3A_348 = arith.constant 16 : index
        %swap3A_349 = tpu.vector_load %arg12[%swap3A_347, %swap3A_348] {strides = array<i32>} : memref<128x128xf32, #tpu.memory_space<vmem>>, vector<16xf32>,
        tpu.vector_store %arg12[%swap3A_347, %swap3A_348], %mul3A_346 {strides = array<i32>} : memref<128x128xf32, #tpu.memory_space<vmem>>, vector<16xf32>,
        %get3A_350 = arith.index_cast %add3A_327 : i32 to index
        %get3A_351 = arith.constant 16 : index
        %get3A_352 = tpu.vector_load %arg10[%get3A_350, %get3A_351] {strides = array<i32>} : memref<128x64xi32, #tpu.memory_space<vmem>>, vector<16xi32>,
        %shift_left3A_353 = arith.constant 16 : i32
        %shift_left3A_354 = vector.broadcast %shift_left3A_353 : i32 to vector<16xi32>
        %shift_left3A_355 = arith.shli %get3A_352, %shift_left3A_354 : vector<16xi32>
        %bitcast3A_356 = vector.bitcast %shift_left3A_355 : vector<16xi32> to vector<16xf32>
        %and3A_357 = arith.constant -65536 : i32
        %and3A_358 = vector.broadcast %and3A_357 : i32 to vector<16xi32>
        %and3A_359 = arith.andi %get3A_352, %and3A_358 : vector<16xi32>
        %bitcast3A_360 = vector.bitcast %and3A_359 : vector<16xi32> to vector<16xf32>
        %mul3A_361 = arith.mulf %bitcast3A_356, %gather3A_330 : vector<16xf32>
        %swap3A_362 = arith.index_cast %add3A_327 : i32 to index
        %swap3A_363 = arith.constant 32 : index
        %swap3A_364 = tpu.vector_load %arg12[%swap3A_362, %swap3A_363] {strides = array<i32>} : memref<128x128xf32, #tpu.memory_space<vmem>>, vector<16xf32>,
        tpu.vector_store %arg12[%swap3A_362, %swap3A_363], %mul3A_361 {strides = array<i32>} : memref<128x128xf32, #tpu.memory_space<vmem>>, vector<16xf32>,
        %mul3A_365 = arith.mulf %bitcast3A_360, %gather3A_330 : vector<16xf32>
        %swap3A_366 = arith.index_cast %add3A_327 : i32 to index
        %swap3A_367 = arith.constant 48 : index
        %swap3A_368 = tpu.vector_load %arg12[%swap3A_366, %swap3A_367] {strides = array<i32>} : memref<128x128xf32, #tpu.memory_space<vmem>>, vector<16xf32>,
        tpu.vector_store %arg12[%swap3A_366, %swap3A_367], %mul3A_365 {strides = array<i32>} : memref<128x128xf32, #tpu.memory_space<vmem>>, vector<16xf32>,
        %get3A_369 = arith.index_cast %add3A_327 : i32 to index
        %get3A_370 = arith.constant 32 : index
        %get3A_371 = tpu.vector_load %arg10[%get3A_369, %get3A_370] {strides = array<i32>} : memref<128x64xi32, #tpu.memory_space<vmem>>, vector<16xi32>,
        %shift_left3A_372 = arith.constant 16 : i32
        %shift_left3A_373 = vector.broadcast %shift_left3A_372 : i32 to vector<16xi32>
        %shift_left3A_374 = arith.shli %get3A_371, %shift_left3A_373 : vector<16xi32>
        %bitcast3A_375 = vector.bitcast %shift_left3A_374 : vector<16xi32> to vector<16xf32>
        %and3A_376 = arith.constant -65536 : i32
        %and3A_377 = vector.broadcast %and3A_376 : i32 to vector<16xi32>
        %and3A_378 = arith.andi %get3A_371, %and3A_377 : vector<16xi32>
        %bitcast3A_379 = vector.bitcast %and3A_378 : vector<16xi32> to vector<16xf32>
        %mul3A_380 = arith.mulf %bitcast3A_375, %gather3A_330 : vector<16xf32>
        %swap3A_381 = arith.index_cast %add3A_327 : i32 to index
        %swap3A_382 = arith.constant 64 : index
        %swap3A_383 = tpu.vector_load %arg12[%swap3A_381, %swap3A_382] {strides = array<i32>} : memref<128x128xf32, #tpu.memory_space<vmem>>, vector<16xf32>,
        tpu.vector_store %arg12[%swap3A_381, %swap3A_382], %mul3A_380 {strides = array<i32>} : memref<128x128xf32, #tpu.memory_space<vmem>>, vector<16xf32>,
        %mul3A_384 = arith.mulf %bitcast3A_379, %gather3A_330 : vector<16xf32>
        %swap3A_385 = arith.index_cast %add3A_327 : i32 to index
        %swap3A_386 = arith.constant 80 : index
        %swap3A_387 = tpu.vector_load %arg12[%swap3A_385, %swap3A_386] {strides = array<i32>} : memref<128x128xf32, #tpu.memory_space<vmem>>, vector<16xf32>,
        tpu.vector_store %arg12[%swap3A_385, %swap3A_386], %mul3A_384 {strides = array<i32>} : memref<128x128xf32, #tpu.memory_space<vmem>>, vector<16xf32>,
        %get3A_388 = arith.index_cast %add3A_327 : i32 to index
        %get3A_389 = arith.constant 48 : index
        %get3A_390 = tpu.vector_load %arg10[%get3A_388, %get3A_389] {strides = array<i32>} : memref<128x64xi32, #tpu.memory_space<vmem>>, vector<16xi32>,
        %shift_left3A_391 = arith.constant 16 : i32
        %shift_left3A_392 = vector.broadcast %shift_left3A_391 : i32 to vector<16xi32>
        %shift_left3A_393 = arith.shli %get3A_390, %shift_left3A_392 : vector<16xi32>
        %bitcast3A_394 = vector.bitcast %shift_left3A_393 : vector<16xi32> to vector<16xf32>
        %and3A_395 = arith.constant -65536 : i32
        %and3A_396 = vector.broadcast %and3A_395 : i32 to vector<16xi32>
        %and3A_397 = arith.andi %get3A_390, %and3A_396 : vector<16xi32>
        %bitcast3A_398 = vector.bitcast %and3A_397 : vector<16xi32> to vector<16xf32>
        %mul3A_399 = arith.mulf %bitcast3A_394, %gather3A_330 : vector<16xf32>
        %swap3A_400 = arith.index_cast %add3A_327 : i32 to index
        %swap3A_401 = arith.constant 96 : index
        %swap3A_402 = tpu.vector_load %arg12[%swap3A_400, %swap3A_401] {strides = array<i32>} : memref<128x128xf32, #tpu.memory_space<vmem>>, vector<16xf32>,
        tpu.vector_store %arg12[%swap3A_400, %swap3A_401], %mul3A_399 {strides = array<i32>} : memref<128x128xf32, #tpu.memory_space<vmem>>, vector<16xf32>,
        %mul3A_403 = arith.mulf %bitcast3A_398, %gather3A_330 : vector<16xf32>
        %swap3A_404 = arith.index_cast %add3A_327 : i32 to index
        %swap3A_405 = arith.constant 112 : index
        %swap3A_406 = tpu.vector_load %arg12[%swap3A_404, %swap3A_405] {strides = array<i32>} : memref<128x128xf32, #tpu.memory_space<vmem>>, vector<16xf32>,
        tpu.vector_store %arg12[%swap3A_404, %swap3A_405], %mul3A_403 {strides = array<i32>} : memref<128x128xf32, #tpu.memory_space<vmem>>, vector<16xf32>,
        %add3A_407 = arith.constant 3 : i32
        %add3A_408 = arith.addi %add3A_170, %add3A_407 : i32
        %broadcast_in_dim3A_409 = vector.broadcast %add3A_125 : i32 to vector<16xi32>
        %broadcast_in_dim3A_410 = vector.broadcast %add3A_408 : i32 to vector<16xi32>
        %gather3A_411 = tpu.vector_load_idx %arg9[%broadcast_in_dim3A_409, %broadcast_in_dim3A_410] : memref<40x128xf32, #tpu.memory_space<vmem>>[vector<16xi32>, vector<16xi32>], vector<16xf32>,
        %get3A_412 = arith.index_cast %add3A_408 : i32 to index
        %get3A_413 = arith.constant 0 : index
        %get3A_414 = tpu.vector_load %arg10[%get3A_412, %get3A_413] {strides = array<i32>} : memref<128x64xi32, #tpu.memory_space<vmem>>, vector<16xi32>,
        %shift_left3A_415 = arith.constant 16 : i32
        %shift_left3A_416 = vector.broadcast %shift_left3A_415 : i32 to vector<16xi32>
        %shift_left3A_417 = arith.shli %get3A_414, %shift_left3A_416 : vector<16xi32>
        %bitcast3A_418 = vector.bitcast %shift_left3A_417 : vector<16xi32> to vector<16xf32>
        %and3A_419 = arith.constant -65536 : i32
        %and3A_420 = vector.broadcast %and3A_419 : i32 to vector<16xi32>
        %and3A_421 = arith.andi %get3A_414, %and3A_420 : vector<16xi32>
        %bitcast3A_422 = vector.bitcast %and3A_421 : vector<16xi32> to vector<16xf32>
        %mul3A_423 = arith.mulf %bitcast3A_418, %gather3A_411 : vector<16xf32>
        %swap3A_424 = arith.index_cast %add3A_408 : i32 to index
        %swap3A_425 = arith.constant 0 : index
        %swap3A_426 = tpu.vector_load %arg12[%swap3A_424, %swap3A_425] {strides = array<i32>} : memref<128x128xf32, #tpu.memory_space<vmem>>, vector<16xf32>,
        tpu.vector_store %arg12[%swap3A_424, %swap3A_425], %mul3A_423 {strides = array<i32>} : memref<128x128xf32, #tpu.memory_space<vmem>>, vector<16xf32>,
        %mul3A_427 = arith.mulf %bitcast3A_422, %gather3A_411 : vector<16xf32>
        %swap3A_428 = arith.index_cast %add3A_408 : i32 to index
        %swap3A_429 = arith.constant 16 : index
        %swap3A_430 = tpu.vector_load %arg12[%swap3A_428, %swap3A_429] {strides = array<i32>} : memref<128x128xf32, #tpu.memory_space<vmem>>, vector<16xf32>,
        tpu.vector_store %arg12[%swap3A_428, %swap3A_429], %mul3A_427 {strides = array<i32>} : memref<128x128xf32, #tpu.memory_space<vmem>>, vector<16xf32>,
        %get3A_431 = arith.index_cast %add3A_408 : i32 to index
        %get3A_432 = arith.constant 16 : index
        %get3A_433 = tpu.vector_load %arg10[%get3A_431, %get3A_432] {strides = array<i32>} : memref<128x64xi32, #tpu.memory_space<vmem>>, vector<16xi32>,
        %shift_left3A_434 = arith.constant 16 : i32
        %shift_left3A_435 = vector.broadcast %shift_left3A_434 : i32 to vector<16xi32>
        %shift_left3A_436 = arith.shli %get3A_433, %shift_left3A_435 : vector<16xi32>
        %bitcast3A_437 = vector.bitcast %shift_left3A_436 : vector<16xi32> to vector<16xf32>
        %and3A_438 = arith.constant -65536 : i32
        %and3A_439 = vector.broadcast %and3A_438 : i32 to vector<16xi32>
        %and3A_440 = arith.andi %get3A_433, %and3A_439 : vector<16xi32>
        %bitcast3A_441 = vector.bitcast %and3A_440 : vector<16xi32> to vector<16xf32>
        %mul3A_442 = arith.mulf %bitcast3A_437, %gather3A_411 : vector<16xf32>
        %swap3A_443 = arith.index_cast %add3A_408 : i32 to index
        %swap3A_444 = arith.constant 32 : index
        %swap3A_445 = tpu.vector_load %arg12[%swap3A_443, %swap3A_444] {strides = array<i32>} : memref<128x128xf32, #tpu.memory_space<vmem>>, vector<16xf32>,
        tpu.vector_store %arg12[%swap3A_443, %swap3A_444], %mul3A_442 {strides = array<i32>} : memref<128x128xf32, #tpu.memory_space<vmem>>, vector<16xf32>,
        %mul3A_446 = arith.mulf %bitcast3A_441, %gather3A_411 : vector<16xf32>
        %swap3A_447 = arith.index_cast %add3A_408 : i32 to index
        %swap3A_448 = arith.constant 48 : index
        %swap3A_449 = tpu.vector_load %arg12[%swap3A_447, %swap3A_448] {strides = array<i32>} : memref<128x128xf32, #tpu.memory_space<vmem>>, vector<16xf32>,
        tpu.vector_store %arg12[%swap3A_447, %swap3A_448], %mul3A_446 {strides = array<i32>} : memref<128x128xf32, #tpu.memory_space<vmem>>, vector<16xf32>,
        %get3A_450 = arith.index_cast %add3A_408 : i32 to index
        %get3A_451 = arith.constant 32 : index
        %get3A_452 = tpu.vector_load %arg10[%get3A_450, %get3A_451] {strides = array<i32>} : memref<128x64xi32, #tpu.memory_space<vmem>>, vector<16xi32>,
        %shift_left3A_453 = arith.constant 16 : i32
        %shift_left3A_454 = vector.broadcast %shift_left3A_453 : i32 to vector<16xi32>
        %shift_left3A_455 = arith.shli %get3A_452, %shift_left3A_454 : vector<16xi32>
        %bitcast3A_456 = vector.bitcast %shift_left3A_455 : vector<16xi32> to vector<16xf32>
        %and3A_457 = arith.constant -65536 : i32
        %and3A_458 = vector.broadcast %and3A_457 : i32 to vector<16xi32>
        %and3A_459 = arith.andi %get3A_452, %and3A_458 : vector<16xi32>
        %bitcast3A_460 = vector.bitcast %and3A_459 : vector<16xi32> to vector<16xf32>
        %mul3A_461 = arith.mulf %bitcast3A_456, %gather3A_411 : vector<16xf32>
        %swap3A_462 = arith.index_cast %add3A_408 : i32 to index
        %swap3A_463 = arith.constant 64 : index
        %swap3A_464 = tpu.vector_load %arg12[%swap3A_462, %swap3A_463] {strides = array<i32>} : memref<128x128xf32, #tpu.memory_space<vmem>>, vector<16xf32>,
        tpu.vector_store %arg12[%swap3A_462, %swap3A_463], %mul3A_461 {strides = array<i32>} : memref<128x128xf32, #tpu.memory_space<vmem>>, vector<16xf32>,
        %mul3A_465 = arith.mulf %bitcast3A_460, %gather3A_411 : vector<16xf32>
        %swap3A_466 = arith.index_cast %add3A_408 : i32 to index
        %swap3A_467 = arith.constant 80 : index
        %swap3A_468 = tpu.vector_load %arg12[%swap3A_466, %swap3A_467] {strides = array<i32>} : memref<128x128xf32, #tpu.memory_space<vmem>>, vector<16xf32>,
        tpu.vector_store %arg12[%swap3A_466, %swap3A_467], %mul3A_465 {strides = array<i32>} : memref<128x128xf32, #tpu.memory_space<vmem>>, vector<16xf32>,
        %get3A_469 = arith.index_cast %add3A_408 : i32 to index
        %get3A_470 = arith.constant 48 : index
        %get3A_471 = tpu.vector_load %arg10[%get3A_469, %get3A_470] {strides = array<i32>} : memref<128x64xi32, #tpu.memory_space<vmem>>, vector<16xi32>,
        %shift_left3A_472 = arith.constant 16 : i32
        %shift_left3A_473 = vector.broadcast %shift_left3A_472 : i32 to vector<16xi32>
        %shift_left3A_474 = arith.shli %get3A_471, %shift_left3A_473 : vector<16xi32>
        %bitcast3A_475 = vector.bitcast %shift_left3A_474 : vector<16xi32> to vector<16xf32>
        %and3A_476 = arith.constant -65536 : i32
        %and3A_477 = vector.broadcast %and3A_476 : i32 to vector<16xi32>
        %and3A_478 = arith.andi %get3A_471, %and3A_477 : vector<16xi32>
        %bitcast3A_479 = vector.bitcast %and3A_478 : vector<16xi32> to vector<16xf32>
        %mul3A_480 = arith.mulf %bitcast3A_475, %gather3A_411 : vector<16xf32>
        %swap3A_481 = arith.index_cast %add3A_408 : i32 to index
        %swap3A_482 = arith.constant 96 : index
        %swap3A_483 = tpu.vector_load %arg12[%swap3A_481, %swap3A_482] {strides = array<i32>} : memref<128x128xf32, #tpu.memory_space<vmem>>, vector<16xf32>,
        tpu.vector_store %arg12[%swap3A_481, %swap3A_482], %mul3A_480 {strides = array<i32>} : memref<128x128xf32, #tpu.memory_space<vmem>>, vector<16xf32>,
        %mul3A_484 = arith.mulf %bitcast3A_479, %gather3A_411 : vector<16xf32>
        %swap3A_485 = arith.index_cast %add3A_408 : i32 to index
        %swap3A_486 = arith.constant 112 : index
        %swap3A_487 = tpu.vector_load %arg12[%swap3A_485, %swap3A_486] {strides = array<i32>} : memref<128x128xf32, #tpu.memory_space<vmem>>, vector<16xf32>,
        tpu.vector_store %arg12[%swap3A_485, %swap3A_486], %mul3A_484 {strides = array<i32>} : memref<128x128xf32, #tpu.memory_space<vmem>>, vector<16xf32>,
      }
      %scan3A_144 = arith.constant 32 : i32
      "tpu.region"() ({
        %run_scoped3A_166 = tpu.sem_alloc : memref<!tpu.dma_semaphore, #tpu.memory_space<semaphore_mem>>
        %dma_start3A_167 = arith.constant 0 : i32
        %dma_start3A_168 = tpu.memref_slice %arg8[%add3A_125, %dma_start3A_167] : memref<40x128xi32, #tpu.memory_space<vmem>> -> memref<1x128xi32, #tpu.memory_space<vmem>>
        %dma_start3A_169 = tpu.memref_squeeze %dma_start3A_168 : memref<1x128xi32, #tpu.memory_space<vmem>> -> memref<128xi32, #tpu.memory_space<vmem>>
        %dma_start3A_170 = arith.constant 0 : i32
        %dma_start3A_171 = arith.constant 0 : i32
        %dma_start3A_172 = tpu.memref_slice %arg15[%dma_start3A_170, %dma_start3A_171] : memref<10000x128xf32, #tpu.memory_space<vmem_shared>> -> memref<10000x128xf32, #tpu.memory_space<vmem_shared>>
        tpu.enqueue_indirect_dma source(%arg12 : memref<128x128xf32, #tpu.memory_space<vmem>>) target(%dma_start3A_172 : memref<10000x128xf32, #tpu.memory_space<vmem_shared>>) offsets(%dma_start3A_169 : memref<128xi32, #tpu.memory_space<vmem>>) semaphore(%run_scoped3A_166 : memref<!tpu.dma_semaphore, #tpu.memory_space<semaphore_mem>>) {add = true}
        %dma_wait3A_173 = arith.constant 0 : i32
        %dma_wait3A_174 = tpu.memref_slice %arg8[%add3A_125, %dma_wait3A_173] : memref<40x128xi32, #tpu.memory_space<vmem>> -> memref<1x128xi32, #tpu.memory_space<vmem>>
        %dma_wait3A_175 = tpu.memref_squeeze %dma_wait3A_174 : memref<1x128xi32, #tpu.memory_space<vmem>> -> memref<128xi32, #tpu.memory_space<vmem>>
        %dma_wait3A_176 = arith.constant 0 : i32
        %dma_wait3A_177 = arith.constant 0 : i32
        %dma_wait3A_178 = tpu.memref_slice %arg15[%dma_wait3A_176, %dma_wait3A_177] : memref<10000x128xf32, #tpu.memory_space<vmem_shared>> -> memref<10000x128xf32, #tpu.memory_space<vmem_shared>>
        tpu.wait_indirect_dma semaphore(%run_scoped3A_166 : memref<!tpu.dma_semaphore, #tpu.memory_space<semaphore_mem>>) src(%arg12 : memref<128x128xf32, #tpu.memory_space<vmem>>) dst(%dma_wait3A_178 : memref<10000x128xf32, #tpu.memory_space<vmem_shared>>)
        tpu.yield
      }) : () -> ()
      %dma_wait3A_145 = arith.constant 0 : i32
      %dma_wait3A_146 = arith.constant 0 : i32
      %dma_wait3A_147 = tpu.memref_slice %arg2[%dma_wait3A_145, %dma_wait3A_146] : memref<80000x64xi32, #tpu.memory_space<hbm>> -> memref<128x64xi32, #tpu.memory_space<hbm>>
      %dma_wait3A_148 = arith.constant 0 : i32
      %dma_wait3A_149 = arith.constant 0 : i32
      %dma_wait3A_150 = tpu.memref_slice %arg2[%dma_wait3A_148, %dma_wait3A_149] : memref<80000x64xi32, #tpu.memory_space<hbm>> -> memref<128x64xi32, #tpu.memory_space<hbm>>
      tpu.wait_dma2 semaphore(%arg14 : memref<!tpu.dma_semaphore, #tpu.memory_space<semaphore_mem>>) src(%dma_wait3A_150 : memref<128x64xi32, #tpu.memory_space<hbm>>) dst(%arg11 : memref<128x64xi32, #tpu.memory_space<vmem>>)
      %add3A_151 = arith.constant 2 : i32
      %add3A_152 = arith.addi %add3A_125, %add3A_151 : i32
      %dma_start3A_153 = arith.constant 0 : i32
      %dma_start3A_154 = tpu.memref_slice %arg7[%add3A_152, %dma_start3A_153] : memref<40x128xi32, #tpu.memory_space<vmem>> -> memref<1x128xi32, #tpu.memory_space<vmem>>
      %dma_start3A_155 = tpu.memref_squeeze %dma_start3A_154 : memref<1x128xi32, #tpu.memory_space<vmem>> -> memref<128xi32, #tpu.memory_space<vmem>>
      %dma_start3A_156 = arith.constant 0 : i32
      %dma_start3A_157 = arith.constant 0 : i32
      %dma_start3A_158 = tpu.memref_slice %arg2[%dma_start3A_156, %dma_start3A_157] : memref<80000x64xi32, #tpu.memory_space<hbm>> -> memref<80000x64xi32, #tpu.memory_space<hbm>>
      tpu.enqueue_indirect_dma source(%dma_start3A_158 : memref<80000x64xi32, #tpu.memory_space<hbm>>) target(%arg10 : memref<128x64xi32, #tpu.memory_space<vmem>>) offsets(%dma_start3A_155 : memref<128xi32, #tpu.memory_space<vmem>>) semaphore(%arg13 : memref<!tpu.dma_semaphore, #tpu.memory_space<semaphore_mem>>)
      %add3A_159 = arith.constant 1 : i32
      %add3A_160 = arith.addi %add3A_125, %add3A_159 : i32
      %scan3A_161 = arith.constant 0 : i32
      %scan3A_162 = arith.constant 32 : i32
      %scan3A_163 = arith.addi %scan3A_161, %scan3A_162 : i32
      %scan3A_164 = arith.constant 1 : i32
      scf.for %scan3A_166 = %scan3A_161 to %scan3A_163 step %scan3A_164  : i32 {
        %mul3A_167 = arith.constant 4 : i32
        %mul3A_168 = arith.muli %scan3A_166, %mul3A_167 : i32
        %add3A_169 = arith.constant 0 : i32
        %add3A_170 = arith.addi %add3A_169, %mul3A_168 : i32
        %add3A_171 = arith.constant 0 : i32
        %add3A_172 = arith.addi %add3A_170, %add3A_171 : i32
        %broadcast_in_dim3A = vector.broadcast %add3A_160 : i32 to vector<16xi32>
        %broadcast_in_dim3A_173 = vector.broadcast %add3A_172 : i32 to vector<16xi32>
        %gather3A = tpu.vector_load_idx %arg9[%broadcast_in_dim3A, %broadcast_in_dim3A_173] : memref<40x128xf32, #tpu.memory_space<vmem>>[vector<16xi32>, vector<16xi32>], vector<16xf32>,
        %get3A = arith.index_cast %add3A_172 : i32 to index
        %get3A_174 = arith.constant 0 : index
        %get3A_175 = tpu.vector_load %arg11[%get3A, %get3A_174] {strides = array<i32>} : memref<128x64xi32, #tpu.memory_space<vmem>>, vector<16xi32>,
        %shift_left3A = arith.constant 16 : i32
        %shift_left3A_176 = vector.broadcast %shift_left3A : i32 to vector<16xi32>
        %shift_left3A_177 = arith.shli %get3A_175, %shift_left3A_176 : vector<16xi32>
        %bitcast3A = vector.bitcast %shift_left3A_177 : vector<16xi32> to vector<16xf32>
        %and3A = arith.constant -65536 : i32
        %and3A_178 = vector.broadcast %and3A : i32 to vector<16xi32>
        %and3A_179 = arith.andi %get3A_175, %and3A_178 : vector<16xi32>
        %bitcast3A_180 = vector.bitcast %and3A_179 : vector<16xi32> to vector<16xf32>
        %mul3A_181 = arith.mulf %bitcast3A, %gather3A : vector<16xf32>
        %swap3A = arith.index_cast %add3A_172 : i32 to index
        %swap3A_182 = arith.constant 0 : index
        %swap3A_183 = tpu.vector_load %arg12[%swap3A, %swap3A_182] {strides = array<i32>} : memref<128x128xf32, #tpu.memory_space<vmem>>, vector<16xf32>,
        tpu.vector_store %arg12[%swap3A, %swap3A_182], %mul3A_181 {strides = array<i32>} : memref<128x128xf32, #tpu.memory_space<vmem>>, vector<16xf32>,
        %mul3A_184 = arith.mulf %bitcast3A_180, %gather3A : vector<16xf32>
        %swap3A_185 = arith.index_cast %add3A_172 : i32 to index
        %swap3A_186 = arith.constant 16 : index
        %swap3A_187 = tpu.vector_load %arg12[%swap3A_185, %swap3A_186] {strides = array<i32>} : memref<128x128xf32, #tpu.memory_space<vmem>>, vector<16xf32>,
        tpu.vector_store %arg12[%swap3A_185, %swap3A_186], %mul3A_184 {strides = array<i32>} : memref<128x128xf32, #tpu.memory_space<vmem>>, vector<16xf32>,
        %get3A_188 = arith.index_cast %add3A_172 : i32 to index
        %get3A_189 = arith.constant 16 : index
        %get3A_190 = tpu.vector_load %arg11[%get3A_188, %get3A_189] {strides = array<i32>} : memref<128x64xi32, #tpu.memory_space<vmem>>, vector<16xi32>,
        %shift_left3A_191 = arith.constant 16 : i32
        %shift_left3A_192 = vector.broadcast %shift_left3A_191 : i32 to vector<16xi32>
        %shift_left3A_193 = arith.shli %get3A_190, %shift_left3A_192 : vector<16xi32>
        %bitcast3A_194 = vector.bitcast %shift_left3A_193 : vector<16xi32> to vector<16xf32>
        %and3A_195 = arith.constant -65536 : i32
        %and3A_196 = vector.broadcast %and3A_195 : i32 to vector<16xi32>
        %and3A_197 = arith.andi %get3A_190, %and3A_196 : vector<16xi32>
        %bitcast3A_198 = vector.bitcast %and3A_197 : vector<16xi32> to vector<16xf32>
        %mul3A_199 = arith.mulf %bitcast3A_194, %gather3A : vector<16xf32>
        %swap3A_200 = arith.index_cast %add3A_172 : i32 to index
        %swap3A_201 = arith.constant 32 : index
        %swap3A_202 = tpu.vector_load %arg12[%swap3A_200, %swap3A_201] {strides = array<i32>} : memref<128x128xf32, #tpu.memory_space<vmem>>, vector<16xf32>,
        tpu.vector_store %arg12[%swap3A_200, %swap3A_201], %mul3A_199 {strides = array<i32>} : memref<128x128xf32, #tpu.memory_space<vmem>>, vector<16xf32>,
        %mul3A_203 = arith.mulf %bitcast3A_198, %gather3A : vector<16xf32>
        %swap3A_204 = arith.index_cast %add3A_172 : i32 to index
        %swap3A_205 = arith.constant 48 : index
        %swap3A_206 = tpu.vector_load %arg12[%swap3A_204, %swap3A_205] {strides = array<i32>} : memref<128x128xf32, #tpu.memory_space<vmem>>, vector<16xf32>,
        tpu.vector_store %arg12[%swap3A_204, %swap3A_205], %mul3A_203 {strides = array<i32>} : memref<128x128xf32, #tpu.memory_space<vmem>>, vector<16xf32>,
        %get3A_207 = arith.index_cast %add3A_172 : i32 to index
        %get3A_208 = arith.constant 32 : index
        %get3A_209 = tpu.vector_load %arg11[%get3A_207, %get3A_208] {strides = array<i32>} : memref<128x64xi32, #tpu.memory_space<vmem>>, vector<16xi32>,
        %shift_left3A_210 = arith.constant 16 : i32
        %shift_left3A_211 = vector.broadcast %shift_left3A_210 : i32 to vector<16xi32>
        %shift_left3A_212 = arith.shli %get3A_209, %shift_left3A_211 : vector<16xi32>
        %bitcast3A_213 = vector.bitcast %shift_left3A_212 : vector<16xi32> to vector<16xf32>
        %and3A_214 = arith.constant -65536 : i32
        %and3A_215 = vector.broadcast %and3A_214 : i32 to vector<16xi32>
        %and3A_216 = arith.andi %get3A_209, %and3A_215 : vector<16xi32>
        %bitcast3A_217 = vector.bitcast %and3A_216 : vector<16xi32> to vector<16xf32>
        %mul3A_218 = arith.mulf %bitcast3A_213, %gather3A : vector<16xf32>
        %swap3A_219 = arith.index_cast %add3A_172 : i32 to index
        %swap3A_220 = arith.constant 64 : index
        %swap3A_221 = tpu.vector_load %arg12[%swap3A_219, %swap3A_220] {strides = array<i32>} : memref<128x128xf32, #tpu.memory_space<vmem>>, vector<16xf32>,
        tpu.vector_store %arg12[%swap3A_219, %swap3A_220], %mul3A_218 {strides = array<i32>} : memref<128x128xf32, #tpu.memory_space<vmem>>, vector<16xf32>,
        %mul3A_222 = arith.mulf %bitcast3A_217, %gather3A : vector<16xf32>
        %swap3A_223 = arith.index_cast %add3A_172 : i32 to index
        %swap3A_224 = arith.constant 80 : index
        %swap3A_225 = tpu.vector_load %arg12[%swap3A_223, %swap3A_224] {strides = array<i32>} : memref<128x128xf32, #tpu.memory_space<vmem>>, vector<16xf32>,
        tpu.vector_store %arg12[%swap3A_223, %swap3A_224], %mul3A_222 {strides = array<i32>} : memref<128x128xf32, #tpu.memory_space<vmem>>, vector<16xf32>,
        %get3A_226 = arith.index_cast %add3A_172 : i32 to index
        %get3A_227 = arith.constant 48 : index
        %get3A_228 = tpu.vector_load %arg11[%get3A_226, %get3A_227] {strides = array<i32>} : memref<128x64xi32, #tpu.memory_space<vmem>>, vector<16xi32>,
        %shift_left3A_229 = arith.constant 16 : i32
        %shift_left3A_230 = vector.broadcast %shift_left3A_229 : i32 to vector<16xi32>
        %shift_left3A_231 = arith.shli %get3A_228, %shift_left3A_230 : vector<16xi32>
        %bitcast3A_232 = vector.bitcast %shift_left3A_231 : vector<16xi32> to vector<16xf32>
        %and3A_233 = arith.constant -65536 : i32
        %and3A_234 = vector.broadcast %and3A_233 : i32 to vector<16xi32>
        %and3A_235 = arith.andi %get3A_228, %and3A_234 : vector<16xi32>
        %bitcast3A_236 = vector.bitcast %and3A_235 : vector<16xi32> to vector<16xf32>
        %mul3A_237 = arith.mulf %bitcast3A_232, %gather3A : vector<16xf32>
        %swap3A_238 = arith.index_cast %add3A_172 : i32 to index
        %swap3A_239 = arith.constant 96 : index
        %swap3A_240 = tpu.vector_load %arg12[%swap3A_238, %swap3A_239] {strides = array<i32>} : memref<128x128xf32, #tpu.memory_space<vmem>>, vector<16xf32>,
        tpu.vector_store %arg12[%swap3A_238, %swap3A_239], %mul3A_237 {strides = array<i32>} : memref<128x128xf32, #tpu.memory_space<vmem>>, vector<16xf32>,
        %mul3A_241 = arith.mulf %bitcast3A_236, %gather3A : vector<16xf32>
        %swap3A_242 = arith.index_cast %add3A_172 : i32 to index
        %swap3A_243 = arith.constant 112 : index
        %swap3A_244 = tpu.vector_load %arg12[%swap3A_242, %swap3A_243] {strides = array<i32>} : memref<128x128xf32, #tpu.memory_space<vmem>>, vector<16xf32>,
        tpu.vector_store %arg12[%swap3A_242, %swap3A_243], %mul3A_241 {strides = array<i32>} : memref<128x128xf32, #tpu.memory_space<vmem>>, vector<16xf32>,
        %add3A_245 = arith.constant 1 : i32
        %add3A_246 = arith.addi %add3A_170, %add3A_245 : i32
        %broadcast_in_dim3A_247 = vector.broadcast %add3A_160 : i32 to vector<16xi32>
        %broadcast_in_dim3A_248 = vector.broadcast %add3A_246 : i32 to vector<16xi32>
        %gather3A_249 = tpu.vector_load_idx %arg9[%broadcast_in_dim3A_247, %broadcast_in_dim3A_248] : memref<40x128xf32, #tpu.memory_space<vmem>>[vector<16xi32>, vector<16xi32>], vector<16xf32>,
        %get3A_250 = arith.index_cast %add3A_246 : i32 to index
        %get3A_251 = arith.constant 0 : index
        %get3A_252 = tpu.vector_load %arg11[%get3A_250, %get3A_251] {strides = array<i32>} : memref<128x64xi32, #tpu.memory_space<vmem>>, vector<16xi32>,
        %shift_left3A_253 = arith.constant 16 : i32
        %shift_left3A_254 = vector.broadcast %shift_left3A_253 : i32 to vector<16xi32>
        %shift_left3A_255 = arith.shli %get3A_252, %shift_left3A_254 : vector<16xi32>
        %bitcast3A_256 = vector.bitcast %shift_left3A_255 : vector<16xi32> to vector<16xf32>
        %and3A_257 = arith.constant -65536 : i32
        %and3A_258 = vector.broadcast %and3A_257 : i32 to vector<16xi32>
        %and3A_259 = arith.andi %get3A_252, %and3A_258 : vector<16xi32>
        %bitcast3A_260 = vector.bitcast %and3A_259 : vector<16xi32> to vector<16xf32>
        %mul3A_261 = arith.mulf %bitcast3A_256, %gather3A_249 : vector<16xf32>
        %swap3A_262 = arith.index_cast %add3A_246 : i32 to index
        %swap3A_263 = arith.constant 0 : index
        %swap3A_264 = tpu.vector_load %arg12[%swap3A_262, %swap3A_263] {strides = array<i32>} : memref<128x128xf32, #tpu.memory_space<vmem>>, vector<16xf32>,
        tpu.vector_store %arg12[%swap3A_262, %swap3A_263], %mul3A_261 {strides = array<i32>} : memref<128x128xf32, #tpu.memory_space<vmem>>, vector<16xf32>,
        %mul3A_265 = arith.mulf %bitcast3A_260, %gather3A_249 : vector<16xf32>
        %swap3A_266 = arith.index_cast %add3A_246 : i32 to index
        %swap3A_267 = arith.constant 16 : index
        %swap3A_268 = tpu.vector_load %arg12[%swap3A_266, %swap3A_267] {strides = array<i32>} : memref<128x128xf32, #tpu.memory_space<vmem>>, vector<16xf32>,
        tpu.vector_store %arg12[%swap3A_266, %swap3A_267], %mul3A_265 {strides = array<i32>} : memref<128x128xf32, #tpu.memory_space<vmem>>, vector<16xf32>,
        %get3A_269 = arith.index_cast %add3A_246 : i32 to index
        %get3A_270 = arith.constant 16 : index
        %get3A_271 = tpu.vector_load %arg11[%get3A_269, %get3A_270] {strides = array<i32>} : memref<128x64xi32, #tpu.memory_space<vmem>>, vector<16xi32>,
        %shift_left3A_272 = arith.constant 16 : i32
        %shift_left3A_273 = vector.broadcast %shift_left3A_272 : i32 to vector<16xi32>
        %shift_left3A_274 = arith.shli %get3A_271, %shift_left3A_273 : vector<16xi32>
        %bitcast3A_275 = vector.bitcast %shift_left3A_274 : vector<16xi32> to vector<16xf32>
        %and3A_276 = arith.constant -65536 : i32
        %and3A_277 = vector.broadcast %and3A_276 : i32 to vector<16xi32>
        %and3A_278 = arith.andi %get3A_271, %and3A_277 : vector<16xi32>
        %bitcast3A_279 = vector.bitcast %and3A_278 : vector<16xi32> to vector<16xf32>
        %mul3A_280 = arith.mulf %bitcast3A_275, %gather3A_249 : vector<16xf32>
        %swap3A_281 = arith.index_cast %add3A_246 : i32 to index
        %swap3A_282 = arith.constant 32 : index
        %swap3A_283 = tpu.vector_load %arg12[%swap3A_281, %swap3A_282] {strides = array<i32>} : memref<128x128xf32, #tpu.memory_space<vmem>>, vector<16xf32>,
        tpu.vector_store %arg12[%swap3A_281, %swap3A_282], %mul3A_280 {strides = array<i32>} : memref<128x128xf32, #tpu.memory_space<vmem>>, vector<16xf32>,
        %mul3A_284 = arith.mulf %bitcast3A_279, %gather3A_249 : vector<16xf32>
        %swap3A_285 = arith.index_cast %add3A_246 : i32 to index
        %swap3A_286 = arith.constant 48 : index
        %swap3A_287 = tpu.vector_load %arg12[%swap3A_285, %swap3A_286] {strides = array<i32>} : memref<128x128xf32, #tpu.memory_space<vmem>>, vector<16xf32>,
        tpu.vector_store %arg12[%swap3A_285, %swap3A_286], %mul3A_284 {strides = array<i32>} : memref<128x128xf32, #tpu.memory_space<vmem>>, vector<16xf32>,
        %get3A_288 = arith.index_cast %add3A_246 : i32 to index
        %get3A_289 = arith.constant 32 : index
        %get3A_290 = tpu.vector_load %arg11[%get3A_288, %get3A_289] {strides = array<i32>} : memref<128x64xi32, #tpu.memory_space<vmem>>, vector<16xi32>,
        %shift_left3A_291 = arith.constant 16 : i32
        %shift_left3A_292 = vector.broadcast %shift_left3A_291 : i32 to vector<16xi32>
        %shift_left3A_293 = arith.shli %get3A_290, %shift_left3A_292 : vector<16xi32>
        %bitcast3A_294 = vector.bitcast %shift_left3A_293 : vector<16xi32> to vector<16xf32>
        %and3A_295 = arith.constant -65536 : i32
        %and3A_296 = vector.broadcast %and3A_295 : i32 to vector<16xi32>
        %and3A_297 = arith.andi %get3A_290, %and3A_296 : vector<16xi32>
        %bitcast3A_298 = vector.bitcast %and3A_297 : vector<16xi32> to vector<16xf32>
        %mul3A_299 = arith.mulf %bitcast3A_294, %gather3A_249 : vector<16xf32>
        %swap3A_300 = arith.index_cast %add3A_246 : i32 to index
        %swap3A_301 = arith.constant 64 : index
        %swap3A_302 = tpu.vector_load %arg12[%swap3A_300, %swap3A_301] {strides = array<i32>} : memref<128x128xf32, #tpu.memory_space<vmem>>, vector<16xf32>,
        tpu.vector_store %arg12[%swap3A_300, %swap3A_301], %mul3A_299 {strides = array<i32>} : memref<128x128xf32, #tpu.memory_space<vmem>>, vector<16xf32>,
        %mul3A_303 = arith.mulf %bitcast3A_298, %gather3A_249 : vector<16xf32>
        %swap3A_304 = arith.index_cast %add3A_246 : i32 to index
        %swap3A_305 = arith.constant 80 : index
        %swap3A_306 = tpu.vector_load %arg12[%swap3A_304, %swap3A_305] {strides = array<i32>} : memref<128x128xf32, #tpu.memory_space<vmem>>, vector<16xf32>,
        tpu.vector_store %arg12[%swap3A_304, %swap3A_305], %mul3A_303 {strides = array<i32>} : memref<128x128xf32, #tpu.memory_space<vmem>>, vector<16xf32>,
        %get3A_307 = arith.index_cast %add3A_246 : i32 to index
        %get3A_308 = arith.constant 48 : index
        %get3A_309 = tpu.vector_load %arg11[%get3A_307, %get3A_308] {strides = array<i32>} : memref<128x64xi32, #tpu.memory_space<vmem>>, vector<16xi32>,
        %shift_left3A_310 = arith.constant 16 : i32
        %shift_left3A_311 = vector.broadcast %shift_left3A_310 : i32 to vector<16xi32>
        %shift_left3A_312 = arith.shli %get3A_309, %shift_left3A_311 : vector<16xi32>
        %bitcast3A_313 = vector.bitcast %shift_left3A_312 : vector<16xi32> to vector<16xf32>
        %and3A_314 = arith.constant -65536 : i32
        %and3A_315 = vector.broadcast %and3A_314 : i32 to vector<16xi32>
        %and3A_316 = arith.andi %get3A_309, %and3A_315 : vector<16xi32>
        %bitcast3A_317 = vector.bitcast %and3A_316 : vector<16xi32> to vector<16xf32>
        %mul3A_318 = arith.mulf %bitcast3A_313, %gather3A_249 : vector<16xf32>
        %swap3A_319 = arith.index_cast %add3A_246 : i32 to index
        %swap3A_320 = arith.constant 96 : index
        %swap3A_321 = tpu.vector_load %arg12[%swap3A_319, %swap3A_320] {strides = array<i32>} : memref<128x128xf32, #tpu.memory_space<vmem>>, vector<16xf32>,
        tpu.vector_store %arg12[%swap3A_319, %swap3A_320], %mul3A_318 {strides = array<i32>} : memref<128x128xf32, #tpu.memory_space<vmem>>, vector<16xf32>,
        %mul3A_322 = arith.mulf %bitcast3A_317, %gather3A_249 : vector<16xf32>
        %swap3A_323 = arith.index_cast %add3A_246 : i32 to index
        %swap3A_324 = arith.constant 112 : index
        %swap3A_325 = tpu.vector_load %arg12[%swap3A_323, %swap3A_324] {strides = array<i32>} : memref<128x128xf32, #tpu.memory_space<vmem>>, vector<16xf32>,
        tpu.vector_store %arg12[%swap3A_323, %swap3A_324], %mul3A_322 {strides = array<i32>} : memref<128x128xf32, #tpu.memory_space<vmem>>, vector<16xf32>,
        %add3A_326 = arith.constant 2 : i32
        %add3A_327 = arith.addi %add3A_170, %add3A_326 : i32
        %broadcast_in_dim3A_328 = vector.broadcast %add3A_160 : i32 to vector<16xi32>
        %broadcast_in_dim3A_329 = vector.broadcast %add3A_327 : i32 to vector<16xi32>
        %gather3A_330 = tpu.vector_load_idx %arg9[%broadcast_in_dim3A_328, %broadcast_in_dim3A_329] : memref<40x128xf32, #tpu.memory_space<vmem>>[vector<16xi32>, vector<16xi32>], vector<16xf32>,
        %get3A_331 = arith.index_cast %add3A_327 : i32 to index
        %get3A_332 = arith.constant 0 : index
        %get3A_333 = tpu.vector_load %arg11[%get3A_331, %get3A_332] {strides = array<i32>} : memref<128x64xi32, #tpu.memory_space<vmem>>, vector<16xi32>,
        %shift_left3A_334 = arith.constant 16 : i32
        %shift_left3A_335 = vector.broadcast %shift_left3A_334 : i32 to vector<16xi32>
        %shift_left3A_336 = arith.shli %get3A_333, %shift_left3A_335 : vector<16xi32>
        %bitcast3A_337 = vector.bitcast %shift_left3A_336 : vector<16xi32> to vector<16xf32>
        %and3A_338 = arith.constant -65536 : i32
        %and3A_339 = vector.broadcast %and3A_338 : i32 to vector<16xi32>
        %and3A_340 = arith.andi %get3A_333, %and3A_339 : vector<16xi32>
        %bitcast3A_341 = vector.bitcast %and3A_340 : vector<16xi32> to vector<16xf32>
        %mul3A_342 = arith.mulf %bitcast3A_337, %gather3A_330 : vector<16xf32>
        %swap3A_343 = arith.index_cast %add3A_327 : i32 to index
        %swap3A_344 = arith.constant 0 : index
        %swap3A_345 = tpu.vector_load %arg12[%swap3A_343, %swap3A_344] {strides = array<i32>} : memref<128x128xf32, #tpu.memory_space<vmem>>, vector<16xf32>,
        tpu.vector_store %arg12[%swap3A_343, %swap3A_344], %mul3A_342 {strides = array<i32>} : memref<128x128xf32, #tpu.memory_space<vmem>>, vector<16xf32>,
        %mul3A_346 = arith.mulf %bitcast3A_341, %gather3A_330 : vector<16xf32>
        %swap3A_347 = arith.index_cast %add3A_327 : i32 to index
        %swap3A_348 = arith.constant 16 : index
        %swap3A_349 = tpu.vector_load %arg12[%swap3A_347, %swap3A_348] {strides = array<i32>} : memref<128x128xf32, #tpu.memory_space<vmem>>, vector<16xf32>,
        tpu.vector_store %arg12[%swap3A_347, %swap3A_348], %mul3A_346 {strides = array<i32>} : memref<128x128xf32, #tpu.memory_space<vmem>>, vector<16xf32>,
        %get3A_350 = arith.index_cast %add3A_327 : i32 to index
        %get3A_351 = arith.constant 16 : index
        %get3A_352 = tpu.vector_load %arg11[%get3A_350, %get3A_351] {strides = array<i32>} : memref<128x64xi32, #tpu.memory_space<vmem>>, vector<16xi32>,
        %shift_left3A_353 = arith.constant 16 : i32
        %shift_left3A_354 = vector.broadcast %shift_left3A_353 : i32 to vector<16xi32>
        %shift_left3A_355 = arith.shli %get3A_352, %shift_left3A_354 : vector<16xi32>
        %bitcast3A_356 = vector.bitcast %shift_left3A_355 : vector<16xi32> to vector<16xf32>
        %and3A_357 = arith.constant -65536 : i32
        %and3A_358 = vector.broadcast %and3A_357 : i32 to vector<16xi32>
        %and3A_359 = arith.andi %get3A_352, %and3A_358 : vector<16xi32>
        %bitcast3A_360 = vector.bitcast %and3A_359 : vector<16xi32> to vector<16xf32>
        %mul3A_361 = arith.mulf %bitcast3A_356, %gather3A_330 : vector<16xf32>
        %swap3A_362 = arith.index_cast %add3A_327 : i32 to index
        %swap3A_363 = arith.constant 32 : index
        %swap3A_364 = tpu.vector_load %arg12[%swap3A_362, %swap3A_363] {strides = array<i32>} : memref<128x128xf32, #tpu.memory_space<vmem>>, vector<16xf32>,
        tpu.vector_store %arg12[%swap3A_362, %swap3A_363], %mul3A_361 {strides = array<i32>} : memref<128x128xf32, #tpu.memory_space<vmem>>, vector<16xf32>,
        %mul3A_365 = arith.mulf %bitcast3A_360, %gather3A_330 : vector<16xf32>
        %swap3A_366 = arith.index_cast %add3A_327 : i32 to index
        %swap3A_367 = arith.constant 48 : index
        %swap3A_368 = tpu.vector_load %arg12[%swap3A_366, %swap3A_367] {strides = array<i32>} : memref<128x128xf32, #tpu.memory_space<vmem>>, vector<16xf32>,
        tpu.vector_store %arg12[%swap3A_366, %swap3A_367], %mul3A_365 {strides = array<i32>} : memref<128x128xf32, #tpu.memory_space<vmem>>, vector<16xf32>,
        %get3A_369 = arith.index_cast %add3A_327 : i32 to index
        %get3A_370 = arith.constant 32 : index
        %get3A_371 = tpu.vector_load %arg11[%get3A_369, %get3A_370] {strides = array<i32>} : memref<128x64xi32, #tpu.memory_space<vmem>>, vector<16xi32>,
        %shift_left3A_372 = arith.constant 16 : i32
        %shift_left3A_373 = vector.broadcast %shift_left3A_372 : i32 to vector<16xi32>
        %shift_left3A_374 = arith.shli %get3A_371, %shift_left3A_373 : vector<16xi32>
        %bitcast3A_375 = vector.bitcast %shift_left3A_374 : vector<16xi32> to vector<16xf32>
        %and3A_376 = arith.constant -65536 : i32
        %and3A_377 = vector.broadcast %and3A_376 : i32 to vector<16xi32>
        %and3A_378 = arith.andi %get3A_371, %and3A_377 : vector<16xi32>
        %bitcast3A_379 = vector.bitcast %and3A_378 : vector<16xi32> to vector<16xf32>
        %mul3A_380 = arith.mulf %bitcast3A_375, %gather3A_330 : vector<16xf32>
        %swap3A_381 = arith.index_cast %add3A_327 : i32 to index
        %swap3A_382 = arith.constant 64 : index
        %swap3A_383 = tpu.vector_load %arg12[%swap3A_381, %swap3A_382] {strides = array<i32>} : memref<128x128xf32, #tpu.memory_space<vmem>>, vector<16xf32>,
        tpu.vector_store %arg12[%swap3A_381, %swap3A_382], %mul3A_380 {strides = array<i32>} : memref<128x128xf32, #tpu.memory_space<vmem>>, vector<16xf32>,
        %mul3A_384 = arith.mulf %bitcast3A_379, %gather3A_330 : vector<16xf32>
        %swap3A_385 = arith.index_cast %add3A_327 : i32 to index
        %swap3A_386 = arith.constant 80 : index
        %swap3A_387 = tpu.vector_load %arg12[%swap3A_385, %swap3A_386] {strides = array<i32>} : memref<128x128xf32, #tpu.memory_space<vmem>>, vector<16xf32>,
        tpu.vector_store %arg12[%swap3A_385, %swap3A_386], %mul3A_384 {strides = array<i32>} : memref<128x128xf32, #tpu.memory_space<vmem>>, vector<16xf32>,
        %get3A_388 = arith.index_cast %add3A_327 : i32 to index
        %get3A_389 = arith.constant 48 : index
        %get3A_390 = tpu.vector_load %arg11[%get3A_388, %get3A_389] {strides = array<i32>} : memref<128x64xi32, #tpu.memory_space<vmem>>, vector<16xi32>,
        %shift_left3A_391 = arith.constant 16 : i32
        %shift_left3A_392 = vector.broadcast %shift_left3A_391 : i32 to vector<16xi32>
        %shift_left3A_393 = arith.shli %get3A_390, %shift_left3A_392 : vector<16xi32>
        %bitcast3A_394 = vector.bitcast %shift_left3A_393 : vector<16xi32> to vector<16xf32>
        %and3A_395 = arith.constant -65536 : i32
        %and3A_396 = vector.broadcast %and3A_395 : i32 to vector<16xi32>
        %and3A_397 = arith.andi %get3A_390, %and3A_396 : vector<16xi32>
        %bitcast3A_398 = vector.bitcast %and3A_397 : vector<16xi32> to vector<16xf32>
        %mul3A_399 = arith.mulf %bitcast3A_394, %gather3A_330 : vector<16xf32>
        %swap3A_400 = arith.index_cast %add3A_327 : i32 to index
        %swap3A_401 = arith.constant 96 : index
        %swap3A_402 = tpu.vector_load %arg12[%swap3A_400, %swap3A_401] {strides = array<i32>} : memref<128x128xf32, #tpu.memory_space<vmem>>, vector<16xf32>,
        tpu.vector_store %arg12[%swap3A_400, %swap3A_401], %mul3A_399 {strides = array<i32>} : memref<128x128xf32, #tpu.memory_space<vmem>>, vector<16xf32>,
        %mul3A_403 = arith.mulf %bitcast3A_398, %gather3A_330 : vector<16xf32>
        %swap3A_404 = arith.index_cast %add3A_327 : i32 to index
        %swap3A_405 = arith.constant 112 : index
        %swap3A_406 = tpu.vector_load %arg12[%swap3A_404, %swap3A_405] {strides = array<i32>} : memref<128x128xf32, #tpu.memory_space<vmem>>, vector<16xf32>,
        tpu.vector_store %arg12[%swap3A_404, %swap3A_405], %mul3A_403 {strides = array<i32>} : memref<128x128xf32, #tpu.memory_space<vmem>>, vector<16xf32>,
        %add3A_407 = arith.constant 3 : i32
        %add3A_408 = arith.addi %add3A_170, %add3A_407 : i32
        %broadcast_in_dim3A_409 = vector.broadcast %add3A_160 : i32 to vector<16xi32>
        %broadcast_in_dim3A_410 = vector.broadcast %add3A_408 : i32 to vector<16xi32>
        %gather3A_411 = tpu.vector_load_idx %arg9[%broadcast_in_dim3A_409, %broadcast_in_dim3A_410] : memref<40x128xf32, #tpu.memory_space<vmem>>[vector<16xi32>, vector<16xi32>], vector<16xf32>,
        %get3A_412 = arith.index_cast %add3A_408 : i32 to index
        %get3A_413 = arith.constant 0 : index
        %get3A_414 = tpu.vector_load %arg11[%get3A_412, %get3A_413] {strides = array<i32>} : memref<128x64xi32, #tpu.memory_space<vmem>>, vector<16xi32>,
        %shift_left3A_415 = arith.constant 16 : i32
        %shift_left3A_416 = vector.broadcast %shift_left3A_415 : i32 to vector<16xi32>
        %shift_left3A_417 = arith.shli %get3A_414, %shift_left3A_416 : vector<16xi32>
        %bitcast3A_418 = vector.bitcast %shift_left3A_417 : vector<16xi32> to vector<16xf32>
        %and3A_419 = arith.constant -65536 : i32
        %and3A_420 = vector.broadcast %and3A_419 : i32 to vector<16xi32>
        %and3A_421 = arith.andi %get3A_414, %and3A_420 : vector<16xi32>
        %bitcast3A_422 = vector.bitcast %and3A_421 : vector<16xi32> to vector<16xf32>
        %mul3A_423 = arith.mulf %bitcast3A_418, %gather3A_411 : vector<16xf32>
        %swap3A_424 = arith.index_cast %add3A_408 : i32 to index
        %swap3A_425 = arith.constant 0 : index
        %swap3A_426 = tpu.vector_load %arg12[%swap3A_424, %swap3A_425] {strides = array<i32>} : memref<128x128xf32, #tpu.memory_space<vmem>>, vector<16xf32>,
        tpu.vector_store %arg12[%swap3A_424, %swap3A_425], %mul3A_423 {strides = array<i32>} : memref<128x128xf32, #tpu.memory_space<vmem>>, vector<16xf32>,
        %mul3A_427 = arith.mulf %bitcast3A_422, %gather3A_411 : vector<16xf32>
        %swap3A_428 = arith.index_cast %add3A_408 : i32 to index
        %swap3A_429 = arith.constant 16 : index
        %swap3A_430 = tpu.vector_load %arg12[%swap3A_428, %swap3A_429] {strides = array<i32>} : memref<128x128xf32, #tpu.memory_space<vmem>>, vector<16xf32>,
        tpu.vector_store %arg12[%swap3A_428, %swap3A_429], %mul3A_427 {strides = array<i32>} : memref<128x128xf32, #tpu.memory_space<vmem>>, vector<16xf32>,
        %get3A_431 = arith.index_cast %add3A_408 : i32 to index
        %get3A_432 = arith.constant 16 : index
        %get3A_433 = tpu.vector_load %arg11[%get3A_431, %get3A_432] {strides = array<i32>} : memref<128x64xi32, #tpu.memory_space<vmem>>, vector<16xi32>,
        %shift_left3A_434 = arith.constant 16 : i32
        %shift_left3A_435 = vector.broadcast %shift_left3A_434 : i32 to vector<16xi32>
        %shift_left3A_436 = arith.shli %get3A_433, %shift_left3A_435 : vector<16xi32>
        %bitcast3A_437 = vector.bitcast %shift_left3A_436 : vector<16xi32> to vector<16xf32>
        %and3A_438 = arith.constant -65536 : i32
        %and3A_439 = vector.broadcast %and3A_438 : i32 to vector<16xi32>
        %and3A_440 = arith.andi %get3A_433, %and3A_439 : vector<16xi32>
        %bitcast3A_441 = vector.bitcast %and3A_440 : vector<16xi32> to vector<16xf32>
        %mul3A_442 = arith.mulf %bitcast3A_437, %gather3A_411 : vector<16xf32>
        %swap3A_443 = arith.index_cast %add3A_408 : i32 to index
        %swap3A_444 = arith.constant 32 : index
        %swap3A_445 = tpu.vector_load %arg12[%swap3A_443, %swap3A_444] {strides = array<i32>} : memref<128x128xf32, #tpu.memory_space<vmem>>, vector<16xf32>,
        tpu.vector_store %arg12[%swap3A_443, %swap3A_444], %mul3A_442 {strides = array<i32>} : memref<128x128xf32, #tpu.memory_space<vmem>>, vector<16xf32>,
        %mul3A_446 = arith.mulf %bitcast3A_441, %gather3A_411 : vector<16xf32>
        %swap3A_447 = arith.index_cast %add3A_408 : i32 to index
        %swap3A_448 = arith.constant 48 : index
        %swap3A_449 = tpu.vector_load %arg12[%swap3A_447, %swap3A_448] {strides = array<i32>} : memref<128x128xf32, #tpu.memory_space<vmem>>, vector<16xf32>,
        tpu.vector_store %arg12[%swap3A_447, %swap3A_448], %mul3A_446 {strides = array<i32>} : memref<128x128xf32, #tpu.memory_space<vmem>>, vector<16xf32>,
        %get3A_450 = arith.index_cast %add3A_408 : i32 to index
        %get3A_451 = arith.constant 32 : index
        %get3A_452 = tpu.vector_load %arg11[%get3A_450, %get3A_451] {strides = array<i32>} : memref<128x64xi32, #tpu.memory_space<vmem>>, vector<16xi32>,
        %shift_left3A_453 = arith.constant 16 : i32
        %shift_left3A_454 = vector.broadcast %shift_left3A_453 : i32 to vector<16xi32>
        %shift_left3A_455 = arith.shli %get3A_452, %shift_left3A_454 : vector<16xi32>
        %bitcast3A_456 = vector.bitcast %shift_left3A_455 : vector<16xi32> to vector<16xf32>
        %and3A_457 = arith.constant -65536 : i32
        %and3A_458 = vector.broadcast %and3A_457 : i32 to vector<16xi32>
        %and3A_459 = arith.andi %get3A_452, %and3A_458 : vector<16xi32>
        %bitcast3A_460 = vector.bitcast %and3A_459 : vector<16xi32> to vector<16xf32>
        %mul3A_461 = arith.mulf %bitcast3A_456, %gather3A_411 : vector<16xf32>
        %swap3A_462 = arith.index_cast %add3A_408 : i32 to index
        %swap3A_463 = arith.constant 64 : index
        %swap3A_464 = tpu.vector_load %arg12[%swap3A_462, %swap3A_463] {strides = array<i32>} : memref<128x128xf32, #tpu.memory_space<vmem>>, vector<16xf32>,
        tpu.vector_store %arg12[%swap3A_462, %swap3A_463], %mul3A_461 {strides = array<i32>} : memref<128x128xf32, #tpu.memory_space<vmem>>, vector<16xf32>,
        %mul3A_465 = arith.mulf %bitcast3A_460, %gather3A_411 : vector<16xf32>
        %swap3A_466 = arith.index_cast %add3A_408 : i32 to index
        %swap3A_467 = arith.constant 80 : index
        %swap3A_468 = tpu.vector_load %arg12[%swap3A_466, %swap3A_467] {strides = array<i32>} : memref<128x128xf32, #tpu.memory_space<vmem>>, vector<16xf32>,
        tpu.vector_store %arg12[%swap3A_466, %swap3A_467], %mul3A_465 {strides = array<i32>} : memref<128x128xf32, #tpu.memory_space<vmem>>, vector<16xf32>,
        %get3A_469 = arith.index_cast %add3A_408 : i32 to index
        %get3A_470 = arith.constant 48 : index
        %get3A_471 = tpu.vector_load %arg11[%get3A_469, %get3A_470] {strides = array<i32>} : memref<128x64xi32, #tpu.memory_space<vmem>>, vector<16xi32>,
        %shift_left3A_472 = arith.constant 16 : i32
        %shift_left3A_473 = vector.broadcast %shift_left3A_472 : i32 to vector<16xi32>
        %shift_left3A_474 = arith.shli %get3A_471, %shift_left3A_473 : vector<16xi32>
        %bitcast3A_475 = vector.bitcast %shift_left3A_474 : vector<16xi32> to vector<16xf32>
        %and3A_476 = arith.constant -65536 : i32
        %and3A_477 = vector.broadcast %and3A_476 : i32 to vector<16xi32>
        %and3A_478 = arith.andi %get3A_471, %and3A_477 : vector<16xi32>
        %bitcast3A_479 = vector.bitcast %and3A_478 : vector<16xi32> to vector<16xf32>
        %mul3A_480 = arith.mulf %bitcast3A_475, %gather3A_411 : vector<16xf32>
        %swap3A_481 = arith.index_cast %add3A_408 : i32 to index
        %swap3A_482 = arith.constant 96 : index
        %swap3A_483 = tpu.vector_load %arg12[%swap3A_481, %swap3A_482] {strides = array<i32>} : memref<128x128xf32, #tpu.memory_space<vmem>>, vector<16xf32>,
        tpu.vector_store %arg12[%swap3A_481, %swap3A_482], %mul3A_480 {strides = array<i32>} : memref<128x128xf32, #tpu.memory_space<vmem>>, vector<16xf32>,
        %mul3A_484 = arith.mulf %bitcast3A_479, %gather3A_411 : vector<16xf32>
        %swap3A_485 = arith.index_cast %add3A_408 : i32 to index
        %swap3A_486 = arith.constant 112 : index
        %swap3A_487 = tpu.vector_load %arg12[%swap3A_485, %swap3A_486] {strides = array<i32>} : memref<128x128xf32, #tpu.memory_space<vmem>>, vector<16xf32>,
        tpu.vector_store %arg12[%swap3A_485, %swap3A_486], %mul3A_484 {strides = array<i32>} : memref<128x128xf32, #tpu.memory_space<vmem>>, vector<16xf32>,
      }
      %scan3A_165 = arith.constant 32 : i32
      "tpu.region"() ({
        %run_scoped3A_166 = tpu.sem_alloc : memref<!tpu.dma_semaphore, #tpu.memory_space<semaphore_mem>>
        %dma_start3A_167 = arith.constant 0 : i32
        %dma_start3A_168 = tpu.memref_slice %arg8[%add3A_160, %dma_start3A_167] : memref<40x128xi32, #tpu.memory_space<vmem>> -> memref<1x128xi32, #tpu.memory_space<vmem>>
        %dma_start3A_169 = tpu.memref_squeeze %dma_start3A_168 : memref<1x128xi32, #tpu.memory_space<vmem>> -> memref<128xi32, #tpu.memory_space<vmem>>
        %dma_start3A_170 = arith.constant 0 : i32
        %dma_start3A_171 = arith.constant 0 : i32
        %dma_start3A_172 = tpu.memref_slice %arg15[%dma_start3A_170, %dma_start3A_171] : memref<10000x128xf32, #tpu.memory_space<vmem_shared>> -> memref<10000x128xf32, #tpu.memory_space<vmem_shared>>
        tpu.enqueue_indirect_dma source(%arg12 : memref<128x128xf32, #tpu.memory_space<vmem>>) target(%dma_start3A_172 : memref<10000x128xf32, #tpu.memory_space<vmem_shared>>) offsets(%dma_start3A_169 : memref<128xi32, #tpu.memory_space<vmem>>) semaphore(%run_scoped3A_166 : memref<!tpu.dma_semaphore, #tpu.memory_space<semaphore_mem>>) {add = true}
        %dma_wait3A_173 = arith.constant 0 : i32
        %dma_wait3A_174 = tpu.memref_slice %arg8[%add3A_160, %dma_wait3A_173] : memref<40x128xi32, #tpu.memory_space<vmem>> -> memref<1x128xi32, #tpu.memory_space<vmem>>
        %dma_wait3A_175 = tpu.memref_squeeze %dma_wait3A_174 : memref<1x128xi32, #tpu.memory_space<vmem>> -> memref<128xi32, #tpu.memory_space<vmem>>
        %dma_wait3A_176 = arith.constant 0 : i32
        %dma_wait3A_177 = arith.constant 0 : i32
        %dma_wait3A_178 = tpu.memref_slice %arg15[%dma_wait3A_176, %dma_wait3A_177] : memref<10000x128xf32, #tpu.memory_space<vmem_shared>> -> memref<10000x128xf32, #tpu.memory_space<vmem_shared>>
        tpu.wait_indirect_dma semaphore(%run_scoped3A_166 : memref<!tpu.dma_semaphore, #tpu.memory_space<semaphore_mem>>) src(%arg12 : memref<128x128xf32, #tpu.memory_space<vmem>>) dst(%dma_wait3A_178 : memref<10000x128xf32, #tpu.memory_space<vmem_shared>>)
        tpu.yield
      }) : () -> ()
    }
    %scan3A_38 = arith.constant 19 : i32
    %dma_wait3A = arith.constant 0 : i32
    %dma_wait3A_39 = arith.constant 0 : i32
    %dma_wait3A_40 = tpu.memref_slice %arg2[%dma_wait3A, %dma_wait3A_39] : memref<80000x64xi32, #tpu.memory_space<hbm>> -> memref<128x64xi32, #tpu.memory_space<hbm>>
    %dma_wait3A_41 = arith.constant 0 : i32
    %dma_wait3A_42 = arith.constant 0 : i32
    %dma_wait3A_43 = tpu.memref_slice %arg2[%dma_wait3A_41, %dma_wait3A_42] : memref<80000x64xi32, #tpu.memory_space<hbm>> -> memref<128x64xi32, #tpu.memory_space<hbm>>
    tpu.wait_dma2 semaphore(%arg13 : memref<!tpu.dma_semaphore, #tpu.memory_space<semaphore_mem>>) src(%dma_wait3A_43 : memref<128x64xi32, #tpu.memory_space<hbm>>) dst(%arg10 : memref<128x64xi32, #tpu.memory_space<vmem>>)
    %dma_start3A_44 = arith.constant 39 : i32
    %dma_start3A_45 = arith.constant 0 : i32
    %dma_start3A_46 = tpu.memref_slice %arg7[%dma_start3A_44, %dma_start3A_45] : memref<40x128xi32, #tpu.memory_space<vmem>> -> memref<1x128xi32, #tpu.memory_space<vmem>>
    %dma_start3A_47 = tpu.memref_squeeze %dma_start3A_46 : memref<1x128xi32, #tpu.memory_space<vmem>> -> memref<128xi32, #tpu.memory_space<vmem>>
    %dma_start3A_48 = arith.constant 0 : i32
    %dma_start3A_49 = arith.constant 0 : i32
    %dma_start3A_50 = tpu.memref_slice %arg2[%dma_start3A_48, %dma_start3A_49] : memref<80000x64xi32, #tpu.memory_space<hbm>> -> memref<80000x64xi32, #tpu.memory_space<hbm>>
    tpu.enqueue_indirect_dma source(%dma_start3A_50 : memref<80000x64xi32, #tpu.memory_space<hbm>>) target(%arg11 : memref<128x64xi32, #tpu.memory_space<vmem>>) offsets(%dma_start3A_47 : memref<128xi32, #tpu.memory_space<vmem>>) semaphore(%arg14 : memref<!tpu.dma_semaphore, #tpu.memory_space<semaphore_mem>>)
    %scan3A_51 = arith.constant 0 : i32
    %scan3A_52 = arith.constant 32 : i32
    %scan3A_53 = arith.addi %scan3A_51, %scan3A_52 : i32
    %scan3A_54 = arith.constant 1 : i32
    scf.for %scan3A_121 = %scan3A_51 to %scan3A_53 step %scan3A_54  : i32 {
      %mul3A_122 = arith.constant 4 : i32
      %mul3A_123 = arith.muli %scan3A_121, %mul3A_122 : i32
      %add3A_124 = arith.constant 0 : i32
      %add3A_125 = arith.addi %add3A_124, %mul3A_123 : i32
      %add3A_126 = arith.constant 0 : i32
      %add3A_127 = arith.addi %add3A_125, %add3A_126 : i32
      %broadcast_in_dim3A = arith.constant 38 : i32
      %broadcast_in_dim3A_128 = vector.broadcast %broadcast_in_dim3A : i32 to vector<16xi32>
      %broadcast_in_dim3A_129 = vector.broadcast %add3A_127 : i32 to vector<16xi32>
      %gather3A = tpu.vector_load_idx %arg9[%broadcast_in_dim3A_128, %broadcast_in_dim3A_129] : memref<40x128xf32, #tpu.memory_space<vmem>>[vector<16xi32>, vector<16xi32>], vector<16xf32>,
      %get3A = arith.index_cast %add3A_127 : i32 to index
      %get3A_130 = arith.constant 0 : index
      %get3A_131 = tpu.vector_load %arg10[%get3A, %get3A_130] {strides = array<i32>} : memref<128x64xi32, #tpu.memory_space<vmem>>, vector<16xi32>,
      %shift_left3A = arith.constant 16 : i32
      %shift_left3A_132 = vector.broadcast %shift_left3A : i32 to vector<16xi32>
      %shift_left3A_133 = arith.shli %get3A_131, %shift_left3A_132 : vector<16xi32>
      %bitcast3A = vector.bitcast %shift_left3A_133 : vector<16xi32> to vector<16xf32>
      %and3A = arith.constant -65536 : i32
      %and3A_134 = vector.broadcast %and3A : i32 to vector<16xi32>
      %and3A_135 = arith.andi %get3A_131, %and3A_134 : vector<16xi32>
      %bitcast3A_136 = vector.bitcast %and3A_135 : vector<16xi32> to vector<16xf32>
      %mul3A_137 = arith.mulf %bitcast3A, %gather3A : vector<16xf32>
      %swap3A = arith.index_cast %add3A_127 : i32 to index
      %swap3A_138 = arith.constant 0 : index
      %swap3A_139 = tpu.vector_load %arg12[%swap3A, %swap3A_138] {strides = array<i32>} : memref<128x128xf32, #tpu.memory_space<vmem>>, vector<16xf32>,
      tpu.vector_store %arg12[%swap3A, %swap3A_138], %mul3A_137 {strides = array<i32>} : memref<128x128xf32, #tpu.memory_space<vmem>>, vector<16xf32>,
      %mul3A_140 = arith.mulf %bitcast3A_136, %gather3A : vector<16xf32>
      %swap3A_141 = arith.index_cast %add3A_127 : i32 to index
      %swap3A_142 = arith.constant 16 : index
      %swap3A_143 = tpu.vector_load %arg12[%swap3A_141, %swap3A_142] {strides = array<i32>} : memref<128x128xf32, #tpu.memory_space<vmem>>, vector<16xf32>,
      tpu.vector_store %arg12[%swap3A_141, %swap3A_142], %mul3A_140 {strides = array<i32>} : memref<128x128xf32, #tpu.memory_space<vmem>>, vector<16xf32>,
      %get3A_144 = arith.index_cast %add3A_127 : i32 to index
      %get3A_145 = arith.constant 16 : index
      %get3A_146 = tpu.vector_load %arg10[%get3A_144, %get3A_145] {strides = array<i32>} : memref<128x64xi32, #tpu.memory_space<vmem>>, vector<16xi32>,
      %shift_left3A_147 = arith.constant 16 : i32
      %shift_left3A_148 = vector.broadcast %shift_left3A_147 : i32 to vector<16xi32>
      %shift_left3A_149 = arith.shli %get3A_146, %shift_left3A_148 : vector<16xi32>
      %bitcast3A_150 = vector.bitcast %shift_left3A_149 : vector<16xi32> to vector<16xf32>
      %and3A_151 = arith.constant -65536 : i32
      %and3A_152 = vector.broadcast %and3A_151 : i32 to vector<16xi32>
      %and3A_153 = arith.andi %get3A_146, %and3A_152 : vector<16xi32>
      %bitcast3A_154 = vector.bitcast %and3A_153 : vector<16xi32> to vector<16xf32>
      %mul3A_155 = arith.mulf %bitcast3A_150, %gather3A : vector<16xf32>
      %swap3A_156 = arith.index_cast %add3A_127 : i32 to index
      %swap3A_157 = arith.constant 32 : index
      %swap3A_158 = tpu.vector_load %arg12[%swap3A_156, %swap3A_157] {strides = array<i32>} : memref<128x128xf32, #tpu.memory_space<vmem>>, vector<16xf32>,
      tpu.vector_store %arg12[%swap3A_156, %swap3A_157], %mul3A_155 {strides = array<i32>} : memref<128x128xf32, #tpu.memory_space<vmem>>, vector<16xf32>,
      %mul3A_159 = arith.mulf %bitcast3A_154, %gather3A : vector<16xf32>
      %swap3A_160 = arith.index_cast %add3A_127 : i32 to index
      %swap3A_161 = arith.constant 48 : index
      %swap3A_162 = tpu.vector_load %arg12[%swap3A_160, %swap3A_161] {strides = array<i32>} : memref<128x128xf32, #tpu.memory_space<vmem>>, vector<16xf32>,
      tpu.vector_store %arg12[%swap3A_160, %swap3A_161], %mul3A_159 {strides = array<i32>} : memref<128x128xf32, #tpu.memory_space<vmem>>, vector<16xf32>,
      %get3A_163 = arith.index_cast %add3A_127 : i32 to index
      %get3A_164 = arith.constant 32 : index
      %get3A_165 = tpu.vector_load %arg10[%get3A_163, %get3A_164] {strides = array<i32>} : memref<128x64xi32, #tpu.memory_space<vmem>>, vector<16xi32>,
      %shift_left3A_166 = arith.constant 16 : i32
      %shift_left3A_167 = vector.broadcast %shift_left3A_166 : i32 to vector<16xi32>
      %shift_left3A_168 = arith.shli %get3A_165, %shift_left3A_167 : vector<16xi32>
      %bitcast3A_169 = vector.bitcast %shift_left3A_168 : vector<16xi32> to vector<16xf32>
      %and3A_170 = arith.constant -65536 : i32
      %and3A_171 = vector.broadcast %and3A_170 : i32 to vector<16xi32>
      %and3A_172 = arith.andi %get3A_165, %and3A_171 : vector<16xi32>
      %bitcast3A_173 = vector.bitcast %and3A_172 : vector<16xi32> to vector<16xf32>
      %mul3A_174 = arith.mulf %bitcast3A_169, %gather3A : vector<16xf32>
      %swap3A_175 = arith.index_cast %add3A_127 : i32 to index
      %swap3A_176 = arith.constant 64 : index
      %swap3A_177 = tpu.vector_load %arg12[%swap3A_175, %swap3A_176] {strides = array<i32>} : memref<128x128xf32, #tpu.memory_space<vmem>>, vector<16xf32>,
      tpu.vector_store %arg12[%swap3A_175, %swap3A_176], %mul3A_174 {strides = array<i32>} : memref<128x128xf32, #tpu.memory_space<vmem>>, vector<16xf32>,
      %mul3A_178 = arith.mulf %bitcast3A_173, %gather3A : vector<16xf32>
      %swap3A_179 = arith.index_cast %add3A_127 : i32 to index
      %swap3A_180 = arith.constant 80 : index
      %swap3A_181 = tpu.vector_load %arg12[%swap3A_179, %swap3A_180] {strides = array<i32>} : memref<128x128xf32, #tpu.memory_space<vmem>>, vector<16xf32>,
      tpu.vector_store %arg12[%swap3A_179, %swap3A_180], %mul3A_178 {strides = array<i32>} : memref<128x128xf32, #tpu.memory_space<vmem>>, vector<16xf32>,
      %get3A_182 = arith.index_cast %add3A_127 : i32 to index
      %get3A_183 = arith.constant 48 : index
      %get3A_184 = tpu.vector_load %arg10[%get3A_182, %get3A_183] {strides = array<i32>} : memref<128x64xi32, #tpu.memory_space<vmem>>, vector<16xi32>,
      %shift_left3A_185 = arith.constant 16 : i32
      %shift_left3A_186 = vector.broadcast %shift_left3A_185 : i32 to vector<16xi32>
      %shift_left3A_187 = arith.shli %get3A_184, %shift_left3A_186 : vector<16xi32>
      %bitcast3A_188 = vector.bitcast %shift_left3A_187 : vector<16xi32> to vector<16xf32>
      %and3A_189 = arith.constant -65536 : i32
      %and3A_190 = vector.broadcast %and3A_189 : i32 to vector<16xi32>
      %and3A_191 = arith.andi %get3A_184, %and3A_190 : vector<16xi32>
      %bitcast3A_192 = vector.bitcast %and3A_191 : vector<16xi32> to vector<16xf32>
      %mul3A_193 = arith.mulf %bitcast3A_188, %gather3A : vector<16xf32>
      %swap3A_194 = arith.index_cast %add3A_127 : i32 to index
      %swap3A_195 = arith.constant 96 : index
      %swap3A_196 = tpu.vector_load %arg12[%swap3A_194, %swap3A_195] {strides = array<i32>} : memref<128x128xf32, #tpu.memory_space<vmem>>, vector<16xf32>,
      tpu.vector_store %arg12[%swap3A_194, %swap3A_195], %mul3A_193 {strides = array<i32>} : memref<128x128xf32, #tpu.memory_space<vmem>>, vector<16xf32>,
      %mul3A_197 = arith.mulf %bitcast3A_192, %gather3A : vector<16xf32>
      %swap3A_198 = arith.index_cast %add3A_127 : i32 to index
      %swap3A_199 = arith.constant 112 : index
      %swap3A_200 = tpu.vector_load %arg12[%swap3A_198, %swap3A_199] {strides = array<i32>} : memref<128x128xf32, #tpu.memory_space<vmem>>, vector<16xf32>,
      tpu.vector_store %arg12[%swap3A_198, %swap3A_199], %mul3A_197 {strides = array<i32>} : memref<128x128xf32, #tpu.memory_space<vmem>>, vector<16xf32>,
      %add3A_201 = arith.constant 1 : i32
      %add3A_202 = arith.addi %add3A_125, %add3A_201 : i32
      %broadcast_in_dim3A_203 = arith.constant 38 : i32
      %broadcast_in_dim3A_204 = vector.broadcast %broadcast_in_dim3A_203 : i32 to vector<16xi32>
      %broadcast_in_dim3A_205 = vector.broadcast %add3A_202 : i32 to vector<16xi32>
      %gather3A_206 = tpu.vector_load_idx %arg9[%broadcast_in_dim3A_204, %broadcast_in_dim3A_205] : memref<40x128xf32, #tpu.memory_space<vmem>>[vector<16xi32>, vector<16xi32>], vector<16xf32>,
      %get3A_207 = arith.index_cast %add3A_202 : i32 to index
      %get3A_208 = arith.constant 0 : index
      %get3A_209 = tpu.vector_load %arg10[%get3A_207, %get3A_208] {strides = array<i32>} : memref<128x64xi32, #tpu.memory_space<vmem>>, vector<16xi32>,
      %shift_left3A_210 = arith.constant 16 : i32
      %shift_left3A_211 = vector.broadcast %shift_left3A_210 : i32 to vector<16xi32>
      %shift_left3A_212 = arith.shli %get3A_209, %shift_left3A_211 : vector<16xi32>
      %bitcast3A_213 = vector.bitcast %shift_left3A_212 : vector<16xi32> to vector<16xf32>
      %and3A_214 = arith.constant -65536 : i32
      %and3A_215 = vector.broadcast %and3A_214 : i32 to vector<16xi32>
      %and3A_216 = arith.andi %get3A_209, %and3A_215 : vector<16xi32>
      %bitcast3A_217 = vector.bitcast %and3A_216 : vector<16xi32> to vector<16xf32>
      %mul3A_218 = arith.mulf %bitcast3A_213, %gather3A_206 : vector<16xf32>
      %swap3A_219 = arith.index_cast %add3A_202 : i32 to index
      %swap3A_220 = arith.constant 0 : index
      %swap3A_221 = tpu.vector_load %arg12[%swap3A_219, %swap3A_220] {strides = array<i32>} : memref<128x128xf32, #tpu.memory_space<vmem>>, vector<16xf32>,
      tpu.vector_store %arg12[%swap3A_219, %swap3A_220], %mul3A_218 {strides = array<i32>} : memref<128x128xf32, #tpu.memory_space<vmem>>, vector<16xf32>,
      %mul3A_222 = arith.mulf %bitcast3A_217, %gather3A_206 : vector<16xf32>
      %swap3A_223 = arith.index_cast %add3A_202 : i32 to index
      %swap3A_224 = arith.constant 16 : index
      %swap3A_225 = tpu.vector_load %arg12[%swap3A_223, %swap3A_224] {strides = array<i32>} : memref<128x128xf32, #tpu.memory_space<vmem>>, vector<16xf32>,
      tpu.vector_store %arg12[%swap3A_223, %swap3A_224], %mul3A_222 {strides = array<i32>} : memref<128x128xf32, #tpu.memory_space<vmem>>, vector<16xf32>,
      %get3A_226 = arith.index_cast %add3A_202 : i32 to index
      %get3A_227 = arith.constant 16 : index
      %get3A_228 = tpu.vector_load %arg10[%get3A_226, %get3A_227] {strides = array<i32>} : memref<128x64xi32, #tpu.memory_space<vmem>>, vector<16xi32>,
      %shift_left3A_229 = arith.constant 16 : i32
      %shift_left3A_230 = vector.broadcast %shift_left3A_229 : i32 to vector<16xi32>
      %shift_left3A_231 = arith.shli %get3A_228, %shift_left3A_230 : vector<16xi32>
      %bitcast3A_232 = vector.bitcast %shift_left3A_231 : vector<16xi32> to vector<16xf32>
      %and3A_233 = arith.constant -65536 : i32
      %and3A_234 = vector.broadcast %and3A_233 : i32 to vector<16xi32>
      %and3A_235 = arith.andi %get3A_228, %and3A_234 : vector<16xi32>
      %bitcast3A_236 = vector.bitcast %and3A_235 : vector<16xi32> to vector<16xf32>
      %mul3A_237 = arith.mulf %bitcast3A_232, %gather3A_206 : vector<16xf32>
      %swap3A_238 = arith.index_cast %add3A_202 : i32 to index
      %swap3A_239 = arith.constant 32 : index
      %swap3A_240 = tpu.vector_load %arg12[%swap3A_238, %swap3A_239] {strides = array<i32>} : memref<128x128xf32, #tpu.memory_space<vmem>>, vector<16xf32>,
      tpu.vector_store %arg12[%swap3A_238, %swap3A_239], %mul3A_237 {strides = array<i32>} : memref<128x128xf32, #tpu.memory_space<vmem>>, vector<16xf32>,
      %mul3A_241 = arith.mulf %bitcast3A_236, %gather3A_206 : vector<16xf32>
      %swap3A_242 = arith.index_cast %add3A_202 : i32 to index
      %swap3A_243 = arith.constant 48 : index
      %swap3A_244 = tpu.vector_load %arg12[%swap3A_242, %swap3A_243] {strides = array<i32>} : memref<128x128xf32, #tpu.memory_space<vmem>>, vector<16xf32>,
      tpu.vector_store %arg12[%swap3A_242, %swap3A_243], %mul3A_241 {strides = array<i32>} : memref<128x128xf32, #tpu.memory_space<vmem>>, vector<16xf32>,
      %get3A_245 = arith.index_cast %add3A_202 : i32 to index
      %get3A_246 = arith.constant 32 : index
      %get3A_247 = tpu.vector_load %arg10[%get3A_245, %get3A_246] {strides = array<i32>} : memref<128x64xi32, #tpu.memory_space<vmem>>, vector<16xi32>,
      %shift_left3A_248 = arith.constant 16 : i32
      %shift_left3A_249 = vector.broadcast %shift_left3A_248 : i32 to vector<16xi32>
      %shift_left3A_250 = arith.shli %get3A_247, %shift_left3A_249 : vector<16xi32>
      %bitcast3A_251 = vector.bitcast %shift_left3A_250 : vector<16xi32> to vector<16xf32>
      %and3A_252 = arith.constant -65536 : i32
      %and3A_253 = vector.broadcast %and3A_252 : i32 to vector<16xi32>
      %and3A_254 = arith.andi %get3A_247, %and3A_253 : vector<16xi32>
      %bitcast3A_255 = vector.bitcast %and3A_254 : vector<16xi32> to vector<16xf32>
      %mul3A_256 = arith.mulf %bitcast3A_251, %gather3A_206 : vector<16xf32>
      %swap3A_257 = arith.index_cast %add3A_202 : i32 to index
      %swap3A_258 = arith.constant 64 : index
      %swap3A_259 = tpu.vector_load %arg12[%swap3A_257, %swap3A_258] {strides = array<i32>} : memref<128x128xf32, #tpu.memory_space<vmem>>, vector<16xf32>,
      tpu.vector_store %arg12[%swap3A_257, %swap3A_258], %mul3A_256 {strides = array<i32>} : memref<128x128xf32, #tpu.memory_space<vmem>>, vector<16xf32>,
      %mul3A_260 = arith.mulf %bitcast3A_255, %gather3A_206 : vector<16xf32>
      %swap3A_261 = arith.index_cast %add3A_202 : i32 to index
      %swap3A_262 = arith.constant 80 : index
      %swap3A_263 = tpu.vector_load %arg12[%swap3A_261, %swap3A_262] {strides = array<i32>} : memref<128x128xf32, #tpu.memory_space<vmem>>, vector<16xf32>,
      tpu.vector_store %arg12[%swap3A_261, %swap3A_262], %mul3A_260 {strides = array<i32>} : memref<128x128xf32, #tpu.memory_space<vmem>>, vector<16xf32>,
      %get3A_264 = arith.index_cast %add3A_202 : i32 to index
      %get3A_265 = arith.constant 48 : index
      %get3A_266 = tpu.vector_load %arg10[%get3A_264, %get3A_265] {strides = array<i32>} : memref<128x64xi32, #tpu.memory_space<vmem>>, vector<16xi32>,
      %shift_left3A_267 = arith.constant 16 : i32
      %shift_left3A_268 = vector.broadcast %shift_left3A_267 : i32 to vector<16xi32>
      %shift_left3A_269 = arith.shli %get3A_266, %shift_left3A_268 : vector<16xi32>
      %bitcast3A_270 = vector.bitcast %shift_left3A_269 : vector<16xi32> to vector<16xf32>
      %and3A_271 = arith.constant -65536 : i32
      %and3A_272 = vector.broadcast %and3A_271 : i32 to vector<16xi32>
      %and3A_273 = arith.andi %get3A_266, %and3A_272 : vector<16xi32>
      %bitcast3A_274 = vector.bitcast %and3A_273 : vector<16xi32> to vector<16xf32>
      %mul3A_275 = arith.mulf %bitcast3A_270, %gather3A_206 : vector<16xf32>
      %swap3A_276 = arith.index_cast %add3A_202 : i32 to index
      %swap3A_277 = arith.constant 96 : index
      %swap3A_278 = tpu.vector_load %arg12[%swap3A_276, %swap3A_277] {strides = array<i32>} : memref<128x128xf32, #tpu.memory_space<vmem>>, vector<16xf32>,
      tpu.vector_store %arg12[%swap3A_276, %swap3A_277], %mul3A_275 {strides = array<i32>} : memref<128x128xf32, #tpu.memory_space<vmem>>, vector<16xf32>,
      %mul3A_279 = arith.mulf %bitcast3A_274, %gather3A_206 : vector<16xf32>
      %swap3A_280 = arith.index_cast %add3A_202 : i32 to index
      %swap3A_281 = arith.constant 112 : index
      %swap3A_282 = tpu.vector_load %arg12[%swap3A_280, %swap3A_281] {strides = array<i32>} : memref<128x128xf32, #tpu.memory_space<vmem>>, vector<16xf32>,
      tpu.vector_store %arg12[%swap3A_280, %swap3A_281], %mul3A_279 {strides = array<i32>} : memref<128x128xf32, #tpu.memory_space<vmem>>, vector<16xf32>,
      %add3A_283 = arith.constant 2 : i32
      %add3A_284 = arith.addi %add3A_125, %add3A_283 : i32
      %broadcast_in_dim3A_285 = arith.constant 38 : i32
      %broadcast_in_dim3A_286 = vector.broadcast %broadcast_in_dim3A_285 : i32 to vector<16xi32>
      %broadcast_in_dim3A_287 = vector.broadcast %add3A_284 : i32 to vector<16xi32>
      %gather3A_288 = tpu.vector_load_idx %arg9[%broadcast_in_dim3A_286, %broadcast_in_dim3A_287] : memref<40x128xf32, #tpu.memory_space<vmem>>[vector<16xi32>, vector<16xi32>], vector<16xf32>,
      %get3A_289 = arith.index_cast %add3A_284 : i32 to index
      %get3A_290 = arith.constant 0 : index
      %get3A_291 = tpu.vector_load %arg10[%get3A_289, %get3A_290] {strides = array<i32>} : memref<128x64xi32, #tpu.memory_space<vmem>>, vector<16xi32>,
      %shift_left3A_292 = arith.constant 16 : i32
      %shift_left3A_293 = vector.broadcast %shift_left3A_292 : i32 to vector<16xi32>
      %shift_left3A_294 = arith.shli %get3A_291, %shift_left3A_293 : vector<16xi32>
      %bitcast3A_295 = vector.bitcast %shift_left3A_294 : vector<16xi32> to vector<16xf32>
      %and3A_296 = arith.constant -65536 : i32
      %and3A_297 = vector.broadcast %and3A_296 : i32 to vector<16xi32>
      %and3A_298 = arith.andi %get3A_291, %and3A_297 : vector<16xi32>
      %bitcast3A_299 = vector.bitcast %and3A_298 : vector<16xi32> to vector<16xf32>
      %mul3A_300 = arith.mulf %bitcast3A_295, %gather3A_288 : vector<16xf32>
      %swap3A_301 = arith.index_cast %add3A_284 : i32 to index
      %swap3A_302 = arith.constant 0 : index
      %swap3A_303 = tpu.vector_load %arg12[%swap3A_301, %swap3A_302] {strides = array<i32>} : memref<128x128xf32, #tpu.memory_space<vmem>>, vector<16xf32>,
      tpu.vector_store %arg12[%swap3A_301, %swap3A_302], %mul3A_300 {strides = array<i32>} : memref<128x128xf32, #tpu.memory_space<vmem>>, vector<16xf32>,
      %mul3A_304 = arith.mulf %bitcast3A_299, %gather3A_288 : vector<16xf32>
      %swap3A_305 = arith.index_cast %add3A_284 : i32 to index
      %swap3A_306 = arith.constant 16 : index
      %swap3A_307 = tpu.vector_load %arg12[%swap3A_305, %swap3A_306] {strides = array<i32>} : memref<128x128xf32, #tpu.memory_space<vmem>>, vector<16xf32>,
      tpu.vector_store %arg12[%swap3A_305, %swap3A_306], %mul3A_304 {strides = array<i32>} : memref<128x128xf32, #tpu.memory_space<vmem>>, vector<16xf32>,
      %get3A_308 = arith.index_cast %add3A_284 : i32 to index
      %get3A_309 = arith.constant 16 : index
      %get3A_310 = tpu.vector_load %arg10[%get3A_308, %get3A_309] {strides = array<i32>} : memref<128x64xi32, #tpu.memory_space<vmem>>, vector<16xi32>,
      %shift_left3A_311 = arith.constant 16 : i32
      %shift_left3A_312 = vector.broadcast %shift_left3A_311 : i32 to vector<16xi32>
      %shift_left3A_313 = arith.shli %get3A_310, %shift_left3A_312 : vector<16xi32>
      %bitcast3A_314 = vector.bitcast %shift_left3A_313 : vector<16xi32> to vector<16xf32>
      %and3A_315 = arith.constant -65536 : i32
      %and3A_316 = vector.broadcast %and3A_315 : i32 to vector<16xi32>
      %and3A_317 = arith.andi %get3A_310, %and3A_316 : vector<16xi32>
      %bitcast3A_318 = vector.bitcast %and3A_317 : vector<16xi32> to vector<16xf32>
      %mul3A_319 = arith.mulf %bitcast3A_314, %gather3A_288 : vector<16xf32>
      %swap3A_320 = arith.index_cast %add3A_284 : i32 to index
      %swap3A_321 = arith.constant 32 : index
      %swap3A_322 = tpu.vector_load %arg12[%swap3A_320, %swap3A_321] {strides = array<i32>} : memref<128x128xf32, #tpu.memory_space<vmem>>, vector<16xf32>,
      tpu.vector_store %arg12[%swap3A_320, %swap3A_321], %mul3A_319 {strides = array<i32>} : memref<128x128xf32, #tpu.memory_space<vmem>>, vector<16xf32>,
      %mul3A_323 = arith.mulf %bitcast3A_318, %gather3A_288 : vector<16xf32>
      %swap3A_324 = arith.index_cast %add3A_284 : i32 to index
      %swap3A_325 = arith.constant 48 : index
      %swap3A_326 = tpu.vector_load %arg12[%swap3A_324, %swap3A_325] {strides = array<i32>} : memref<128x128xf32, #tpu.memory_space<vmem>>, vector<16xf32>,
      tpu.vector_store %arg12[%swap3A_324, %swap3A_325], %mul3A_323 {strides = array<i32>} : memref<128x128xf32, #tpu.memory_space<vmem>>, vector<16xf32>,
      %get3A_327 = arith.index_cast %add3A_284 : i32 to index
      %get3A_328 = arith.constant 32 : index
      %get3A_329 = tpu.vector_load %arg10[%get3A_327, %get3A_328] {strides = array<i32>} : memref<128x64xi32, #tpu.memory_space<vmem>>, vector<16xi32>,
      %shift_left3A_330 = arith.constant 16 : i32
      %shift_left3A_331 = vector.broadcast %shift_left3A_330 : i32 to vector<16xi32>
      %shift_left3A_332 = arith.shli %get3A_329, %shift_left3A_331 : vector<16xi32>
      %bitcast3A_333 = vector.bitcast %shift_left3A_332 : vector<16xi32> to vector<16xf32>
      %and3A_334 = arith.constant -65536 : i32
      %and3A_335 = vector.broadcast %and3A_334 : i32 to vector<16xi32>
      %and3A_336 = arith.andi %get3A_329, %and3A_335 : vector<16xi32>
      %bitcast3A_337 = vector.bitcast %and3A_336 : vector<16xi32> to vector<16xf32>
      %mul3A_338 = arith.mulf %bitcast3A_333, %gather3A_288 : vector<16xf32>
      %swap3A_339 = arith.index_cast %add3A_284 : i32 to index
      %swap3A_340 = arith.constant 64 : index
      %swap3A_341 = tpu.vector_load %arg12[%swap3A_339, %swap3A_340] {strides = array<i32>} : memref<128x128xf32, #tpu.memory_space<vmem>>, vector<16xf32>,
      tpu.vector_store %arg12[%swap3A_339, %swap3A_340], %mul3A_338 {strides = array<i32>} : memref<128x128xf32, #tpu.memory_space<vmem>>, vector<16xf32>,
      %mul3A_342 = arith.mulf %bitcast3A_337, %gather3A_288 : vector<16xf32>
      %swap3A_343 = arith.index_cast %add3A_284 : i32 to index
      %swap3A_344 = arith.constant 80 : index
      %swap3A_345 = tpu.vector_load %arg12[%swap3A_343, %swap3A_344] {strides = array<i32>} : memref<128x128xf32, #tpu.memory_space<vmem>>, vector<16xf32>,
      tpu.vector_store %arg12[%swap3A_343, %swap3A_344], %mul3A_342 {strides = array<i32>} : memref<128x128xf32, #tpu.memory_space<vmem>>, vector<16xf32>,
      %get3A_346 = arith.index_cast %add3A_284 : i32 to index
      %get3A_347 = arith.constant 48 : index
      %get3A_348 = tpu.vector_load %arg10[%get3A_346, %get3A_347] {strides = array<i32>} : memref<128x64xi32, #tpu.memory_space<vmem>>, vector<16xi32>,
      %shift_left3A_349 = arith.constant 16 : i32
      %shift_left3A_350 = vector.broadcast %shift_left3A_349 : i32 to vector<16xi32>
      %shift_left3A_351 = arith.shli %get3A_348, %shift_left3A_350 : vector<16xi32>
      %bitcast3A_352 = vector.bitcast %shift_left3A_351 : vector<16xi32> to vector<16xf32>
      %and3A_353 = arith.constant -65536 : i32
      %and3A_354 = vector.broadcast %and3A_353 : i32 to vector<16xi32>
      %and3A_355 = arith.andi %get3A_348, %and3A_354 : vector<16xi32>
      %bitcast3A_356 = vector.bitcast %and3A_355 : vector<16xi32> to vector<16xf32>
      %mul3A_357 = arith.mulf %bitcast3A_352, %gather3A_288 : vector<16xf32>
      %swap3A_358 = arith.index_cast %add3A_284 : i32 to index
      %swap3A_359 = arith.constant 96 : index
      %swap3A_360 = tpu.vector_load %arg12[%swap3A_358, %swap3A_359] {strides = array<i32>} : memref<128x128xf32, #tpu.memory_space<vmem>>, vector<16xf32>,
      tpu.vector_store %arg12[%swap3A_358, %swap3A_359], %mul3A_357 {strides = array<i32>} : memref<128x128xf32, #tpu.memory_space<vmem>>, vector<16xf32>,
      %mul3A_361 = arith.mulf %bitcast3A_356, %gather3A_288 : vector<16xf32>
      %swap3A_362 = arith.index_cast %add3A_284 : i32 to index
      %swap3A_363 = arith.constant 112 : index
      %swap3A_364 = tpu.vector_load %arg12[%swap3A_362, %swap3A_363] {strides = array<i32>} : memref<128x128xf32, #tpu.memory_space<vmem>>, vector<16xf32>,
      tpu.vector_store %arg12[%swap3A_362, %swap3A_363], %mul3A_361 {strides = array<i32>} : memref<128x128xf32, #tpu.memory_space<vmem>>, vector<16xf32>,
      %add3A_365 = arith.constant 3 : i32
      %add3A_366 = arith.addi %add3A_125, %add3A_365 : i32
      %broadcast_in_dim3A_367 = arith.constant 38 : i32
      %broadcast_in_dim3A_368 = vector.broadcast %broadcast_in_dim3A_367 : i32 to vector<16xi32>
      %broadcast_in_dim3A_369 = vector.broadcast %add3A_366 : i32 to vector<16xi32>
      %gather3A_370 = tpu.vector_load_idx %arg9[%broadcast_in_dim3A_368, %broadcast_in_dim3A_369] : memref<40x128xf32, #tpu.memory_space<vmem>>[vector<16xi32>, vector<16xi32>], vector<16xf32>,
      %get3A_371 = arith.index_cast %add3A_366 : i32 to index
      %get3A_372 = arith.constant 0 : index
      %get3A_373 = tpu.vector_load %arg10[%get3A_371, %get3A_372] {strides = array<i32>} : memref<128x64xi32, #tpu.memory_space<vmem>>, vector<16xi32>,
      %shift_left3A_374 = arith.constant 16 : i32
      %shift_left3A_375 = vector.broadcast %shift_left3A_374 : i32 to vector<16xi32>
      %shift_left3A_376 = arith.shli %get3A_373, %shift_left3A_375 : vector<16xi32>
      %bitcast3A_377 = vector.bitcast %shift_left3A_376 : vector<16xi32> to vector<16xf32>
      %and3A_378 = arith.constant -65536 : i32
      %and3A_379 = vector.broadcast %and3A_378 : i32 to vector<16xi32>
      %and3A_380 = arith.andi %get3A_373, %and3A_379 : vector<16xi32>
      %bitcast3A_381 = vector.bitcast %and3A_380 : vector<16xi32> to vector<16xf32>
      %mul3A_382 = arith.mulf %bitcast3A_377, %gather3A_370 : vector<16xf32>
      %swap3A_383 = arith.index_cast %add3A_366 : i32 to index
      %swap3A_384 = arith.constant 0 : index
      %swap3A_385 = tpu.vector_load %arg12[%swap3A_383, %swap3A_384] {strides = array<i32>} : memref<128x128xf32, #tpu.memory_space<vmem>>, vector<16xf32>,
      tpu.vector_store %arg12[%swap3A_383, %swap3A_384], %mul3A_382 {strides = array<i32>} : memref<128x128xf32, #tpu.memory_space<vmem>>, vector<16xf32>,
      %mul3A_386 = arith.mulf %bitcast3A_381, %gather3A_370 : vector<16xf32>
      %swap3A_387 = arith.index_cast %add3A_366 : i32 to index
      %swap3A_388 = arith.constant 16 : index
      %swap3A_389 = tpu.vector_load %arg12[%swap3A_387, %swap3A_388] {strides = array<i32>} : memref<128x128xf32, #tpu.memory_space<vmem>>, vector<16xf32>,
      tpu.vector_store %arg12[%swap3A_387, %swap3A_388], %mul3A_386 {strides = array<i32>} : memref<128x128xf32, #tpu.memory_space<vmem>>, vector<16xf32>,
      %get3A_390 = arith.index_cast %add3A_366 : i32 to index
      %get3A_391 = arith.constant 16 : index
      %get3A_392 = tpu.vector_load %arg10[%get3A_390, %get3A_391] {strides = array<i32>} : memref<128x64xi32, #tpu.memory_space<vmem>>, vector<16xi32>,
      %shift_left3A_393 = arith.constant 16 : i32
      %shift_left3A_394 = vector.broadcast %shift_left3A_393 : i32 to vector<16xi32>
      %shift_left3A_395 = arith.shli %get3A_392, %shift_left3A_394 : vector<16xi32>
      %bitcast3A_396 = vector.bitcast %shift_left3A_395 : vector<16xi32> to vector<16xf32>
      %and3A_397 = arith.constant -65536 : i32
      %and3A_398 = vector.broadcast %and3A_397 : i32 to vector<16xi32>
      %and3A_399 = arith.andi %get3A_392, %and3A_398 : vector<16xi32>
      %bitcast3A_400 = vector.bitcast %and3A_399 : vector<16xi32> to vector<16xf32>
      %mul3A_401 = arith.mulf %bitcast3A_396, %gather3A_370 : vector<16xf32>
      %swap3A_402 = arith.index_cast %add3A_366 : i32 to index
      %swap3A_403 = arith.constant 32 : index
      %swap3A_404 = tpu.vector_load %arg12[%swap3A_402, %swap3A_403] {strides = array<i32>} : memref<128x128xf32, #tpu.memory_space<vmem>>, vector<16xf32>,
      tpu.vector_store %arg12[%swap3A_402, %swap3A_403], %mul3A_401 {strides = array<i32>} : memref<128x128xf32, #tpu.memory_space<vmem>>, vector<16xf32>,
      %mul3A_405 = arith.mulf %bitcast3A_400, %gather3A_370 : vector<16xf32>
      %swap3A_406 = arith.index_cast %add3A_366 : i32 to index
      %swap3A_407 = arith.constant 48 : index
      %swap3A_408 = tpu.vector_load %arg12[%swap3A_406, %swap3A_407] {strides = array<i32>} : memref<128x128xf32, #tpu.memory_space<vmem>>, vector<16xf32>,
      tpu.vector_store %arg12[%swap3A_406, %swap3A_407], %mul3A_405 {strides = array<i32>} : memref<128x128xf32, #tpu.memory_space<vmem>>, vector<16xf32>,
      %get3A_409 = arith.index_cast %add3A_366 : i32 to index
      %get3A_410 = arith.constant 32 : index
      %get3A_411 = tpu.vector_load %arg10[%get3A_409, %get3A_410] {strides = array<i32>} : memref<128x64xi32, #tpu.memory_space<vmem>>, vector<16xi32>,
      %shift_left3A_412 = arith.constant 16 : i32
      %shift_left3A_413 = vector.broadcast %shift_left3A_412 : i32 to vector<16xi32>
      %shift_left3A_414 = arith.shli %get3A_411, %shift_left3A_413 : vector<16xi32>
      %bitcast3A_415 = vector.bitcast %shift_left3A_414 : vector<16xi32> to vector<16xf32>
      %and3A_416 = arith.constant -65536 : i32
      %and3A_417 = vector.broadcast %and3A_416 : i32 to vector<16xi32>
      %and3A_418 = arith.andi %get3A_411, %and3A_417 : vector<16xi32>
      %bitcast3A_419 = vector.bitcast %and3A_418 : vector<16xi32> to vector<16xf32>
      %mul3A_420 = arith.mulf %bitcast3A_415, %gather3A_370 : vector<16xf32>
      %swap3A_421 = arith.index_cast %add3A_366 : i32 to index
      %swap3A_422 = arith.constant 64 : index
      %swap3A_423 = tpu.vector_load %arg12[%swap3A_421, %swap3A_422] {strides = array<i32>} : memref<128x128xf32, #tpu.memory_space<vmem>>, vector<16xf32>,
      tpu.vector_store %arg12[%swap3A_421, %swap3A_422], %mul3A_420 {strides = array<i32>} : memref<128x128xf32, #tpu.memory_space<vmem>>, vector<16xf32>,
      %mul3A_424 = arith.mulf %bitcast3A_419, %gather3A_370 : vector<16xf32>
      %swap3A_425 = arith.index_cast %add3A_366 : i32 to index
      %swap3A_426 = arith.constant 80 : index
      %swap3A_427 = tpu.vector_load %arg12[%swap3A_425, %swap3A_426] {strides = array<i32>} : memref<128x128xf32, #tpu.memory_space<vmem>>, vector<16xf32>,
      tpu.vector_store %arg12[%swap3A_425, %swap3A_426], %mul3A_424 {strides = array<i32>} : memref<128x128xf32, #tpu.memory_space<vmem>>, vector<16xf32>,
      %get3A_428 = arith.index_cast %add3A_366 : i32 to index
      %get3A_429 = arith.constant 48 : index
      %get3A_430 = tpu.vector_load %arg10[%get3A_428, %get3A_429] {strides = array<i32>} : memref<128x64xi32, #tpu.memory_space<vmem>>, vector<16xi32>,
      %shift_left3A_431 = arith.constant 16 : i32
      %shift_left3A_432 = vector.broadcast %shift_left3A_431 : i32 to vector<16xi32>
      %shift_left3A_433 = arith.shli %get3A_430, %shift_left3A_432 : vector<16xi32>
      %bitcast3A_434 = vector.bitcast %shift_left3A_433 : vector<16xi32> to vector<16xf32>
      %and3A_435 = arith.constant -65536 : i32
      %and3A_436 = vector.broadcast %and3A_435 : i32 to vector<16xi32>
      %and3A_437 = arith.andi %get3A_430, %and3A_436 : vector<16xi32>
      %bitcast3A_438 = vector.bitcast %and3A_437 : vector<16xi32> to vector<16xf32>
      %mul3A_439 = arith.mulf %bitcast3A_434, %gather3A_370 : vector<16xf32>
      %swap3A_440 = arith.index_cast %add3A_366 : i32 to index
      %swap3A_441 = arith.constant 96 : index
      %swap3A_442 = tpu.vector_load %arg12[%swap3A_440, %swap3A_441] {strides = array<i32>} : memref<128x128xf32, #tpu.memory_space<vmem>>, vector<16xf32>,
      tpu.vector_store %arg12[%swap3A_440, %swap3A_441], %mul3A_439 {strides = array<i32>} : memref<128x128xf32, #tpu.memory_space<vmem>>, vector<16xf32>,
      %mul3A_443 = arith.mulf %bitcast3A_438, %gather3A_370 : vector<16xf32>
      %swap3A_444 = arith.index_cast %add3A_366 : i32 to index
      %swap3A_445 = arith.constant 112 : index
      %swap3A_446 = tpu.vector_load %arg12[%swap3A_444, %swap3A_445] {strides = array<i32>} : memref<128x128xf32, #tpu.memory_space<vmem>>, vector<16xf32>,
      tpu.vector_store %arg12[%swap3A_444, %swap3A_445], %mul3A_443 {strides = array<i32>} : memref<128x128xf32, #tpu.memory_space<vmem>>, vector<16xf32>,
    }
    %scan3A_55 = arith.constant 32 : i32
    %run_scoped3A = arith.constant 38 : i32
    "tpu.region"() ({
      %run_scoped3A_121 = tpu.sem_alloc : memref<!tpu.dma_semaphore, #tpu.memory_space<semaphore_mem>>
      %dma_start3A_122 = arith.constant 0 : i32
      %dma_start3A_123 = tpu.memref_slice %arg8[%run_scoped3A, %dma_start3A_122] : memref<40x128xi32, #tpu.memory_space<vmem>> -> memref<1x128xi32, #tpu.memory_space<vmem>>
      %dma_start3A_124 = tpu.memref_squeeze %dma_start3A_123 : memref<1x128xi32, #tpu.memory_space<vmem>> -> memref<128xi32, #tpu.memory_space<vmem>>
      %dma_start3A_125 = arith.constant 0 : i32
      %dma_start3A_126 = arith.constant 0 : i32
      %dma_start3A_127 = tpu.memref_slice %arg15[%dma_start3A_125, %dma_start3A_126] : memref<10000x128xf32, #tpu.memory_space<vmem_shared>> -> memref<10000x128xf32, #tpu.memory_space<vmem_shared>>
      tpu.enqueue_indirect_dma source(%arg12 : memref<128x128xf32, #tpu.memory_space<vmem>>) target(%dma_start3A_127 : memref<10000x128xf32, #tpu.memory_space<vmem_shared>>) offsets(%dma_start3A_124 : memref<128xi32, #tpu.memory_space<vmem>>) semaphore(%run_scoped3A_121 : memref<!tpu.dma_semaphore, #tpu.memory_space<semaphore_mem>>) {add = true}
      %dma_wait3A_128 = arith.constant 0 : i32
      %dma_wait3A_129 = tpu.memref_slice %arg8[%run_scoped3A, %dma_wait3A_128] : memref<40x128xi32, #tpu.memory_space<vmem>> -> memref<1x128xi32, #tpu.memory_space<vmem>>
      %dma_wait3A_130 = tpu.memref_squeeze %dma_wait3A_129 : memref<1x128xi32, #tpu.memory_space<vmem>> -> memref<128xi32, #tpu.memory_space<vmem>>
      %dma_wait3A_131 = arith.constant 0 : i32
      %dma_wait3A_132 = arith.constant 0 : i32
      %dma_wait3A_133 = tpu.memref_slice %arg15[%dma_wait3A_131, %dma_wait3A_132] : memref<10000x128xf32, #tpu.memory_space<vmem_shared>> -> memref<10000x128xf32, #tpu.memory_space<vmem_shared>>
      tpu.wait_indirect_dma semaphore(%run_scoped3A_121 : memref<!tpu.dma_semaphore, #tpu.memory_space<semaphore_mem>>) src(%arg12 : memref<128x128xf32, #tpu.memory_space<vmem>>) dst(%dma_wait3A_133 : memref<10000x128xf32, #tpu.memory_space<vmem_shared>>)
      tpu.yield
    }) : () -> ()
    %dma_wait3A_56 = arith.constant 0 : i32
    %dma_wait3A_57 = arith.constant 0 : i32
    %dma_wait3A_58 = tpu.memref_slice %arg2[%dma_wait3A_56, %dma_wait3A_57] : memref<80000x64xi32, #tpu.memory_space<hbm>> -> memref<128x64xi32, #tpu.memory_space<hbm>>
    %dma_wait3A_59 = arith.constant 0 : i32
    %dma_wait3A_60 = arith.constant 0 : i32
    %dma_wait3A_61 = tpu.memref_slice %arg2[%dma_wait3A_59, %dma_wait3A_60] : memref<80000x64xi32, #tpu.memory_space<hbm>> -> memref<128x64xi32, #tpu.memory_space<hbm>>
    tpu.wait_dma2 semaphore(%arg14 : memref<!tpu.dma_semaphore, #tpu.memory_space<semaphore_mem>>) src(%dma_wait3A_61 : memref<128x64xi32, #tpu.memory_space<hbm>>) dst(%arg11 : memref<128x64xi32, #tpu.memory_space<vmem>>)
    %scan3A_62 = arith.constant 0 : i32
    %scan3A_63 = arith.constant 32 : i32
    %scan3A_64 = arith.addi %scan3A_62, %scan3A_63 : i32
    %scan3A_65 = arith.constant 1 : i32
    scf.for %scan3A_121 = %scan3A_62 to %scan3A_64 step %scan3A_65  : i32 {
      %mul3A_122 = arith.constant 4 : i32
      %mul3A_123 = arith.muli %scan3A_121, %mul3A_122 : i32
      %add3A_124 = arith.constant 0 : i32
      %add3A_125 = arith.addi %add3A_124, %mul3A_123 : i32
      %add3A_126 = arith.constant 0 : i32
      %add3A_127 = arith.addi %add3A_125, %add3A_126 : i32
      %broadcast_in_dim3A = arith.constant 39 : i32
      %broadcast_in_dim3A_128 = vector.broadcast %broadcast_in_dim3A : i32 to vector<16xi32>
      %broadcast_in_dim3A_129 = vector.broadcast %add3A_127 : i32 to vector<16xi32>
      %gather3A = tpu.vector_load_idx %arg9[%broadcast_in_dim3A_128, %broadcast_in_dim3A_129] : memref<40x128xf32, #tpu.memory_space<vmem>>[vector<16xi32>, vector<16xi32>], vector<16xf32>,
      %get3A = arith.index_cast %add3A_127 : i32 to index
      %get3A_130 = arith.constant 0 : index
      %get3A_131 = tpu.vector_load %arg11[%get3A, %get3A_130] {strides = array<i32>} : memref<128x64xi32, #tpu.memory_space<vmem>>, vector<16xi32>,
      %shift_left3A = arith.constant 16 : i32
      %shift_left3A_132 = vector.broadcast %shift_left3A : i32 to vector<16xi32>
      %shift_left3A_133 = arith.shli %get3A_131, %shift_left3A_132 : vector<16xi32>
      %bitcast3A = vector.bitcast %shift_left3A_133 : vector<16xi32> to vector<16xf32>
      %and3A = arith.constant -65536 : i32
      %and3A_134 = vector.broadcast %and3A : i32 to vector<16xi32>
      %and3A_135 = arith.andi %get3A_131, %and3A_134 : vector<16xi32>
      %bitcast3A_136 = vector.bitcast %and3A_135 : vector<16xi32> to vector<16xf32>
      %mul3A_137 = arith.mulf %bitcast3A, %gather3A : vector<16xf32>
      %swap3A = arith.index_cast %add3A_127 : i32 to index
      %swap3A_138 = arith.constant 0 : index
      %swap3A_139 = tpu.vector_load %arg12[%swap3A, %swap3A_138] {strides = array<i32>} : memref<128x128xf32, #tpu.memory_space<vmem>>, vector<16xf32>,
      tpu.vector_store %arg12[%swap3A, %swap3A_138], %mul3A_137 {strides = array<i32>} : memref<128x128xf32, #tpu.memory_space<vmem>>, vector<16xf32>,
      %mul3A_140 = arith.mulf %bitcast3A_136, %gather3A : vector<16xf32>
      %swap3A_141 = arith.index_cast %add3A_127 : i32 to index
      %swap3A_142 = arith.constant 16 : index
      %swap3A_143 = tpu.vector_load %arg12[%swap3A_141, %swap3A_142] {strides = array<i32>} : memref<128x128xf32, #tpu.memory_space<vmem>>, vector<16xf32>,
      tpu.vector_store %arg12[%swap3A_141, %swap3A_142], %mul3A_140 {strides = array<i32>} : memref<128x128xf32, #tpu.memory_space<vmem>>, vector<16xf32>,
      %get3A_144 = arith.index_cast %add3A_127 : i32 to index
      %get3A_145 = arith.constant 16 : index
      %get3A_146 = tpu.vector_load %arg11[%get3A_144, %get3A_145] {strides = array<i32>} : memref<128x64xi32, #tpu.memory_space<vmem>>, vector<16xi32>,
      %shift_left3A_147 = arith.constant 16 : i32
      %shift_left3A_148 = vector.broadcast %shift_left3A_147 : i32 to vector<16xi32>
      %shift_left3A_149 = arith.shli %get3A_146, %shift_left3A_148 : vector<16xi32>
      %bitcast3A_150 = vector.bitcast %shift_left3A_149 : vector<16xi32> to vector<16xf32>
      %and3A_151 = arith.constant -65536 : i32
      %and3A_152 = vector.broadcast %and3A_151 : i32 to vector<16xi32>
      %and3A_153 = arith.andi %get3A_146, %and3A_152 : vector<16xi32>
      %bitcast3A_154 = vector.bitcast %and3A_153 : vector<16xi32> to vector<16xf32>
      %mul3A_155 = arith.mulf %bitcast3A_150, %gather3A : vector<16xf32>
      %swap3A_156 = arith.index_cast %add3A_127 : i32 to index
      %swap3A_157 = arith.constant 32 : index
      %swap3A_158 = tpu.vector_load %arg12[%swap3A_156, %swap3A_157] {strides = array<i32>} : memref<128x128xf32, #tpu.memory_space<vmem>>, vector<16xf32>,
      tpu.vector_store %arg12[%swap3A_156, %swap3A_157], %mul3A_155 {strides = array<i32>} : memref<128x128xf32, #tpu.memory_space<vmem>>, vector<16xf32>,
      %mul3A_159 = arith.mulf %bitcast3A_154, %gather3A : vector<16xf32>
      %swap3A_160 = arith.index_cast %add3A_127 : i32 to index
      %swap3A_161 = arith.constant 48 : index
      %swap3A_162 = tpu.vector_load %arg12[%swap3A_160, %swap3A_161] {strides = array<i32>} : memref<128x128xf32, #tpu.memory_space<vmem>>, vector<16xf32>,
      tpu.vector_store %arg12[%swap3A_160, %swap3A_161], %mul3A_159 {strides = array<i32>} : memref<128x128xf32, #tpu.memory_space<vmem>>, vector<16xf32>,
      %get3A_163 = arith.index_cast %add3A_127 : i32 to index
      %get3A_164 = arith.constant 32 : index
      %get3A_165 = tpu.vector_load %arg11[%get3A_163, %get3A_164] {strides = array<i32>} : memref<128x64xi32, #tpu.memory_space<vmem>>, vector<16xi32>,
      %shift_left3A_166 = arith.constant 16 : i32
      %shift_left3A_167 = vector.broadcast %shift_left3A_166 : i32 to vector<16xi32>
      %shift_left3A_168 = arith.shli %get3A_165, %shift_left3A_167 : vector<16xi32>
      %bitcast3A_169 = vector.bitcast %shift_left3A_168 : vector<16xi32> to vector<16xf32>
      %and3A_170 = arith.constant -65536 : i32
      %and3A_171 = vector.broadcast %and3A_170 : i32 to vector<16xi32>
      %and3A_172 = arith.andi %get3A_165, %and3A_171 : vector<16xi32>
      %bitcast3A_173 = vector.bitcast %and3A_172 : vector<16xi32> to vector<16xf32>
      %mul3A_174 = arith.mulf %bitcast3A_169, %gather3A : vector<16xf32>
      %swap3A_175 = arith.index_cast %add3A_127 : i32 to index
      %swap3A_176 = arith.constant 64 : index
      %swap3A_177 = tpu.vector_load %arg12[%swap3A_175, %swap3A_176] {strides = array<i32>} : memref<128x128xf32, #tpu.memory_space<vmem>>, vector<16xf32>,
      tpu.vector_store %arg12[%swap3A_175, %swap3A_176], %mul3A_174 {strides = array<i32>} : memref<128x128xf32, #tpu.memory_space<vmem>>, vector<16xf32>,
      %mul3A_178 = arith.mulf %bitcast3A_173, %gather3A : vector<16xf32>
      %swap3A_179 = arith.index_cast %add3A_127 : i32 to index
      %swap3A_180 = arith.constant 80 : index
      %swap3A_181 = tpu.vector_load %arg12[%swap3A_179, %swap3A_180] {strides = array<i32>} : memref<128x128xf32, #tpu.memory_space<vmem>>, vector<16xf32>,
      tpu.vector_store %arg12[%swap3A_179, %swap3A_180], %mul3A_178 {strides = array<i32>} : memref<128x128xf32, #tpu.memory_space<vmem>>, vector<16xf32>,
      %get3A_182 = arith.index_cast %add3A_127 : i32 to index
      %get3A_183 = arith.constant 48 : index
      %get3A_184 = tpu.vector_load %arg11[%get3A_182, %get3A_183] {strides = array<i32>} : memref<128x64xi32, #tpu.memory_space<vmem>>, vector<16xi32>,
      %shift_left3A_185 = arith.constant 16 : i32
      %shift_left3A_186 = vector.broadcast %shift_left3A_185 : i32 to vector<16xi32>
      %shift_left3A_187 = arith.shli %get3A_184, %shift_left3A_186 : vector<16xi32>
      %bitcast3A_188 = vector.bitcast %shift_left3A_187 : vector<16xi32> to vector<16xf32>
      %and3A_189 = arith.constant -65536 : i32
      %and3A_190 = vector.broadcast %and3A_189 : i32 to vector<16xi32>
      %and3A_191 = arith.andi %get3A_184, %and3A_190 : vector<16xi32>
      %bitcast3A_192 = vector.bitcast %and3A_191 : vector<16xi32> to vector<16xf32>
      %mul3A_193 = arith.mulf %bitcast3A_188, %gather3A : vector<16xf32>
      %swap3A_194 = arith.index_cast %add3A_127 : i32 to index
      %swap3A_195 = arith.constant 96 : index
      %swap3A_196 = tpu.vector_load %arg12[%swap3A_194, %swap3A_195] {strides = array<i32>} : memref<128x128xf32, #tpu.memory_space<vmem>>, vector<16xf32>,
      tpu.vector_store %arg12[%swap3A_194, %swap3A_195], %mul3A_193 {strides = array<i32>} : memref<128x128xf32, #tpu.memory_space<vmem>>, vector<16xf32>,
      %mul3A_197 = arith.mulf %bitcast3A_192, %gather3A : vector<16xf32>
      %swap3A_198 = arith.index_cast %add3A_127 : i32 to index
      %swap3A_199 = arith.constant 112 : index
      %swap3A_200 = tpu.vector_load %arg12[%swap3A_198, %swap3A_199] {strides = array<i32>} : memref<128x128xf32, #tpu.memory_space<vmem>>, vector<16xf32>,
      tpu.vector_store %arg12[%swap3A_198, %swap3A_199], %mul3A_197 {strides = array<i32>} : memref<128x128xf32, #tpu.memory_space<vmem>>, vector<16xf32>,
      %add3A_201 = arith.constant 1 : i32
      %add3A_202 = arith.addi %add3A_125, %add3A_201 : i32
      %broadcast_in_dim3A_203 = arith.constant 39 : i32
      %broadcast_in_dim3A_204 = vector.broadcast %broadcast_in_dim3A_203 : i32 to vector<16xi32>
      %broadcast_in_dim3A_205 = vector.broadcast %add3A_202 : i32 to vector<16xi32>
      %gather3A_206 = tpu.vector_load_idx %arg9[%broadcast_in_dim3A_204, %broadcast_in_dim3A_205] : memref<40x128xf32, #tpu.memory_space<vmem>>[vector<16xi32>, vector<16xi32>], vector<16xf32>,
      %get3A_207 = arith.index_cast %add3A_202 : i32 to index
      %get3A_208 = arith.constant 0 : index
      %get3A_209 = tpu.vector_load %arg11[%get3A_207, %get3A_208] {strides = array<i32>} : memref<128x64xi32, #tpu.memory_space<vmem>>, vector<16xi32>,
      %shift_left3A_210 = arith.constant 16 : i32
      %shift_left3A_211 = vector.broadcast %shift_left3A_210 : i32 to vector<16xi32>
      %shift_left3A_212 = arith.shli %get3A_209, %shift_left3A_211 : vector<16xi32>
      %bitcast3A_213 = vector.bitcast %shift_left3A_212 : vector<16xi32> to vector<16xf32>
      %and3A_214 = arith.constant -65536 : i32
      %and3A_215 = vector.broadcast %and3A_214 : i32 to vector<16xi32>
      %and3A_216 = arith.andi %get3A_209, %and3A_215 : vector<16xi32>
      %bitcast3A_217 = vector.bitcast %and3A_216 : vector<16xi32> to vector<16xf32>
      %mul3A_218 = arith.mulf %bitcast3A_213, %gather3A_206 : vector<16xf32>
      %swap3A_219 = arith.index_cast %add3A_202 : i32 to index
      %swap3A_220 = arith.constant 0 : index
      %swap3A_221 = tpu.vector_load %arg12[%swap3A_219, %swap3A_220] {strides = array<i32>} : memref<128x128xf32, #tpu.memory_space<vmem>>, vector<16xf32>,
      tpu.vector_store %arg12[%swap3A_219, %swap3A_220], %mul3A_218 {strides = array<i32>} : memref<128x128xf32, #tpu.memory_space<vmem>>, vector<16xf32>,
      %mul3A_222 = arith.mulf %bitcast3A_217, %gather3A_206 : vector<16xf32>
      %swap3A_223 = arith.index_cast %add3A_202 : i32 to index
      %swap3A_224 = arith.constant 16 : index
      %swap3A_225 = tpu.vector_load %arg12[%swap3A_223, %swap3A_224] {strides = array<i32>} : memref<128x128xf32, #tpu.memory_space<vmem>>, vector<16xf32>,
      tpu.vector_store %arg12[%swap3A_223, %swap3A_224], %mul3A_222 {strides = array<i32>} : memref<128x128xf32, #tpu.memory_space<vmem>>, vector<16xf32>,
      %get3A_226 = arith.index_cast %add3A_202 : i32 to index
      %get3A_227 = arith.constant 16 : index
      %get3A_228 = tpu.vector_load %arg11[%get3A_226, %get3A_227] {strides = array<i32>} : memref<128x64xi32, #tpu.memory_space<vmem>>, vector<16xi32>,
      %shift_left3A_229 = arith.constant 16 : i32
      %shift_left3A_230 = vector.broadcast %shift_left3A_229 : i32 to vector<16xi32>
      %shift_left3A_231 = arith.shli %get3A_228, %shift_left3A_230 : vector<16xi32>
      %bitcast3A_232 = vector.bitcast %shift_left3A_231 : vector<16xi32> to vector<16xf32>
      %and3A_233 = arith.constant -65536 : i32
      %and3A_234 = vector.broadcast %and3A_233 : i32 to vector<16xi32>
      %and3A_235 = arith.andi %get3A_228, %and3A_234 : vector<16xi32>
      %bitcast3A_236 = vector.bitcast %and3A_235 : vector<16xi32> to vector<16xf32>
      %mul3A_237 = arith.mulf %bitcast3A_232, %gather3A_206 : vector<16xf32>
      %swap3A_238 = arith.index_cast %add3A_202 : i32 to index
      %swap3A_239 = arith.constant 32 : index
      %swap3A_240 = tpu.vector_load %arg12[%swap3A_238, %swap3A_239] {strides = array<i32>} : memref<128x128xf32, #tpu.memory_space<vmem>>, vector<16xf32>,
      tpu.vector_store %arg12[%swap3A_238, %swap3A_239], %mul3A_237 {strides = array<i32>} : memref<128x128xf32, #tpu.memory_space<vmem>>, vector<16xf32>,
      %mul3A_241 = arith.mulf %bitcast3A_236, %gather3A_206 : vector<16xf32>
      %swap3A_242 = arith.index_cast %add3A_202 : i32 to index
      %swap3A_243 = arith.constant 48 : index
      %swap3A_244 = tpu.vector_load %arg12[%swap3A_242, %swap3A_243] {strides = array<i32>} : memref<128x128xf32, #tpu.memory_space<vmem>>, vector<16xf32>,
      tpu.vector_store %arg12[%swap3A_242, %swap3A_243], %mul3A_241 {strides = array<i32>} : memref<128x128xf32, #tpu.memory_space<vmem>>, vector<16xf32>,
      %get3A_245 = arith.index_cast %add3A_202 : i32 to index
      %get3A_246 = arith.constant 32 : index
      %get3A_247 = tpu.vector_load %arg11[%get3A_245, %get3A_246] {strides = array<i32>} : memref<128x64xi32, #tpu.memory_space<vmem>>, vector<16xi32>,
      %shift_left3A_248 = arith.constant 16 : i32
      %shift_left3A_249 = vector.broadcast %shift_left3A_248 : i32 to vector<16xi32>
      %shift_left3A_250 = arith.shli %get3A_247, %shift_left3A_249 : vector<16xi32>
      %bitcast3A_251 = vector.bitcast %shift_left3A_250 : vector<16xi32> to vector<16xf32>
      %and3A_252 = arith.constant -65536 : i32
      %and3A_253 = vector.broadcast %and3A_252 : i32 to vector<16xi32>
      %and3A_254 = arith.andi %get3A_247, %and3A_253 : vector<16xi32>
      %bitcast3A_255 = vector.bitcast %and3A_254 : vector<16xi32> to vector<16xf32>
      %mul3A_256 = arith.mulf %bitcast3A_251, %gather3A_206 : vector<16xf32>
      %swap3A_257 = arith.index_cast %add3A_202 : i32 to index
      %swap3A_258 = arith.constant 64 : index
      %swap3A_259 = tpu.vector_load %arg12[%swap3A_257, %swap3A_258] {strides = array<i32>} : memref<128x128xf32, #tpu.memory_space<vmem>>, vector<16xf32>,
      tpu.vector_store %arg12[%swap3A_257, %swap3A_258], %mul3A_256 {strides = array<i32>} : memref<128x128xf32, #tpu.memory_space<vmem>>, vector<16xf32>,
      %mul3A_260 = arith.mulf %bitcast3A_255, %gather3A_206 : vector<16xf32>
      %swap3A_261 = arith.index_cast %add3A_202 : i32 to index
      %swap3A_262 = arith.constant 80 : index
      %swap3A_263 = tpu.vector_load %arg12[%swap3A_261, %swap3A_262] {strides = array<i32>} : memref<128x128xf32, #tpu.memory_space<vmem>>, vector<16xf32>,
      tpu.vector_store %arg12[%swap3A_261, %swap3A_262], %mul3A_260 {strides = array<i32>} : memref<128x128xf32, #tpu.memory_space<vmem>>, vector<16xf32>,
      %get3A_264 = arith.index_cast %add3A_202 : i32 to index
      %get3A_265 = arith.constant 48 : index
      %get3A_266 = tpu.vector_load %arg11[%get3A_264, %get3A_265] {strides = array<i32>} : memref<128x64xi32, #tpu.memory_space<vmem>>, vector<16xi32>,
      %shift_left3A_267 = arith.constant 16 : i32
      %shift_left3A_268 = vector.broadcast %shift_left3A_267 : i32 to vector<16xi32>
      %shift_left3A_269 = arith.shli %get3A_266, %shift_left3A_268 : vector<16xi32>
      %bitcast3A_270 = vector.bitcast %shift_left3A_269 : vector<16xi32> to vector<16xf32>
      %and3A_271 = arith.constant -65536 : i32
      %and3A_272 = vector.broadcast %and3A_271 : i32 to vector<16xi32>
      %and3A_273 = arith.andi %get3A_266, %and3A_272 : vector<16xi32>
      %bitcast3A_274 = vector.bitcast %and3A_273 : vector<16xi32> to vector<16xf32>
      %mul3A_275 = arith.mulf %bitcast3A_270, %gather3A_206 : vector<16xf32>
      %swap3A_276 = arith.index_cast %add3A_202 : i32 to index
      %swap3A_277 = arith.constant 96 : index
      %swap3A_278 = tpu.vector_load %arg12[%swap3A_276, %swap3A_277] {strides = array<i32>} : memref<128x128xf32, #tpu.memory_space<vmem>>, vector<16xf32>,
      tpu.vector_store %arg12[%swap3A_276, %swap3A_277], %mul3A_275 {strides = array<i32>} : memref<128x128xf32, #tpu.memory_space<vmem>>, vector<16xf32>,
      %mul3A_279 = arith.mulf %bitcast3A_274, %gather3A_206 : vector<16xf32>
      %swap3A_280 = arith.index_cast %add3A_202 : i32 to index
      %swap3A_281 = arith.constant 112 : index
      %swap3A_282 = tpu.vector_load %arg12[%swap3A_280, %swap3A_281] {strides = array<i32>} : memref<128x128xf32, #tpu.memory_space<vmem>>, vector<16xf32>,
      tpu.vector_store %arg12[%swap3A_280, %swap3A_281], %mul3A_279 {strides = array<i32>} : memref<128x128xf32, #tpu.memory_space<vmem>>, vector<16xf32>,
      %add3A_283 = arith.constant 2 : i32
      %add3A_284 = arith.addi %add3A_125, %add3A_283 : i32
      %broadcast_in_dim3A_285 = arith.constant 39 : i32
      %broadcast_in_dim3A_286 = vector.broadcast %broadcast_in_dim3A_285 : i32 to vector<16xi32>
      %broadcast_in_dim3A_287 = vector.broadcast %add3A_284 : i32 to vector<16xi32>
      %gather3A_288 = tpu.vector_load_idx %arg9[%broadcast_in_dim3A_286, %broadcast_in_dim3A_287] : memref<40x128xf32, #tpu.memory_space<vmem>>[vector<16xi32>, vector<16xi32>], vector<16xf32>,
      %get3A_289 = arith.index_cast %add3A_284 : i32 to index
      %get3A_290 = arith.constant 0 : index
      %get3A_291 = tpu.vector_load %arg11[%get3A_289, %get3A_290] {strides = array<i32>} : memref<128x64xi32, #tpu.memory_space<vmem>>, vector<16xi32>,
      %shift_left3A_292 = arith.constant 16 : i32
      %shift_left3A_293 = vector.broadcast %shift_left3A_292 : i32 to vector<16xi32>
      %shift_left3A_294 = arith.shli %get3A_291, %shift_left3A_293 : vector<16xi32>
      %bitcast3A_295 = vector.bitcast %shift_left3A_294 : vector<16xi32> to vector<16xf32>
      %and3A_296 = arith.constant -65536 : i32
      %and3A_297 = vector.broadcast %and3A_296 : i32 to vector<16xi32>
      %and3A_298 = arith.andi %get3A_291, %and3A_297 : vector<16xi32>
      %bitcast3A_299 = vector.bitcast %and3A_298 : vector<16xi32> to vector<16xf32>
      %mul3A_300 = arith.mulf %bitcast3A_295, %gather3A_288 : vector<16xf32>
      %swap3A_301 = arith.index_cast %add3A_284 : i32 to index
      %swap3A_302 = arith.constant 0 : index
      %swap3A_303 = tpu.vector_load %arg12[%swap3A_301, %swap3A_302] {strides = array<i32>} : memref<128x128xf32, #tpu.memory_space<vmem>>, vector<16xf32>,
      tpu.vector_store %arg12[%swap3A_301, %swap3A_302], %mul3A_300 {strides = array<i32>} : memref<128x128xf32, #tpu.memory_space<vmem>>, vector<16xf32>,
      %mul3A_304 = arith.mulf %bitcast3A_299, %gather3A_288 : vector<16xf32>
      %swap3A_305 = arith.index_cast %add3A_284 : i32 to index
      %swap3A_306 = arith.constant 16 : index
      %swap3A_307 = tpu.vector_load %arg12[%swap3A_305, %swap3A_306] {strides = array<i32>} : memref<128x128xf32, #tpu.memory_space<vmem>>, vector<16xf32>,
      tpu.vector_store %arg12[%swap3A_305, %swap3A_306], %mul3A_304 {strides = array<i32>} : memref<128x128xf32, #tpu.memory_space<vmem>>, vector<16xf32>,
      %get3A_308 = arith.index_cast %add3A_284 : i32 to index
      %get3A_309 = arith.constant 16 : index
      %get3A_310 = tpu.vector_load %arg11[%get3A_308, %get3A_309] {strides = array<i32>} : memref<128x64xi32, #tpu.memory_space<vmem>>, vector<16xi32>,
      %shift_left3A_311 = arith.constant 16 : i32
      %shift_left3A_312 = vector.broadcast %shift_left3A_311 : i32 to vector<16xi32>
      %shift_left3A_313 = arith.shli %get3A_310, %shift_left3A_312 : vector<16xi32>
      %bitcast3A_314 = vector.bitcast %shift_left3A_313 : vector<16xi32> to vector<16xf32>
      %and3A_315 = arith.constant -65536 : i32
      %and3A_316 = vector.broadcast %and3A_315 : i32 to vector<16xi32>
      %and3A_317 = arith.andi %get3A_310, %and3A_316 : vector<16xi32>
      %bitcast3A_318 = vector.bitcast %and3A_317 : vector<16xi32> to vector<16xf32>
      %mul3A_319 = arith.mulf %bitcast3A_314, %gather3A_288 : vector<16xf32>
      %swap3A_320 = arith.index_cast %add3A_284 : i32 to index
      %swap3A_321 = arith.constant 32 : index
      %swap3A_322 = tpu.vector_load %arg12[%swap3A_320, %swap3A_321] {strides = array<i32>} : memref<128x128xf32, #tpu.memory_space<vmem>>, vector<16xf32>,
      tpu.vector_store %arg12[%swap3A_320, %swap3A_321], %mul3A_319 {strides = array<i32>} : memref<128x128xf32, #tpu.memory_space<vmem>>, vector<16xf32>,
      %mul3A_323 = arith.mulf %bitcast3A_318, %gather3A_288 : vector<16xf32>
      %swap3A_324 = arith.index_cast %add3A_284 : i32 to index
      %swap3A_325 = arith.constant 48 : index
      %swap3A_326 = tpu.vector_load %arg12[%swap3A_324, %swap3A_325] {strides = array<i32>} : memref<128x128xf32, #tpu.memory_space<vmem>>, vector<16xf32>,
      tpu.vector_store %arg12[%swap3A_324, %swap3A_325], %mul3A_323 {strides = array<i32>} : memref<128x128xf32, #tpu.memory_space<vmem>>, vector<16xf32>,
      %get3A_327 = arith.index_cast %add3A_284 : i32 to index
      %get3A_328 = arith.constant 32 : index
      %get3A_329 = tpu.vector_load %arg11[%get3A_327, %get3A_328] {strides = array<i32>} : memref<128x64xi32, #tpu.memory_space<vmem>>, vector<16xi32>,
      %shift_left3A_330 = arith.constant 16 : i32
      %shift_left3A_331 = vector.broadcast %shift_left3A_330 : i32 to vector<16xi32>
      %shift_left3A_332 = arith.shli %get3A_329, %shift_left3A_331 : vector<16xi32>
      %bitcast3A_333 = vector.bitcast %shift_left3A_332 : vector<16xi32> to vector<16xf32>
      %and3A_334 = arith.constant -65536 : i32
      %and3A_335 = vector.broadcast %and3A_334 : i32 to vector<16xi32>
      %and3A_336 = arith.andi %get3A_329, %and3A_335 : vector<16xi32>
      %bitcast3A_337 = vector.bitcast %and3A_336 : vector<16xi32> to vector<16xf32>
      %mul3A_338 = arith.mulf %bitcast3A_333, %gather3A_288 : vector<16xf32>
      %swap3A_339 = arith.index_cast %add3A_284 : i32 to index
      %swap3A_340 = arith.constant 64 : index
      %swap3A_341 = tpu.vector_load %arg12[%swap3A_339, %swap3A_340] {strides = array<i32>} : memref<128x128xf32, #tpu.memory_space<vmem>>, vector<16xf32>,
      tpu.vector_store %arg12[%swap3A_339, %swap3A_340], %mul3A_338 {strides = array<i32>} : memref<128x128xf32, #tpu.memory_space<vmem>>, vector<16xf32>,
      %mul3A_342 = arith.mulf %bitcast3A_337, %gather3A_288 : vector<16xf32>
      %swap3A_343 = arith.index_cast %add3A_284 : i32 to index
      %swap3A_344 = arith.constant 80 : index
      %swap3A_345 = tpu.vector_load %arg12[%swap3A_343, %swap3A_344] {strides = array<i32>} : memref<128x128xf32, #tpu.memory_space<vmem>>, vector<16xf32>,
      tpu.vector_store %arg12[%swap3A_343, %swap3A_344], %mul3A_342 {strides = array<i32>} : memref<128x128xf32, #tpu.memory_space<vmem>>, vector<16xf32>,
      %get3A_346 = arith.index_cast %add3A_284 : i32 to index
      %get3A_347 = arith.constant 48 : index
      %get3A_348 = tpu.vector_load %arg11[%get3A_346, %get3A_347] {strides = array<i32>} : memref<128x64xi32, #tpu.memory_space<vmem>>, vector<16xi32>,
      %shift_left3A_349 = arith.constant 16 : i32
      %shift_left3A_350 = vector.broadcast %shift_left3A_349 : i32 to vector<16xi32>
      %shift_left3A_351 = arith.shli %get3A_348, %shift_left3A_350 : vector<16xi32>
      %bitcast3A_352 = vector.bitcast %shift_left3A_351 : vector<16xi32> to vector<16xf32>
      %and3A_353 = arith.constant -65536 : i32
      %and3A_354 = vector.broadcast %and3A_353 : i32 to vector<16xi32>
      %and3A_355 = arith.andi %get3A_348, %and3A_354 : vector<16xi32>
      %bitcast3A_356 = vector.bitcast %and3A_355 : vector<16xi32> to vector<16xf32>
      %mul3A_357 = arith.mulf %bitcast3A_352, %gather3A_288 : vector<16xf32>
      %swap3A_358 = arith.index_cast %add3A_284 : i32 to index
      %swap3A_359 = arith.constant 96 : index
      %swap3A_360 = tpu.vector_load %arg12[%swap3A_358, %swap3A_359] {strides = array<i32>} : memref<128x128xf32, #tpu.memory_space<vmem>>, vector<16xf32>,
      tpu.vector_store %arg12[%swap3A_358, %swap3A_359], %mul3A_357 {strides = array<i32>} : memref<128x128xf32, #tpu.memory_space<vmem>>, vector<16xf32>,
      %mul3A_361 = arith.mulf %bitcast3A_356, %gather3A_288 : vector<16xf32>
      %swap3A_362 = arith.index_cast %add3A_284 : i32 to index
      %swap3A_363 = arith.constant 112 : index
      %swap3A_364 = tpu.vector_load %arg12[%swap3A_362, %swap3A_363] {strides = array<i32>} : memref<128x128xf32, #tpu.memory_space<vmem>>, vector<16xf32>,
      tpu.vector_store %arg12[%swap3A_362, %swap3A_363], %mul3A_361 {strides = array<i32>} : memref<128x128xf32, #tpu.memory_space<vmem>>, vector<16xf32>,
      %add3A_365 = arith.constant 3 : i32
      %add3A_366 = arith.addi %add3A_125, %add3A_365 : i32
      %broadcast_in_dim3A_367 = arith.constant 39 : i32
      %broadcast_in_dim3A_368 = vector.broadcast %broadcast_in_dim3A_367 : i32 to vector<16xi32>
      %broadcast_in_dim3A_369 = vector.broadcast %add3A_366 : i32 to vector<16xi32>
      %gather3A_370 = tpu.vector_load_idx %arg9[%broadcast_in_dim3A_368, %broadcast_in_dim3A_369] : memref<40x128xf32, #tpu.memory_space<vmem>>[vector<16xi32>, vector<16xi32>], vector<16xf32>,
      %get3A_371 = arith.index_cast %add3A_366 : i32 to index
      %get3A_372 = arith.constant 0 : index
      %get3A_373 = tpu.vector_load %arg11[%get3A_371, %get3A_372] {strides = array<i32>} : memref<128x64xi32, #tpu.memory_space<vmem>>, vector<16xi32>,
      %shift_left3A_374 = arith.constant 16 : i32
      %shift_left3A_375 = vector.broadcast %shift_left3A_374 : i32 to vector<16xi32>
      %shift_left3A_376 = arith.shli %get3A_373, %shift_left3A_375 : vector<16xi32>
      %bitcast3A_377 = vector.bitcast %shift_left3A_376 : vector<16xi32> to vector<16xf32>
      %and3A_378 = arith.constant -65536 : i32
      %and3A_379 = vector.broadcast %and3A_378 : i32 to vector<16xi32>
      %and3A_380 = arith.andi %get3A_373, %and3A_379 : vector<16xi32>
      %bitcast3A_381 = vector.bitcast %and3A_380 : vector<16xi32> to vector<16xf32>
      %mul3A_382 = arith.mulf %bitcast3A_377, %gather3A_370 : vector<16xf32>
      %swap3A_383 = arith.index_cast %add3A_366 : i32 to index
      %swap3A_384 = arith.constant 0 : index
      %swap3A_385 = tpu.vector_load %arg12[%swap3A_383, %swap3A_384] {strides = array<i32>} : memref<128x128xf32, #tpu.memory_space<vmem>>, vector<16xf32>,
      tpu.vector_store %arg12[%swap3A_383, %swap3A_384], %mul3A_382 {strides = array<i32>} : memref<128x128xf32, #tpu.memory_space<vmem>>, vector<16xf32>,
      %mul3A_386 = arith.mulf %bitcast3A_381, %gather3A_370 : vector<16xf32>
      %swap3A_387 = arith.index_cast %add3A_366 : i32 to index
      %swap3A_388 = arith.constant 16 : index
      %swap3A_389 = tpu.vector_load %arg12[%swap3A_387, %swap3A_388] {strides = array<i32>} : memref<128x128xf32, #tpu.memory_space<vmem>>, vector<16xf32>,
      tpu.vector_store %arg12[%swap3A_387, %swap3A_388], %mul3A_386 {strides = array<i32>} : memref<128x128xf32, #tpu.memory_space<vmem>>, vector<16xf32>,
      %get3A_390 = arith.index_cast %add3A_366 : i32 to index
      %get3A_391 = arith.constant 16 : index
      %get3A_392 = tpu.vector_load %arg11[%get3A_390, %get3A_391] {strides = array<i32>} : memref<128x64xi32, #tpu.memory_space<vmem>>, vector<16xi32>,
      %shift_left3A_393 = arith.constant 16 : i32
      %shift_left3A_394 = vector.broadcast %shift_left3A_393 : i32 to vector<16xi32>
      %shift_left3A_395 = arith.shli %get3A_392, %shift_left3A_394 : vector<16xi32>
      %bitcast3A_396 = vector.bitcast %shift_left3A_395 : vector<16xi32> to vector<16xf32>
      %and3A_397 = arith.constant -65536 : i32
      %and3A_398 = vector.broadcast %and3A_397 : i32 to vector<16xi32>
      %and3A_399 = arith.andi %get3A_392, %and3A_398 : vector<16xi32>
      %bitcast3A_400 = vector.bitcast %and3A_399 : vector<16xi32> to vector<16xf32>
      %mul3A_401 = arith.mulf %bitcast3A_396, %gather3A_370 : vector<16xf32>
      %swap3A_402 = arith.index_cast %add3A_366 : i32 to index
      %swap3A_403 = arith.constant 32 : index
      %swap3A_404 = tpu.vector_load %arg12[%swap3A_402, %swap3A_403] {strides = array<i32>} : memref<128x128xf32, #tpu.memory_space<vmem>>, vector<16xf32>,
      tpu.vector_store %arg12[%swap3A_402, %swap3A_403], %mul3A_401 {strides = array<i32>} : memref<128x128xf32, #tpu.memory_space<vmem>>, vector<16xf32>,
      %mul3A_405 = arith.mulf %bitcast3A_400, %gather3A_370 : vector<16xf32>
      %swap3A_406 = arith.index_cast %add3A_366 : i32 to index
      %swap3A_407 = arith.constant 48 : index
      %swap3A_408 = tpu.vector_load %arg12[%swap3A_406, %swap3A_407] {strides = array<i32>} : memref<128x128xf32, #tpu.memory_space<vmem>>, vector<16xf32>,
      tpu.vector_store %arg12[%swap3A_406, %swap3A_407], %mul3A_405 {strides = array<i32>} : memref<128x128xf32, #tpu.memory_space<vmem>>, vector<16xf32>,
      %get3A_409 = arith.index_cast %add3A_366 : i32 to index
      %get3A_410 = arith.constant 32 : index
      %get3A_411 = tpu.vector_load %arg11[%get3A_409, %get3A_410] {strides = array<i32>} : memref<128x64xi32, #tpu.memory_space<vmem>>, vector<16xi32>,
      %shift_left3A_412 = arith.constant 16 : i32
      %shift_left3A_413 = vector.broadcast %shift_left3A_412 : i32 to vector<16xi32>
      %shift_left3A_414 = arith.shli %get3A_411, %shift_left3A_413 : vector<16xi32>
      %bitcast3A_415 = vector.bitcast %shift_left3A_414 : vector<16xi32> to vector<16xf32>
      %and3A_416 = arith.constant -65536 : i32
      %and3A_417 = vector.broadcast %and3A_416 : i32 to vector<16xi32>
      %and3A_418 = arith.andi %get3A_411, %and3A_417 : vector<16xi32>
      %bitcast3A_419 = vector.bitcast %and3A_418 : vector<16xi32> to vector<16xf32>
      %mul3A_420 = arith.mulf %bitcast3A_415, %gather3A_370 : vector<16xf32>
      %swap3A_421 = arith.index_cast %add3A_366 : i32 to index
      %swap3A_422 = arith.constant 64 : index
      %swap3A_423 = tpu.vector_load %arg12[%swap3A_421, %swap3A_422] {strides = array<i32>} : memref<128x128xf32, #tpu.memory_space<vmem>>, vector<16xf32>,
      tpu.vector_store %arg12[%swap3A_421, %swap3A_422], %mul3A_420 {strides = array<i32>} : memref<128x128xf32, #tpu.memory_space<vmem>>, vector<16xf32>,
      %mul3A_424 = arith.mulf %bitcast3A_419, %gather3A_370 : vector<16xf32>
      %swap3A_425 = arith.index_cast %add3A_366 : i32 to index
      %swap3A_426 = arith.constant 80 : index
      %swap3A_427 = tpu.vector_load %arg12[%swap3A_425, %swap3A_426] {strides = array<i32>} : memref<128x128xf32, #tpu.memory_space<vmem>>, vector<16xf32>,
      tpu.vector_store %arg12[%swap3A_425, %swap3A_426], %mul3A_424 {strides = array<i32>} : memref<128x128xf32, #tpu.memory_space<vmem>>, vector<16xf32>,
      %get3A_428 = arith.index_cast %add3A_366 : i32 to index
      %get3A_429 = arith.constant 48 : index
      %get3A_430 = tpu.vector_load %arg11[%get3A_428, %get3A_429] {strides = array<i32>} : memref<128x64xi32, #tpu.memory_space<vmem>>, vector<16xi32>,
      %shift_left3A_431 = arith.constant 16 : i32
      %shift_left3A_432 = vector.broadcast %shift_left3A_431 : i32 to vector<16xi32>
      %shift_left3A_433 = arith.shli %get3A_430, %shift_left3A_432 : vector<16xi32>
      %bitcast3A_434 = vector.bitcast %shift_left3A_433 : vector<16xi32> to vector<16xf32>
      %and3A_435 = arith.constant -65536 : i32
      %and3A_436 = vector.broadcast %and3A_435 : i32 to vector<16xi32>
      %and3A_437 = arith.andi %get3A_430, %and3A_436 : vector<16xi32>
      %bitcast3A_438 = vector.bitcast %and3A_437 : vector<16xi32> to vector<16xf32>
      %mul3A_439 = arith.mulf %bitcast3A_434, %gather3A_370 : vector<16xf32>
      %swap3A_440 = arith.index_cast %add3A_366 : i32 to index
      %swap3A_441 = arith.constant 96 : index
      %swap3A_442 = tpu.vector_load %arg12[%swap3A_440, %swap3A_441] {strides = array<i32>} : memref<128x128xf32, #tpu.memory_space<vmem>>, vector<16xf32>,
      tpu.vector_store %arg12[%swap3A_440, %swap3A_441], %mul3A_439 {strides = array<i32>} : memref<128x128xf32, #tpu.memory_space<vmem>>, vector<16xf32>,
      %mul3A_443 = arith.mulf %bitcast3A_438, %gather3A_370 : vector<16xf32>
      %swap3A_444 = arith.index_cast %add3A_366 : i32 to index
      %swap3A_445 = arith.constant 112 : index
      %swap3A_446 = tpu.vector_load %arg12[%swap3A_444, %swap3A_445] {strides = array<i32>} : memref<128x128xf32, #tpu.memory_space<vmem>>, vector<16xf32>,
      tpu.vector_store %arg12[%swap3A_444, %swap3A_445], %mul3A_443 {strides = array<i32>} : memref<128x128xf32, #tpu.memory_space<vmem>>, vector<16xf32>,
    }
    %scan3A_66 = arith.constant 32 : i32
    %run_scoped3A_67 = arith.constant 39 : i32
    "tpu.region"() ({
      %run_scoped3A_121 = tpu.sem_alloc : memref<!tpu.dma_semaphore, #tpu.memory_space<semaphore_mem>>
      %dma_start3A_122 = arith.constant 0 : i32
      %dma_start3A_123 = tpu.memref_slice %arg8[%run_scoped3A_67, %dma_start3A_122] : memref<40x128xi32, #tpu.memory_space<vmem>> -> memref<1x128xi32, #tpu.memory_space<vmem>>
      %dma_start3A_124 = tpu.memref_squeeze %dma_start3A_123 : memref<1x128xi32, #tpu.memory_space<vmem>> -> memref<128xi32, #tpu.memory_space<vmem>>
      %dma_start3A_125 = arith.constant 0 : i32
      %dma_start3A_126 = arith.constant 0 : i32
      %dma_start3A_127 = tpu.memref_slice %arg15[%dma_start3A_125, %dma_start3A_126] : memref<10000x128xf32, #tpu.memory_space<vmem_shared>> -> memref<10000x128xf32, #tpu.memory_space<vmem_shared>>
      tpu.enqueue_indirect_dma source(%arg12 : memref<128x128xf32, #tpu.memory_space<vmem>>) target(%dma_start3A_127 : memref<10000x128xf32, #tpu.memory_space<vmem_shared>>) offsets(%dma_start3A_124 : memref<128xi32, #tpu.memory_space<vmem>>) semaphore(%run_scoped3A_121 : memref<!tpu.dma_semaphore, #tpu.memory_space<semaphore_mem>>) {add = true}
      %dma_wait3A_128 = arith.constant 0 : i32
      %dma_wait3A_129 = tpu.memref_slice %arg8[%run_scoped3A_67, %dma_wait3A_128] : memref<40x128xi32, #tpu.memory_space<vmem>> -> memref<1x128xi32, #tpu.memory_space<vmem>>
      %dma_wait3A_130 = tpu.memref_squeeze %dma_wait3A_129 : memref<1x128xi32, #tpu.memory_space<vmem>> -> memref<128xi32, #tpu.memory_space<vmem>>
      %dma_wait3A_131 = arith.constant 0 : i32
      %dma_wait3A_132 = arith.constant 0 : i32
      %dma_wait3A_133 = tpu.memref_slice %arg15[%dma_wait3A_131, %dma_wait3A_132] : memref<10000x128xf32, #tpu.memory_space<vmem_shared>> -> memref<10000x128xf32, #tpu.memory_space<vmem_shared>>
      tpu.wait_indirect_dma semaphore(%run_scoped3A_121 : memref<!tpu.dma_semaphore, #tpu.memory_space<semaphore_mem>>) src(%arg12 : memref<128x128xf32, #tpu.memory_space<vmem>>) dst(%dma_wait3A_133 : memref<10000x128xf32, #tpu.memory_space<vmem_shared>>)
      tpu.yield
    }) : () -> ()
    "tpu.region"() ({
      %run_scoped3A_121 = tpu.sem_alloc : memref<!tpu.dma_semaphore, #tpu.memory_space<semaphore_mem>>
      %dma_start3A_122 = arith.constant 40 : i32
      %dma_start3A_123 = arith.constant 0 : i32
      %dma_start3A_124 = tpu.memref_slice %arg3[%add3A, %dma_start3A_122, %dma_start3A_123] : memref<32x80x128xi32, #tpu.memory_space<hbm>> -> memref<1x40x128xi32, #tpu.memory_space<hbm>>
      %dma_start3A_125 = tpu.memref_squeeze %dma_start3A_124 : memref<1x40x128xi32, #tpu.memory_space<hbm>> -> memref<40x128xi32, #tpu.memory_space<hbm>>
      %dma_start3A_126 = arith.constant 40 : i32
      %dma_start3A_127 = arith.constant 0 : i32
      %dma_start3A_128 = tpu.memref_slice %arg3[%add3A, %dma_start3A_126, %dma_start3A_127] : memref<32x80x128xi32, #tpu.memory_space<hbm>> -> memref<1x40x128xi32, #tpu.memory_space<hbm>>
      %dma_start3A_129 = tpu.memref_squeeze %dma_start3A_128 : memref<1x40x128xi32, #tpu.memory_space<hbm>> -> memref<40x128xi32, #tpu.memory_space<hbm>>
      tpu.enqueue_dma source(%dma_start3A_129 : memref<40x128xi32, #tpu.memory_space<hbm>>) target(%arg7 : memref<40x128xi32, #tpu.memory_space<vmem>>) target_semaphore(%run_scoped3A_121 : memref<!tpu.dma_semaphore, #tpu.memory_space<semaphore_mem>>)
      %dma_wait3A_130 = arith.constant 40 : i32
      %dma_wait3A_131 = arith.constant 0 : i32
      %dma_wait3A_132 = tpu.memref_slice %arg3[%add3A, %dma_wait3A_130, %dma_wait3A_131] : memref<32x80x128xi32, #tpu.memory_space<hbm>> -> memref<1x40x128xi32, #tpu.memory_space<hbm>>
      %dma_wait3A_133 = tpu.memref_squeeze %dma_wait3A_132 : memref<1x40x128xi32, #tpu.memory_space<hbm>> -> memref<40x128xi32, #tpu.memory_space<hbm>>
      %dma_wait3A_134 = arith.constant 40 : i32
      %dma_wait3A_135 = arith.constant 0 : i32
      %dma_wait3A_136 = tpu.memref_slice %arg3[%add3A, %dma_wait3A_134, %dma_wait3A_135] : memref<32x80x128xi32, #tpu.memory_space<hbm>> -> memref<1x40x128xi32, #tpu.memory_space<hbm>>
      %dma_wait3A_137 = tpu.memref_squeeze %dma_wait3A_136 : memref<1x40x128xi32, #tpu.memory_space<hbm>> -> memref<40x128xi32, #tpu.memory_space<hbm>>
      tpu.wait_dma2 semaphore(%run_scoped3A_121 : memref<!tpu.dma_semaphore, #tpu.memory_space<semaphore_mem>>) src(%dma_wait3A_137 : memref<40x128xi32, #tpu.memory_space<hbm>>) dst(%arg7 : memref<40x128xi32, #tpu.memory_space<vmem>>)
      tpu.yield
    }) : () -> ()
    "tpu.region"() ({
      %run_scoped3A_121 = tpu.sem_alloc : memref<!tpu.dma_semaphore, #tpu.memory_space<semaphore_mem>>
      %dma_start3A_122 = arith.constant 40 : i32
      %dma_start3A_123 = arith.constant 0 : i32
      %dma_start3A_124 = tpu.memref_slice %arg4[%add3A, %dma_start3A_122, %dma_start3A_123] : memref<32x80x128xi32, #tpu.memory_space<hbm>> -> memref<1x40x128xi32, #tpu.memory_space<hbm>>
      %dma_start3A_125 = tpu.memref_squeeze %dma_start3A_124 : memref<1x40x128xi32, #tpu.memory_space<hbm>> -> memref<40x128xi32, #tpu.memory_space<hbm>>
      %dma_start3A_126 = arith.constant 40 : i32
      %dma_start3A_127 = arith.constant 0 : i32
      %dma_start3A_128 = tpu.memref_slice %arg4[%add3A, %dma_start3A_126, %dma_start3A_127] : memref<32x80x128xi32, #tpu.memory_space<hbm>> -> memref<1x40x128xi32, #tpu.memory_space<hbm>>
      %dma_start3A_129 = tpu.memref_squeeze %dma_start3A_128 : memref<1x40x128xi32, #tpu.memory_space<hbm>> -> memref<40x128xi32, #tpu.memory_space<hbm>>
      tpu.enqueue_dma source(%dma_start3A_129 : memref<40x128xi32, #tpu.memory_space<hbm>>) target(%arg8 : memref<40x128xi32, #tpu.memory_space<vmem>>) target_semaphore(%run_scoped3A_121 : memref<!tpu.dma_semaphore, #tpu.memory_space<semaphore_mem>>)
      %dma_wait3A_130 = arith.constant 40 : i32
      %dma_wait3A_131 = arith.constant 0 : i32
      %dma_wait3A_132 = tpu.memref_slice %arg4[%add3A, %dma_wait3A_130, %dma_wait3A_131] : memref<32x80x128xi32, #tpu.memory_space<hbm>> -> memref<1x40x128xi32, #tpu.memory_space<hbm>>
      %dma_wait3A_133 = tpu.memref_squeeze %dma_wait3A_132 : memref<1x40x128xi32, #tpu.memory_space<hbm>> -> memref<40x128xi32, #tpu.memory_space<hbm>>
      %dma_wait3A_134 = arith.constant 40 : i32
      %dma_wait3A_135 = arith.constant 0 : i32
      %dma_wait3A_136 = tpu.memref_slice %arg4[%add3A, %dma_wait3A_134, %dma_wait3A_135] : memref<32x80x128xi32, #tpu.memory_space<hbm>> -> memref<1x40x128xi32, #tpu.memory_space<hbm>>
      %dma_wait3A_137 = tpu.memref_squeeze %dma_wait3A_136 : memref<1x40x128xi32, #tpu.memory_space<hbm>> -> memref<40x128xi32, #tpu.memory_space<hbm>>
      tpu.wait_dma2 semaphore(%run_scoped3A_121 : memref<!tpu.dma_semaphore, #tpu.memory_space<semaphore_mem>>) src(%dma_wait3A_137 : memref<40x128xi32, #tpu.memory_space<hbm>>) dst(%arg8 : memref<40x128xi32, #tpu.memory_space<vmem>>)
      tpu.yield
    }) : () -> ()
    "tpu.region"() ({
      %run_scoped3A_121 = tpu.sem_alloc : memref<!tpu.dma_semaphore, #tpu.memory_space<semaphore_mem>>
      %dma_start3A_122 = arith.constant 40 : i32
      %dma_start3A_123 = arith.constant 0 : i32
      %dma_start3A_124 = tpu.memref_slice %arg5[%add3A, %dma_start3A_122, %dma_start3A_123] : memref<32x80x128xf32, #tpu.memory_space<hbm>> -> memref<1x40x128xf32, #tpu.memory_space<hbm>>
      %dma_start3A_125 = tpu.memref_squeeze %dma_start3A_124 : memref<1x40x128xf32, #tpu.memory_space<hbm>> -> memref<40x128xf32, #tpu.memory_space<hbm>>
      %dma_start3A_126 = arith.constant 40 : i32
      %dma_start3A_127 = arith.constant 0 : i32
      %dma_start3A_128 = tpu.memref_slice %arg5[%add3A, %dma_start3A_126, %dma_start3A_127] : memref<32x80x128xf32, #tpu.memory_space<hbm>> -> memref<1x40x128xf32, #tpu.memory_space<hbm>>
      %dma_start3A_129 = tpu.memref_squeeze %dma_start3A_128 : memref<1x40x128xf32, #tpu.memory_space<hbm>> -> memref<40x128xf32, #tpu.memory_space<hbm>>
      tpu.enqueue_dma source(%dma_start3A_129 : memref<40x128xf32, #tpu.memory_space<hbm>>) target(%arg9 : memref<40x128xf32, #tpu.memory_space<vmem>>) target_semaphore(%run_scoped3A_121 : memref<!tpu.dma_semaphore, #tpu.memory_space<semaphore_mem>>)
      %dma_wait3A_130 = arith.constant 40 : i32
      %dma_wait3A_131 = arith.constant 0 : i32
      %dma_wait3A_132 = tpu.memref_slice %arg5[%add3A, %dma_wait3A_130, %dma_wait3A_131] : memref<32x80x128xf32, #tpu.memory_space<hbm>> -> memref<1x40x128xf32, #tpu.memory_space<hbm>>
      %dma_wait3A_133 = tpu.memref_squeeze %dma_wait3A_132 : memref<1x40x128xf32, #tpu.memory_space<hbm>> -> memref<40x128xf32, #tpu.memory_space<hbm>>
      %dma_wait3A_134 = arith.constant 40 : i32
      %dma_wait3A_135 = arith.constant 0 : i32
      %dma_wait3A_136 = tpu.memref_slice %arg5[%add3A, %dma_wait3A_134, %dma_wait3A_135] : memref<32x80x128xf32, #tpu.memory_space<hbm>> -> memref<1x40x128xf32, #tpu.memory_space<hbm>>
      %dma_wait3A_137 = tpu.memref_squeeze %dma_wait3A_136 : memref<1x40x128xf32, #tpu.memory_space<hbm>> -> memref<40x128xf32, #tpu.memory_space<hbm>>
      tpu.wait_dma2 semaphore(%run_scoped3A_121 : memref<!tpu.dma_semaphore, #tpu.memory_space<semaphore_mem>>) src(%dma_wait3A_137 : memref<40x128xf32, #tpu.memory_space<hbm>>) dst(%arg9 : memref<40x128xf32, #tpu.memory_space<vmem>>)
      tpu.yield
    }) : () -> ()
    %dma_start3A_68 = arith.constant 0 : i32
    %dma_start3A_69 = arith.constant 0 : i32
    %dma_start3A_70 = tpu.memref_slice %arg7[%dma_start3A_68, %dma_start3A_69] : memref<40x128xi32, #tpu.memory_space<vmem>> -> memref<1x128xi32, #tpu.memory_space<vmem>>
    %dma_start3A_71 = tpu.memref_squeeze %dma_start3A_70 : memref<1x128xi32, #tpu.memory_space<vmem>> -> memref<128xi32, #tpu.memory_space<vmem>>
    %dma_start3A_72 = arith.constant 0 : i32
    %dma_start3A_73 = arith.constant 0 : i32
    %dma_start3A_74 = tpu.memref_slice %arg2[%dma_start3A_72, %dma_start3A_73] : memref<80000x64xi32, #tpu.memory_space<hbm>> -> memref<80000x64xi32, #tpu.memory_space<hbm>>
    tpu.enqueue_indirect_dma source(%dma_start3A_74 : memref<80000x64xi32, #tpu.memory_space<hbm>>) target(%arg10 : memref<128x64xi32, #tpu.memory_space<vmem>>) offsets(%dma_start3A_71 : memref<128xi32, #tpu.memory_space<vmem>>) semaphore(%arg13 : memref<!tpu.dma_semaphore, #tpu.memory_space<semaphore_mem>>)
    %scan3A_75 = arith.constant 0 : i32
    %scan3A_76 = arith.constant 19 : i32
    %scan3A_77 = arith.addi %scan3A_75, %scan3A_76 : i32
    %scan3A_78 = arith.constant 1 : i32
    scf.for %scan3A_121 = %scan3A_75 to %scan3A_77 step %scan3A_78  : i32 {
      %mul3A_122 = arith.constant 2 : i32
      %mul3A_123 = arith.muli %scan3A_121, %mul3A_122 : i32
      %add3A_124 = arith.constant 0 : i32
      %add3A_125 = arith.addi %add3A_124, %mul3A_123 : i32
      %dma_wait3A_126 = arith.constant 0 : i32
      %dma_wait3A_127 = arith.constant 0 : i32
      %dma_wait3A_128 = tpu.memref_slice %arg2[%dma_wait3A_126, %dma_wait3A_127] : memref<80000x64xi32, #tpu.memory_space<hbm>> -> memref<128x64xi32, #tpu.memory_space<hbm>>
      %dma_wait3A_129 = arith.constant 0 : i32
      %dma_wait3A_130 = arith.constant 0 : i32
      %dma_wait3A_131 = tpu.memref_slice %arg2[%dma_wait3A_129, %dma_wait3A_130] : memref<80000x64xi32, #tpu.memory_space<hbm>> -> memref<128x64xi32, #tpu.memory_space<hbm>>
      tpu.wait_dma2 semaphore(%arg13 : memref<!tpu.dma_semaphore, #tpu.memory_space<semaphore_mem>>) src(%dma_wait3A_131 : memref<128x64xi32, #tpu.memory_space<hbm>>) dst(%arg10 : memref<128x64xi32, #tpu.memory_space<vmem>>)
      %add3A_132 = arith.constant 1 : i32
      %add3A_133 = arith.addi %add3A_125, %add3A_132 : i32
      %dma_start3A_134 = arith.constant 0 : i32
      %dma_start3A_135 = tpu.memref_slice %arg7[%add3A_133, %dma_start3A_134] : memref<40x128xi32, #tpu.memory_space<vmem>> -> memref<1x128xi32, #tpu.memory_space<vmem>>
      %dma_start3A_136 = tpu.memref_squeeze %dma_start3A_135 : memref<1x128xi32, #tpu.memory_space<vmem>> -> memref<128xi32, #tpu.memory_space<vmem>>
      %dma_start3A_137 = arith.constant 0 : i32
      %dma_start3A_138 = arith.constant 0 : i32
      %dma_start3A_139 = tpu.memref_slice %arg2[%dma_start3A_137, %dma_start3A_138] : memref<80000x64xi32, #tpu.memory_space<hbm>> -> memref<80000x64xi32, #tpu.memory_space<hbm>>
      tpu.enqueue_indirect_dma source(%dma_start3A_139 : memref<80000x64xi32, #tpu.memory_space<hbm>>) target(%arg11 : memref<128x64xi32, #tpu.memory_space<vmem>>) offsets(%dma_start3A_136 : memref<128xi32, #tpu.memory_space<vmem>>) semaphore(%arg14 : memref<!tpu.dma_semaphore, #tpu.memory_space<semaphore_mem>>)
      %scan3A_140 = arith.constant 0 : i32
      %scan3A_141 = arith.constant 32 : i32
      %scan3A_142 = arith.addi %scan3A_140, %scan3A_141 : i32
      %scan3A_143 = arith.constant 1 : i32
      scf.for %scan3A_166 = %scan3A_140 to %scan3A_142 step %scan3A_143  : i32 {
        %mul3A_167 = arith.constant 4 : i32
        %mul3A_168 = arith.muli %scan3A_166, %mul3A_167 : i32
        %add3A_169 = arith.constant 0 : i32
        %add3A_170 = arith.addi %add3A_169, %mul3A_168 : i32
        %add3A_171 = arith.constant 0 : i32
        %add3A_172 = arith.addi %add3A_170, %add3A_171 : i32
        %broadcast_in_dim3A = vector.broadcast %add3A_125 : i32 to vector<16xi32>
        %broadcast_in_dim3A_173 = vector.broadcast %add3A_172 : i32 to vector<16xi32>
        %gather3A = tpu.vector_load_idx %arg9[%broadcast_in_dim3A, %broadcast_in_dim3A_173] : memref<40x128xf32, #tpu.memory_space<vmem>>[vector<16xi32>, vector<16xi32>], vector<16xf32>,
        %get3A = arith.index_cast %add3A_172 : i32 to index
        %get3A_174 = arith.constant 0 : index
        %get3A_175 = tpu.vector_load %arg10[%get3A, %get3A_174] {strides = array<i32>} : memref<128x64xi32, #tpu.memory_space<vmem>>, vector<16xi32>,
        %shift_left3A = arith.constant 16 : i32
        %shift_left3A_176 = vector.broadcast %shift_left3A : i32 to vector<16xi32>
        %shift_left3A_177 = arith.shli %get3A_175, %shift_left3A_176 : vector<16xi32>
        %bitcast3A = vector.bitcast %shift_left3A_177 : vector<16xi32> to vector<16xf32>
        %and3A = arith.constant -65536 : i32
        %and3A_178 = vector.broadcast %and3A : i32 to vector<16xi32>
        %and3A_179 = arith.andi %get3A_175, %and3A_178 : vector<16xi32>
        %bitcast3A_180 = vector.bitcast %and3A_179 : vector<16xi32> to vector<16xf32>
        %mul3A_181 = arith.mulf %bitcast3A, %gather3A : vector<16xf32>
        %swap3A = arith.index_cast %add3A_172 : i32 to index
        %swap3A_182 = arith.constant 0 : index
        %swap3A_183 = tpu.vector_load %arg12[%swap3A, %swap3A_182] {strides = array<i32>} : memref<128x128xf32, #tpu.memory_space<vmem>>, vector<16xf32>,
        tpu.vector_store %arg12[%swap3A, %swap3A_182], %mul3A_181 {strides = array<i32>} : memref<128x128xf32, #tpu.memory_space<vmem>>, vector<16xf32>,
        %mul3A_184 = arith.mulf %bitcast3A_180, %gather3A : vector<16xf32>
        %swap3A_185 = arith.index_cast %add3A_172 : i32 to index
        %swap3A_186 = arith.constant 16 : index
        %swap3A_187 = tpu.vector_load %arg12[%swap3A_185, %swap3A_186] {strides = array<i32>} : memref<128x128xf32, #tpu.memory_space<vmem>>, vector<16xf32>,
        tpu.vector_store %arg12[%swap3A_185, %swap3A_186], %mul3A_184 {strides = array<i32>} : memref<128x128xf32, #tpu.memory_space<vmem>>, vector<16xf32>,
        %get3A_188 = arith.index_cast %add3A_172 : i32 to index
        %get3A_189 = arith.constant 16 : index
        %get3A_190 = tpu.vector_load %arg10[%get3A_188, %get3A_189] {strides = array<i32>} : memref<128x64xi32, #tpu.memory_space<vmem>>, vector<16xi32>,
        %shift_left3A_191 = arith.constant 16 : i32
        %shift_left3A_192 = vector.broadcast %shift_left3A_191 : i32 to vector<16xi32>
        %shift_left3A_193 = arith.shli %get3A_190, %shift_left3A_192 : vector<16xi32>
        %bitcast3A_194 = vector.bitcast %shift_left3A_193 : vector<16xi32> to vector<16xf32>
        %and3A_195 = arith.constant -65536 : i32
        %and3A_196 = vector.broadcast %and3A_195 : i32 to vector<16xi32>
        %and3A_197 = arith.andi %get3A_190, %and3A_196 : vector<16xi32>
        %bitcast3A_198 = vector.bitcast %and3A_197 : vector<16xi32> to vector<16xf32>
        %mul3A_199 = arith.mulf %bitcast3A_194, %gather3A : vector<16xf32>
        %swap3A_200 = arith.index_cast %add3A_172 : i32 to index
        %swap3A_201 = arith.constant 32 : index
        %swap3A_202 = tpu.vector_load %arg12[%swap3A_200, %swap3A_201] {strides = array<i32>} : memref<128x128xf32, #tpu.memory_space<vmem>>, vector<16xf32>,
        tpu.vector_store %arg12[%swap3A_200, %swap3A_201], %mul3A_199 {strides = array<i32>} : memref<128x128xf32, #tpu.memory_space<vmem>>, vector<16xf32>,
        %mul3A_203 = arith.mulf %bitcast3A_198, %gather3A : vector<16xf32>
        %swap3A_204 = arith.index_cast %add3A_172 : i32 to index
        %swap3A_205 = arith.constant 48 : index
        %swap3A_206 = tpu.vector_load %arg12[%swap3A_204, %swap3A_205] {strides = array<i32>} : memref<128x128xf32, #tpu.memory_space<vmem>>, vector<16xf32>,
        tpu.vector_store %arg12[%swap3A_204, %swap3A_205], %mul3A_203 {strides = array<i32>} : memref<128x128xf32, #tpu.memory_space<vmem>>, vector<16xf32>,
        %get3A_207 = arith.index_cast %add3A_172 : i32 to index
        %get3A_208 = arith.constant 32 : index
        %get3A_209 = tpu.vector_load %arg10[%get3A_207, %get3A_208] {strides = array<i32>} : memref<128x64xi32, #tpu.memory_space<vmem>>, vector<16xi32>,
        %shift_left3A_210 = arith.constant 16 : i32
        %shift_left3A_211 = vector.broadcast %shift_left3A_210 : i32 to vector<16xi32>
        %shift_left3A_212 = arith.shli %get3A_209, %shift_left3A_211 : vector<16xi32>
        %bitcast3A_213 = vector.bitcast %shift_left3A_212 : vector<16xi32> to vector<16xf32>
        %and3A_214 = arith.constant -65536 : i32
        %and3A_215 = vector.broadcast %and3A_214 : i32 to vector<16xi32>
        %and3A_216 = arith.andi %get3A_209, %and3A_215 : vector<16xi32>
        %bitcast3A_217 = vector.bitcast %and3A_216 : vector<16xi32> to vector<16xf32>
        %mul3A_218 = arith.mulf %bitcast3A_213, %gather3A : vector<16xf32>
        %swap3A_219 = arith.index_cast %add3A_172 : i32 to index
        %swap3A_220 = arith.constant 64 : index
        %swap3A_221 = tpu.vector_load %arg12[%swap3A_219, %swap3A_220] {strides = array<i32>} : memref<128x128xf32, #tpu.memory_space<vmem>>, vector<16xf32>,
        tpu.vector_store %arg12[%swap3A_219, %swap3A_220], %mul3A_218 {strides = array<i32>} : memref<128x128xf32, #tpu.memory_space<vmem>>, vector<16xf32>,
        %mul3A_222 = arith.mulf %bitcast3A_217, %gather3A : vector<16xf32>
        %swap3A_223 = arith.index_cast %add3A_172 : i32 to index
        %swap3A_224 = arith.constant 80 : index
        %swap3A_225 = tpu.vector_load %arg12[%swap3A_223, %swap3A_224] {strides = array<i32>} : memref<128x128xf32, #tpu.memory_space<vmem>>, vector<16xf32>,
        tpu.vector_store %arg12[%swap3A_223, %swap3A_224], %mul3A_222 {strides = array<i32>} : memref<128x128xf32, #tpu.memory_space<vmem>>, vector<16xf32>,
        %get3A_226 = arith.index_cast %add3A_172 : i32 to index
        %get3A_227 = arith.constant 48 : index
        %get3A_228 = tpu.vector_load %arg10[%get3A_226, %get3A_227] {strides = array<i32>} : memref<128x64xi32, #tpu.memory_space<vmem>>, vector<16xi32>,
        %shift_left3A_229 = arith.constant 16 : i32
        %shift_left3A_230 = vector.broadcast %shift_left3A_229 : i32 to vector<16xi32>
        %shift_left3A_231 = arith.shli %get3A_228, %shift_left3A_230 : vector<16xi32>
        %bitcast3A_232 = vector.bitcast %shift_left3A_231 : vector<16xi32> to vector<16xf32>
        %and3A_233 = arith.constant -65536 : i32
        %and3A_234 = vector.broadcast %and3A_233 : i32 to vector<16xi32>
        %and3A_235 = arith.andi %get3A_228, %and3A_234 : vector<16xi32>
        %bitcast3A_236 = vector.bitcast %and3A_235 : vector<16xi32> to vector<16xf32>
        %mul3A_237 = arith.mulf %bitcast3A_232, %gather3A : vector<16xf32>
        %swap3A_238 = arith.index_cast %add3A_172 : i32 to index
        %swap3A_239 = arith.constant 96 : index
        %swap3A_240 = tpu.vector_load %arg12[%swap3A_238, %swap3A_239] {strides = array<i32>} : memref<128x128xf32, #tpu.memory_space<vmem>>, vector<16xf32>,
        tpu.vector_store %arg12[%swap3A_238, %swap3A_239], %mul3A_237 {strides = array<i32>} : memref<128x128xf32, #tpu.memory_space<vmem>>, vector<16xf32>,
        %mul3A_241 = arith.mulf %bitcast3A_236, %gather3A : vector<16xf32>
        %swap3A_242 = arith.index_cast %add3A_172 : i32 to index
        %swap3A_243 = arith.constant 112 : index
        %swap3A_244 = tpu.vector_load %arg12[%swap3A_242, %swap3A_243] {strides = array<i32>} : memref<128x128xf32, #tpu.memory_space<vmem>>, vector<16xf32>,
        tpu.vector_store %arg12[%swap3A_242, %swap3A_243], %mul3A_241 {strides = array<i32>} : memref<128x128xf32, #tpu.memory_space<vmem>>, vector<16xf32>,
        %add3A_245 = arith.constant 1 : i32
        %add3A_246 = arith.addi %add3A_170, %add3A_245 : i32
        %broadcast_in_dim3A_247 = vector.broadcast %add3A_125 : i32 to vector<16xi32>
        %broadcast_in_dim3A_248 = vector.broadcast %add3A_246 : i32 to vector<16xi32>
        %gather3A_249 = tpu.vector_load_idx %arg9[%broadcast_in_dim3A_247, %broadcast_in_dim3A_248] : memref<40x128xf32, #tpu.memory_space<vmem>>[vector<16xi32>, vector<16xi32>], vector<16xf32>,
        %get3A_250 = arith.index_cast %add3A_246 : i32 to index
        %get3A_251 = arith.constant 0 : index
        %get3A_252 = tpu.vector_load %arg10[%get3A_250, %get3A_251] {strides = array<i32>} : memref<128x64xi32, #tpu.memory_space<vmem>>, vector<16xi32>,
        %shift_left3A_253 = arith.constant 16 : i32
        %shift_left3A_254 = vector.broadcast %shift_left3A_253 : i32 to vector<16xi32>
        %shift_left3A_255 = arith.shli %get3A_252, %shift_left3A_254 : vector<16xi32>
        %bitcast3A_256 = vector.bitcast %shift_left3A_255 : vector<16xi32> to vector<16xf32>
        %and3A_257 = arith.constant -65536 : i32
        %and3A_258 = vector.broadcast %and3A_257 : i32 to vector<16xi32>
        %and3A_259 = arith.andi %get3A_252, %and3A_258 : vector<16xi32>
        %bitcast3A_260 = vector.bitcast %and3A_259 : vector<16xi32> to vector<16xf32>
        %mul3A_261 = arith.mulf %bitcast3A_256, %gather3A_249 : vector<16xf32>
        %swap3A_262 = arith.index_cast %add3A_246 : i32 to index
        %swap3A_263 = arith.constant 0 : index
        %swap3A_264 = tpu.vector_load %arg12[%swap3A_262, %swap3A_263] {strides = array<i32>} : memref<128x128xf32, #tpu.memory_space<vmem>>, vector<16xf32>,
        tpu.vector_store %arg12[%swap3A_262, %swap3A_263], %mul3A_261 {strides = array<i32>} : memref<128x128xf32, #tpu.memory_space<vmem>>, vector<16xf32>,
        %mul3A_265 = arith.mulf %bitcast3A_260, %gather3A_249 : vector<16xf32>
        %swap3A_266 = arith.index_cast %add3A_246 : i32 to index
        %swap3A_267 = arith.constant 16 : index
        %swap3A_268 = tpu.vector_load %arg12[%swap3A_266, %swap3A_267] {strides = array<i32>} : memref<128x128xf32, #tpu.memory_space<vmem>>, vector<16xf32>,
        tpu.vector_store %arg12[%swap3A_266, %swap3A_267], %mul3A_265 {strides = array<i32>} : memref<128x128xf32, #tpu.memory_space<vmem>>, vector<16xf32>,
        %get3A_269 = arith.index_cast %add3A_246 : i32 to index
        %get3A_270 = arith.constant 16 : index
        %get3A_271 = tpu.vector_load %arg10[%get3A_269, %get3A_270] {strides = array<i32>} : memref<128x64xi32, #tpu.memory_space<vmem>>, vector<16xi32>,
        %shift_left3A_272 = arith.constant 16 : i32
        %shift_left3A_273 = vector.broadcast %shift_left3A_272 : i32 to vector<16xi32>
        %shift_left3A_274 = arith.shli %get3A_271, %shift_left3A_273 : vector<16xi32>
        %bitcast3A_275 = vector.bitcast %shift_left3A_274 : vector<16xi32> to vector<16xf32>
        %and3A_276 = arith.constant -65536 : i32
        %and3A_277 = vector.broadcast %and3A_276 : i32 to vector<16xi32>
        %and3A_278 = arith.andi %get3A_271, %and3A_277 : vector<16xi32>
        %bitcast3A_279 = vector.bitcast %and3A_278 : vector<16xi32> to vector<16xf32>
        %mul3A_280 = arith.mulf %bitcast3A_275, %gather3A_249 : vector<16xf32>
        %swap3A_281 = arith.index_cast %add3A_246 : i32 to index
        %swap3A_282 = arith.constant 32 : index
        %swap3A_283 = tpu.vector_load %arg12[%swap3A_281, %swap3A_282] {strides = array<i32>} : memref<128x128xf32, #tpu.memory_space<vmem>>, vector<16xf32>,
        tpu.vector_store %arg12[%swap3A_281, %swap3A_282], %mul3A_280 {strides = array<i32>} : memref<128x128xf32, #tpu.memory_space<vmem>>, vector<16xf32>,
        %mul3A_284 = arith.mulf %bitcast3A_279, %gather3A_249 : vector<16xf32>
        %swap3A_285 = arith.index_cast %add3A_246 : i32 to index
        %swap3A_286 = arith.constant 48 : index
        %swap3A_287 = tpu.vector_load %arg12[%swap3A_285, %swap3A_286] {strides = array<i32>} : memref<128x128xf32, #tpu.memory_space<vmem>>, vector<16xf32>,
        tpu.vector_store %arg12[%swap3A_285, %swap3A_286], %mul3A_284 {strides = array<i32>} : memref<128x128xf32, #tpu.memory_space<vmem>>, vector<16xf32>,
        %get3A_288 = arith.index_cast %add3A_246 : i32 to index
        %get3A_289 = arith.constant 32 : index
        %get3A_290 = tpu.vector_load %arg10[%get3A_288, %get3A_289] {strides = array<i32>} : memref<128x64xi32, #tpu.memory_space<vmem>>, vector<16xi32>,
        %shift_left3A_291 = arith.constant 16 : i32
        %shift_left3A_292 = vector.broadcast %shift_left3A_291 : i32 to vector<16xi32>
        %shift_left3A_293 = arith.shli %get3A_290, %shift_left3A_292 : vector<16xi32>
        %bitcast3A_294 = vector.bitcast %shift_left3A_293 : vector<16xi32> to vector<16xf32>
        %and3A_295 = arith.constant -65536 : i32
        %and3A_296 = vector.broadcast %and3A_295 : i32 to vector<16xi32>
        %and3A_297 = arith.andi %get3A_290, %and3A_296 : vector<16xi32>
        %bitcast3A_298 = vector.bitcast %and3A_297 : vector<16xi32> to vector<16xf32>
        %mul3A_299 = arith.mulf %bitcast3A_294, %gather3A_249 : vector<16xf32>
        %swap3A_300 = arith.index_cast %add3A_246 : i32 to index
        %swap3A_301 = arith.constant 64 : index
        %swap3A_302 = tpu.vector_load %arg12[%swap3A_300, %swap3A_301] {strides = array<i32>} : memref<128x128xf32, #tpu.memory_space<vmem>>, vector<16xf32>,
        tpu.vector_store %arg12[%swap3A_300, %swap3A_301], %mul3A_299 {strides = array<i32>} : memref<128x128xf32, #tpu.memory_space<vmem>>, vector<16xf32>,
        %mul3A_303 = arith.mulf %bitcast3A_298, %gather3A_249 : vector<16xf32>
        %swap3A_304 = arith.index_cast %add3A_246 : i32 to index
        %swap3A_305 = arith.constant 80 : index
        %swap3A_306 = tpu.vector_load %arg12[%swap3A_304, %swap3A_305] {strides = array<i32>} : memref<128x128xf32, #tpu.memory_space<vmem>>, vector<16xf32>,
        tpu.vector_store %arg12[%swap3A_304, %swap3A_305], %mul3A_303 {strides = array<i32>} : memref<128x128xf32, #tpu.memory_space<vmem>>, vector<16xf32>,
        %get3A_307 = arith.index_cast %add3A_246 : i32 to index
        %get3A_308 = arith.constant 48 : index
        %get3A_309 = tpu.vector_load %arg10[%get3A_307, %get3A_308] {strides = array<i32>} : memref<128x64xi32, #tpu.memory_space<vmem>>, vector<16xi32>,
        %shift_left3A_310 = arith.constant 16 : i32
        %shift_left3A_311 = vector.broadcast %shift_left3A_310 : i32 to vector<16xi32>
        %shift_left3A_312 = arith.shli %get3A_309, %shift_left3A_311 : vector<16xi32>
        %bitcast3A_313 = vector.bitcast %shift_left3A_312 : vector<16xi32> to vector<16xf32>
        %and3A_314 = arith.constant -65536 : i32
        %and3A_315 = vector.broadcast %and3A_314 : i32 to vector<16xi32>
        %and3A_316 = arith.andi %get3A_309, %and3A_315 : vector<16xi32>
        %bitcast3A_317 = vector.bitcast %and3A_316 : vector<16xi32> to vector<16xf32>
        %mul3A_318 = arith.mulf %bitcast3A_313, %gather3A_249 : vector<16xf32>
        %swap3A_319 = arith.index_cast %add3A_246 : i32 to index
        %swap3A_320 = arith.constant 96 : index
        %swap3A_321 = tpu.vector_load %arg12[%swap3A_319, %swap3A_320] {strides = array<i32>} : memref<128x128xf32, #tpu.memory_space<vmem>>, vector<16xf32>,
        tpu.vector_store %arg12[%swap3A_319, %swap3A_320], %mul3A_318 {strides = array<i32>} : memref<128x128xf32, #tpu.memory_space<vmem>>, vector<16xf32>,
        %mul3A_322 = arith.mulf %bitcast3A_317, %gather3A_249 : vector<16xf32>
        %swap3A_323 = arith.index_cast %add3A_246 : i32 to index
        %swap3A_324 = arith.constant 112 : index
        %swap3A_325 = tpu.vector_load %arg12[%swap3A_323, %swap3A_324] {strides = array<i32>} : memref<128x128xf32, #tpu.memory_space<vmem>>, vector<16xf32>,
        tpu.vector_store %arg12[%swap3A_323, %swap3A_324], %mul3A_322 {strides = array<i32>} : memref<128x128xf32, #tpu.memory_space<vmem>>, vector<16xf32>,
        %add3A_326 = arith.constant 2 : i32
        %add3A_327 = arith.addi %add3A_170, %add3A_326 : i32
        %broadcast_in_dim3A_328 = vector.broadcast %add3A_125 : i32 to vector<16xi32>
        %broadcast_in_dim3A_329 = vector.broadcast %add3A_327 : i32 to vector<16xi32>
        %gather3A_330 = tpu.vector_load_idx %arg9[%broadcast_in_dim3A_328, %broadcast_in_dim3A_329] : memref<40x128xf32, #tpu.memory_space<vmem>>[vector<16xi32>, vector<16xi32>], vector<16xf32>,
        %get3A_331 = arith.index_cast %add3A_327 : i32 to index
        %get3A_332 = arith.constant 0 : index
        %get3A_333 = tpu.vector_load %arg10[%get3A_331, %get3A_332] {strides = array<i32>} : memref<128x64xi32, #tpu.memory_space<vmem>>, vector<16xi32>,
        %shift_left3A_334 = arith.constant 16 : i32
        %shift_left3A_335 = vector.broadcast %shift_left3A_334 : i32 to vector<16xi32>
        %shift_left3A_336 = arith.shli %get3A_333, %shift_left3A_335 : vector<16xi32>
        %bitcast3A_337 = vector.bitcast %shift_left3A_336 : vector<16xi32> to vector<16xf32>
        %and3A_338 = arith.constant -65536 : i32
        %and3A_339 = vector.broadcast %and3A_338 : i32 to vector<16xi32>
        %and3A_340 = arith.andi %get3A_333, %and3A_339 : vector<16xi32>
        %bitcast3A_341 = vector.bitcast %and3A_340 : vector<16xi32> to vector<16xf32>
        %mul3A_342 = arith.mulf %bitcast3A_337, %gather3A_330 : vector<16xf32>
        %swap3A_343 = arith.index_cast %add3A_327 : i32 to index
        %swap3A_344 = arith.constant 0 : index
        %swap3A_345 = tpu.vector_load %arg12[%swap3A_343, %swap3A_344] {strides = array<i32>} : memref<128x128xf32, #tpu.memory_space<vmem>>, vector<16xf32>,
        tpu.vector_store %arg12[%swap3A_343, %swap3A_344], %mul3A_342 {strides = array<i32>} : memref<128x128xf32, #tpu.memory_space<vmem>>, vector<16xf32>,
        %mul3A_346 = arith.mulf %bitcast3A_341, %gather3A_330 : vector<16xf32>
        %swap3A_347 = arith.index_cast %add3A_327 : i32 to index
        %swap3A_348 = arith.constant 16 : index
        %swap3A_349 = tpu.vector_load %arg12[%swap3A_347, %swap3A_348] {strides = array<i32>} : memref<128x128xf32, #tpu.memory_space<vmem>>, vector<16xf32>,
        tpu.vector_store %arg12[%swap3A_347, %swap3A_348], %mul3A_346 {strides = array<i32>} : memref<128x128xf32, #tpu.memory_space<vmem>>, vector<16xf32>,
        %get3A_350 = arith.index_cast %add3A_327 : i32 to index
        %get3A_351 = arith.constant 16 : index
        %get3A_352 = tpu.vector_load %arg10[%get3A_350, %get3A_351] {strides = array<i32>} : memref<128x64xi32, #tpu.memory_space<vmem>>, vector<16xi32>,
        %shift_left3A_353 = arith.constant 16 : i32
        %shift_left3A_354 = vector.broadcast %shift_left3A_353 : i32 to vector<16xi32>
        %shift_left3A_355 = arith.shli %get3A_352, %shift_left3A_354 : vector<16xi32>
        %bitcast3A_356 = vector.bitcast %shift_left3A_355 : vector<16xi32> to vector<16xf32>
        %and3A_357 = arith.constant -65536 : i32
        %and3A_358 = vector.broadcast %and3A_357 : i32 to vector<16xi32>
        %and3A_359 = arith.andi %get3A_352, %and3A_358 : vector<16xi32>
        %bitcast3A_360 = vector.bitcast %and3A_359 : vector<16xi32> to vector<16xf32>
        %mul3A_361 = arith.mulf %bitcast3A_356, %gather3A_330 : vector<16xf32>
        %swap3A_362 = arith.index_cast %add3A_327 : i32 to index
        %swap3A_363 = arith.constant 32 : index
        %swap3A_364 = tpu.vector_load %arg12[%swap3A_362, %swap3A_363] {strides = array<i32>} : memref<128x128xf32, #tpu.memory_space<vmem>>, vector<16xf32>,
        tpu.vector_store %arg12[%swap3A_362, %swap3A_363], %mul3A_361 {strides = array<i32>} : memref<128x128xf32, #tpu.memory_space<vmem>>, vector<16xf32>,
        %mul3A_365 = arith.mulf %bitcast3A_360, %gather3A_330 : vector<16xf32>
        %swap3A_366 = arith.index_cast %add3A_327 : i32 to index
        %swap3A_367 = arith.constant 48 : index
        %swap3A_368 = tpu.vector_load %arg12[%swap3A_366, %swap3A_367] {strides = array<i32>} : memref<128x128xf32, #tpu.memory_space<vmem>>, vector<16xf32>,
        tpu.vector_store %arg12[%swap3A_366, %swap3A_367], %mul3A_365 {strides = array<i32>} : memref<128x128xf32, #tpu.memory_space<vmem>>, vector<16xf32>,
        %get3A_369 = arith.index_cast %add3A_327 : i32 to index
        %get3A_370 = arith.constant 32 : index
        %get3A_371 = tpu.vector_load %arg10[%get3A_369, %get3A_370] {strides = array<i32>} : memref<128x64xi32, #tpu.memory_space<vmem>>, vector<16xi32>,
        %shift_left3A_372 = arith.constant 16 : i32
        %shift_left3A_373 = vector.broadcast %shift_left3A_372 : i32 to vector<16xi32>
        %shift_left3A_374 = arith.shli %get3A_371, %shift_left3A_373 : vector<16xi32>
        %bitcast3A_375 = vector.bitcast %shift_left3A_374 : vector<16xi32> to vector<16xf32>
        %and3A_376 = arith.constant -65536 : i32
        %and3A_377 = vector.broadcast %and3A_376 : i32 to vector<16xi32>
        %and3A_378 = arith.andi %get3A_371, %and3A_377 : vector<16xi32>
        %bitcast3A_379 = vector.bitcast %and3A_378 : vector<16xi32> to vector<16xf32>
        %mul3A_380 = arith.mulf %bitcast3A_375, %gather3A_330 : vector<16xf32>
        %swap3A_381 = arith.index_cast %add3A_327 : i32 to index
        %swap3A_382 = arith.constant 64 : index
        %swap3A_383 = tpu.vector_load %arg12[%swap3A_381, %swap3A_382] {strides = array<i32>} : memref<128x128xf32, #tpu.memory_space<vmem>>, vector<16xf32>,
        tpu.vector_store %arg12[%swap3A_381, %swap3A_382], %mul3A_380 {strides = array<i32>} : memref<128x128xf32, #tpu.memory_space<vmem>>, vector<16xf32>,
        %mul3A_384 = arith.mulf %bitcast3A_379, %gather3A_330 : vector<16xf32>
        %swap3A_385 = arith.index_cast %add3A_327 : i32 to index
        %swap3A_386 = arith.constant 80 : index
        %swap3A_387 = tpu.vector_load %arg12[%swap3A_385, %swap3A_386] {strides = array<i32>} : memref<128x128xf32, #tpu.memory_space<vmem>>, vector<16xf32>,
        tpu.vector_store %arg12[%swap3A_385, %swap3A_386], %mul3A_384 {strides = array<i32>} : memref<128x128xf32, #tpu.memory_space<vmem>>, vector<16xf32>,
        %get3A_388 = arith.index_cast %add3A_327 : i32 to index
        %get3A_389 = arith.constant 48 : index
        %get3A_390 = tpu.vector_load %arg10[%get3A_388, %get3A_389] {strides = array<i32>} : memref<128x64xi32, #tpu.memory_space<vmem>>, vector<16xi32>,
        %shift_left3A_391 = arith.constant 16 : i32
        %shift_left3A_392 = vector.broadcast %shift_left3A_391 : i32 to vector<16xi32>
        %shift_left3A_393 = arith.shli %get3A_390, %shift_left3A_392 : vector<16xi32>
        %bitcast3A_394 = vector.bitcast %shift_left3A_393 : vector<16xi32> to vector<16xf32>
        %and3A_395 = arith.constant -65536 : i32
        %and3A_396 = vector.broadcast %and3A_395 : i32 to vector<16xi32>
        %and3A_397 = arith.andi %get3A_390, %and3A_396 : vector<16xi32>
        %bitcast3A_398 = vector.bitcast %and3A_397 : vector<16xi32> to vector<16xf32>
        %mul3A_399 = arith.mulf %bitcast3A_394, %gather3A_330 : vector<16xf32>
        %swap3A_400 = arith.index_cast %add3A_327 : i32 to index
        %swap3A_401 = arith.constant 96 : index
        %swap3A_402 = tpu.vector_load %arg12[%swap3A_400, %swap3A_401] {strides = array<i32>} : memref<128x128xf32, #tpu.memory_space<vmem>>, vector<16xf32>,
        tpu.vector_store %arg12[%swap3A_400, %swap3A_401], %mul3A_399 {strides = array<i32>} : memref<128x128xf32, #tpu.memory_space<vmem>>, vector<16xf32>,
        %mul3A_403 = arith.mulf %bitcast3A_398, %gather3A_330 : vector<16xf32>
        %swap3A_404 = arith.index_cast %add3A_327 : i32 to index
        %swap3A_405 = arith.constant 112 : index
        %swap3A_406 = tpu.vector_load %arg12[%swap3A_404, %swap3A_405] {strides = array<i32>} : memref<128x128xf32, #tpu.memory_space<vmem>>, vector<16xf32>,
        tpu.vector_store %arg12[%swap3A_404, %swap3A_405], %mul3A_403 {strides = array<i32>} : memref<128x128xf32, #tpu.memory_space<vmem>>, vector<16xf32>,
        %add3A_407 = arith.constant 3 : i32
        %add3A_408 = arith.addi %add3A_170, %add3A_407 : i32
        %broadcast_in_dim3A_409 = vector.broadcast %add3A_125 : i32 to vector<16xi32>
        %broadcast_in_dim3A_410 = vector.broadcast %add3A_408 : i32 to vector<16xi32>
        %gather3A_411 = tpu.vector_load_idx %arg9[%broadcast_in_dim3A_409, %broadcast_in_dim3A_410] : memref<40x128xf32, #tpu.memory_space<vmem>>[vector<16xi32>, vector<16xi32>], vector<16xf32>,
        %get3A_412 = arith.index_cast %add3A_408 : i32 to index
        %get3A_413 = arith.constant 0 : index
        %get3A_414 = tpu.vector_load %arg10[%get3A_412, %get3A_413] {strides = array<i32>} : memref<128x64xi32, #tpu.memory_space<vmem>>, vector<16xi32>,
        %shift_left3A_415 = arith.constant 16 : i32
        %shift_left3A_416 = vector.broadcast %shift_left3A_415 : i32 to vector<16xi32>
        %shift_left3A_417 = arith.shli %get3A_414, %shift_left3A_416 : vector<16xi32>
        %bitcast3A_418 = vector.bitcast %shift_left3A_417 : vector<16xi32> to vector<16xf32>
        %and3A_419 = arith.constant -65536 : i32
        %and3A_420 = vector.broadcast %and3A_419 : i32 to vector<16xi32>
        %and3A_421 = arith.andi %get3A_414, %and3A_420 : vector<16xi32>
        %bitcast3A_422 = vector.bitcast %and3A_421 : vector<16xi32> to vector<16xf32>
        %mul3A_423 = arith.mulf %bitcast3A_418, %gather3A_411 : vector<16xf32>
        %swap3A_424 = arith.index_cast %add3A_408 : i32 to index
        %swap3A_425 = arith.constant 0 : index
        %swap3A_426 = tpu.vector_load %arg12[%swap3A_424, %swap3A_425] {strides = array<i32>} : memref<128x128xf32, #tpu.memory_space<vmem>>, vector<16xf32>,
        tpu.vector_store %arg12[%swap3A_424, %swap3A_425], %mul3A_423 {strides = array<i32>} : memref<128x128xf32, #tpu.memory_space<vmem>>, vector<16xf32>,
        %mul3A_427 = arith.mulf %bitcast3A_422, %gather3A_411 : vector<16xf32>
        %swap3A_428 = arith.index_cast %add3A_408 : i32 to index
        %swap3A_429 = arith.constant 16 : index
        %swap3A_430 = tpu.vector_load %arg12[%swap3A_428, %swap3A_429] {strides = array<i32>} : memref<128x128xf32, #tpu.memory_space<vmem>>, vector<16xf32>,
        tpu.vector_store %arg12[%swap3A_428, %swap3A_429], %mul3A_427 {strides = array<i32>} : memref<128x128xf32, #tpu.memory_space<vmem>>, vector<16xf32>,
        %get3A_431 = arith.index_cast %add3A_408 : i32 to index
        %get3A_432 = arith.constant 16 : index
        %get3A_433 = tpu.vector_load %arg10[%get3A_431, %get3A_432] {strides = array<i32>} : memref<128x64xi32, #tpu.memory_space<vmem>>, vector<16xi32>,
        %shift_left3A_434 = arith.constant 16 : i32
        %shift_left3A_435 = vector.broadcast %shift_left3A_434 : i32 to vector<16xi32>
        %shift_left3A_436 = arith.shli %get3A_433, %shift_left3A_435 : vector<16xi32>
        %bitcast3A_437 = vector.bitcast %shift_left3A_436 : vector<16xi32> to vector<16xf32>
        %and3A_438 = arith.constant -65536 : i32
        %and3A_439 = vector.broadcast %and3A_438 : i32 to vector<16xi32>
        %and3A_440 = arith.andi %get3A_433, %and3A_439 : vector<16xi32>
        %bitcast3A_441 = vector.bitcast %and3A_440 : vector<16xi32> to vector<16xf32>
        %mul3A_442 = arith.mulf %bitcast3A_437, %gather3A_411 : vector<16xf32>
        %swap3A_443 = arith.index_cast %add3A_408 : i32 to index
        %swap3A_444 = arith.constant 32 : index
        %swap3A_445 = tpu.vector_load %arg12[%swap3A_443, %swap3A_444] {strides = array<i32>} : memref<128x128xf32, #tpu.memory_space<vmem>>, vector<16xf32>,
        tpu.vector_store %arg12[%swap3A_443, %swap3A_444], %mul3A_442 {strides = array<i32>} : memref<128x128xf32, #tpu.memory_space<vmem>>, vector<16xf32>,
        %mul3A_446 = arith.mulf %bitcast3A_441, %gather3A_411 : vector<16xf32>
        %swap3A_447 = arith.index_cast %add3A_408 : i32 to index
        %swap3A_448 = arith.constant 48 : index
        %swap3A_449 = tpu.vector_load %arg12[%swap3A_447, %swap3A_448] {strides = array<i32>} : memref<128x128xf32, #tpu.memory_space<vmem>>, vector<16xf32>,
        tpu.vector_store %arg12[%swap3A_447, %swap3A_448], %mul3A_446 {strides = array<i32>} : memref<128x128xf32, #tpu.memory_space<vmem>>, vector<16xf32>,
        %get3A_450 = arith.index_cast %add3A_408 : i32 to index
        %get3A_451 = arith.constant 32 : index
        %get3A_452 = tpu.vector_load %arg10[%get3A_450, %get3A_451] {strides = array<i32>} : memref<128x64xi32, #tpu.memory_space<vmem>>, vector<16xi32>,
        %shift_left3A_453 = arith.constant 16 : i32
        %shift_left3A_454 = vector.broadcast %shift_left3A_453 : i32 to vector<16xi32>
        %shift_left3A_455 = arith.shli %get3A_452, %shift_left3A_454 : vector<16xi32>
        %bitcast3A_456 = vector.bitcast %shift_left3A_455 : vector<16xi32> to vector<16xf32>
        %and3A_457 = arith.constant -65536 : i32
        %and3A_458 = vector.broadcast %and3A_457 : i32 to vector<16xi32>
        %and3A_459 = arith.andi %get3A_452, %and3A_458 : vector<16xi32>
        %bitcast3A_460 = vector.bitcast %and3A_459 : vector<16xi32> to vector<16xf32>
        %mul3A_461 = arith.mulf %bitcast3A_456, %gather3A_411 : vector<16xf32>
        %swap3A_462 = arith.index_cast %add3A_408 : i32 to index
        %swap3A_463 = arith.constant 64 : index
        %swap3A_464 = tpu.vector_load %arg12[%swap3A_462, %swap3A_463] {strides = array<i32>} : memref<128x128xf32, #tpu.memory_space<vmem>>, vector<16xf32>,
        tpu.vector_store %arg12[%swap3A_462, %swap3A_463], %mul3A_461 {strides = array<i32>} : memref<128x128xf32, #tpu.memory_space<vmem>>, vector<16xf32>,
        %mul3A_465 = arith.mulf %bitcast3A_460, %gather3A_411 : vector<16xf32>
        %swap3A_466 = arith.index_cast %add3A_408 : i32 to index
        %swap3A_467 = arith.constant 80 : index
        %swap3A_468 = tpu.vector_load %arg12[%swap3A_466, %swap3A_467] {strides = array<i32>} : memref<128x128xf32, #tpu.memory_space<vmem>>, vector<16xf32>,
        tpu.vector_store %arg12[%swap3A_466, %swap3A_467], %mul3A_465 {strides = array<i32>} : memref<128x128xf32, #tpu.memory_space<vmem>>, vector<16xf32>,
        %get3A_469 = arith.index_cast %add3A_408 : i32 to index
        %get3A_470 = arith.constant 48 : index
        %get3A_471 = tpu.vector_load %arg10[%get3A_469, %get3A_470] {strides = array<i32>} : memref<128x64xi32, #tpu.memory_space<vmem>>, vector<16xi32>,
        %shift_left3A_472 = arith.constant 16 : i32
        %shift_left3A_473 = vector.broadcast %shift_left3A_472 : i32 to vector<16xi32>
        %shift_left3A_474 = arith.shli %get3A_471, %shift_left3A_473 : vector<16xi32>
        %bitcast3A_475 = vector.bitcast %shift_left3A_474 : vector<16xi32> to vector<16xf32>
        %and3A_476 = arith.constant -65536 : i32
        %and3A_477 = vector.broadcast %and3A_476 : i32 to vector<16xi32>
        %and3A_478 = arith.andi %get3A_471, %and3A_477 : vector<16xi32>
        %bitcast3A_479 = vector.bitcast %and3A_478 : vector<16xi32> to vector<16xf32>
        %mul3A_480 = arith.mulf %bitcast3A_475, %gather3A_411 : vector<16xf32>
        %swap3A_481 = arith.index_cast %add3A_408 : i32 to index
        %swap3A_482 = arith.constant 96 : index
        %swap3A_483 = tpu.vector_load %arg12[%swap3A_481, %swap3A_482] {strides = array<i32>} : memref<128x128xf32, #tpu.memory_space<vmem>>, vector<16xf32>,
        tpu.vector_store %arg12[%swap3A_481, %swap3A_482], %mul3A_480 {strides = array<i32>} : memref<128x128xf32, #tpu.memory_space<vmem>>, vector<16xf32>,
        %mul3A_484 = arith.mulf %bitcast3A_479, %gather3A_411 : vector<16xf32>
        %swap3A_485 = arith.index_cast %add3A_408 : i32 to index
        %swap3A_486 = arith.constant 112 : index
        %swap3A_487 = tpu.vector_load %arg12[%swap3A_485, %swap3A_486] {strides = array<i32>} : memref<128x128xf32, #tpu.memory_space<vmem>>, vector<16xf32>,
        tpu.vector_store %arg12[%swap3A_485, %swap3A_486], %mul3A_484 {strides = array<i32>} : memref<128x128xf32, #tpu.memory_space<vmem>>, vector<16xf32>,
      }
      %scan3A_144 = arith.constant 32 : i32
      "tpu.region"() ({
        %run_scoped3A_166 = tpu.sem_alloc : memref<!tpu.dma_semaphore, #tpu.memory_space<semaphore_mem>>
        %dma_start3A_167 = arith.constant 0 : i32
        %dma_start3A_168 = tpu.memref_slice %arg8[%add3A_125, %dma_start3A_167] : memref<40x128xi32, #tpu.memory_space<vmem>> -> memref<1x128xi32, #tpu.memory_space<vmem>>
        %dma_start3A_169 = tpu.memref_squeeze %dma_start3A_168 : memref<1x128xi32, #tpu.memory_space<vmem>> -> memref<128xi32, #tpu.memory_space<vmem>>
        %dma_start3A_170 = arith.constant 0 : i32
        %dma_start3A_171 = arith.constant 0 : i32
        %dma_start3A_172 = tpu.memref_slice %arg15[%dma_start3A_170, %dma_start3A_171] : memref<10000x128xf32, #tpu.memory_space<vmem_shared>> -> memref<10000x128xf32, #tpu.memory_space<vmem_shared>>
        tpu.enqueue_indirect_dma source(%arg12 : memref<128x128xf32, #tpu.memory_space<vmem>>) target(%dma_start3A_172 : memref<10000x128xf32, #tpu.memory_space<vmem_shared>>) offsets(%dma_start3A_169 : memref<128xi32, #tpu.memory_space<vmem>>) semaphore(%run_scoped3A_166 : memref<!tpu.dma_semaphore, #tpu.memory_space<semaphore_mem>>) {add = true}
        %dma_wait3A_173 = arith.constant 0 : i32
        %dma_wait3A_174 = tpu.memref_slice %arg8[%add3A_125, %dma_wait3A_173] : memref<40x128xi32, #tpu.memory_space<vmem>> -> memref<1x128xi32, #tpu.memory_space<vmem>>
        %dma_wait3A_175 = tpu.memref_squeeze %dma_wait3A_174 : memref<1x128xi32, #tpu.memory_space<vmem>> -> memref<128xi32, #tpu.memory_space<vmem>>
        %dma_wait3A_176 = arith.constant 0 : i32
        %dma_wait3A_177 = arith.constant 0 : i32
        %dma_wait3A_178 = tpu.memref_slice %arg15[%dma_wait3A_176, %dma_wait3A_177] : memref<10000x128xf32, #tpu.memory_space<vmem_shared>> -> memref<10000x128xf32, #tpu.memory_space<vmem_shared>>
        tpu.wait_indirect_dma semaphore(%run_scoped3A_166 : memref<!tpu.dma_semaphore, #tpu.memory_space<semaphore_mem>>) src(%arg12 : memref<128x128xf32, #tpu.memory_space<vmem>>) dst(%dma_wait3A_178 : memref<10000x128xf32, #tpu.memory_space<vmem_shared>>)
        tpu.yield
      }) : () -> ()
      %dma_wait3A_145 = arith.constant 0 : i32
      %dma_wait3A_146 = arith.constant 0 : i32
      %dma_wait3A_147 = tpu.memref_slice %arg2[%dma_wait3A_145, %dma_wait3A_146] : memref<80000x64xi32, #tpu.memory_space<hbm>> -> memref<128x64xi32, #tpu.memory_space<hbm>>
      %dma_wait3A_148 = arith.constant 0 : i32
      %dma_wait3A_149 = arith.constant 0 : i32
      %dma_wait3A_150 = tpu.memref_slice %arg2[%dma_wait3A_148, %dma_wait3A_149] : memref<80000x64xi32, #tpu.memory_space<hbm>> -> memref<128x64xi32, #tpu.memory_space<hbm>>
      tpu.wait_dma2 semaphore(%arg14 : memref<!tpu.dma_semaphore, #tpu.memory_space<semaphore_mem>>) src(%dma_wait3A_150 : memref<128x64xi32, #tpu.memory_space<hbm>>) dst(%arg11 : memref<128x64xi32, #tpu.memory_space<vmem>>)
      %add3A_151 = arith.constant 2 : i32
      %add3A_152 = arith.addi %add3A_125, %add3A_151 : i32
      %dma_start3A_153 = arith.constant 0 : i32
      %dma_start3A_154 = tpu.memref_slice %arg7[%add3A_152, %dma_start3A_153] : memref<40x128xi32, #tpu.memory_space<vmem>> -> memref<1x128xi32, #tpu.memory_space<vmem>>
      %dma_start3A_155 = tpu.memref_squeeze %dma_start3A_154 : memref<1x128xi32, #tpu.memory_space<vmem>> -> memref<128xi32, #tpu.memory_space<vmem>>
      %dma_start3A_156 = arith.constant 0 : i32
      %dma_start3A_157 = arith.constant 0 : i32
      %dma_start3A_158 = tpu.memref_slice %arg2[%dma_start3A_156, %dma_start3A_157] : memref<80000x64xi32, #tpu.memory_space<hbm>> -> memref<80000x64xi32, #tpu.memory_space<hbm>>
      tpu.enqueue_indirect_dma source(%dma_start3A_158 : memref<80000x64xi32, #tpu.memory_space<hbm>>) target(%arg10 : memref<128x64xi32, #tpu.memory_space<vmem>>) offsets(%dma_start3A_155 : memref<128xi32, #tpu.memory_space<vmem>>) semaphore(%arg13 : memref<!tpu.dma_semaphore, #tpu.memory_space<semaphore_mem>>)
      %add3A_159 = arith.constant 1 : i32
      %add3A_160 = arith.addi %add3A_125, %add3A_159 : i32
      %scan3A_161 = arith.constant 0 : i32
      %scan3A_162 = arith.constant 32 : i32
      %scan3A_163 = arith.addi %scan3A_161, %scan3A_162 : i32
      %scan3A_164 = arith.constant 1 : i32
      scf.for %scan3A_166 = %scan3A_161 to %scan3A_163 step %scan3A_164  : i32 {
        %mul3A_167 = arith.constant 4 : i32
        %mul3A_168 = arith.muli %scan3A_166, %mul3A_167 : i32
        %add3A_169 = arith.constant 0 : i32
        %add3A_170 = arith.addi %add3A_169, %mul3A_168 : i32
        %add3A_171 = arith.constant 0 : i32
        %add3A_172 = arith.addi %add3A_170, %add3A_171 : i32
        %broadcast_in_dim3A = vector.broadcast %add3A_160 : i32 to vector<16xi32>
        %broadcast_in_dim3A_173 = vector.broadcast %add3A_172 : i32 to vector<16xi32>
        %gather3A = tpu.vector_load_idx %arg9[%broadcast_in_dim3A, %broadcast_in_dim3A_173] : memref<40x128xf32, #tpu.memory_space<vmem>>[vector<16xi32>, vector<16xi32>], vector<16xf32>,
        %get3A = arith.index_cast %add3A_172 : i32 to index
        %get3A_174 = arith.constant 0 : index
        %get3A_175 = tpu.vector_load %arg11[%get3A, %get3A_174] {strides = array<i32>} : memref<128x64xi32, #tpu.memory_space<vmem>>, vector<16xi32>,
        %shift_left3A = arith.constant 16 : i32
        %shift_left3A_176 = vector.broadcast %shift_left3A : i32 to vector<16xi32>
        %shift_left3A_177 = arith.shli %get3A_175, %shift_left3A_176 : vector<16xi32>
        %bitcast3A = vector.bitcast %shift_left3A_177 : vector<16xi32> to vector<16xf32>
        %and3A = arith.constant -65536 : i32
        %and3A_178 = vector.broadcast %and3A : i32 to vector<16xi32>
        %and3A_179 = arith.andi %get3A_175, %and3A_178 : vector<16xi32>
        %bitcast3A_180 = vector.bitcast %and3A_179 : vector<16xi32> to vector<16xf32>
        %mul3A_181 = arith.mulf %bitcast3A, %gather3A : vector<16xf32>
        %swap3A = arith.index_cast %add3A_172 : i32 to index
        %swap3A_182 = arith.constant 0 : index
        %swap3A_183 = tpu.vector_load %arg12[%swap3A, %swap3A_182] {strides = array<i32>} : memref<128x128xf32, #tpu.memory_space<vmem>>, vector<16xf32>,
        tpu.vector_store %arg12[%swap3A, %swap3A_182], %mul3A_181 {strides = array<i32>} : memref<128x128xf32, #tpu.memory_space<vmem>>, vector<16xf32>,
        %mul3A_184 = arith.mulf %bitcast3A_180, %gather3A : vector<16xf32>
        %swap3A_185 = arith.index_cast %add3A_172 : i32 to index
        %swap3A_186 = arith.constant 16 : index
        %swap3A_187 = tpu.vector_load %arg12[%swap3A_185, %swap3A_186] {strides = array<i32>} : memref<128x128xf32, #tpu.memory_space<vmem>>, vector<16xf32>,
        tpu.vector_store %arg12[%swap3A_185, %swap3A_186], %mul3A_184 {strides = array<i32>} : memref<128x128xf32, #tpu.memory_space<vmem>>, vector<16xf32>,
        %get3A_188 = arith.index_cast %add3A_172 : i32 to index
        %get3A_189 = arith.constant 16 : index
        %get3A_190 = tpu.vector_load %arg11[%get3A_188, %get3A_189] {strides = array<i32>} : memref<128x64xi32, #tpu.memory_space<vmem>>, vector<16xi32>,
        %shift_left3A_191 = arith.constant 16 : i32
        %shift_left3A_192 = vector.broadcast %shift_left3A_191 : i32 to vector<16xi32>
        %shift_left3A_193 = arith.shli %get3A_190, %shift_left3A_192 : vector<16xi32>
        %bitcast3A_194 = vector.bitcast %shift_left3A_193 : vector<16xi32> to vector<16xf32>
        %and3A_195 = arith.constant -65536 : i32
        %and3A_196 = vector.broadcast %and3A_195 : i32 to vector<16xi32>
        %and3A_197 = arith.andi %get3A_190, %and3A_196 : vector<16xi32>
        %bitcast3A_198 = vector.bitcast %and3A_197 : vector<16xi32> to vector<16xf32>
        %mul3A_199 = arith.mulf %bitcast3A_194, %gather3A : vector<16xf32>
        %swap3A_200 = arith.index_cast %add3A_172 : i32 to index
        %swap3A_201 = arith.constant 32 : index
        %swap3A_202 = tpu.vector_load %arg12[%swap3A_200, %swap3A_201] {strides = array<i32>} : memref<128x128xf32, #tpu.memory_space<vmem>>, vector<16xf32>,
        tpu.vector_store %arg12[%swap3A_200, %swap3A_201], %mul3A_199 {strides = array<i32>} : memref<128x128xf32, #tpu.memory_space<vmem>>, vector<16xf32>,
        %mul3A_203 = arith.mulf %bitcast3A_198, %gather3A : vector<16xf32>
        %swap3A_204 = arith.index_cast %add3A_172 : i32 to index
        %swap3A_205 = arith.constant 48 : index
        %swap3A_206 = tpu.vector_load %arg12[%swap3A_204, %swap3A_205] {strides = array<i32>} : memref<128x128xf32, #tpu.memory_space<vmem>>, vector<16xf32>,
        tpu.vector_store %arg12[%swap3A_204, %swap3A_205], %mul3A_203 {strides = array<i32>} : memref<128x128xf32, #tpu.memory_space<vmem>>, vector<16xf32>,
        %get3A_207 = arith.index_cast %add3A_172 : i32 to index
        %get3A_208 = arith.constant 32 : index
        %get3A_209 = tpu.vector_load %arg11[%get3A_207, %get3A_208] {strides = array<i32>} : memref<128x64xi32, #tpu.memory_space<vmem>>, vector<16xi32>,
        %shift_left3A_210 = arith.constant 16 : i32
        %shift_left3A_211 = vector.broadcast %shift_left3A_210 : i32 to vector<16xi32>
        %shift_left3A_212 = arith.shli %get3A_209, %shift_left3A_211 : vector<16xi32>
        %bitcast3A_213 = vector.bitcast %shift_left3A_212 : vector<16xi32> to vector<16xf32>
        %and3A_214 = arith.constant -65536 : i32
        %and3A_215 = vector.broadcast %and3A_214 : i32 to vector<16xi32>
        %and3A_216 = arith.andi %get3A_209, %and3A_215 : vector<16xi32>
        %bitcast3A_217 = vector.bitcast %and3A_216 : vector<16xi32> to vector<16xf32>
        %mul3A_218 = arith.mulf %bitcast3A_213, %gather3A : vector<16xf32>
        %swap3A_219 = arith.index_cast %add3A_172 : i32 to index
        %swap3A_220 = arith.constant 64 : index
        %swap3A_221 = tpu.vector_load %arg12[%swap3A_219, %swap3A_220] {strides = array<i32>} : memref<128x128xf32, #tpu.memory_space<vmem>>, vector<16xf32>,
        tpu.vector_store %arg12[%swap3A_219, %swap3A_220], %mul3A_218 {strides = array<i32>} : memref<128x128xf32, #tpu.memory_space<vmem>>, vector<16xf32>,
        %mul3A_222 = arith.mulf %bitcast3A_217, %gather3A : vector<16xf32>
        %swap3A_223 = arith.index_cast %add3A_172 : i32 to index
        %swap3A_224 = arith.constant 80 : index
        %swap3A_225 = tpu.vector_load %arg12[%swap3A_223, %swap3A_224] {strides = array<i32>} : memref<128x128xf32, #tpu.memory_space<vmem>>, vector<16xf32>,
        tpu.vector_store %arg12[%swap3A_223, %swap3A_224], %mul3A_222 {strides = array<i32>} : memref<128x128xf32, #tpu.memory_space<vmem>>, vector<16xf32>,
        %get3A_226 = arith.index_cast %add3A_172 : i32 to index
        %get3A_227 = arith.constant 48 : index
        %get3A_228 = tpu.vector_load %arg11[%get3A_226, %get3A_227] {strides = array<i32>} : memref<128x64xi32, #tpu.memory_space<vmem>>, vector<16xi32>,
        %shift_left3A_229 = arith.constant 16 : i32
        %shift_left3A_230 = vector.broadcast %shift_left3A_229 : i32 to vector<16xi32>
        %shift_left3A_231 = arith.shli %get3A_228, %shift_left3A_230 : vector<16xi32>
        %bitcast3A_232 = vector.bitcast %shift_left3A_231 : vector<16xi32> to vector<16xf32>
        %and3A_233 = arith.constant -65536 : i32
        %and3A_234 = vector.broadcast %and3A_233 : i32 to vector<16xi32>
        %and3A_235 = arith.andi %get3A_228, %and3A_234 : vector<16xi32>
        %bitcast3A_236 = vector.bitcast %and3A_235 : vector<16xi32> to vector<16xf32>
        %mul3A_237 = arith.mulf %bitcast3A_232, %gather3A : vector<16xf32>
        %swap3A_238 = arith.index_cast %add3A_172 : i32 to index
        %swap3A_239 = arith.constant 96 : index
        %swap3A_240 = tpu.vector_load %arg12[%swap3A_238, %swap3A_239] {strides = array<i32>} : memref<128x128xf32, #tpu.memory_space<vmem>>, vector<16xf32>,
        tpu.vector_store %arg12[%swap3A_238, %swap3A_239], %mul3A_237 {strides = array<i32>} : memref<128x128xf32, #tpu.memory_space<vmem>>, vector<16xf32>,
        %mul3A_241 = arith.mulf %bitcast3A_236, %gather3A : vector<16xf32>
        %swap3A_242 = arith.index_cast %add3A_172 : i32 to index
        %swap3A_243 = arith.constant 112 : index
        %swap3A_244 = tpu.vector_load %arg12[%swap3A_242, %swap3A_243] {strides = array<i32>} : memref<128x128xf32, #tpu.memory_space<vmem>>, vector<16xf32>,
        tpu.vector_store %arg12[%swap3A_242, %swap3A_243], %mul3A_241 {strides = array<i32>} : memref<128x128xf32, #tpu.memory_space<vmem>>, vector<16xf32>,
        %add3A_245 = arith.constant 1 : i32
        %add3A_246 = arith.addi %add3A_170, %add3A_245 : i32
        %broadcast_in_dim3A_247 = vector.broadcast %add3A_160 : i32 to vector<16xi32>
        %broadcast_in_dim3A_248 = vector.broadcast %add3A_246 : i32 to vector<16xi32>
        %gather3A_249 = tpu.vector_load_idx %arg9[%broadcast_in_dim3A_247, %broadcast_in_dim3A_248] : memref<40x128xf32, #tpu.memory_space<vmem>>[vector<16xi32>, vector<16xi32>], vector<16xf32>,
        %get3A_250 = arith.index_cast %add3A_246 : i32 to index
        %get3A_251 = arith.constant 0 : index
        %get3A_252 = tpu.vector_load %arg11[%get3A_250, %get3A_251] {strides = array<i32>} : memref<128x64xi32, #tpu.memory_space<vmem>>, vector<16xi32>,
        %shift_left3A_253 = arith.constant 16 : i32
        %shift_left3A_254 = vector.broadcast %shift_left3A_253 : i32 to vector<16xi32>
        %shift_left3A_255 = arith.shli %get3A_252, %shift_left3A_254 : vector<16xi32>
        %bitcast3A_256 = vector.bitcast %shift_left3A_255 : vector<16xi32> to vector<16xf32>
        %and3A_257 = arith.constant -65536 : i32
        %and3A_258 = vector.broadcast %and3A_257 : i32 to vector<16xi32>
        %and3A_259 = arith.andi %get3A_252, %and3A_258 : vector<16xi32>
        %bitcast3A_260 = vector.bitcast %and3A_259 : vector<16xi32> to vector<16xf32>
        %mul3A_261 = arith.mulf %bitcast3A_256, %gather3A_249 : vector<16xf32>
        %swap3A_262 = arith.index_cast %add3A_246 : i32 to index
        %swap3A_263 = arith.constant 0 : index
        %swap3A_264 = tpu.vector_load %arg12[%swap3A_262, %swap3A_263] {strides = array<i32>} : memref<128x128xf32, #tpu.memory_space<vmem>>, vector<16xf32>,
        tpu.vector_store %arg12[%swap3A_262, %swap3A_263], %mul3A_261 {strides = array<i32>} : memref<128x128xf32, #tpu.memory_space<vmem>>, vector<16xf32>,
        %mul3A_265 = arith.mulf %bitcast3A_260, %gather3A_249 : vector<16xf32>
        %swap3A_266 = arith.index_cast %add3A_246 : i32 to index
        %swap3A_267 = arith.constant 16 : index
        %swap3A_268 = tpu.vector_load %arg12[%swap3A_266, %swap3A_267] {strides = array<i32>} : memref<128x128xf32, #tpu.memory_space<vmem>>, vector<16xf32>,
        tpu.vector_store %arg12[%swap3A_266, %swap3A_267], %mul3A_265 {strides = array<i32>} : memref<128x128xf32, #tpu.memory_space<vmem>>, vector<16xf32>,
        %get3A_269 = arith.index_cast %add3A_246 : i32 to index
        %get3A_270 = arith.constant 16 : index
        %get3A_271 = tpu.vector_load %arg11[%get3A_269, %get3A_270] {strides = array<i32>} : memref<128x64xi32, #tpu.memory_space<vmem>>, vector<16xi32>,
        %shift_left3A_272 = arith.constant 16 : i32
        %shift_left3A_273 = vector.broadcast %shift_left3A_272 : i32 to vector<16xi32>
        %shift_left3A_274 = arith.shli %get3A_271, %shift_left3A_273 : vector<16xi32>
        %bitcast3A_275 = vector.bitcast %shift_left3A_274 : vector<16xi32> to vector<16xf32>
        %and3A_276 = arith.constant -65536 : i32
        %and3A_277 = vector.broadcast %and3A_276 : i32 to vector<16xi32>
        %and3A_278 = arith.andi %get3A_271, %and3A_277 : vector<16xi32>
        %bitcast3A_279 = vector.bitcast %and3A_278 : vector<16xi32> to vector<16xf32>
        %mul3A_280 = arith.mulf %bitcast3A_275, %gather3A_249 : vector<16xf32>
        %swap3A_281 = arith.index_cast %add3A_246 : i32 to index
        %swap3A_282 = arith.constant 32 : index
        %swap3A_283 = tpu.vector_load %arg12[%swap3A_281, %swap3A_282] {strides = array<i32>} : memref<128x128xf32, #tpu.memory_space<vmem>>, vector<16xf32>,
        tpu.vector_store %arg12[%swap3A_281, %swap3A_282], %mul3A_280 {strides = array<i32>} : memref<128x128xf32, #tpu.memory_space<vmem>>, vector<16xf32>,
        %mul3A_284 = arith.mulf %bitcast3A_279, %gather3A_249 : vector<16xf32>
        %swap3A_285 = arith.index_cast %add3A_246 : i32 to index
        %swap3A_286 = arith.constant 48 : index
        %swap3A_287 = tpu.vector_load %arg12[%swap3A_285, %swap3A_286] {strides = array<i32>} : memref<128x128xf32, #tpu.memory_space<vmem>>, vector<16xf32>,
        tpu.vector_store %arg12[%swap3A_285, %swap3A_286], %mul3A_284 {strides = array<i32>} : memref<128x128xf32, #tpu.memory_space<vmem>>, vector<16xf32>,
        %get3A_288 = arith.index_cast %add3A_246 : i32 to index
        %get3A_289 = arith.constant 32 : index
        %get3A_290 = tpu.vector_load %arg11[%get3A_288, %get3A_289] {strides = array<i32>} : memref<128x64xi32, #tpu.memory_space<vmem>>, vector<16xi32>,
        %shift_left3A_291 = arith.constant 16 : i32
        %shift_left3A_292 = vector.broadcast %shift_left3A_291 : i32 to vector<16xi32>
        %shift_left3A_293 = arith.shli %get3A_290, %shift_left3A_292 : vector<16xi32>
        %bitcast3A_294 = vector.bitcast %shift_left3A_293 : vector<16xi32> to vector<16xf32>
        %and3A_295 = arith.constant -65536 : i32
        %and3A_296 = vector.broadcast %and3A_295 : i32 to vector<16xi32>
        %and3A_297 = arith.andi %get3A_290, %and3A_296 : vector<16xi32>
        %bitcast3A_298 = vector.bitcast %and3A_297 : vector<16xi32> to vector<16xf32>
        %mul3A_299 = arith.mulf %bitcast3A_294, %gather3A_249 : vector<16xf32>
        %swap3A_300 = arith.index_cast %add3A_246 : i32 to index
        %swap3A_301 = arith.constant 64 : index
        %swap3A_302 = tpu.vector_load %arg12[%swap3A_300, %swap3A_301] {strides = array<i32>} : memref<128x128xf32, #tpu.memory_space<vmem>>, vector<16xf32>,
        tpu.vector_store %arg12[%swap3A_300, %swap3A_301], %mul3A_299 {strides = array<i32>} : memref<128x128xf32, #tpu.memory_space<vmem>>, vector<16xf32>,
        %mul3A_303 = arith.mulf %bitcast3A_298, %gather3A_249 : vector<16xf32>
        %swap3A_304 = arith.index_cast %add3A_246 : i32 to index
        %swap3A_305 = arith.constant 80 : index
        %swap3A_306 = tpu.vector_load %arg12[%swap3A_304, %swap3A_305] {strides = array<i32>} : memref<128x128xf32, #tpu.memory_space<vmem>>, vector<16xf32>,
        tpu.vector_store %arg12[%swap3A_304, %swap3A_305], %mul3A_303 {strides = array<i32>} : memref<128x128xf32, #tpu.memory_space<vmem>>, vector<16xf32>,
        %get3A_307 = arith.index_cast %add3A_246 : i32 to index
        %get3A_308 = arith.constant 48 : index
        %get3A_309 = tpu.vector_load %arg11[%get3A_307, %get3A_308] {strides = array<i32>} : memref<128x64xi32, #tpu.memory_space<vmem>>, vector<16xi32>,
        %shift_left3A_310 = arith.constant 16 : i32
        %shift_left3A_311 = vector.broadcast %shift_left3A_310 : i32 to vector<16xi32>
        %shift_left3A_312 = arith.shli %get3A_309, %shift_left3A_311 : vector<16xi32>
        %bitcast3A_313 = vector.bitcast %shift_left3A_312 : vector<16xi32> to vector<16xf32>
        %and3A_314 = arith.constant -65536 : i32
        %and3A_315 = vector.broadcast %and3A_314 : i32 to vector<16xi32>
        %and3A_316 = arith.andi %get3A_309, %and3A_315 : vector<16xi32>
        %bitcast3A_317 = vector.bitcast %and3A_316 : vector<16xi32> to vector<16xf32>
        %mul3A_318 = arith.mulf %bitcast3A_313, %gather3A_249 : vector<16xf32>
        %swap3A_319 = arith.index_cast %add3A_246 : i32 to index
        %swap3A_320 = arith.constant 96 : index
        %swap3A_321 = tpu.vector_load %arg12[%swap3A_319, %swap3A_320] {strides = array<i32>} : memref<128x128xf32, #tpu.memory_space<vmem>>, vector<16xf32>,
        tpu.vector_store %arg12[%swap3A_319, %swap3A_320], %mul3A_318 {strides = array<i32>} : memref<128x128xf32, #tpu.memory_space<vmem>>, vector<16xf32>,
        %mul3A_322 = arith.mulf %bitcast3A_317, %gather3A_249 : vector<16xf32>
        %swap3A_323 = arith.index_cast %add3A_246 : i32 to index
        %swap3A_324 = arith.constant 112 : index
        %swap3A_325 = tpu.vector_load %arg12[%swap3A_323, %swap3A_324] {strides = array<i32>} : memref<128x128xf32, #tpu.memory_space<vmem>>, vector<16xf32>,
        tpu.vector_store %arg12[%swap3A_323, %swap3A_324], %mul3A_322 {strides = array<i32>} : memref<128x128xf32, #tpu.memory_space<vmem>>, vector<16xf32>,
        %add3A_326 = arith.constant 2 : i32
        %add3A_327 = arith.addi %add3A_170, %add3A_326 : i32
        %broadcast_in_dim3A_328 = vector.broadcast %add3A_160 : i32 to vector<16xi32>
        %broadcast_in_dim3A_329 = vector.broadcast %add3A_327 : i32 to vector<16xi32>
        %gather3A_330 = tpu.vector_load_idx %arg9[%broadcast_in_dim3A_328, %broadcast_in_dim3A_329] : memref<40x128xf32, #tpu.memory_space<vmem>>[vector<16xi32>, vector<16xi32>], vector<16xf32>,
        %get3A_331 = arith.index_cast %add3A_327 : i32 to index
        %get3A_332 = arith.constant 0 : index
        %get3A_333 = tpu.vector_load %arg11[%get3A_331, %get3A_332] {strides = array<i32>} : memref<128x64xi32, #tpu.memory_space<vmem>>, vector<16xi32>,
        %shift_left3A_334 = arith.constant 16 : i32
        %shift_left3A_335 = vector.broadcast %shift_left3A_334 : i32 to vector<16xi32>
        %shift_left3A_336 = arith.shli %get3A_333, %shift_left3A_335 : vector<16xi32>
        %bitcast3A_337 = vector.bitcast %shift_left3A_336 : vector<16xi32> to vector<16xf32>
        %and3A_338 = arith.constant -65536 : i32
        %and3A_339 = vector.broadcast %and3A_338 : i32 to vector<16xi32>
        %and3A_340 = arith.andi %get3A_333, %and3A_339 : vector<16xi32>
        %bitcast3A_341 = vector.bitcast %and3A_340 : vector<16xi32> to vector<16xf32>
        %mul3A_342 = arith.mulf %bitcast3A_337, %gather3A_330 : vector<16xf32>
        %swap3A_343 = arith.index_cast %add3A_327 : i32 to index
        %swap3A_344 = arith.constant 0 : index
        %swap3A_345 = tpu.vector_load %arg12[%swap3A_343, %swap3A_344] {strides = array<i32>} : memref<128x128xf32, #tpu.memory_space<vmem>>, vector<16xf32>,
        tpu.vector_store %arg12[%swap3A_343, %swap3A_344], %mul3A_342 {strides = array<i32>} : memref<128x128xf32, #tpu.memory_space<vmem>>, vector<16xf32>,
        %mul3A_346 = arith.mulf %bitcast3A_341, %gather3A_330 : vector<16xf32>
        %swap3A_347 = arith.index_cast %add3A_327 : i32 to index
        %swap3A_348 = arith.constant 16 : index
        %swap3A_349 = tpu.vector_load %arg12[%swap3A_347, %swap3A_348] {strides = array<i32>} : memref<128x128xf32, #tpu.memory_space<vmem>>, vector<16xf32>,
        tpu.vector_store %arg12[%swap3A_347, %swap3A_348], %mul3A_346 {strides = array<i32>} : memref<128x128xf32, #tpu.memory_space<vmem>>, vector<16xf32>,
        %get3A_350 = arith.index_cast %add3A_327 : i32 to index
        %get3A_351 = arith.constant 16 : index
        %get3A_352 = tpu.vector_load %arg11[%get3A_350, %get3A_351] {strides = array<i32>} : memref<128x64xi32, #tpu.memory_space<vmem>>, vector<16xi32>,
        %shift_left3A_353 = arith.constant 16 : i32
        %shift_left3A_354 = vector.broadcast %shift_left3A_353 : i32 to vector<16xi32>
        %shift_left3A_355 = arith.shli %get3A_352, %shift_left3A_354 : vector<16xi32>
        %bitcast3A_356 = vector.bitcast %shift_left3A_355 : vector<16xi32> to vector<16xf32>
        %and3A_357 = arith.constant -65536 : i32
        %and3A_358 = vector.broadcast %and3A_357 : i32 to vector<16xi32>
        %and3A_359 = arith.andi %get3A_352, %and3A_358 : vector<16xi32>
        %bitcast3A_360 = vector.bitcast %and3A_359 : vector<16xi32> to vector<16xf32>
        %mul3A_361 = arith.mulf %bitcast3A_356, %gather3A_330 : vector<16xf32>
        %swap3A_362 = arith.index_cast %add3A_327 : i32 to index
        %swap3A_363 = arith.constant 32 : index
        %swap3A_364 = tpu.vector_load %arg12[%swap3A_362, %swap3A_363] {strides = array<i32>} : memref<128x128xf32, #tpu.memory_space<vmem>>, vector<16xf32>,
        tpu.vector_store %arg12[%swap3A_362, %swap3A_363], %mul3A_361 {strides = array<i32>} : memref<128x128xf32, #tpu.memory_space<vmem>>, vector<16xf32>,
        %mul3A_365 = arith.mulf %bitcast3A_360, %gather3A_330 : vector<16xf32>
        %swap3A_366 = arith.index_cast %add3A_327 : i32 to index
        %swap3A_367 = arith.constant 48 : index
        %swap3A_368 = tpu.vector_load %arg12[%swap3A_366, %swap3A_367] {strides = array<i32>} : memref<128x128xf32, #tpu.memory_space<vmem>>, vector<16xf32>,
        tpu.vector_store %arg12[%swap3A_366, %swap3A_367], %mul3A_365 {strides = array<i32>} : memref<128x128xf32, #tpu.memory_space<vmem>>, vector<16xf32>,
        %get3A_369 = arith.index_cast %add3A_327 : i32 to index
        %get3A_370 = arith.constant 32 : index
        %get3A_371 = tpu.vector_load %arg11[%get3A_369, %get3A_370] {strides = array<i32>} : memref<128x64xi32, #tpu.memory_space<vmem>>, vector<16xi32>,
        %shift_left3A_372 = arith.constant 16 : i32
        %shift_left3A_373 = vector.broadcast %shift_left3A_372 : i32 to vector<16xi32>
        %shift_left3A_374 = arith.shli %get3A_371, %shift_left3A_373 : vector<16xi32>
        %bitcast3A_375 = vector.bitcast %shift_left3A_374 : vector<16xi32> to vector<16xf32>
        %and3A_376 = arith.constant -65536 : i32
        %and3A_377 = vector.broadcast %and3A_376 : i32 to vector<16xi32>
        %and3A_378 = arith.andi %get3A_371, %and3A_377 : vector<16xi32>
        %bitcast3A_379 = vector.bitcast %and3A_378 : vector<16xi32> to vector<16xf32>
        %mul3A_380 = arith.mulf %bitcast3A_375, %gather3A_330 : vector<16xf32>
        %swap3A_381 = arith.index_cast %add3A_327 : i32 to index
        %swap3A_382 = arith.constant 64 : index
        %swap3A_383 = tpu.vector_load %arg12[%swap3A_381, %swap3A_382] {strides = array<i32>} : memref<128x128xf32, #tpu.memory_space<vmem>>, vector<16xf32>,
        tpu.vector_store %arg12[%swap3A_381, %swap3A_382], %mul3A_380 {strides = array<i32>} : memref<128x128xf32, #tpu.memory_space<vmem>>, vector<16xf32>,
        %mul3A_384 = arith.mulf %bitcast3A_379, %gather3A_330 : vector<16xf32>
        %swap3A_385 = arith.index_cast %add3A_327 : i32 to index
        %swap3A_386 = arith.constant 80 : index
        %swap3A_387 = tpu.vector_load %arg12[%swap3A_385, %swap3A_386] {strides = array<i32>} : memref<128x128xf32, #tpu.memory_space<vmem>>, vector<16xf32>,
        tpu.vector_store %arg12[%swap3A_385, %swap3A_386], %mul3A_384 {strides = array<i32>} : memref<128x128xf32, #tpu.memory_space<vmem>>, vector<16xf32>,
        %get3A_388 = arith.index_cast %add3A_327 : i32 to index
        %get3A_389 = arith.constant 48 : index
        %get3A_390 = tpu.vector_load %arg11[%get3A_388, %get3A_389] {strides = array<i32>} : memref<128x64xi32, #tpu.memory_space<vmem>>, vector<16xi32>,
        %shift_left3A_391 = arith.constant 16 : i32
        %shift_left3A_392 = vector.broadcast %shift_left3A_391 : i32 to vector<16xi32>
        %shift_left3A_393 = arith.shli %get3A_390, %shift_left3A_392 : vector<16xi32>
        %bitcast3A_394 = vector.bitcast %shift_left3A_393 : vector<16xi32> to vector<16xf32>
        %and3A_395 = arith.constant -65536 : i32
        %and3A_396 = vector.broadcast %and3A_395 : i32 to vector<16xi32>
        %and3A_397 = arith.andi %get3A_390, %and3A_396 : vector<16xi32>
        %bitcast3A_398 = vector.bitcast %and3A_397 : vector<16xi32> to vector<16xf32>
        %mul3A_399 = arith.mulf %bitcast3A_394, %gather3A_330 : vector<16xf32>
        %swap3A_400 = arith.index_cast %add3A_327 : i32 to index
        %swap3A_401 = arith.constant 96 : index
        %swap3A_402 = tpu.vector_load %arg12[%swap3A_400, %swap3A_401] {strides = array<i32>} : memref<128x128xf32, #tpu.memory_space<vmem>>, vector<16xf32>,
        tpu.vector_store %arg12[%swap3A_400, %swap3A_401], %mul3A_399 {strides = array<i32>} : memref<128x128xf32, #tpu.memory_space<vmem>>, vector<16xf32>,
        %mul3A_403 = arith.mulf %bitcast3A_398, %gather3A_330 : vector<16xf32>
        %swap3A_404 = arith.index_cast %add3A_327 : i32 to index
        %swap3A_405 = arith.constant 112 : index
        %swap3A_406 = tpu.vector_load %arg12[%swap3A_404, %swap3A_405] {strides = array<i32>} : memref<128x128xf32, #tpu.memory_space<vmem>>, vector<16xf32>,
        tpu.vector_store %arg12[%swap3A_404, %swap3A_405], %mul3A_403 {strides = array<i32>} : memref<128x128xf32, #tpu.memory_space<vmem>>, vector<16xf32>,
        %add3A_407 = arith.constant 3 : i32
        %add3A_408 = arith.addi %add3A_170, %add3A_407 : i32
        %broadcast_in_dim3A_409 = vector.broadcast %add3A_160 : i32 to vector<16xi32>
        %broadcast_in_dim3A_410 = vector.broadcast %add3A_408 : i32 to vector<16xi32>
        %gather3A_411 = tpu.vector_load_idx %arg9[%broadcast_in_dim3A_409, %broadcast_in_dim3A_410] : memref<40x128xf32, #tpu.memory_space<vmem>>[vector<16xi32>, vector<16xi32>], vector<16xf32>,
        %get3A_412 = arith.index_cast %add3A_408 : i32 to index
        %get3A_413 = arith.constant 0 : index
        %get3A_414 = tpu.vector_load %arg11[%get3A_412, %get3A_413] {strides = array<i32>} : memref<128x64xi32, #tpu.memory_space<vmem>>, vector<16xi32>,
        %shift_left3A_415 = arith.constant 16 : i32
        %shift_left3A_416 = vector.broadcast %shift_left3A_415 : i32 to vector<16xi32>
        %shift_left3A_417 = arith.shli %get3A_414, %shift_left3A_416 : vector<16xi32>
        %bitcast3A_418 = vector.bitcast %shift_left3A_417 : vector<16xi32> to vector<16xf32>
        %and3A_419 = arith.constant -65536 : i32
        %and3A_420 = vector.broadcast %and3A_419 : i32 to vector<16xi32>
        %and3A_421 = arith.andi %get3A_414, %and3A_420 : vector<16xi32>
        %bitcast3A_422 = vector.bitcast %and3A_421 : vector<16xi32> to vector<16xf32>
        %mul3A_423 = arith.mulf %bitcast3A_418, %gather3A_411 : vector<16xf32>
        %swap3A_424 = arith.index_cast %add3A_408 : i32 to index
        %swap3A_425 = arith.constant 0 : index
        %swap3A_426 = tpu.vector_load %arg12[%swap3A_424, %swap3A_425] {strides = array<i32>} : memref<128x128xf32, #tpu.memory_space<vmem>>, vector<16xf32>,
        tpu.vector_store %arg12[%swap3A_424, %swap3A_425], %mul3A_423 {strides = array<i32>} : memref<128x128xf32, #tpu.memory_space<vmem>>, vector<16xf32>,
        %mul3A_427 = arith.mulf %bitcast3A_422, %gather3A_411 : vector<16xf32>
        %swap3A_428 = arith.index_cast %add3A_408 : i32 to index
        %swap3A_429 = arith.constant 16 : index
        %swap3A_430 = tpu.vector_load %arg12[%swap3A_428, %swap3A_429] {strides = array<i32>} : memref<128x128xf32, #tpu.memory_space<vmem>>, vector<16xf32>,
        tpu.vector_store %arg12[%swap3A_428, %swap3A_429], %mul3A_427 {strides = array<i32>} : memref<128x128xf32, #tpu.memory_space<vmem>>, vector<16xf32>,
        %get3A_431 = arith.index_cast %add3A_408 : i32 to index
        %get3A_432 = arith.constant 16 : index
        %get3A_433 = tpu.vector_load %arg11[%get3A_431, %get3A_432] {strides = array<i32>} : memref<128x64xi32, #tpu.memory_space<vmem>>, vector<16xi32>,
        %shift_left3A_434 = arith.constant 16 : i32
        %shift_left3A_435 = vector.broadcast %shift_left3A_434 : i32 to vector<16xi32>
        %shift_left3A_436 = arith.shli %get3A_433, %shift_left3A_435 : vector<16xi32>
        %bitcast3A_437 = vector.bitcast %shift_left3A_436 : vector<16xi32> to vector<16xf32>
        %and3A_438 = arith.constant -65536 : i32
        %and3A_439 = vector.broadcast %and3A_438 : i32 to vector<16xi32>
        %and3A_440 = arith.andi %get3A_433, %and3A_439 : vector<16xi32>
        %bitcast3A_441 = vector.bitcast %and3A_440 : vector<16xi32> to vector<16xf32>
        %mul3A_442 = arith.mulf %bitcast3A_437, %gather3A_411 : vector<16xf32>
        %swap3A_443 = arith.index_cast %add3A_408 : i32 to index
        %swap3A_444 = arith.constant 32 : index
        %swap3A_445 = tpu.vector_load %arg12[%swap3A_443, %swap3A_444] {strides = array<i32>} : memref<128x128xf32, #tpu.memory_space<vmem>>, vector<16xf32>,
        tpu.vector_store %arg12[%swap3A_443, %swap3A_444], %mul3A_442 {strides = array<i32>} : memref<128x128xf32, #tpu.memory_space<vmem>>, vector<16xf32>,
        %mul3A_446 = arith.mulf %bitcast3A_441, %gather3A_411 : vector<16xf32>
        %swap3A_447 = arith.index_cast %add3A_408 : i32 to index
        %swap3A_448 = arith.constant 48 : index
        %swap3A_449 = tpu.vector_load %arg12[%swap3A_447, %swap3A_448] {strides = array<i32>} : memref<128x128xf32, #tpu.memory_space<vmem>>, vector<16xf32>,
        tpu.vector_store %arg12[%swap3A_447, %swap3A_448], %mul3A_446 {strides = array<i32>} : memref<128x128xf32, #tpu.memory_space<vmem>>, vector<16xf32>,
        %get3A_450 = arith.index_cast %add3A_408 : i32 to index
        %get3A_451 = arith.constant 32 : index
        %get3A_452 = tpu.vector_load %arg11[%get3A_450, %get3A_451] {strides = array<i32>} : memref<128x64xi32, #tpu.memory_space<vmem>>, vector<16xi32>,
        %shift_left3A_453 = arith.constant 16 : i32
        %shift_left3A_454 = vector.broadcast %shift_left3A_453 : i32 to vector<16xi32>
        %shift_left3A_455 = arith.shli %get3A_452, %shift_left3A_454 : vector<16xi32>
        %bitcast3A_456 = vector.bitcast %shift_left3A_455 : vector<16xi32> to vector<16xf32>
        %and3A_457 = arith.constant -65536 : i32
        %and3A_458 = vector.broadcast %and3A_457 : i32 to vector<16xi32>
        %and3A_459 = arith.andi %get3A_452, %and3A_458 : vector<16xi32>
        %bitcast3A_460 = vector.bitcast %and3A_459 : vector<16xi32> to vector<16xf32>
        %mul3A_461 = arith.mulf %bitcast3A_456, %gather3A_411 : vector<16xf32>
        %swap3A_462 = arith.index_cast %add3A_408 : i32 to index
        %swap3A_463 = arith.constant 64 : index
        %swap3A_464 = tpu.vector_load %arg12[%swap3A_462, %swap3A_463] {strides = array<i32>} : memref<128x128xf32, #tpu.memory_space<vmem>>, vector<16xf32>,
        tpu.vector_store %arg12[%swap3A_462, %swap3A_463], %mul3A_461 {strides = array<i32>} : memref<128x128xf32, #tpu.memory_space<vmem>>, vector<16xf32>,
        %mul3A_465 = arith.mulf %bitcast3A_460, %gather3A_411 : vector<16xf32>
        %swap3A_466 = arith.index_cast %add3A_408 : i32 to index
        %swap3A_467 = arith.constant 80 : index
        %swap3A_468 = tpu.vector_load %arg12[%swap3A_466, %swap3A_467] {strides = array<i32>} : memref<128x128xf32, #tpu.memory_space<vmem>>, vector<16xf32>,
        tpu.vector_store %arg12[%swap3A_466, %swap3A_467], %mul3A_465 {strides = array<i32>} : memref<128x128xf32, #tpu.memory_space<vmem>>, vector<16xf32>,
        %get3A_469 = arith.index_cast %add3A_408 : i32 to index
        %get3A_470 = arith.constant 48 : index
        %get3A_471 = tpu.vector_load %arg11[%get3A_469, %get3A_470] {strides = array<i32>} : memref<128x64xi32, #tpu.memory_space<vmem>>, vector<16xi32>,
        %shift_left3A_472 = arith.constant 16 : i32
        %shift_left3A_473 = vector.broadcast %shift_left3A_472 : i32 to vector<16xi32>
        %shift_left3A_474 = arith.shli %get3A_471, %shift_left3A_473 : vector<16xi32>
        %bitcast3A_475 = vector.bitcast %shift_left3A_474 : vector<16xi32> to vector<16xf32>
        %and3A_476 = arith.constant -65536 : i32
        %and3A_477 = vector.broadcast %and3A_476 : i32 to vector<16xi32>
        %and3A_478 = arith.andi %get3A_471, %and3A_477 : vector<16xi32>
        %bitcast3A_479 = vector.bitcast %and3A_478 : vector<16xi32> to vector<16xf32>
        %mul3A_480 = arith.mulf %bitcast3A_475, %gather3A_411 : vector<16xf32>
        %swap3A_481 = arith.index_cast %add3A_408 : i32 to index
        %swap3A_482 = arith.constant 96 : index
        %swap3A_483 = tpu.vector_load %arg12[%swap3A_481, %swap3A_482] {strides = array<i32>} : memref<128x128xf32, #tpu.memory_space<vmem>>, vector<16xf32>,
        tpu.vector_store %arg12[%swap3A_481, %swap3A_482], %mul3A_480 {strides = array<i32>} : memref<128x128xf32, #tpu.memory_space<vmem>>, vector<16xf32>,
        %mul3A_484 = arith.mulf %bitcast3A_479, %gather3A_411 : vector<16xf32>
        %swap3A_485 = arith.index_cast %add3A_408 : i32 to index
        %swap3A_486 = arith.constant 112 : index
        %swap3A_487 = tpu.vector_load %arg12[%swap3A_485, %swap3A_486] {strides = array<i32>} : memref<128x128xf32, #tpu.memory_space<vmem>>, vector<16xf32>,
        tpu.vector_store %arg12[%swap3A_485, %swap3A_486], %mul3A_484 {strides = array<i32>} : memref<128x128xf32, #tpu.memory_space<vmem>>, vector<16xf32>,
      }
      %scan3A_165 = arith.constant 32 : i32
      "tpu.region"() ({
        %run_scoped3A_166 = tpu.sem_alloc : memref<!tpu.dma_semaphore, #tpu.memory_space<semaphore_mem>>
        %dma_start3A_167 = arith.constant 0 : i32
        %dma_start3A_168 = tpu.memref_slice %arg8[%add3A_160, %dma_start3A_167] : memref<40x128xi32, #tpu.memory_space<vmem>> -> memref<1x128xi32, #tpu.memory_space<vmem>>
        %dma_start3A_169 = tpu.memref_squeeze %dma_start3A_168 : memref<1x128xi32, #tpu.memory_space<vmem>> -> memref<128xi32, #tpu.memory_space<vmem>>
        %dma_start3A_170 = arith.constant 0 : i32
        %dma_start3A_171 = arith.constant 0 : i32
        %dma_start3A_172 = tpu.memref_slice %arg15[%dma_start3A_170, %dma_start3A_171] : memref<10000x128xf32, #tpu.memory_space<vmem_shared>> -> memref<10000x128xf32, #tpu.memory_space<vmem_shared>>
        tpu.enqueue_indirect_dma source(%arg12 : memref<128x128xf32, #tpu.memory_space<vmem>>) target(%dma_start3A_172 : memref<10000x128xf32, #tpu.memory_space<vmem_shared>>) offsets(%dma_start3A_169 : memref<128xi32, #tpu.memory_space<vmem>>) semaphore(%run_scoped3A_166 : memref<!tpu.dma_semaphore, #tpu.memory_space<semaphore_mem>>) {add = true}
        %dma_wait3A_173 = arith.constant 0 : i32
        %dma_wait3A_174 = tpu.memref_slice %arg8[%add3A_160, %dma_wait3A_173] : memref<40x128xi32, #tpu.memory_space<vmem>> -> memref<1x128xi32, #tpu.memory_space<vmem>>
        %dma_wait3A_175 = tpu.memref_squeeze %dma_wait3A_174 : memref<1x128xi32, #tpu.memory_space<vmem>> -> memref<128xi32, #tpu.memory_space<vmem>>
        %dma_wait3A_176 = arith.constant 0 : i32
        %dma_wait3A_177 = arith.constant 0 : i32
        %dma_wait3A_178 = tpu.memref_slice %arg15[%dma_wait3A_176, %dma_wait3A_177] : memref<10000x128xf32, #tpu.memory_space<vmem_shared>> -> memref<10000x128xf32, #tpu.memory_space<vmem_shared>>
        tpu.wait_indirect_dma semaphore(%run_scoped3A_166 : memref<!tpu.dma_semaphore, #tpu.memory_space<semaphore_mem>>) src(%arg12 : memref<128x128xf32, #tpu.memory_space<vmem>>) dst(%dma_wait3A_178 : memref<10000x128xf32, #tpu.memory_space<vmem_shared>>)
        tpu.yield
      }) : () -> ()
    }
    %scan3A_79 = arith.constant 19 : i32
    %dma_wait3A_80 = arith.constant 0 : i32
    %dma_wait3A_81 = arith.constant 0 : i32
    %dma_wait3A_82 = tpu.memref_slice %arg2[%dma_wait3A_80, %dma_wait3A_81] : memref<80000x64xi32, #tpu.memory_space<hbm>> -> memref<128x64xi32, #tpu.memory_space<hbm>>
    %dma_wait3A_83 = arith.constant 0 : i32
    %dma_wait3A_84 = arith.constant 0 : i32
    %dma_wait3A_85 = tpu.memref_slice %arg2[%dma_wait3A_83, %dma_wait3A_84] : memref<80000x64xi32, #tpu.memory_space<hbm>> -> memref<128x64xi32, #tpu.memory_space<hbm>>
    tpu.wait_dma2 semaphore(%arg13 : memref<!tpu.dma_semaphore, #tpu.memory_space<semaphore_mem>>) src(%dma_wait3A_85 : memref<128x64xi32, #tpu.memory_space<hbm>>) dst(%arg10 : memref<128x64xi32, #tpu.memory_space<vmem>>)
    %dma_start3A_86 = arith.constant 39 : i32
    %dma_start3A_87 = arith.constant 0 : i32
    %dma_start3A_88 = tpu.memref_slice %arg7[%dma_start3A_86, %dma_start3A_87] : memref<40x128xi32, #tpu.memory_space<vmem>> -> memref<1x128xi32, #tpu.memory_space<vmem>>
    %dma_start3A_89 = tpu.memref_squeeze %dma_start3A_88 : memref<1x128xi32, #tpu.memory_space<vmem>> -> memref<128xi32, #tpu.memory_space<vmem>>
    %dma_start3A_90 = arith.constant 0 : i32
    %dma_start3A_91 = arith.constant 0 : i32
    %dma_start3A_92 = tpu.memref_slice %arg2[%dma_start3A_90, %dma_start3A_91] : memref<80000x64xi32, #tpu.memory_space<hbm>> -> memref<80000x64xi32, #tpu.memory_space<hbm>>
    tpu.enqueue_indirect_dma source(%dma_start3A_92 : memref<80000x64xi32, #tpu.memory_space<hbm>>) target(%arg11 : memref<128x64xi32, #tpu.memory_space<vmem>>) offsets(%dma_start3A_89 : memref<128xi32, #tpu.memory_space<vmem>>) semaphore(%arg14 : memref<!tpu.dma_semaphore, #tpu.memory_space<semaphore_mem>>)
    %scan3A_93 = arith.constant 0 : i32
    %scan3A_94 = arith.constant 32 : i32
    %scan3A_95 = arith.addi %scan3A_93, %scan3A_94 : i32
    %scan3A_96 = arith.constant 1 : i32
    scf.for %scan3A_121 = %scan3A_93 to %scan3A_95 step %scan3A_96  : i32 {
      %mul3A_122 = arith.constant 4 : i32
      %mul3A_123 = arith.muli %scan3A_121, %mul3A_122 : i32
      %add3A_124 = arith.constant 0 : i32
      %add3A_125 = arith.addi %add3A_124, %mul3A_123 : i32
      %add3A_126 = arith.constant 0 : i32
      %add3A_127 = arith.addi %add3A_125, %add3A_126 : i32
      %broadcast_in_dim3A = arith.constant 38 : i32
      %broadcast_in_dim3A_128 = vector.broadcast %broadcast_in_dim3A : i32 to vector<16xi32>
      %broadcast_in_dim3A_129 = vector.broadcast %add3A_127 : i32 to vector<16xi32>
      %gather3A = tpu.vector_load_idx %arg9[%broadcast_in_dim3A_128, %broadcast_in_dim3A_129] : memref<40x128xf32, #tpu.memory_space<vmem>>[vector<16xi32>, vector<16xi32>], vector<16xf32>,
      %get3A = arith.index_cast %add3A_127 : i32 to index
      %get3A_130 = arith.constant 0 : index
      %get3A_131 = tpu.vector_load %arg10[%get3A, %get3A_130] {strides = array<i32>} : memref<128x64xi32, #tpu.memory_space<vmem>>, vector<16xi32>,
      %shift_left3A = arith.constant 16 : i32
      %shift_left3A_132 = vector.broadcast %shift_left3A : i32 to vector<16xi32>
      %shift_left3A_133 = arith.shli %get3A_131, %shift_left3A_132 : vector<16xi32>
      %bitcast3A = vector.bitcast %shift_left3A_133 : vector<16xi32> to vector<16xf32>
      %and3A = arith.constant -65536 : i32
      %and3A_134 = vector.broadcast %and3A : i32 to vector<16xi32>
      %and3A_135 = arith.andi %get3A_131, %and3A_134 : vector<16xi32>
      %bitcast3A_136 = vector.bitcast %and3A_135 : vector<16xi32> to vector<16xf32>
      %mul3A_137 = arith.mulf %bitcast3A, %gather3A : vector<16xf32>
      %swap3A = arith.index_cast %add3A_127 : i32 to index
      %swap3A_138 = arith.constant 0 : index
      %swap3A_139 = tpu.vector_load %arg12[%swap3A, %swap3A_138] {strides = array<i32>} : memref<128x128xf32, #tpu.memory_space<vmem>>, vector<16xf32>,
      tpu.vector_store %arg12[%swap3A, %swap3A_138], %mul3A_137 {strides = array<i32>} : memref<128x128xf32, #tpu.memory_space<vmem>>, vector<16xf32>,
      %mul3A_140 = arith.mulf %bitcast3A_136, %gather3A : vector<16xf32>
      %swap3A_141 = arith.index_cast %add3A_127 : i32 to index
      %swap3A_142 = arith.constant 16 : index
      %swap3A_143 = tpu.vector_load %arg12[%swap3A_141, %swap3A_142] {strides = array<i32>} : memref<128x128xf32, #tpu.memory_space<vmem>>, vector<16xf32>,
      tpu.vector_store %arg12[%swap3A_141, %swap3A_142], %mul3A_140 {strides = array<i32>} : memref<128x128xf32, #tpu.memory_space<vmem>>, vector<16xf32>,
      %get3A_144 = arith.index_cast %add3A_127 : i32 to index
      %get3A_145 = arith.constant 16 : index
      %get3A_146 = tpu.vector_load %arg10[%get3A_144, %get3A_145] {strides = array<i32>} : memref<128x64xi32, #tpu.memory_space<vmem>>, vector<16xi32>,
      %shift_left3A_147 = arith.constant 16 : i32
      %shift_left3A_148 = vector.broadcast %shift_left3A_147 : i32 to vector<16xi32>
      %shift_left3A_149 = arith.shli %get3A_146, %shift_left3A_148 : vector<16xi32>
      %bitcast3A_150 = vector.bitcast %shift_left3A_149 : vector<16xi32> to vector<16xf32>
      %and3A_151 = arith.constant -65536 : i32
      %and3A_152 = vector.broadcast %and3A_151 : i32 to vector<16xi32>
      %and3A_153 = arith.andi %get3A_146, %and3A_152 : vector<16xi32>
      %bitcast3A_154 = vector.bitcast %and3A_153 : vector<16xi32> to vector<16xf32>
      %mul3A_155 = arith.mulf %bitcast3A_150, %gather3A : vector<16xf32>
      %swap3A_156 = arith.index_cast %add3A_127 : i32 to index
      %swap3A_157 = arith.constant 32 : index
      %swap3A_158 = tpu.vector_load %arg12[%swap3A_156, %swap3A_157] {strides = array<i32>} : memref<128x128xf32, #tpu.memory_space<vmem>>, vector<16xf32>,
      tpu.vector_store %arg12[%swap3A_156, %swap3A_157], %mul3A_155 {strides = array<i32>} : memref<128x128xf32, #tpu.memory_space<vmem>>, vector<16xf32>,
      %mul3A_159 = arith.mulf %bitcast3A_154, %gather3A : vector<16xf32>
      %swap3A_160 = arith.index_cast %add3A_127 : i32 to index
      %swap3A_161 = arith.constant 48 : index
      %swap3A_162 = tpu.vector_load %arg12[%swap3A_160, %swap3A_161] {strides = array<i32>} : memref<128x128xf32, #tpu.memory_space<vmem>>, vector<16xf32>,
      tpu.vector_store %arg12[%swap3A_160, %swap3A_161], %mul3A_159 {strides = array<i32>} : memref<128x128xf32, #tpu.memory_space<vmem>>, vector<16xf32>,
      %get3A_163 = arith.index_cast %add3A_127 : i32 to index
      %get3A_164 = arith.constant 32 : index
      %get3A_165 = tpu.vector_load %arg10[%get3A_163, %get3A_164] {strides = array<i32>} : memref<128x64xi32, #tpu.memory_space<vmem>>, vector<16xi32>,
      %shift_left3A_166 = arith.constant 16 : i32
      %shift_left3A_167 = vector.broadcast %shift_left3A_166 : i32 to vector<16xi32>
      %shift_left3A_168 = arith.shli %get3A_165, %shift_left3A_167 : vector<16xi32>
      %bitcast3A_169 = vector.bitcast %shift_left3A_168 : vector<16xi32> to vector<16xf32>
      %and3A_170 = arith.constant -65536 : i32
      %and3A_171 = vector.broadcast %and3A_170 : i32 to vector<16xi32>
      %and3A_172 = arith.andi %get3A_165, %and3A_171 : vector<16xi32>
      %bitcast3A_173 = vector.bitcast %and3A_172 : vector<16xi32> to vector<16xf32>
      %mul3A_174 = arith.mulf %bitcast3A_169, %gather3A : vector<16xf32>
      %swap3A_175 = arith.index_cast %add3A_127 : i32 to index
      %swap3A_176 = arith.constant 64 : index
      %swap3A_177 = tpu.vector_load %arg12[%swap3A_175, %swap3A_176] {strides = array<i32>} : memref<128x128xf32, #tpu.memory_space<vmem>>, vector<16xf32>,
      tpu.vector_store %arg12[%swap3A_175, %swap3A_176], %mul3A_174 {strides = array<i32>} : memref<128x128xf32, #tpu.memory_space<vmem>>, vector<16xf32>,
      %mul3A_178 = arith.mulf %bitcast3A_173, %gather3A : vector<16xf32>
      %swap3A_179 = arith.index_cast %add3A_127 : i32 to index
      %swap3A_180 = arith.constant 80 : index
      %swap3A_181 = tpu.vector_load %arg12[%swap3A_179, %swap3A_180] {strides = array<i32>} : memref<128x128xf32, #tpu.memory_space<vmem>>, vector<16xf32>,
      tpu.vector_store %arg12[%swap3A_179, %swap3A_180], %mul3A_178 {strides = array<i32>} : memref<128x128xf32, #tpu.memory_space<vmem>>, vector<16xf32>,
      %get3A_182 = arith.index_cast %add3A_127 : i32 to index
      %get3A_183 = arith.constant 48 : index
      %get3A_184 = tpu.vector_load %arg10[%get3A_182, %get3A_183] {strides = array<i32>} : memref<128x64xi32, #tpu.memory_space<vmem>>, vector<16xi32>,
      %shift_left3A_185 = arith.constant 16 : i32
      %shift_left3A_186 = vector.broadcast %shift_left3A_185 : i32 to vector<16xi32>
      %shift_left3A_187 = arith.shli %get3A_184, %shift_left3A_186 : vector<16xi32>
      %bitcast3A_188 = vector.bitcast %shift_left3A_187 : vector<16xi32> to vector<16xf32>
      %and3A_189 = arith.constant -65536 : i32
      %and3A_190 = vector.broadcast %and3A_189 : i32 to vector<16xi32>
      %and3A_191 = arith.andi %get3A_184, %and3A_190 : vector<16xi32>
      %bitcast3A_192 = vector.bitcast %and3A_191 : vector<16xi32> to vector<16xf32>
      %mul3A_193 = arith.mulf %bitcast3A_188, %gather3A : vector<16xf32>
      %swap3A_194 = arith.index_cast %add3A_127 : i32 to index
      %swap3A_195 = arith.constant 96 : index
      %swap3A_196 = tpu.vector_load %arg12[%swap3A_194, %swap3A_195] {strides = array<i32>} : memref<128x128xf32, #tpu.memory_space<vmem>>, vector<16xf32>,
      tpu.vector_store %arg12[%swap3A_194, %swap3A_195], %mul3A_193 {strides = array<i32>} : memref<128x128xf32, #tpu.memory_space<vmem>>, vector<16xf32>,
      %mul3A_197 = arith.mulf %bitcast3A_192, %gather3A : vector<16xf32>
      %swap3A_198 = arith.index_cast %add3A_127 : i32 to index
      %swap3A_199 = arith.constant 112 : index
      %swap3A_200 = tpu.vector_load %arg12[%swap3A_198, %swap3A_199] {strides = array<i32>} : memref<128x128xf32, #tpu.memory_space<vmem>>, vector<16xf32>,
      tpu.vector_store %arg12[%swap3A_198, %swap3A_199], %mul3A_197 {strides = array<i32>} : memref<128x128xf32, #tpu.memory_space<vmem>>, vector<16xf32>,
      %add3A_201 = arith.constant 1 : i32
      %add3A_202 = arith.addi %add3A_125, %add3A_201 : i32
      %broadcast_in_dim3A_203 = arith.constant 38 : i32
      %broadcast_in_dim3A_204 = vector.broadcast %broadcast_in_dim3A_203 : i32 to vector<16xi32>
      %broadcast_in_dim3A_205 = vector.broadcast %add3A_202 : i32 to vector<16xi32>
      %gather3A_206 = tpu.vector_load_idx %arg9[%broadcast_in_dim3A_204, %broadcast_in_dim3A_205] : memref<40x128xf32, #tpu.memory_space<vmem>>[vector<16xi32>, vector<16xi32>], vector<16xf32>,
      %get3A_207 = arith.index_cast %add3A_202 : i32 to index
      %get3A_208 = arith.constant 0 : index
      %get3A_209 = tpu.vector_load %arg10[%get3A_207, %get3A_208] {strides = array<i32>} : memref<128x64xi32, #tpu.memory_space<vmem>>, vector<16xi32>,
      %shift_left3A_210 = arith.constant 16 : i32
      %shift_left3A_211 = vector.broadcast %shift_left3A_210 : i32 to vector<16xi32>
      %shift_left3A_212 = arith.shli %get3A_209, %shift_left3A_211 : vector<16xi32>
      %bitcast3A_213 = vector.bitcast %shift_left3A_212 : vector<16xi32> to vector<16xf32>
      %and3A_214 = arith.constant -65536 : i32
      %and3A_215 = vector.broadcast %and3A_214 : i32 to vector<16xi32>
      %and3A_216 = arith.andi %get3A_209, %and3A_215 : vector<16xi32>
      %bitcast3A_217 = vector.bitcast %and3A_216 : vector<16xi32> to vector<16xf32>
      %mul3A_218 = arith.mulf %bitcast3A_213, %gather3A_206 : vector<16xf32>
      %swap3A_219 = arith.index_cast %add3A_202 : i32 to index
      %swap3A_220 = arith.constant 0 : index
      %swap3A_221 = tpu.vector_load %arg12[%swap3A_219, %swap3A_220] {strides = array<i32>} : memref<128x128xf32, #tpu.memory_space<vmem>>, vector<16xf32>,
      tpu.vector_store %arg12[%swap3A_219, %swap3A_220], %mul3A_218 {strides = array<i32>} : memref<128x128xf32, #tpu.memory_space<vmem>>, vector<16xf32>,
      %mul3A_222 = arith.mulf %bitcast3A_217, %gather3A_206 : vector<16xf32>
      %swap3A_223 = arith.index_cast %add3A_202 : i32 to index
      %swap3A_224 = arith.constant 16 : index
      %swap3A_225 = tpu.vector_load %arg12[%swap3A_223, %swap3A_224] {strides = array<i32>} : memref<128x128xf32, #tpu.memory_space<vmem>>, vector<16xf32>,
      tpu.vector_store %arg12[%swap3A_223, %swap3A_224], %mul3A_222 {strides = array<i32>} : memref<128x128xf32, #tpu.memory_space<vmem>>, vector<16xf32>,
      %get3A_226 = arith.index_cast %add3A_202 : i32 to index
      %get3A_227 = arith.constant 16 : index
      %get3A_228 = tpu.vector_load %arg10[%get3A_226, %get3A_227] {strides = array<i32>} : memref<128x64xi32, #tpu.memory_space<vmem>>, vector<16xi32>,
      %shift_left3A_229 = arith.constant 16 : i32
      %shift_left3A_230 = vector.broadcast %shift_left3A_229 : i32 to vector<16xi32>
      %shift_left3A_231 = arith.shli %get3A_228, %shift_left3A_230 : vector<16xi32>
      %bitcast3A_232 = vector.bitcast %shift_left3A_231 : vector<16xi32> to vector<16xf32>
      %and3A_233 = arith.constant -65536 : i32
      %and3A_234 = vector.broadcast %and3A_233 : i32 to vector<16xi32>
      %and3A_235 = arith.andi %get3A_228, %and3A_234 : vector<16xi32>
      %bitcast3A_236 = vector.bitcast %and3A_235 : vector<16xi32> to vector<16xf32>
      %mul3A_237 = arith.mulf %bitcast3A_232, %gather3A_206 : vector<16xf32>
      %swap3A_238 = arith.index_cast %add3A_202 : i32 to index
      %swap3A_239 = arith.constant 32 : index
      %swap3A_240 = tpu.vector_load %arg12[%swap3A_238, %swap3A_239] {strides = array<i32>} : memref<128x128xf32, #tpu.memory_space<vmem>>, vector<16xf32>,
      tpu.vector_store %arg12[%swap3A_238, %swap3A_239], %mul3A_237 {strides = array<i32>} : memref<128x128xf32, #tpu.memory_space<vmem>>, vector<16xf32>,
      %mul3A_241 = arith.mulf %bitcast3A_236, %gather3A_206 : vector<16xf32>
      %swap3A_242 = arith.index_cast %add3A_202 : i32 to index
      %swap3A_243 = arith.constant 48 : index
      %swap3A_244 = tpu.vector_load %arg12[%swap3A_242, %swap3A_243] {strides = array<i32>} : memref<128x128xf32, #tpu.memory_space<vmem>>, vector<16xf32>,
      tpu.vector_store %arg12[%swap3A_242, %swap3A_243], %mul3A_241 {strides = array<i32>} : memref<128x128xf32, #tpu.memory_space<vmem>>, vector<16xf32>,
      %get3A_245 = arith.index_cast %add3A_202 : i32 to index
      %get3A_246 = arith.constant 32 : index
      %get3A_247 = tpu.vector_load %arg10[%get3A_245, %get3A_246] {strides = array<i32>} : memref<128x64xi32, #tpu.memory_space<vmem>>, vector<16xi32>,
      %shift_left3A_248 = arith.constant 16 : i32
      %shift_left3A_249 = vector.broadcast %shift_left3A_248 : i32 to vector<16xi32>
      %shift_left3A_250 = arith.shli %get3A_247, %shift_left3A_249 : vector<16xi32>
      %bitcast3A_251 = vector.bitcast %shift_left3A_250 : vector<16xi32> to vector<16xf32>
      %and3A_252 = arith.constant -65536 : i32
      %and3A_253 = vector.broadcast %and3A_252 : i32 to vector<16xi32>
      %and3A_254 = arith.andi %get3A_247, %and3A_253 : vector<16xi32>
      %bitcast3A_255 = vector.bitcast %and3A_254 : vector<16xi32> to vector<16xf32>
      %mul3A_256 = arith.mulf %bitcast3A_251, %gather3A_206 : vector<16xf32>
      %swap3A_257 = arith.index_cast %add3A_202 : i32 to index
      %swap3A_258 = arith.constant 64 : index
      %swap3A_259 = tpu.vector_load %arg12[%swap3A_257, %swap3A_258] {strides = array<i32>} : memref<128x128xf32, #tpu.memory_space<vmem>>, vector<16xf32>,
      tpu.vector_store %arg12[%swap3A_257, %swap3A_258], %mul3A_256 {strides = array<i32>} : memref<128x128xf32, #tpu.memory_space<vmem>>, vector<16xf32>,
      %mul3A_260 = arith.mulf %bitcast3A_255, %gather3A_206 : vector<16xf32>
      %swap3A_261 = arith.index_cast %add3A_202 : i32 to index
      %swap3A_262 = arith.constant 80 : index
      %swap3A_263 = tpu.vector_load %arg12[%swap3A_261, %swap3A_262] {strides = array<i32>} : memref<128x128xf32, #tpu.memory_space<vmem>>, vector<16xf32>,
      tpu.vector_store %arg12[%swap3A_261, %swap3A_262], %mul3A_260 {strides = array<i32>} : memref<128x128xf32, #tpu.memory_space<vmem>>, vector<16xf32>,
      %get3A_264 = arith.index_cast %add3A_202 : i32 to index
      %get3A_265 = arith.constant 48 : index
      %get3A_266 = tpu.vector_load %arg10[%get3A_264, %get3A_265] {strides = array<i32>} : memref<128x64xi32, #tpu.memory_space<vmem>>, vector<16xi32>,
      %shift_left3A_267 = arith.constant 16 : i32
      %shift_left3A_268 = vector.broadcast %shift_left3A_267 : i32 to vector<16xi32>
      %shift_left3A_269 = arith.shli %get3A_266, %shift_left3A_268 : vector<16xi32>
      %bitcast3A_270 = vector.bitcast %shift_left3A_269 : vector<16xi32> to vector<16xf32>
      %and3A_271 = arith.constant -65536 : i32
      %and3A_272 = vector.broadcast %and3A_271 : i32 to vector<16xi32>
      %and3A_273 = arith.andi %get3A_266, %and3A_272 : vector<16xi32>
      %bitcast3A_274 = vector.bitcast %and3A_273 : vector<16xi32> to vector<16xf32>
      %mul3A_275 = arith.mulf %bitcast3A_270, %gather3A_206 : vector<16xf32>
      %swap3A_276 = arith.index_cast %add3A_202 : i32 to index
      %swap3A_277 = arith.constant 96 : index
      %swap3A_278 = tpu.vector_load %arg12[%swap3A_276, %swap3A_277] {strides = array<i32>} : memref<128x128xf32, #tpu.memory_space<vmem>>, vector<16xf32>,
      tpu.vector_store %arg12[%swap3A_276, %swap3A_277], %mul3A_275 {strides = array<i32>} : memref<128x128xf32, #tpu.memory_space<vmem>>, vector<16xf32>,
      %mul3A_279 = arith.mulf %bitcast3A_274, %gather3A_206 : vector<16xf32>
      %swap3A_280 = arith.index_cast %add3A_202 : i32 to index
      %swap3A_281 = arith.constant 112 : index
      %swap3A_282 = tpu.vector_load %arg12[%swap3A_280, %swap3A_281] {strides = array<i32>} : memref<128x128xf32, #tpu.memory_space<vmem>>, vector<16xf32>,
      tpu.vector_store %arg12[%swap3A_280, %swap3A_281], %mul3A_279 {strides = array<i32>} : memref<128x128xf32, #tpu.memory_space<vmem>>, vector<16xf32>,
      %add3A_283 = arith.constant 2 : i32
      %add3A_284 = arith.addi %add3A_125, %add3A_283 : i32
      %broadcast_in_dim3A_285 = arith.constant 38 : i32
      %broadcast_in_dim3A_286 = vector.broadcast %broadcast_in_dim3A_285 : i32 to vector<16xi32>
      %broadcast_in_dim3A_287 = vector.broadcast %add3A_284 : i32 to vector<16xi32>
      %gather3A_288 = tpu.vector_load_idx %arg9[%broadcast_in_dim3A_286, %broadcast_in_dim3A_287] : memref<40x128xf32, #tpu.memory_space<vmem>>[vector<16xi32>, vector<16xi32>], vector<16xf32>,
      %get3A_289 = arith.index_cast %add3A_284 : i32 to index
      %get3A_290 = arith.constant 0 : index
      %get3A_291 = tpu.vector_load %arg10[%get3A_289, %get3A_290] {strides = array<i32>} : memref<128x64xi32, #tpu.memory_space<vmem>>, vector<16xi32>,
      %shift_left3A_292 = arith.constant 16 : i32
      %shift_left3A_293 = vector.broadcast %shift_left3A_292 : i32 to vector<16xi32>
      %shift_left3A_294 = arith.shli %get3A_291, %shift_left3A_293 : vector<16xi32>
      %bitcast3A_295 = vector.bitcast %shift_left3A_294 : vector<16xi32> to vector<16xf32>
      %and3A_296 = arith.constant -65536 : i32
      %and3A_297 = vector.broadcast %and3A_296 : i32 to vector<16xi32>
      %and3A_298 = arith.andi %get3A_291, %and3A_297 : vector<16xi32>
      %bitcast3A_299 = vector.bitcast %and3A_298 : vector<16xi32> to vector<16xf32>
      %mul3A_300 = arith.mulf %bitcast3A_295, %gather3A_288 : vector<16xf32>
      %swap3A_301 = arith.index_cast %add3A_284 : i32 to index
      %swap3A_302 = arith.constant 0 : index
      %swap3A_303 = tpu.vector_load %arg12[%swap3A_301, %swap3A_302] {strides = array<i32>} : memref<128x128xf32, #tpu.memory_space<vmem>>, vector<16xf32>,
      tpu.vector_store %arg12[%swap3A_301, %swap3A_302], %mul3A_300 {strides = array<i32>} : memref<128x128xf32, #tpu.memory_space<vmem>>, vector<16xf32>,
      %mul3A_304 = arith.mulf %bitcast3A_299, %gather3A_288 : vector<16xf32>
      %swap3A_305 = arith.index_cast %add3A_284 : i32 to index
      %swap3A_306 = arith.constant 16 : index
      %swap3A_307 = tpu.vector_load %arg12[%swap3A_305, %swap3A_306] {strides = array<i32>} : memref<128x128xf32, #tpu.memory_space<vmem>>, vector<16xf32>,
      tpu.vector_store %arg12[%swap3A_305, %swap3A_306], %mul3A_304 {strides = array<i32>} : memref<128x128xf32, #tpu.memory_space<vmem>>, vector<16xf32>,
      %get3A_308 = arith.index_cast %add3A_284 : i32 to index
      %get3A_309 = arith.constant 16 : index
      %get3A_310 = tpu.vector_load %arg10[%get3A_308, %get3A_309] {strides = array<i32>} : memref<128x64xi32, #tpu.memory_space<vmem>>, vector<16xi32>,
      %shift_left3A_311 = arith.constant 16 : i32
      %shift_left3A_312 = vector.broadcast %shift_left3A_311 : i32 to vector<16xi32>
      %shift_left3A_313 = arith.shli %get3A_310, %shift_left3A_312 : vector<16xi32>
      %bitcast3A_314 = vector.bitcast %shift_left3A_313 : vector<16xi32> to vector<16xf32>
      %and3A_315 = arith.constant -65536 : i32
      %and3A_316 = vector.broadcast %and3A_315 : i32 to vector<16xi32>
      %and3A_317 = arith.andi %get3A_310, %and3A_316 : vector<16xi32>
      %bitcast3A_318 = vector.bitcast %and3A_317 : vector<16xi32> to vector<16xf32>
      %mul3A_319 = arith.mulf %bitcast3A_314, %gather3A_288 : vector<16xf32>
      %swap3A_320 = arith.index_cast %add3A_284 : i32 to index
      %swap3A_321 = arith.constant 32 : index
      %swap3A_322 = tpu.vector_load %arg12[%swap3A_320, %swap3A_321] {strides = array<i32>} : memref<128x128xf32, #tpu.memory_space<vmem>>, vector<16xf32>,
      tpu.vector_store %arg12[%swap3A_320, %swap3A_321], %mul3A_319 {strides = array<i32>} : memref<128x128xf32, #tpu.memory_space<vmem>>, vector<16xf32>,
      %mul3A_323 = arith.mulf %bitcast3A_318, %gather3A_288 : vector<16xf32>
      %swap3A_324 = arith.index_cast %add3A_284 : i32 to index
      %swap3A_325 = arith.constant 48 : index
      %swap3A_326 = tpu.vector_load %arg12[%swap3A_324, %swap3A_325] {strides = array<i32>} : memref<128x128xf32, #tpu.memory_space<vmem>>, vector<16xf32>,
      tpu.vector_store %arg12[%swap3A_324, %swap3A_325], %mul3A_323 {strides = array<i32>} : memref<128x128xf32, #tpu.memory_space<vmem>>, vector<16xf32>,
      %get3A_327 = arith.index_cast %add3A_284 : i32 to index
      %get3A_328 = arith.constant 32 : index
      %get3A_329 = tpu.vector_load %arg10[%get3A_327, %get3A_328] {strides = array<i32>} : memref<128x64xi32, #tpu.memory_space<vmem>>, vector<16xi32>,
      %shift_left3A_330 = arith.constant 16 : i32
      %shift_left3A_331 = vector.broadcast %shift_left3A_330 : i32 to vector<16xi32>
      %shift_left3A_332 = arith.shli %get3A_329, %shift_left3A_331 : vector<16xi32>
      %bitcast3A_333 = vector.bitcast %shift_left3A_332 : vector<16xi32> to vector<16xf32>
      %and3A_334 = arith.constant -65536 : i32
      %and3A_335 = vector.broadcast %and3A_334 : i32 to vector<16xi32>
      %and3A_336 = arith.andi %get3A_329, %and3A_335 : vector<16xi32>
      %bitcast3A_337 = vector.bitcast %and3A_336 : vector<16xi32> to vector<16xf32>
      %mul3A_338 = arith.mulf %bitcast3A_333, %gather3A_288 : vector<16xf32>
      %swap3A_339 = arith.index_cast %add3A_284 : i32 to index
      %swap3A_340 = arith.constant 64 : index
      %swap3A_341 = tpu.vector_load %arg12[%swap3A_339, %swap3A_340] {strides = array<i32>} : memref<128x128xf32, #tpu.memory_space<vmem>>, vector<16xf32>,
      tpu.vector_store %arg12[%swap3A_339, %swap3A_340], %mul3A_338 {strides = array<i32>} : memref<128x128xf32, #tpu.memory_space<vmem>>, vector<16xf32>,
      %mul3A_342 = arith.mulf %bitcast3A_337, %gather3A_288 : vector<16xf32>
      %swap3A_343 = arith.index_cast %add3A_284 : i32 to index
      %swap3A_344 = arith.constant 80 : index
      %swap3A_345 = tpu.vector_load %arg12[%swap3A_343, %swap3A_344] {strides = array<i32>} : memref<128x128xf32, #tpu.memory_space<vmem>>, vector<16xf32>,
      tpu.vector_store %arg12[%swap3A_343, %swap3A_344], %mul3A_342 {strides = array<i32>} : memref<128x128xf32, #tpu.memory_space<vmem>>, vector<16xf32>,
      %get3A_346 = arith.index_cast %add3A_284 : i32 to index
      %get3A_347 = arith.constant 48 : index
      %get3A_348 = tpu.vector_load %arg10[%get3A_346, %get3A_347] {strides = array<i32>} : memref<128x64xi32, #tpu.memory_space<vmem>>, vector<16xi32>,
      %shift_left3A_349 = arith.constant 16 : i32
      %shift_left3A_350 = vector.broadcast %shift_left3A_349 : i32 to vector<16xi32>
      %shift_left3A_351 = arith.shli %get3A_348, %shift_left3A_350 : vector<16xi32>
      %bitcast3A_352 = vector.bitcast %shift_left3A_351 : vector<16xi32> to vector<16xf32>
      %and3A_353 = arith.constant -65536 : i32
      %and3A_354 = vector.broadcast %and3A_353 : i32 to vector<16xi32>
      %and3A_355 = arith.andi %get3A_348, %and3A_354 : vector<16xi32>
      %bitcast3A_356 = vector.bitcast %and3A_355 : vector<16xi32> to vector<16xf32>
      %mul3A_357 = arith.mulf %bitcast3A_352, %gather3A_288 : vector<16xf32>
      %swap3A_358 = arith.index_cast %add3A_284 : i32 to index
      %swap3A_359 = arith.constant 96 : index
      %swap3A_360 = tpu.vector_load %arg12[%swap3A_358, %swap3A_359] {strides = array<i32>} : memref<128x128xf32, #tpu.memory_space<vmem>>, vector<16xf32>,
      tpu.vector_store %arg12[%swap3A_358, %swap3A_359], %mul3A_357 {strides = array<i32>} : memref<128x128xf32, #tpu.memory_space<vmem>>, vector<16xf32>,
      %mul3A_361 = arith.mulf %bitcast3A_356, %gather3A_288 : vector<16xf32>
      %swap3A_362 = arith.index_cast %add3A_284 : i32 to index
      %swap3A_363 = arith.constant 112 : index
      %swap3A_364 = tpu.vector_load %arg12[%swap3A_362, %swap3A_363] {strides = array<i32>} : memref<128x128xf32, #tpu.memory_space<vmem>>, vector<16xf32>,
      tpu.vector_store %arg12[%swap3A_362, %swap3A_363], %mul3A_361 {strides = array<i32>} : memref<128x128xf32, #tpu.memory_space<vmem>>, vector<16xf32>,
      %add3A_365 = arith.constant 3 : i32
      %add3A_366 = arith.addi %add3A_125, %add3A_365 : i32
      %broadcast_in_dim3A_367 = arith.constant 38 : i32
      %broadcast_in_dim3A_368 = vector.broadcast %broadcast_in_dim3A_367 : i32 to vector<16xi32>
      %broadcast_in_dim3A_369 = vector.broadcast %add3A_366 : i32 to vector<16xi32>
      %gather3A_370 = tpu.vector_load_idx %arg9[%broadcast_in_dim3A_368, %broadcast_in_dim3A_369] : memref<40x128xf32, #tpu.memory_space<vmem>>[vector<16xi32>, vector<16xi32>], vector<16xf32>,
      %get3A_371 = arith.index_cast %add3A_366 : i32 to index
      %get3A_372 = arith.constant 0 : index
      %get3A_373 = tpu.vector_load %arg10[%get3A_371, %get3A_372] {strides = array<i32>} : memref<128x64xi32, #tpu.memory_space<vmem>>, vector<16xi32>,
      %shift_left3A_374 = arith.constant 16 : i32
      %shift_left3A_375 = vector.broadcast %shift_left3A_374 : i32 to vector<16xi32>
      %shift_left3A_376 = arith.shli %get3A_373, %shift_left3A_375 : vector<16xi32>
      %bitcast3A_377 = vector.bitcast %shift_left3A_376 : vector<16xi32> to vector<16xf32>
      %and3A_378 = arith.constant -65536 : i32
      %and3A_379 = vector.broadcast %and3A_378 : i32 to vector<16xi32>
      %and3A_380 = arith.andi %get3A_373, %and3A_379 : vector<16xi32>
      %bitcast3A_381 = vector.bitcast %and3A_380 : vector<16xi32> to vector<16xf32>
      %mul3A_382 = arith.mulf %bitcast3A_377, %gather3A_370 : vector<16xf32>
      %swap3A_383 = arith.index_cast %add3A_366 : i32 to index
      %swap3A_384 = arith.constant 0 : index
      %swap3A_385 = tpu.vector_load %arg12[%swap3A_383, %swap3A_384] {strides = array<i32>} : memref<128x128xf32, #tpu.memory_space<vmem>>, vector<16xf32>,
      tpu.vector_store %arg12[%swap3A_383, %swap3A_384], %mul3A_382 {strides = array<i32>} : memref<128x128xf32, #tpu.memory_space<vmem>>, vector<16xf32>,
      %mul3A_386 = arith.mulf %bitcast3A_381, %gather3A_370 : vector<16xf32>
      %swap3A_387 = arith.index_cast %add3A_366 : i32 to index
      %swap3A_388 = arith.constant 16 : index
      %swap3A_389 = tpu.vector_load %arg12[%swap3A_387, %swap3A_388] {strides = array<i32>} : memref<128x128xf32, #tpu.memory_space<vmem>>, vector<16xf32>,
      tpu.vector_store %arg12[%swap3A_387, %swap3A_388], %mul3A_386 {strides = array<i32>} : memref<128x128xf32, #tpu.memory_space<vmem>>, vector<16xf32>,
      %get3A_390 = arith.index_cast %add3A_366 : i32 to index
      %get3A_391 = arith.constant 16 : index
      %get3A_392 = tpu.vector_load %arg10[%get3A_390, %get3A_391] {strides = array<i32>} : memref<128x64xi32, #tpu.memory_space<vmem>>, vector<16xi32>,
      %shift_left3A_393 = arith.constant 16 : i32
      %shift_left3A_394 = vector.broadcast %shift_left3A_393 : i32 to vector<16xi32>
      %shift_left3A_395 = arith.shli %get3A_392, %shift_left3A_394 : vector<16xi32>
      %bitcast3A_396 = vector.bitcast %shift_left3A_395 : vector<16xi32> to vector<16xf32>
      %and3A_397 = arith.constant -65536 : i32
      %and3A_398 = vector.broadcast %and3A_397 : i32 to vector<16xi32>
      %and3A_399 = arith.andi %get3A_392, %and3A_398 : vector<16xi32>
      %bitcast3A_400 = vector.bitcast %and3A_399 : vector<16xi32> to vector<16xf32>
      %mul3A_401 = arith.mulf %bitcast3A_396, %gather3A_370 : vector<16xf32>
      %swap3A_402 = arith.index_cast %add3A_366 : i32 to index
      %swap3A_403 = arith.constant 32 : index
      %swap3A_404 = tpu.vector_load %arg12[%swap3A_402, %swap3A_403] {strides = array<i32>} : memref<128x128xf32, #tpu.memory_space<vmem>>, vector<16xf32>,
      tpu.vector_store %arg12[%swap3A_402, %swap3A_403], %mul3A_401 {strides = array<i32>} : memref<128x128xf32, #tpu.memory_space<vmem>>, vector<16xf32>,
      %mul3A_405 = arith.mulf %bitcast3A_400, %gather3A_370 : vector<16xf32>
      %swap3A_406 = arith.index_cast %add3A_366 : i32 to index
      %swap3A_407 = arith.constant 48 : index
      %swap3A_408 = tpu.vector_load %arg12[%swap3A_406, %swap3A_407] {strides = array<i32>} : memref<128x128xf32, #tpu.memory_space<vmem>>, vector<16xf32>,
      tpu.vector_store %arg12[%swap3A_406, %swap3A_407], %mul3A_405 {strides = array<i32>} : memref<128x128xf32, #tpu.memory_space<vmem>>, vector<16xf32>,
      %get3A_409 = arith.index_cast %add3A_366 : i32 to index
      %get3A_410 = arith.constant 32 : index
      %get3A_411 = tpu.vector_load %arg10[%get3A_409, %get3A_410] {strides = array<i32>} : memref<128x64xi32, #tpu.memory_space<vmem>>, vector<16xi32>,
      %shift_left3A_412 = arith.constant 16 : i32
      %shift_left3A_413 = vector.broadcast %shift_left3A_412 : i32 to vector<16xi32>
      %shift_left3A_414 = arith.shli %get3A_411, %shift_left3A_413 : vector<16xi32>
      %bitcast3A_415 = vector.bitcast %shift_left3A_414 : vector<16xi32> to vector<16xf32>
      %and3A_416 = arith.constant -65536 : i32
      %and3A_417 = vector.broadcast %and3A_416 : i32 to vector<16xi32>
      %and3A_418 = arith.andi %get3A_411, %and3A_417 : vector<16xi32>
      %bitcast3A_419 = vector.bitcast %and3A_418 : vector<16xi32> to vector<16xf32>
      %mul3A_420 = arith.mulf %bitcast3A_415, %gather3A_370 : vector<16xf32>
      %swap3A_421 = arith.index_cast %add3A_366 : i32 to index
      %swap3A_422 = arith.constant 64 : index
      %swap3A_423 = tpu.vector_load %arg12[%swap3A_421, %swap3A_422] {strides = array<i32>} : memref<128x128xf32, #tpu.memory_space<vmem>>, vector<16xf32>,
      tpu.vector_store %arg12[%swap3A_421, %swap3A_422], %mul3A_420 {strides = array<i32>} : memref<128x128xf32, #tpu.memory_space<vmem>>, vector<16xf32>,
      %mul3A_424 = arith.mulf %bitcast3A_419, %gather3A_370 : vector<16xf32>
      %swap3A_425 = arith.index_cast %add3A_366 : i32 to index
      %swap3A_426 = arith.constant 80 : index
      %swap3A_427 = tpu.vector_load %arg12[%swap3A_425, %swap3A_426] {strides = array<i32>} : memref<128x128xf32, #tpu.memory_space<vmem>>, vector<16xf32>,
      tpu.vector_store %arg12[%swap3A_425, %swap3A_426], %mul3A_424 {strides = array<i32>} : memref<128x128xf32, #tpu.memory_space<vmem>>, vector<16xf32>,
      %get3A_428 = arith.index_cast %add3A_366 : i32 to index
      %get3A_429 = arith.constant 48 : index
      %get3A_430 = tpu.vector_load %arg10[%get3A_428, %get3A_429] {strides = array<i32>} : memref<128x64xi32, #tpu.memory_space<vmem>>, vector<16xi32>,
      %shift_left3A_431 = arith.constant 16 : i32
      %shift_left3A_432 = vector.broadcast %shift_left3A_431 : i32 to vector<16xi32>
      %shift_left3A_433 = arith.shli %get3A_430, %shift_left3A_432 : vector<16xi32>
      %bitcast3A_434 = vector.bitcast %shift_left3A_433 : vector<16xi32> to vector<16xf32>
      %and3A_435 = arith.constant -65536 : i32
      %and3A_436 = vector.broadcast %and3A_435 : i32 to vector<16xi32>
      %and3A_437 = arith.andi %get3A_430, %and3A_436 : vector<16xi32>
      %bitcast3A_438 = vector.bitcast %and3A_437 : vector<16xi32> to vector<16xf32>
      %mul3A_439 = arith.mulf %bitcast3A_434, %gather3A_370 : vector<16xf32>
      %swap3A_440 = arith.index_cast %add3A_366 : i32 to index
      %swap3A_441 = arith.constant 96 : index
      %swap3A_442 = tpu.vector_load %arg12[%swap3A_440, %swap3A_441] {strides = array<i32>} : memref<128x128xf32, #tpu.memory_space<vmem>>, vector<16xf32>,
      tpu.vector_store %arg12[%swap3A_440, %swap3A_441], %mul3A_439 {strides = array<i32>} : memref<128x128xf32, #tpu.memory_space<vmem>>, vector<16xf32>,
      %mul3A_443 = arith.mulf %bitcast3A_438, %gather3A_370 : vector<16xf32>
      %swap3A_444 = arith.index_cast %add3A_366 : i32 to index
      %swap3A_445 = arith.constant 112 : index
      %swap3A_446 = tpu.vector_load %arg12[%swap3A_444, %swap3A_445] {strides = array<i32>} : memref<128x128xf32, #tpu.memory_space<vmem>>, vector<16xf32>,
      tpu.vector_store %arg12[%swap3A_444, %swap3A_445], %mul3A_443 {strides = array<i32>} : memref<128x128xf32, #tpu.memory_space<vmem>>, vector<16xf32>,
    }
    %scan3A_97 = arith.constant 32 : i32
    %run_scoped3A_98 = arith.constant 38 : i32
    "tpu.region"() ({
      %run_scoped3A_121 = tpu.sem_alloc : memref<!tpu.dma_semaphore, #tpu.memory_space<semaphore_mem>>
      %dma_start3A_122 = arith.constant 0 : i32
      %dma_start3A_123 = tpu.memref_slice %arg8[%run_scoped3A_98, %dma_start3A_122] : memref<40x128xi32, #tpu.memory_space<vmem>> -> memref<1x128xi32, #tpu.memory_space<vmem>>
      %dma_start3A_124 = tpu.memref_squeeze %dma_start3A_123 : memref<1x128xi32, #tpu.memory_space<vmem>> -> memref<128xi32, #tpu.memory_space<vmem>>
      %dma_start3A_125 = arith.constant 0 : i32
      %dma_start3A_126 = arith.constant 0 : i32
      %dma_start3A_127 = tpu.memref_slice %arg15[%dma_start3A_125, %dma_start3A_126] : memref<10000x128xf32, #tpu.memory_space<vmem_shared>> -> memref<10000x128xf32, #tpu.memory_space<vmem_shared>>
      tpu.enqueue_indirect_dma source(%arg12 : memref<128x128xf32, #tpu.memory_space<vmem>>) target(%dma_start3A_127 : memref<10000x128xf32, #tpu.memory_space<vmem_shared>>) offsets(%dma_start3A_124 : memref<128xi32, #tpu.memory_space<vmem>>) semaphore(%run_scoped3A_121 : memref<!tpu.dma_semaphore, #tpu.memory_space<semaphore_mem>>) {add = true}
      %dma_wait3A_128 = arith.constant 0 : i32
      %dma_wait3A_129 = tpu.memref_slice %arg8[%run_scoped3A_98, %dma_wait3A_128] : memref<40x128xi32, #tpu.memory_space<vmem>> -> memref<1x128xi32, #tpu.memory_space<vmem>>
      %dma_wait3A_130 = tpu.memref_squeeze %dma_wait3A_129 : memref<1x128xi32, #tpu.memory_space<vmem>> -> memref<128xi32, #tpu.memory_space<vmem>>
      %dma_wait3A_131 = arith.constant 0 : i32
      %dma_wait3A_132 = arith.constant 0 : i32
      %dma_wait3A_133 = tpu.memref_slice %arg15[%dma_wait3A_131, %dma_wait3A_132] : memref<10000x128xf32, #tpu.memory_space<vmem_shared>> -> memref<10000x128xf32, #tpu.memory_space<vmem_shared>>
      tpu.wait_indirect_dma semaphore(%run_scoped3A_121 : memref<!tpu.dma_semaphore, #tpu.memory_space<semaphore_mem>>) src(%arg12 : memref<128x128xf32, #tpu.memory_space<vmem>>) dst(%dma_wait3A_133 : memref<10000x128xf32, #tpu.memory_space<vmem_shared>>)
      tpu.yield
    }) : () -> ()
    %dma_wait3A_99 = arith.constant 0 : i32
    %dma_wait3A_100 = arith.constant 0 : i32
    %dma_wait3A_101 = tpu.memref_slice %arg2[%dma_wait3A_99, %dma_wait3A_100] : memref<80000x64xi32, #tpu.memory_space<hbm>> -> memref<128x64xi32, #tpu.memory_space<hbm>>
    %dma_wait3A_102 = arith.constant 0 : i32
    %dma_wait3A_103 = arith.constant 0 : i32
    %dma_wait3A_104 = tpu.memref_slice %arg2[%dma_wait3A_102, %dma_wait3A_103] : memref<80000x64xi32, #tpu.memory_space<hbm>> -> memref<128x64xi32, #tpu.memory_space<hbm>>
    tpu.wait_dma2 semaphore(%arg14 : memref<!tpu.dma_semaphore, #tpu.memory_space<semaphore_mem>>) src(%dma_wait3A_104 : memref<128x64xi32, #tpu.memory_space<hbm>>) dst(%arg11 : memref<128x64xi32, #tpu.memory_space<vmem>>)
    %scan3A_105 = arith.constant 0 : i32
    %scan3A_106 = arith.constant 32 : i32
    %scan3A_107 = arith.addi %scan3A_105, %scan3A_106 : i32
    %scan3A_108 = arith.constant 1 : i32
    scf.for %scan3A_121 = %scan3A_105 to %scan3A_107 step %scan3A_108  : i32 {
      %mul3A_122 = arith.constant 4 : i32
      %mul3A_123 = arith.muli %scan3A_121, %mul3A_122 : i32
      %add3A_124 = arith.constant 0 : i32
      %add3A_125 = arith.addi %add3A_124, %mul3A_123 : i32
      %add3A_126 = arith.constant 0 : i32
      %add3A_127 = arith.addi %add3A_125, %add3A_126 : i32
      %broadcast_in_dim3A = arith.constant 39 : i32
      %broadcast_in_dim3A_128 = vector.broadcast %broadcast_in_dim3A : i32 to vector<16xi32>
      %broadcast_in_dim3A_129 = vector.broadcast %add3A_127 : i32 to vector<16xi32>
      %gather3A = tpu.vector_load_idx %arg9[%broadcast_in_dim3A_128, %broadcast_in_dim3A_129] : memref<40x128xf32, #tpu.memory_space<vmem>>[vector<16xi32>, vector<16xi32>], vector<16xf32>,
      %get3A = arith.index_cast %add3A_127 : i32 to index
      %get3A_130 = arith.constant 0 : index
      %get3A_131 = tpu.vector_load %arg11[%get3A, %get3A_130] {strides = array<i32>} : memref<128x64xi32, #tpu.memory_space<vmem>>, vector<16xi32>,
      %shift_left3A = arith.constant 16 : i32
      %shift_left3A_132 = vector.broadcast %shift_left3A : i32 to vector<16xi32>
      %shift_left3A_133 = arith.shli %get3A_131, %shift_left3A_132 : vector<16xi32>
      %bitcast3A = vector.bitcast %shift_left3A_133 : vector<16xi32> to vector<16xf32>
      %and3A = arith.constant -65536 : i32
      %and3A_134 = vector.broadcast %and3A : i32 to vector<16xi32>
      %and3A_135 = arith.andi %get3A_131, %and3A_134 : vector<16xi32>
      %bitcast3A_136 = vector.bitcast %and3A_135 : vector<16xi32> to vector<16xf32>
      %mul3A_137 = arith.mulf %bitcast3A, %gather3A : vector<16xf32>
      %swap3A = arith.index_cast %add3A_127 : i32 to index
      %swap3A_138 = arith.constant 0 : index
      %swap3A_139 = tpu.vector_load %arg12[%swap3A, %swap3A_138] {strides = array<i32>} : memref<128x128xf32, #tpu.memory_space<vmem>>, vector<16xf32>,
      tpu.vector_store %arg12[%swap3A, %swap3A_138], %mul3A_137 {strides = array<i32>} : memref<128x128xf32, #tpu.memory_space<vmem>>, vector<16xf32>,
      %mul3A_140 = arith.mulf %bitcast3A_136, %gather3A : vector<16xf32>
      %swap3A_141 = arith.index_cast %add3A_127 : i32 to index
      %swap3A_142 = arith.constant 16 : index
      %swap3A_143 = tpu.vector_load %arg12[%swap3A_141, %swap3A_142] {strides = array<i32>} : memref<128x128xf32, #tpu.memory_space<vmem>>, vector<16xf32>,
      tpu.vector_store %arg12[%swap3A_141, %swap3A_142], %mul3A_140 {strides = array<i32>} : memref<128x128xf32, #tpu.memory_space<vmem>>, vector<16xf32>,
      %get3A_144 = arith.index_cast %add3A_127 : i32 to index
      %get3A_145 = arith.constant 16 : index
      %get3A_146 = tpu.vector_load %arg11[%get3A_144, %get3A_145] {strides = array<i32>} : memref<128x64xi32, #tpu.memory_space<vmem>>, vector<16xi32>,
      %shift_left3A_147 = arith.constant 16 : i32
      %shift_left3A_148 = vector.broadcast %shift_left3A_147 : i32 to vector<16xi32>
      %shift_left3A_149 = arith.shli %get3A_146, %shift_left3A_148 : vector<16xi32>
      %bitcast3A_150 = vector.bitcast %shift_left3A_149 : vector<16xi32> to vector<16xf32>
      %and3A_151 = arith.constant -65536 : i32
      %and3A_152 = vector.broadcast %and3A_151 : i32 to vector<16xi32>
      %and3A_153 = arith.andi %get3A_146, %and3A_152 : vector<16xi32>
      %bitcast3A_154 = vector.bitcast %and3A_153 : vector<16xi32> to vector<16xf32>
      %mul3A_155 = arith.mulf %bitcast3A_150, %gather3A : vector<16xf32>
      %swap3A_156 = arith.index_cast %add3A_127 : i32 to index
      %swap3A_157 = arith.constant 32 : index
      %swap3A_158 = tpu.vector_load %arg12[%swap3A_156, %swap3A_157] {strides = array<i32>} : memref<128x128xf32, #tpu.memory_space<vmem>>, vector<16xf32>,
      tpu.vector_store %arg12[%swap3A_156, %swap3A_157], %mul3A_155 {strides = array<i32>} : memref<128x128xf32, #tpu.memory_space<vmem>>, vector<16xf32>,
      %mul3A_159 = arith.mulf %bitcast3A_154, %gather3A : vector<16xf32>
      %swap3A_160 = arith.index_cast %add3A_127 : i32 to index
      %swap3A_161 = arith.constant 48 : index
      %swap3A_162 = tpu.vector_load %arg12[%swap3A_160, %swap3A_161] {strides = array<i32>} : memref<128x128xf32, #tpu.memory_space<vmem>>, vector<16xf32>,
      tpu.vector_store %arg12[%swap3A_160, %swap3A_161], %mul3A_159 {strides = array<i32>} : memref<128x128xf32, #tpu.memory_space<vmem>>, vector<16xf32>,
      %get3A_163 = arith.index_cast %add3A_127 : i32 to index
      %get3A_164 = arith.constant 32 : index
      %get3A_165 = tpu.vector_load %arg11[%get3A_163, %get3A_164] {strides = array<i32>} : memref<128x64xi32, #tpu.memory_space<vmem>>, vector<16xi32>,
      %shift_left3A_166 = arith.constant 16 : i32
      %shift_left3A_167 = vector.broadcast %shift_left3A_166 : i32 to vector<16xi32>
      %shift_left3A_168 = arith.shli %get3A_165, %shift_left3A_167 : vector<16xi32>
      %bitcast3A_169 = vector.bitcast %shift_left3A_168 : vector<16xi32> to vector<16xf32>
      %and3A_170 = arith.constant -65536 : i32
      %and3A_171 = vector.broadcast %and3A_170 : i32 to vector<16xi32>
      %and3A_172 = arith.andi %get3A_165, %and3A_171 : vector<16xi32>
      %bitcast3A_173 = vector.bitcast %and3A_172 : vector<16xi32> to vector<16xf32>
      %mul3A_174 = arith.mulf %bitcast3A_169, %gather3A : vector<16xf32>
      %swap3A_175 = arith.index_cast %add3A_127 : i32 to index
      %swap3A_176 = arith.constant 64 : index
      %swap3A_177 = tpu.vector_load %arg12[%swap3A_175, %swap3A_176] {strides = array<i32>} : memref<128x128xf32, #tpu.memory_space<vmem>>, vector<16xf32>,
      tpu.vector_store %arg12[%swap3A_175, %swap3A_176], %mul3A_174 {strides = array<i32>} : memref<128x128xf32, #tpu.memory_space<vmem>>, vector<16xf32>,
      %mul3A_178 = arith.mulf %bitcast3A_173, %gather3A : vector<16xf32>
      %swap3A_179 = arith.index_cast %add3A_127 : i32 to index
      %swap3A_180 = arith.constant 80 : index
      %swap3A_181 = tpu.vector_load %arg12[%swap3A_179, %swap3A_180] {strides = array<i32>} : memref<128x128xf32, #tpu.memory_space<vmem>>, vector<16xf32>,
      tpu.vector_store %arg12[%swap3A_179, %swap3A_180], %mul3A_178 {strides = array<i32>} : memref<128x128xf32, #tpu.memory_space<vmem>>, vector<16xf32>,
      %get3A_182 = arith.index_cast %add3A_127 : i32 to index
      %get3A_183 = arith.constant 48 : index
      %get3A_184 = tpu.vector_load %arg11[%get3A_182, %get3A_183] {strides = array<i32>} : memref<128x64xi32, #tpu.memory_space<vmem>>, vector<16xi32>,
      %shift_left3A_185 = arith.constant 16 : i32
      %shift_left3A_186 = vector.broadcast %shift_left3A_185 : i32 to vector<16xi32>
      %shift_left3A_187 = arith.shli %get3A_184, %shift_left3A_186 : vector<16xi32>
      %bitcast3A_188 = vector.bitcast %shift_left3A_187 : vector<16xi32> to vector<16xf32>
      %and3A_189 = arith.constant -65536 : i32
      %and3A_190 = vector.broadcast %and3A_189 : i32 to vector<16xi32>
      %and3A_191 = arith.andi %get3A_184, %and3A_190 : vector<16xi32>
      %bitcast3A_192 = vector.bitcast %and3A_191 : vector<16xi32> to vector<16xf32>
      %mul3A_193 = arith.mulf %bitcast3A_188, %gather3A : vector<16xf32>
      %swap3A_194 = arith.index_cast %add3A_127 : i32 to index
      %swap3A_195 = arith.constant 96 : index
      %swap3A_196 = tpu.vector_load %arg12[%swap3A_194, %swap3A_195] {strides = array<i32>} : memref<128x128xf32, #tpu.memory_space<vmem>>, vector<16xf32>,
      tpu.vector_store %arg12[%swap3A_194, %swap3A_195], %mul3A_193 {strides = array<i32>} : memref<128x128xf32, #tpu.memory_space<vmem>>, vector<16xf32>,
      %mul3A_197 = arith.mulf %bitcast3A_192, %gather3A : vector<16xf32>
      %swap3A_198 = arith.index_cast %add3A_127 : i32 to index
      %swap3A_199 = arith.constant 112 : index
      %swap3A_200 = tpu.vector_load %arg12[%swap3A_198, %swap3A_199] {strides = array<i32>} : memref<128x128xf32, #tpu.memory_space<vmem>>, vector<16xf32>,
      tpu.vector_store %arg12[%swap3A_198, %swap3A_199], %mul3A_197 {strides = array<i32>} : memref<128x128xf32, #tpu.memory_space<vmem>>, vector<16xf32>,
      %add3A_201 = arith.constant 1 : i32
      %add3A_202 = arith.addi %add3A_125, %add3A_201 : i32
      %broadcast_in_dim3A_203 = arith.constant 39 : i32
      %broadcast_in_dim3A_204 = vector.broadcast %broadcast_in_dim3A_203 : i32 to vector<16xi32>
      %broadcast_in_dim3A_205 = vector.broadcast %add3A_202 : i32 to vector<16xi32>
      %gather3A_206 = tpu.vector_load_idx %arg9[%broadcast_in_dim3A_204, %broadcast_in_dim3A_205] : memref<40x128xf32, #tpu.memory_space<vmem>>[vector<16xi32>, vector<16xi32>], vector<16xf32>,
      %get3A_207 = arith.index_cast %add3A_202 : i32 to index
      %get3A_208 = arith.constant 0 : index
      %get3A_209 = tpu.vector_load %arg11[%get3A_207, %get3A_208] {strides = array<i32>} : memref<128x64xi32, #tpu.memory_space<vmem>>, vector<16xi32>,
      %shift_left3A_210 = arith.constant 16 : i32
      %shift_left3A_211 = vector.broadcast %shift_left3A_210 : i32 to vector<16xi32>
      %shift_left3A_212 = arith.shli %get3A_209, %shift_left3A_211 : vector<16xi32>
      %bitcast3A_213 = vector.bitcast %shift_left3A_212 : vector<16xi32> to vector<16xf32>
      %and3A_214 = arith.constant -65536 : i32
      %and3A_215 = vector.broadcast %and3A_214 : i32 to vector<16xi32>
      %and3A_216 = arith.andi %get3A_209, %and3A_215 : vector<16xi32>
      %bitcast3A_217 = vector.bitcast %and3A_216 : vector<16xi32> to vector<16xf32>
      %mul3A_218 = arith.mulf %bitcast3A_213, %gather3A_206 : vector<16xf32>
      %swap3A_219 = arith.index_cast %add3A_202 : i32 to index
      %swap3A_220 = arith.constant 0 : index
      %swap3A_221 = tpu.vector_load %arg12[%swap3A_219, %swap3A_220] {strides = array<i32>} : memref<128x128xf32, #tpu.memory_space<vmem>>, vector<16xf32>,
      tpu.vector_store %arg12[%swap3A_219, %swap3A_220], %mul3A_218 {strides = array<i32>} : memref<128x128xf32, #tpu.memory_space<vmem>>, vector<16xf32>,
      %mul3A_222 = arith.mulf %bitcast3A_217, %gather3A_206 : vector<16xf32>
      %swap3A_223 = arith.index_cast %add3A_202 : i32 to index
      %swap3A_224 = arith.constant 16 : index
      %swap3A_225 = tpu.vector_load %arg12[%swap3A_223, %swap3A_224] {strides = array<i32>} : memref<128x128xf32, #tpu.memory_space<vmem>>, vector<16xf32>,
      tpu.vector_store %arg12[%swap3A_223, %swap3A_224], %mul3A_222 {strides = array<i32>} : memref<128x128xf32, #tpu.memory_space<vmem>>, vector<16xf32>,
      %get3A_226 = arith.index_cast %add3A_202 : i32 to index
      %get3A_227 = arith.constant 16 : index
      %get3A_228 = tpu.vector_load %arg11[%get3A_226, %get3A_227] {strides = array<i32>} : memref<128x64xi32, #tpu.memory_space<vmem>>, vector<16xi32>,
      %shift_left3A_229 = arith.constant 16 : i32
      %shift_left3A_230 = vector.broadcast %shift_left3A_229 : i32 to vector<16xi32>
      %shift_left3A_231 = arith.shli %get3A_228, %shift_left3A_230 : vector<16xi32>
      %bitcast3A_232 = vector.bitcast %shift_left3A_231 : vector<16xi32> to vector<16xf32>
      %and3A_233 = arith.constant -65536 : i32
      %and3A_234 = vector.broadcast %and3A_233 : i32 to vector<16xi32>
      %and3A_235 = arith.andi %get3A_228, %and3A_234 : vector<16xi32>
      %bitcast3A_236 = vector.bitcast %and3A_235 : vector<16xi32> to vector<16xf32>
      %mul3A_237 = arith.mulf %bitcast3A_232, %gather3A_206 : vector<16xf32>
      %swap3A_238 = arith.index_cast %add3A_202 : i32 to index
      %swap3A_239 = arith.constant 32 : index
      %swap3A_240 = tpu.vector_load %arg12[%swap3A_238, %swap3A_239] {strides = array<i32>} : memref<128x128xf32, #tpu.memory_space<vmem>>, vector<16xf32>,
      tpu.vector_store %arg12[%swap3A_238, %swap3A_239], %mul3A_237 {strides = array<i32>} : memref<128x128xf32, #tpu.memory_space<vmem>>, vector<16xf32>,
      %mul3A_241 = arith.mulf %bitcast3A_236, %gather3A_206 : vector<16xf32>
      %swap3A_242 = arith.index_cast %add3A_202 : i32 to index
      %swap3A_243 = arith.constant 48 : index
      %swap3A_244 = tpu.vector_load %arg12[%swap3A_242, %swap3A_243] {strides = array<i32>} : memref<128x128xf32, #tpu.memory_space<vmem>>, vector<16xf32>,
      tpu.vector_store %arg12[%swap3A_242, %swap3A_243], %mul3A_241 {strides = array<i32>} : memref<128x128xf32, #tpu.memory_space<vmem>>, vector<16xf32>,
      %get3A_245 = arith.index_cast %add3A_202 : i32 to index
      %get3A_246 = arith.constant 32 : index
      %get3A_247 = tpu.vector_load %arg11[%get3A_245, %get3A_246] {strides = array<i32>} : memref<128x64xi32, #tpu.memory_space<vmem>>, vector<16xi32>,
      %shift_left3A_248 = arith.constant 16 : i32
      %shift_left3A_249 = vector.broadcast %shift_left3A_248 : i32 to vector<16xi32>
      %shift_left3A_250 = arith.shli %get3A_247, %shift_left3A_249 : vector<16xi32>
      %bitcast3A_251 = vector.bitcast %shift_left3A_250 : vector<16xi32> to vector<16xf32>
      %and3A_252 = arith.constant -65536 : i32
      %and3A_253 = vector.broadcast %and3A_252 : i32 to vector<16xi32>
      %and3A_254 = arith.andi %get3A_247, %and3A_253 : vector<16xi32>
      %bitcast3A_255 = vector.bitcast %and3A_254 : vector<16xi32> to vector<16xf32>
      %mul3A_256 = arith.mulf %bitcast3A_251, %gather3A_206 : vector<16xf32>
      %swap3A_257 = arith.index_cast %add3A_202 : i32 to index
      %swap3A_258 = arith.constant 64 : index
      %swap3A_259 = tpu.vector_load %arg12[%swap3A_257, %swap3A_258] {strides = array<i32>} : memref<128x128xf32, #tpu.memory_space<vmem>>, vector<16xf32>,
      tpu.vector_store %arg12[%swap3A_257, %swap3A_258], %mul3A_256 {strides = array<i32>} : memref<128x128xf32, #tpu.memory_space<vmem>>, vector<16xf32>,
      %mul3A_260 = arith.mulf %bitcast3A_255, %gather3A_206 : vector<16xf32>
      %swap3A_261 = arith.index_cast %add3A_202 : i32 to index
      %swap3A_262 = arith.constant 80 : index
      %swap3A_263 = tpu.vector_load %arg12[%swap3A_261, %swap3A_262] {strides = array<i32>} : memref<128x128xf32, #tpu.memory_space<vmem>>, vector<16xf32>,
      tpu.vector_store %arg12[%swap3A_261, %swap3A_262], %mul3A_260 {strides = array<i32>} : memref<128x128xf32, #tpu.memory_space<vmem>>, vector<16xf32>,
      %get3A_264 = arith.index_cast %add3A_202 : i32 to index
      %get3A_265 = arith.constant 48 : index
      %get3A_266 = tpu.vector_load %arg11[%get3A_264, %get3A_265] {strides = array<i32>} : memref<128x64xi32, #tpu.memory_space<vmem>>, vector<16xi32>,
      %shift_left3A_267 = arith.constant 16 : i32
      %shift_left3A_268 = vector.broadcast %shift_left3A_267 : i32 to vector<16xi32>
      %shift_left3A_269 = arith.shli %get3A_266, %shift_left3A_268 : vector<16xi32>
      %bitcast3A_270 = vector.bitcast %shift_left3A_269 : vector<16xi32> to vector<16xf32>
      %and3A_271 = arith.constant -65536 : i32
      %and3A_272 = vector.broadcast %and3A_271 : i32 to vector<16xi32>
      %and3A_273 = arith.andi %get3A_266, %and3A_272 : vector<16xi32>
      %bitcast3A_274 = vector.bitcast %and3A_273 : vector<16xi32> to vector<16xf32>
      %mul3A_275 = arith.mulf %bitcast3A_270, %gather3A_206 : vector<16xf32>
      %swap3A_276 = arith.index_cast %add3A_202 : i32 to index
      %swap3A_277 = arith.constant 96 : index
      %swap3A_278 = tpu.vector_load %arg12[%swap3A_276, %swap3A_277] {strides = array<i32>} : memref<128x128xf32, #tpu.memory_space<vmem>>, vector<16xf32>,
      tpu.vector_store %arg12[%swap3A_276, %swap3A_277], %mul3A_275 {strides = array<i32>} : memref<128x128xf32, #tpu.memory_space<vmem>>, vector<16xf32>,
      %mul3A_279 = arith.mulf %bitcast3A_274, %gather3A_206 : vector<16xf32>
      %swap3A_280 = arith.index_cast %add3A_202 : i32 to index
      %swap3A_281 = arith.constant 112 : index
      %swap3A_282 = tpu.vector_load %arg12[%swap3A_280, %swap3A_281] {strides = array<i32>} : memref<128x128xf32, #tpu.memory_space<vmem>>, vector<16xf32>,
      tpu.vector_store %arg12[%swap3A_280, %swap3A_281], %mul3A_279 {strides = array<i32>} : memref<128x128xf32, #tpu.memory_space<vmem>>, vector<16xf32>,
      %add3A_283 = arith.constant 2 : i32
      %add3A_284 = arith.addi %add3A_125, %add3A_283 : i32
      %broadcast_in_dim3A_285 = arith.constant 39 : i32
      %broadcast_in_dim3A_286 = vector.broadcast %broadcast_in_dim3A_285 : i32 to vector<16xi32>
      %broadcast_in_dim3A_287 = vector.broadcast %add3A_284 : i32 to vector<16xi32>
      %gather3A_288 = tpu.vector_load_idx %arg9[%broadcast_in_dim3A_286, %broadcast_in_dim3A_287] : memref<40x128xf32, #tpu.memory_space<vmem>>[vector<16xi32>, vector<16xi32>], vector<16xf32>,
      %get3A_289 = arith.index_cast %add3A_284 : i32 to index
      %get3A_290 = arith.constant 0 : index
      %get3A_291 = tpu.vector_load %arg11[%get3A_289, %get3A_290] {strides = array<i32>} : memref<128x64xi32, #tpu.memory_space<vmem>>, vector<16xi32>,
      %shift_left3A_292 = arith.constant 16 : i32
      %shift_left3A_293 = vector.broadcast %shift_left3A_292 : i32 to vector<16xi32>
      %shift_left3A_294 = arith.shli %get3A_291, %shift_left3A_293 : vector<16xi32>
      %bitcast3A_295 = vector.bitcast %shift_left3A_294 : vector<16xi32> to vector<16xf32>
      %and3A_296 = arith.constant -65536 : i32
      %and3A_297 = vector.broadcast %and3A_296 : i32 to vector<16xi32>
      %and3A_298 = arith.andi %get3A_291, %and3A_297 : vector<16xi32>
      %bitcast3A_299 = vector.bitcast %and3A_298 : vector<16xi32> to vector<16xf32>
      %mul3A_300 = arith.mulf %bitcast3A_295, %gather3A_288 : vector<16xf32>
      %swap3A_301 = arith.index_cast %add3A_284 : i32 to index
      %swap3A_302 = arith.constant 0 : index
      %swap3A_303 = tpu.vector_load %arg12[%swap3A_301, %swap3A_302] {strides = array<i32>} : memref<128x128xf32, #tpu.memory_space<vmem>>, vector<16xf32>,
      tpu.vector_store %arg12[%swap3A_301, %swap3A_302], %mul3A_300 {strides = array<i32>} : memref<128x128xf32, #tpu.memory_space<vmem>>, vector<16xf32>,
      %mul3A_304 = arith.mulf %bitcast3A_299, %gather3A_288 : vector<16xf32>
      %swap3A_305 = arith.index_cast %add3A_284 : i32 to index
      %swap3A_306 = arith.constant 16 : index
      %swap3A_307 = tpu.vector_load %arg12[%swap3A_305, %swap3A_306] {strides = array<i32>} : memref<128x128xf32, #tpu.memory_space<vmem>>, vector<16xf32>,
      tpu.vector_store %arg12[%swap3A_305, %swap3A_306], %mul3A_304 {strides = array<i32>} : memref<128x128xf32, #tpu.memory_space<vmem>>, vector<16xf32>,
      %get3A_308 = arith.index_cast %add3A_284 : i32 to index
      %get3A_309 = arith.constant 16 : index
      %get3A_310 = tpu.vector_load %arg11[%get3A_308, %get3A_309] {strides = array<i32>} : memref<128x64xi32, #tpu.memory_space<vmem>>, vector<16xi32>,
      %shift_left3A_311 = arith.constant 16 : i32
      %shift_left3A_312 = vector.broadcast %shift_left3A_311 : i32 to vector<16xi32>
      %shift_left3A_313 = arith.shli %get3A_310, %shift_left3A_312 : vector<16xi32>
      %bitcast3A_314 = vector.bitcast %shift_left3A_313 : vector<16xi32> to vector<16xf32>
      %and3A_315 = arith.constant -65536 : i32
      %and3A_316 = vector.broadcast %and3A_315 : i32 to vector<16xi32>
      %and3A_317 = arith.andi %get3A_310, %and3A_316 : vector<16xi32>
      %bitcast3A_318 = vector.bitcast %and3A_317 : vector<16xi32> to vector<16xf32>
      %mul3A_319 = arith.mulf %bitcast3A_314, %gather3A_288 : vector<16xf32>
      %swap3A_320 = arith.index_cast %add3A_284 : i32 to index
      %swap3A_321 = arith.constant 32 : index
      %swap3A_322 = tpu.vector_load %arg12[%swap3A_320, %swap3A_321] {strides = array<i32>} : memref<128x128xf32, #tpu.memory_space<vmem>>, vector<16xf32>,
      tpu.vector_store %arg12[%swap3A_320, %swap3A_321], %mul3A_319 {strides = array<i32>} : memref<128x128xf32, #tpu.memory_space<vmem>>, vector<16xf32>,
      %mul3A_323 = arith.mulf %bitcast3A_318, %gather3A_288 : vector<16xf32>
      %swap3A_324 = arith.index_cast %add3A_284 : i32 to index
      %swap3A_325 = arith.constant 48 : index
      %swap3A_326 = tpu.vector_load %arg12[%swap3A_324, %swap3A_325] {strides = array<i32>} : memref<128x128xf32, #tpu.memory_space<vmem>>, vector<16xf32>,
      tpu.vector_store %arg12[%swap3A_324, %swap3A_325], %mul3A_323 {strides = array<i32>} : memref<128x128xf32, #tpu.memory_space<vmem>>, vector<16xf32>,
      %get3A_327 = arith.index_cast %add3A_284 : i32 to index
      %get3A_328 = arith.constant 32 : index
      %get3A_329 = tpu.vector_load %arg11[%get3A_327, %get3A_328] {strides = array<i32>} : memref<128x64xi32, #tpu.memory_space<vmem>>, vector<16xi32>,
      %shift_left3A_330 = arith.constant 16 : i32
      %shift_left3A_331 = vector.broadcast %shift_left3A_330 : i32 to vector<16xi32>
      %shift_left3A_332 = arith.shli %get3A_329, %shift_left3A_331 : vector<16xi32>
      %bitcast3A_333 = vector.bitcast %shift_left3A_332 : vector<16xi32> to vector<16xf32>
      %and3A_334 = arith.constant -65536 : i32
      %and3A_335 = vector.broadcast %and3A_334 : i32 to vector<16xi32>
      %and3A_336 = arith.andi %get3A_329, %and3A_335 : vector<16xi32>
      %bitcast3A_337 = vector.bitcast %and3A_336 : vector<16xi32> to vector<16xf32>
      %mul3A_338 = arith.mulf %bitcast3A_333, %gather3A_288 : vector<16xf32>
      %swap3A_339 = arith.index_cast %add3A_284 : i32 to index
      %swap3A_340 = arith.constant 64 : index
      %swap3A_341 = tpu.vector_load %arg12[%swap3A_339, %swap3A_340] {strides = array<i32>} : memref<128x128xf32, #tpu.memory_space<vmem>>, vector<16xf32>,
      tpu.vector_store %arg12[%swap3A_339, %swap3A_340], %mul3A_338 {strides = array<i32>} : memref<128x128xf32, #tpu.memory_space<vmem>>, vector<16xf32>,
      %mul3A_342 = arith.mulf %bitcast3A_337, %gather3A_288 : vector<16xf32>
      %swap3A_343 = arith.index_cast %add3A_284 : i32 to index
      %swap3A_344 = arith.constant 80 : index
      %swap3A_345 = tpu.vector_load %arg12[%swap3A_343, %swap3A_344] {strides = array<i32>} : memref<128x128xf32, #tpu.memory_space<vmem>>, vector<16xf32>,
      tpu.vector_store %arg12[%swap3A_343, %swap3A_344], %mul3A_342 {strides = array<i32>} : memref<128x128xf32, #tpu.memory_space<vmem>>, vector<16xf32>,
      %get3A_346 = arith.index_cast %add3A_284 : i32 to index
      %get3A_347 = arith.constant 48 : index
      %get3A_348 = tpu.vector_load %arg11[%get3A_346, %get3A_347] {strides = array<i32>} : memref<128x64xi32, #tpu.memory_space<vmem>>, vector<16xi32>,
      %shift_left3A_349 = arith.constant 16 : i32
      %shift_left3A_350 = vector.broadcast %shift_left3A_349 : i32 to vector<16xi32>
      %shift_left3A_351 = arith.shli %get3A_348, %shift_left3A_350 : vector<16xi32>
      %bitcast3A_352 = vector.bitcast %shift_left3A_351 : vector<16xi32> to vector<16xf32>
      %and3A_353 = arith.constant -65536 : i32
      %and3A_354 = vector.broadcast %and3A_353 : i32 to vector<16xi32>
      %and3A_355 = arith.andi %get3A_348, %and3A_354 : vector<16xi32>
      %bitcast3A_356 = vector.bitcast %and3A_355 : vector<16xi32> to vector<16xf32>
      %mul3A_357 = arith.mulf %bitcast3A_352, %gather3A_288 : vector<16xf32>
      %swap3A_358 = arith.index_cast %add3A_284 : i32 to index
      %swap3A_359 = arith.constant 96 : index
      %swap3A_360 = tpu.vector_load %arg12[%swap3A_358, %swap3A_359] {strides = array<i32>} : memref<128x128xf32, #tpu.memory_space<vmem>>, vector<16xf32>,
      tpu.vector_store %arg12[%swap3A_358, %swap3A_359], %mul3A_357 {strides = array<i32>} : memref<128x128xf32, #tpu.memory_space<vmem>>, vector<16xf32>,
      %mul3A_361 = arith.mulf %bitcast3A_356, %gather3A_288 : vector<16xf32>
      %swap3A_362 = arith.index_cast %add3A_284 : i32 to index
      %swap3A_363 = arith.constant 112 : index
      %swap3A_364 = tpu.vector_load %arg12[%swap3A_362, %swap3A_363] {strides = array<i32>} : memref<128x128xf32, #tpu.memory_space<vmem>>, vector<16xf32>,
      tpu.vector_store %arg12[%swap3A_362, %swap3A_363], %mul3A_361 {strides = array<i32>} : memref<128x128xf32, #tpu.memory_space<vmem>>, vector<16xf32>,
      %add3A_365 = arith.constant 3 : i32
      %add3A_366 = arith.addi %add3A_125, %add3A_365 : i32
      %broadcast_in_dim3A_367 = arith.constant 39 : i32
      %broadcast_in_dim3A_368 = vector.broadcast %broadcast_in_dim3A_367 : i32 to vector<16xi32>
      %broadcast_in_dim3A_369 = vector.broadcast %add3A_366 : i32 to vector<16xi32>
      %gather3A_370 = tpu.vector_load_idx %arg9[%broadcast_in_dim3A_368, %broadcast_in_dim3A_369] : memref<40x128xf32, #tpu.memory_space<vmem>>[vector<16xi32>, vector<16xi32>], vector<16xf32>,
      %get3A_371 = arith.index_cast %add3A_366 : i32 to index
      %get3A_372 = arith.constant 0 : index
      %get3A_373 = tpu.vector_load %arg11[%get3A_371, %get3A_372] {strides = array<i32>} : memref<128x64xi32, #tpu.memory_space<vmem>>, vector<16xi32>,
      %shift_left3A_374 = arith.constant 16 : i32
      %shift_left3A_375 = vector.broadcast %shift_left3A_374 : i32 to vector<16xi32>
      %shift_left3A_376 = arith.shli %get3A_373, %shift_left3A_375 : vector<16xi32>
      %bitcast3A_377 = vector.bitcast %shift_left3A_376 : vector<16xi32> to vector<16xf32>
      %and3A_378 = arith.constant -65536 : i32
      %and3A_379 = vector.broadcast %and3A_378 : i32 to vector<16xi32>
      %and3A_380 = arith.andi %get3A_373, %and3A_379 : vector<16xi32>
      %bitcast3A_381 = vector.bitcast %and3A_380 : vector<16xi32> to vector<16xf32>
      %mul3A_382 = arith.mulf %bitcast3A_377, %gather3A_370 : vector<16xf32>
      %swap3A_383 = arith.index_cast %add3A_366 : i32 to index
      %swap3A_384 = arith.constant 0 : index
      %swap3A_385 = tpu.vector_load %arg12[%swap3A_383, %swap3A_384] {strides = array<i32>} : memref<128x128xf32, #tpu.memory_space<vmem>>, vector<16xf32>,
      tpu.vector_store %arg12[%swap3A_383, %swap3A_384], %mul3A_382 {strides = array<i32>} : memref<128x128xf32, #tpu.memory_space<vmem>>, vector<16xf32>,
      %mul3A_386 = arith.mulf %bitcast3A_381, %gather3A_370 : vector<16xf32>
      %swap3A_387 = arith.index_cast %add3A_366 : i32 to index
      %swap3A_388 = arith.constant 16 : index
      %swap3A_389 = tpu.vector_load %arg12[%swap3A_387, %swap3A_388] {strides = array<i32>} : memref<128x128xf32, #tpu.memory_space<vmem>>, vector<16xf32>,
      tpu.vector_store %arg12[%swap3A_387, %swap3A_388], %mul3A_386 {strides = array<i32>} : memref<128x128xf32, #tpu.memory_space<vmem>>, vector<16xf32>,
      %get3A_390 = arith.index_cast %add3A_366 : i32 to index
      %get3A_391 = arith.constant 16 : index
      %get3A_392 = tpu.vector_load %arg11[%get3A_390, %get3A_391] {strides = array<i32>} : memref<128x64xi32, #tpu.memory_space<vmem>>, vector<16xi32>,
      %shift_left3A_393 = arith.constant 16 : i32
      %shift_left3A_394 = vector.broadcast %shift_left3A_393 : i32 to vector<16xi32>
      %shift_left3A_395 = arith.shli %get3A_392, %shift_left3A_394 : vector<16xi32>
      %bitcast3A_396 = vector.bitcast %shift_left3A_395 : vector<16xi32> to vector<16xf32>
      %and3A_397 = arith.constant -65536 : i32
      %and3A_398 = vector.broadcast %and3A_397 : i32 to vector<16xi32>
      %and3A_399 = arith.andi %get3A_392, %and3A_398 : vector<16xi32>
      %bitcast3A_400 = vector.bitcast %and3A_399 : vector<16xi32> to vector<16xf32>
      %mul3A_401 = arith.mulf %bitcast3A_396, %gather3A_370 : vector<16xf32>
      %swap3A_402 = arith.index_cast %add3A_366 : i32 to index
      %swap3A_403 = arith.constant 32 : index
      %swap3A_404 = tpu.vector_load %arg12[%swap3A_402, %swap3A_403] {strides = array<i32>} : memref<128x128xf32, #tpu.memory_space<vmem>>, vector<16xf32>,
      tpu.vector_store %arg12[%swap3A_402, %swap3A_403], %mul3A_401 {strides = array<i32>} : memref<128x128xf32, #tpu.memory_space<vmem>>, vector<16xf32>,
      %mul3A_405 = arith.mulf %bitcast3A_400, %gather3A_370 : vector<16xf32>
      %swap3A_406 = arith.index_cast %add3A_366 : i32 to index
      %swap3A_407 = arith.constant 48 : index
      %swap3A_408 = tpu.vector_load %arg12[%swap3A_406, %swap3A_407] {strides = array<i32>} : memref<128x128xf32, #tpu.memory_space<vmem>>, vector<16xf32>,
      tpu.vector_store %arg12[%swap3A_406, %swap3A_407], %mul3A_405 {strides = array<i32>} : memref<128x128xf32, #tpu.memory_space<vmem>>, vector<16xf32>,
      %get3A_409 = arith.index_cast %add3A_366 : i32 to index
      %get3A_410 = arith.constant 32 : index
      %get3A_411 = tpu.vector_load %arg11[%get3A_409, %get3A_410] {strides = array<i32>} : memref<128x64xi32, #tpu.memory_space<vmem>>, vector<16xi32>,
      %shift_left3A_412 = arith.constant 16 : i32
      %shift_left3A_413 = vector.broadcast %shift_left3A_412 : i32 to vector<16xi32>
      %shift_left3A_414 = arith.shli %get3A_411, %shift_left3A_413 : vector<16xi32>
      %bitcast3A_415 = vector.bitcast %shift_left3A_414 : vector<16xi32> to vector<16xf32>
      %and3A_416 = arith.constant -65536 : i32
      %and3A_417 = vector.broadcast %and3A_416 : i32 to vector<16xi32>
      %and3A_418 = arith.andi %get3A_411, %and3A_417 : vector<16xi32>
      %bitcast3A_419 = vector.bitcast %and3A_418 : vector<16xi32> to vector<16xf32>
      %mul3A_420 = arith.mulf %bitcast3A_415, %gather3A_370 : vector<16xf32>
      %swap3A_421 = arith.index_cast %add3A_366 : i32 to index
      %swap3A_422 = arith.constant 64 : index
      %swap3A_423 = tpu.vector_load %arg12[%swap3A_421, %swap3A_422] {strides = array<i32>} : memref<128x128xf32, #tpu.memory_space<vmem>>, vector<16xf32>,
      tpu.vector_store %arg12[%swap3A_421, %swap3A_422], %mul3A_420 {strides = array<i32>} : memref<128x128xf32, #tpu.memory_space<vmem>>, vector<16xf32>,
      %mul3A_424 = arith.mulf %bitcast3A_419, %gather3A_370 : vector<16xf32>
      %swap3A_425 = arith.index_cast %add3A_366 : i32 to index
      %swap3A_426 = arith.constant 80 : index
      %swap3A_427 = tpu.vector_load %arg12[%swap3A_425, %swap3A_426] {strides = array<i32>} : memref<128x128xf32, #tpu.memory_space<vmem>>, vector<16xf32>,
      tpu.vector_store %arg12[%swap3A_425, %swap3A_426], %mul3A_424 {strides = array<i32>} : memref<128x128xf32, #tpu.memory_space<vmem>>, vector<16xf32>,
      %get3A_428 = arith.index_cast %add3A_366 : i32 to index
      %get3A_429 = arith.constant 48 : index
      %get3A_430 = tpu.vector_load %arg11[%get3A_428, %get3A_429] {strides = array<i32>} : memref<128x64xi32, #tpu.memory_space<vmem>>, vector<16xi32>,
      %shift_left3A_431 = arith.constant 16 : i32
      %shift_left3A_432 = vector.broadcast %shift_left3A_431 : i32 to vector<16xi32>
      %shift_left3A_433 = arith.shli %get3A_430, %shift_left3A_432 : vector<16xi32>
      %bitcast3A_434 = vector.bitcast %shift_left3A_433 : vector<16xi32> to vector<16xf32>
      %and3A_435 = arith.constant -65536 : i32
      %and3A_436 = vector.broadcast %and3A_435 : i32 to vector<16xi32>
      %and3A_437 = arith.andi %get3A_430, %and3A_436 : vector<16xi32>
      %bitcast3A_438 = vector.bitcast %and3A_437 : vector<16xi32> to vector<16xf32>
      %mul3A_439 = arith.mulf %bitcast3A_434, %gather3A_370 : vector<16xf32>
      %swap3A_440 = arith.index_cast %add3A_366 : i32 to index
      %swap3A_441 = arith.constant 96 : index
      %swap3A_442 = tpu.vector_load %arg12[%swap3A_440, %swap3A_441] {strides = array<i32>} : memref<128x128xf32, #tpu.memory_space<vmem>>, vector<16xf32>,
      tpu.vector_store %arg12[%swap3A_440, %swap3A_441], %mul3A_439 {strides = array<i32>} : memref<128x128xf32, #tpu.memory_space<vmem>>, vector<16xf32>,
      %mul3A_443 = arith.mulf %bitcast3A_438, %gather3A_370 : vector<16xf32>
      %swap3A_444 = arith.index_cast %add3A_366 : i32 to index
      %swap3A_445 = arith.constant 112 : index
      %swap3A_446 = tpu.vector_load %arg12[%swap3A_444, %swap3A_445] {strides = array<i32>} : memref<128x128xf32, #tpu.memory_space<vmem>>, vector<16xf32>,
      tpu.vector_store %arg12[%swap3A_444, %swap3A_445], %mul3A_443 {strides = array<i32>} : memref<128x128xf32, #tpu.memory_space<vmem>>, vector<16xf32>,
    }
    %scan3A_109 = arith.constant 32 : i32
    %run_scoped3A_110 = arith.constant 39 : i32
    "tpu.region"() ({
      %run_scoped3A_121 = tpu.sem_alloc : memref<!tpu.dma_semaphore, #tpu.memory_space<semaphore_mem>>
      %dma_start3A_122 = arith.constant 0 : i32
      %dma_start3A_123 = tpu.memref_slice %arg8[%run_scoped3A_110, %dma_start3A_122] : memref<40x128xi32, #tpu.memory_space<vmem>> -> memref<1x128xi32, #tpu.memory_space<vmem>>
      %dma_start3A_124 = tpu.memref_squeeze %dma_start3A_123 : memref<1x128xi32, #tpu.memory_space<vmem>> -> memref<128xi32, #tpu.memory_space<vmem>>
      %dma_start3A_125 = arith.constant 0 : i32
      %dma_start3A_126 = arith.constant 0 : i32
      %dma_start3A_127 = tpu.memref_slice %arg15[%dma_start3A_125, %dma_start3A_126] : memref<10000x128xf32, #tpu.memory_space<vmem_shared>> -> memref<10000x128xf32, #tpu.memory_space<vmem_shared>>
      tpu.enqueue_indirect_dma source(%arg12 : memref<128x128xf32, #tpu.memory_space<vmem>>) target(%dma_start3A_127 : memref<10000x128xf32, #tpu.memory_space<vmem_shared>>) offsets(%dma_start3A_124 : memref<128xi32, #tpu.memory_space<vmem>>) semaphore(%run_scoped3A_121 : memref<!tpu.dma_semaphore, #tpu.memory_space<semaphore_mem>>) {add = true}
      %dma_wait3A_128 = arith.constant 0 : i32
      %dma_wait3A_129 = tpu.memref_slice %arg8[%run_scoped3A_110, %dma_wait3A_128] : memref<40x128xi32, #tpu.memory_space<vmem>> -> memref<1x128xi32, #tpu.memory_space<vmem>>
      %dma_wait3A_130 = tpu.memref_squeeze %dma_wait3A_129 : memref<1x128xi32, #tpu.memory_space<vmem>> -> memref<128xi32, #tpu.memory_space<vmem>>
      %dma_wait3A_131 = arith.constant 0 : i32
      %dma_wait3A_132 = arith.constant 0 : i32
      %dma_wait3A_133 = tpu.memref_slice %arg15[%dma_wait3A_131, %dma_wait3A_132] : memref<10000x128xf32, #tpu.memory_space<vmem_shared>> -> memref<10000x128xf32, #tpu.memory_space<vmem_shared>>
      tpu.wait_indirect_dma semaphore(%run_scoped3A_121 : memref<!tpu.dma_semaphore, #tpu.memory_space<semaphore_mem>>) src(%arg12 : memref<128x128xf32, #tpu.memory_space<vmem>>) dst(%dma_wait3A_133 : memref<10000x128xf32, #tpu.memory_space<vmem_shared>>)
      tpu.yield
    }) : () -> ()
    %barrier3A_111 = arith.constant 0 : index
    tpu.barrier barrier_id(%barrier3A_111)
    %mul3A_112 = arith.constant 624 : i32
    %mul3A_113 = arith.muli %arg1, %mul3A_112 : i32
    %mul3A_114 = arith.constant 624 : i32
    %mul3A_115 = arith.muli %arg1, %mul3A_114 : i32
    "tpu.region"() ({
      %run_scoped3A_121 = tpu.sem_alloc : memref<!tpu.dma_semaphore, #tpu.memory_space<semaphore_mem>>
      %dma_start3A_122 = arith.constant 0 : i32
      %dma_start3A_123 = tpu.memref_slice %arg6[%arg0, %mul3A_115, %dma_start3A_122] : memref<2x10000x128xf32, #tpu.memory_space<hbm>> -> memref<1x624x128xf32, #tpu.memory_space<hbm>>
      %dma_start3A_124 = tpu.memref_squeeze %dma_start3A_123 : memref<1x624x128xf32, #tpu.memory_space<hbm>> -> memref<624x128xf32, #tpu.memory_space<hbm>>
      %dma_start3A_125 = arith.constant 0 : i32
      %dma_start3A_126 = tpu.memref_slice %arg15[%mul3A_113, %dma_start3A_125] : memref<10000x128xf32, #tpu.memory_space<vmem_shared>> -> memref<624x128xf32, #tpu.memory_space<vmem_shared>>
      tpu.enqueue_dma source(%dma_start3A_126 : memref<624x128xf32, #tpu.memory_space<vmem_shared>>) target(%dma_start3A_124 : memref<624x128xf32, #tpu.memory_space<hbm>>) target_semaphore(%run_scoped3A_121 : memref<!tpu.dma_semaphore, #tpu.memory_space<semaphore_mem>>)
      %dma_wait3A_127 = arith.constant 0 : i32
      %dma_wait3A_128 = tpu.memref_slice %arg6[%arg0, %mul3A_115, %dma_wait3A_127] : memref<2x10000x128xf32, #tpu.memory_space<hbm>> -> memref<1x624x128xf32, #tpu.memory_space<hbm>>
      %dma_wait3A_129 = tpu.memref_squeeze %dma_wait3A_128 : memref<1x624x128xf32, #tpu.memory_space<hbm>> -> memref<624x128xf32, #tpu.memory_space<hbm>>
      %dma_wait3A_130 = arith.constant 0 : i32
      %dma_wait3A_131 = tpu.memref_slice %arg15[%mul3A_113, %dma_wait3A_130] : memref<10000x128xf32, #tpu.memory_space<vmem_shared>> -> memref<624x128xf32, #tpu.memory_space<vmem_shared>>
      tpu.wait_dma2 semaphore(%run_scoped3A_121 : memref<!tpu.dma_semaphore, #tpu.memory_space<semaphore_mem>>) src(%dma_wait3A_131 : memref<624x128xf32, #tpu.memory_space<vmem_shared>>) dst(%dma_wait3A_129 : memref<624x128xf32, #tpu.memory_space<hbm>>)
      tpu.yield
    }) : () -> ()
    %eq3A_116 = arith.constant 15 : i32
    %eq3A_117 = arith.cmpi eq, %arg1, %eq3A_116 : i32
    %convert_element_type3A_118 = arith.extui %eq3A_117 : i1 to i32
    %cond3A_119 = arith.constant 0 : i32
    %cond3A_120 = arith.cmpi ne, %convert_element_type3A_118, %cond3A_119 : i32
    scf.if %cond3A_120 {
      "tpu.region"() ({
        %run_scoped3A_121 = tpu.sem_alloc : memref<!tpu.dma_semaphore, #tpu.memory_space<semaphore_mem>>
        %dma_start3A_122 = arith.constant 9984 : i32
        %dma_start3A_123 = arith.constant 0 : i32
        %dma_start3A_124 = tpu.memref_slice %arg6[%arg0, %dma_start3A_122, %dma_start3A_123] : memref<2x10000x128xf32, #tpu.memory_space<hbm>> -> memref<1x16x128xf32, #tpu.memory_space<hbm>>
        %dma_start3A_125 = tpu.memref_squeeze %dma_start3A_124 : memref<1x16x128xf32, #tpu.memory_space<hbm>> -> memref<16x128xf32, #tpu.memory_space<hbm>>
        %dma_start3A_126 = arith.constant 9984 : i32
        %dma_start3A_127 = arith.constant 0 : i32
        %dma_start3A_128 = tpu.memref_slice %arg15[%dma_start3A_126, %dma_start3A_127] : memref<10000x128xf32, #tpu.memory_space<vmem_shared>> -> memref<16x128xf32, #tpu.memory_space<vmem_shared>>
        tpu.enqueue_dma source(%dma_start3A_128 : memref<16x128xf32, #tpu.memory_space<vmem_shared>>) target(%dma_start3A_125 : memref<16x128xf32, #tpu.memory_space<hbm>>) target_semaphore(%run_scoped3A_121 : memref<!tpu.dma_semaphore, #tpu.memory_space<semaphore_mem>>)
        %dma_wait3A_129 = arith.constant 9984 : i32
        %dma_wait3A_130 = arith.constant 0 : i32
        %dma_wait3A_131 = tpu.memref_slice %arg6[%arg0, %dma_wait3A_129, %dma_wait3A_130] : memref<2x10000x128xf32, #tpu.memory_space<hbm>> -> memref<1x16x128xf32, #tpu.memory_space<hbm>>
        %dma_wait3A_132 = tpu.memref_squeeze %dma_wait3A_131 : memref<1x16x128xf32, #tpu.memory_space<hbm>> -> memref<16x128xf32, #tpu.memory_space<hbm>>
        %dma_wait3A_133 = arith.constant 9984 : i32
        %dma_wait3A_134 = arith.constant 0 : i32
        %dma_wait3A_135 = tpu.memref_slice %arg15[%dma_wait3A_133, %dma_wait3A_134] : memref<10000x128xf32, #tpu.memory_space<vmem_shared>> -> memref<16x128xf32, #tpu.memory_space<vmem_shared>>
        tpu.wait_dma2 semaphore(%run_scoped3A_121 : memref<!tpu.dma_semaphore, #tpu.memory_space<semaphore_mem>>) src(%dma_wait3A_135 : memref<16x128xf32, #tpu.memory_space<vmem_shared>>) dst(%dma_wait3A_132 : memref<16x128xf32, #tpu.memory_space<hbm>>)
        tpu.yield
      }) : () -> ()
    } else {
    }
    return
  }
}

module attributes {stable_mosaic.version = 14 : i64} {
  func.func @_xw_body(%arg0: i32, %arg1: i32, %arg2: memref<1x1x4xf32, #tpu.memory_space<vmem>>, %arg3: memref<4x128x64xf32, #tpu.memory_space<vmem>>, %arg4: memref<4x128x64xf32, #tpu.memory_space<vmem>>, %arg5: memref<1000x128xf32, #tpu.memory_space<vmem>>, %arg6: memref<1x1000x64xi32, #tpu.memory_space<vmem>>) attributes {dimension_semantics = [#tpu.dimension_semantics<arbitrary>, #tpu.dimension_semantics<arbitrary>], iteration_bounds = array<i64: 8, 10>, scalar_prefetch = 0 : i64, scratch_operands = 0 : i64, tpu.core_type = #tpu.core_type<tc>, window_params = [{transform_indices = @transform_0, window_bounds = array<i64: 1, 1, 4>}, {pipeline_mode = #tpu.pipeline_mode<synchronous>, transform_indices = @transform_1, window_bounds = array<i64: 4, 128, 64>}, {pipeline_mode = #tpu.pipeline_mode<synchronous>, transform_indices = @transform_2, window_bounds = array<i64: 4, 128, 64>}, {transform_indices = @transform_3, window_bounds = array<i64: 1000, 128>}, {transform_indices = @transform_4, window_bounds = array<i64: 1, 1000, 64>}]} {
    %get3A = arith.constant 0 : index
    %get3A_0 = arith.constant 0 : index
    %get3A_1 = arith.constant 0 : index
    %get3A_2 = vector.load %arg2[%get3A, %get3A_0, %get3A_1] : memref<1x1x4xf32, #tpu.memory_space<vmem>>, vector<1x1x1xf32>
    %get3A_3 = vector.extract %get3A_2[0, 0, 0] : f32 from vector<1x1x1xf32>
    %get3A_4 = arith.constant 0 : index
    %get3A_5 = arith.constant 0 : index
    %get3A_6 = arith.constant 0 : index
    %get3A_7 = vector.load %arg3[%get3A_4, %get3A_5, %get3A_6] : memref<4x128x64xf32, #tpu.memory_space<vmem>>, vector<1x128x64xf32>
    %get3A_8 = vector.shape_cast %get3A_7 : vector<1x128x64xf32> to vector<128x64xf32>
    %mul3A = vector.broadcast %get3A_3 : f32 to vector<128x64xf32>
    %mul3A_9 = arith.mulf %mul3A, %get3A_8 : vector<128x64xf32>
    %get3A_10 = arith.constant 0 : index
    %get3A_11 = arith.constant 0 : index
    %get3A_12 = arith.constant 0 : index
    %get3A_13 = vector.load %arg2[%get3A_10, %get3A_11, %get3A_12] : memref<1x1x4xf32, #tpu.memory_space<vmem>>, vector<1x1x1xf32>
    %get3A_14 = vector.extract %get3A_13[0, 0, 0] : f32 from vector<1x1x1xf32>
    %get3A_15 = arith.constant 0 : index
    %get3A_16 = arith.constant 0 : index
    %get3A_17 = arith.constant 0 : index
    %get3A_18 = vector.load %arg4[%get3A_15, %get3A_16, %get3A_17] : memref<4x128x64xf32, #tpu.memory_space<vmem>>, vector<1x128x64xf32>
    %get3A_19 = vector.shape_cast %get3A_18 : vector<1x128x64xf32> to vector<128x64xf32>
    %mul3A_20 = vector.broadcast %get3A_14 : f32 to vector<128x64xf32>
    %mul3A_21 = arith.mulf %mul3A_20, %get3A_19 : vector<128x64xf32>
    %get3A_22 = arith.constant 0 : index
    %get3A_23 = arith.constant 0 : index
    %get3A_24 = arith.constant 1 : index
    %get3A_25 = vector.load %arg2[%get3A_22, %get3A_23, %get3A_24] : memref<1x1x4xf32, #tpu.memory_space<vmem>>, vector<1x1x1xf32>
    %get3A_26 = vector.extract %get3A_25[0, 0, 0] : f32 from vector<1x1x1xf32>
    %get3A_27 = arith.constant 1 : index
    %get3A_28 = arith.constant 0 : index
    %get3A_29 = arith.constant 0 : index
    %get3A_30 = vector.load %arg3[%get3A_27, %get3A_28, %get3A_29] : memref<4x128x64xf32, #tpu.memory_space<vmem>>, vector<1x128x64xf32>
    %get3A_31 = vector.shape_cast %get3A_30 : vector<1x128x64xf32> to vector<128x64xf32>
    %mul3A_32 = vector.broadcast %get3A_26 : f32 to vector<128x64xf32>
    %mul3A_33 = arith.mulf %mul3A_32, %get3A_31 : vector<128x64xf32>
    %add3A = arith.addf %mul3A_9, %mul3A_33 : vector<128x64xf32>
    %get3A_34 = arith.constant 0 : index
    %get3A_35 = arith.constant 0 : index
    %get3A_36 = arith.constant 1 : index
    %get3A_37 = vector.load %arg2[%get3A_34, %get3A_35, %get3A_36] : memref<1x1x4xf32, #tpu.memory_space<vmem>>, vector<1x1x1xf32>
    %get3A_38 = vector.extract %get3A_37[0, 0, 0] : f32 from vector<1x1x1xf32>
    %get3A_39 = arith.constant 1 : index
    %get3A_40 = arith.constant 0 : index
    %get3A_41 = arith.constant 0 : index
    %get3A_42 = vector.load %arg4[%get3A_39, %get3A_40, %get3A_41] : memref<4x128x64xf32, #tpu.memory_space<vmem>>, vector<1x128x64xf32>
    %get3A_43 = vector.shape_cast %get3A_42 : vector<1x128x64xf32> to vector<128x64xf32>
    %mul3A_44 = vector.broadcast %get3A_38 : f32 to vector<128x64xf32>
    %mul3A_45 = arith.mulf %mul3A_44, %get3A_43 : vector<128x64xf32>
    %add3A_46 = arith.addf %mul3A_21, %mul3A_45 : vector<128x64xf32>
    %get3A_47 = arith.constant 0 : index
    %get3A_48 = arith.constant 0 : index
    %get3A_49 = arith.constant 2 : index
    %get3A_50 = vector.load %arg2[%get3A_47, %get3A_48, %get3A_49] : memref<1x1x4xf32, #tpu.memory_space<vmem>>, vector<1x1x1xf32>
    %get3A_51 = vector.extract %get3A_50[0, 0, 0] : f32 from vector<1x1x1xf32>
    %get3A_52 = arith.constant 2 : index
    %get3A_53 = arith.constant 0 : index
    %get3A_54 = arith.constant 0 : index
    %get3A_55 = vector.load %arg3[%get3A_52, %get3A_53, %get3A_54] : memref<4x128x64xf32, #tpu.memory_space<vmem>>, vector<1x128x64xf32>
    %get3A_56 = vector.shape_cast %get3A_55 : vector<1x128x64xf32> to vector<128x64xf32>
    %mul3A_57 = vector.broadcast %get3A_51 : f32 to vector<128x64xf32>
    %mul3A_58 = arith.mulf %mul3A_57, %get3A_56 : vector<128x64xf32>
    %add3A_59 = arith.addf %add3A, %mul3A_58 : vector<128x64xf32>
    %get3A_60 = arith.constant 0 : index
    %get3A_61 = arith.constant 0 : index
    %get3A_62 = arith.constant 2 : index
    %get3A_63 = vector.load %arg2[%get3A_60, %get3A_61, %get3A_62] : memref<1x1x4xf32, #tpu.memory_space<vmem>>, vector<1x1x1xf32>
    %get3A_64 = vector.extract %get3A_63[0, 0, 0] : f32 from vector<1x1x1xf32>
    %get3A_65 = arith.constant 2 : index
    %get3A_66 = arith.constant 0 : index
    %get3A_67 = arith.constant 0 : index
    %get3A_68 = vector.load %arg4[%get3A_65, %get3A_66, %get3A_67] : memref<4x128x64xf32, #tpu.memory_space<vmem>>, vector<1x128x64xf32>
    %get3A_69 = vector.shape_cast %get3A_68 : vector<1x128x64xf32> to vector<128x64xf32>
    %mul3A_70 = vector.broadcast %get3A_64 : f32 to vector<128x64xf32>
    %mul3A_71 = arith.mulf %mul3A_70, %get3A_69 : vector<128x64xf32>
    %add3A_72 = arith.addf %add3A_46, %mul3A_71 : vector<128x64xf32>
    %get3A_73 = arith.constant 0 : index
    %get3A_74 = arith.constant 0 : index
    %get3A_75 = arith.constant 3 : index
    %get3A_76 = vector.load %arg2[%get3A_73, %get3A_74, %get3A_75] : memref<1x1x4xf32, #tpu.memory_space<vmem>>, vector<1x1x1xf32>
    %get3A_77 = vector.extract %get3A_76[0, 0, 0] : f32 from vector<1x1x1xf32>
    %get3A_78 = arith.constant 3 : index
    %get3A_79 = arith.constant 0 : index
    %get3A_80 = arith.constant 0 : index
    %get3A_81 = vector.load %arg3[%get3A_78, %get3A_79, %get3A_80] : memref<4x128x64xf32, #tpu.memory_space<vmem>>, vector<1x128x64xf32>
    %get3A_82 = vector.shape_cast %get3A_81 : vector<1x128x64xf32> to vector<128x64xf32>
    %mul3A_83 = vector.broadcast %get3A_77 : f32 to vector<128x64xf32>
    %mul3A_84 = arith.mulf %mul3A_83, %get3A_82 : vector<128x64xf32>
    %add3A_85 = arith.addf %add3A_59, %mul3A_84 : vector<128x64xf32>
    %get3A_86 = arith.constant 0 : index
    %get3A_87 = arith.constant 0 : index
    %get3A_88 = arith.constant 3 : index
    %get3A_89 = vector.load %arg2[%get3A_86, %get3A_87, %get3A_88] : memref<1x1x4xf32, #tpu.memory_space<vmem>>, vector<1x1x1xf32>
    %get3A_90 = vector.extract %get3A_89[0, 0, 0] : f32 from vector<1x1x1xf32>
    %get3A_91 = arith.constant 3 : index
    %get3A_92 = arith.constant 0 : index
    %get3A_93 = arith.constant 0 : index
    %get3A_94 = vector.load %arg4[%get3A_91, %get3A_92, %get3A_93] : memref<4x128x64xf32, #tpu.memory_space<vmem>>, vector<1x128x64xf32>
    %get3A_95 = vector.shape_cast %get3A_94 : vector<1x128x64xf32> to vector<128x64xf32>
    %mul3A_96 = vector.broadcast %get3A_90 : f32 to vector<128x64xf32>
    %mul3A_97 = arith.mulf %mul3A_96, %get3A_95 : vector<128x64xf32>
    %add3A_98 = arith.addf %add3A_72, %mul3A_97 : vector<128x64xf32>
    %get3A_99 = arith.constant 0 : index
    %get3A_100 = arith.constant 0 : index
    %get3A_101 = vector.load %arg5[%get3A_99, %get3A_100] : memref<1000x128xf32, #tpu.memory_space<vmem>>, vector<1000x128xf32>
    %dot_general3A = arith.constant dense<0.000000e+00> : vector<1000x64xf32>
    %dot_general3A_102 = tpu.matmul %get3A_101, %add3A_85, %dot_general3A {dimension_numbers = #tpu.dot_dimension_numbers<[1], [0], [0], [1], [0, 0, 1, 1], [], []>, transpose_lhs_hint = false} : vector<1000x128xf32>, vector<128x64xf32>, vector<1000x64xf32> -> vector<1000x64xf32>
    %dot_general3A_103 = arith.constant dense<0.000000e+00> : vector<1000x64xf32>
    %dot_general3A_104 = tpu.matmul %get3A_101, %add3A_98, %dot_general3A_103 {dimension_numbers = #tpu.dot_dimension_numbers<[1], [0], [0], [1], [0, 0, 1, 1], [], []>, transpose_lhs_hint = false} : vector<1000x128xf32>, vector<128x64xf32>, vector<1000x64xf32> -> vector<1000x64xf32>
    %convert_element_type3A = arith.truncf %dot_general3A_102 : vector<1000x64xf32> to vector<1000x64xbf16>
    %bitcast_convert_type3A = tpu.bitcast %convert_element_type3A : vector<1000x64xbf16> -> vector<1000x64xi16>
    %convert_element_type3A_105 = arith.extui %bitcast_convert_type3A : vector<1000x64xi16> to vector<1000x64xi32>
    %convert_element_type3A_106 = arith.truncf %dot_general3A_104 : vector<1000x64xf32> to vector<1000x64xbf16>
    %bitcast_convert_type3A_107 = tpu.bitcast %convert_element_type3A_106 : vector<1000x64xbf16> -> vector<1000x64xi16>
    %convert_element_type3A_108 = arith.extui %bitcast_convert_type3A_107 : vector<1000x64xi16> to vector<1000x64xi32>
    %shift_left3A = arith.constant 16 : i32
    %shift_left3A_109 = vector.broadcast %shift_left3A : i32 to vector<1000x64xi32>
    %shift_left3A_110 = arith.shli %convert_element_type3A_108, %shift_left3A_109 : vector<1000x64xi32>
    %or3A = arith.ori %shift_left3A_110, %convert_element_type3A_105 : vector<1000x64xi32>
    %swap3A = arith.constant 0 : index
    %swap3A_111 = arith.constant 0 : index
    %swap3A_112 = arith.constant 0 : index
    %swap3A_113 = vector.load %arg6[%swap3A, %swap3A_111, %swap3A_112] : memref<1x1000x64xi32, #tpu.memory_space<vmem>>, vector<1x1000x64xi32>
    %swap3A_114 = vector.shape_cast %swap3A_113 : vector<1x1000x64xi32> to vector<1000x64xi32>
    %swap3A_115 = vector.shape_cast %or3A : vector<1000x64xi32> to vector<1x1000x64xi32>
    tpu.vector_store %arg6[%swap3A, %swap3A_111, %swap3A_112], %swap3A_115 {strides = array<i32>} : memref<1x1000x64xi32, #tpu.memory_space<vmem>>, vector<1x1000x64xi32>,
    return
  }
  func.func @transform_0(%arg0: i32, %arg1: i32) -> (i32, i32, i32) {
    %c0_i32 = arith.constant 0 : i32
    %c0_i32_0 = arith.constant 0 : i32
    %c0_i32_1 = arith.constant 0 : i32
    return %arg0, %c0_i32, %c0_i32_0 : i32, i32, i32
  }
  func.func @transform_1(%arg0: i32, %arg1: i32) -> (i32, i32, i32) {
    %c0_i32 = arith.constant 0 : i32
    %c0_i32_0 = arith.constant 0 : i32
    %c0_i32_1 = arith.constant 0 : i32
    %c0_i32_2 = arith.constant 0 : i32
    return %c0_i32, %c0_i32_0, %c0_i32_1 : i32, i32, i32
  }
  func.func @transform_2(%arg0: i32, %arg1: i32) -> (i32, i32, i32) {
    %c0_i32 = arith.constant 0 : i32
    %c0_i32_0 = arith.constant 0 : i32
    %c0_i32_1 = arith.constant 0 : i32
    %c0_i32_2 = arith.constant 0 : i32
    return %c0_i32, %c0_i32_0, %c0_i32_1 : i32, i32, i32
  }
  func.func @transform_3(%arg0: i32, %arg1: i32) -> (i32, i32) {
    %c0_i32 = arith.constant 0 : i32
    %c0_i32_0 = arith.constant 0 : i32
    return %arg1, %c0_i32 : i32, i32
  }
  func.func @transform_4(%arg0: i32, %arg1: i32) -> (i32, i32, i32) {
    %c0_i32 = arith.constant 0 : i32
    %c0_i32_0 = arith.constant 0 : i32
    return %arg0, %arg1, %c0_i32 : i32, i32, i32
  }
}

module attributes {stable_mosaic.version = 14 : i64} {
  func.func @_fin_body(%arg0: i32, %arg1: memref<1000x128xf32, #tpu.memory_space<vmem>>, %arg2: memref<128x128xf32, #tpu.memory_space<vmem>>, %arg3: memref<1x128xf32, #tpu.memory_space<vmem>>, %arg4: memref<2x1000x128xf32, #tpu.memory_space<vmem>>, %arg5: memref<1000x128xf32, #tpu.memory_space<vmem>>) attributes {dimension_semantics = [#tpu.dimension_semantics<arbitrary>], iteration_bounds = array<i64: 10>, scalar_prefetch = 0 : i64, scratch_operands = 0 : i64, tpu.core_type = #tpu.core_type<tc>, window_params = [{transform_indices = @transform_0, window_bounds = array<i64: 1000, 128>}, {pipeline_mode = #tpu.pipeline_mode<synchronous>, transform_indices = @transform_1, window_bounds = array<i64: 128, 128>}, {pipeline_mode = #tpu.pipeline_mode<synchronous>, transform_indices = @transform_2, window_bounds = array<i64: 1, 128>}, {transform_indices = @transform_3, window_bounds = array<i64: 2, 1000, 128>}, {transform_indices = @transform_4, window_bounds = array<i64: 1000, 128>}]} {
    %get3A = arith.constant 0 : index
    %get3A_0 = arith.constant 0 : index
    %get3A_1 = vector.load %arg1[%get3A, %get3A_0] : memref<1000x128xf32, #tpu.memory_space<vmem>>, vector<1000x128xf32>
    %get3A_2 = arith.constant 0 : index
    %get3A_3 = arith.constant 0 : index
    %get3A_4 = vector.load %arg2[%get3A_2, %get3A_3] : memref<128x128xf32, #tpu.memory_space<vmem>>, vector<128x128xf32>
    %dot_general3A = arith.constant dense<0.000000e+00> : vector<1000x128xf32>
    %dot_general3A_5 = tpu.matmul %get3A_1, %get3A_4, %dot_general3A {dimension_numbers = #tpu.dot_dimension_numbers<[1], [0], [0], [1], [0, 0, 1, 1], [], []>, transpose_lhs_hint = false} : vector<1000x128xf32>, vector<128x128xf32>, vector<1000x128xf32> -> vector<1000x128xf32>
    %get3A_6 = arith.constant 0 : index
    %get3A_7 = arith.constant 0 : index
    %get3A_8 = arith.constant 0 : index
    %get3A_9 = vector.load %arg4[%get3A_6, %get3A_7, %get3A_8] : memref<2x1000x128xf32, #tpu.memory_space<vmem>>, vector<1x1000x128xf32>
    %get3A_10 = vector.shape_cast %get3A_9 : vector<1x1000x128xf32> to vector<1000x128xf32>
    %add3A = arith.addf %dot_general3A_5, %get3A_10 : vector<1000x128xf32>
    %get3A_11 = arith.constant 1 : index
    %get3A_12 = arith.constant 0 : index
    %get3A_13 = arith.constant 0 : index
    %get3A_14 = vector.load %arg4[%get3A_11, %get3A_12, %get3A_13] : memref<2x1000x128xf32, #tpu.memory_space<vmem>>, vector<1x1000x128xf32>
    %get3A_15 = vector.shape_cast %get3A_14 : vector<1x1000x128xf32> to vector<1000x128xf32>
    %add3A_16 = arith.addf %add3A, %get3A_15 : vector<1000x128xf32>
    %get3A_17 = arith.constant 0 : index
    %get3A_18 = arith.constant 0 : index
    %get3A_19 = vector.load %arg3[%get3A_17, %get3A_18] : memref<1x128xf32, #tpu.memory_space<vmem>>, vector<1x128xf32>
    %add3A_20 = vector.broadcast %get3A_19 : vector<1x128xf32> to vector<1000x128xf32>
    %add3A_21 = arith.addf %add3A_16, %add3A_20 : vector<1000x128xf32>
    %max3A = arith.constant 0.000000e+00 : f32
    %max3A_22 = vector.broadcast %max3A : f32 to vector<1000x128xf32>
    %max3A_23 = arith.maximumf %add3A_21, %max3A_22 : vector<1000x128xf32>
    %swap3A = arith.constant 0 : index
    %swap3A_24 = arith.constant 0 : index
    %swap3A_25 = vector.load %arg5[%swap3A, %swap3A_24] : memref<1000x128xf32, #tpu.memory_space<vmem>>, vector<1000x128xf32>
    tpu.vector_store %arg5[%swap3A, %swap3A_24], %max3A_23 {strides = array<i32>} : memref<1000x128xf32, #tpu.memory_space<vmem>>, vector<1000x128xf32>,
    return
  }
  func.func @transform_0(%arg0: i32) -> (i32, i32) {
    %c0_i32 = arith.constant 0 : i32
    %c0_i32_0 = arith.constant 0 : i32
    return %arg0, %c0_i32 : i32, i32
  }
  func.func @transform_1(%arg0: i32) -> (i32, i32) {
    %c0_i32 = arith.constant 0 : i32
    %c0_i32_0 = arith.constant 0 : i32
    %c0_i32_1 = arith.constant 0 : i32
    return %c0_i32, %c0_i32_0 : i32, i32
  }
  func.func @transform_2(%arg0: i32) -> (i32, i32) {
    %c0_i32 = arith.constant 0 : i32
    %c0_i32_0 = arith.constant 0 : i32
    %c0_i32_1 = arith.constant 0 : i32
    return %c0_i32, %c0_i32_0 : i32, i32
  }
  func.func @transform_3(%arg0: i32) -> (i32, i32, i32) {
    %c0_i32 = arith.constant 0 : i32
    %c0_i32_0 = arith.constant 0 : i32
    %c0_i32_1 = arith.constant 0 : i32
    return %c0_i32, %arg0, %c0_i32_0 : i32, i32, i32
  }
  func.func @transform_4(%arg0: i32) -> (i32, i32) {
    %c0_i32 = arith.constant 0 : i32
    %c0_i32_0 = arith.constant 0 : i32
    return %arg0, %c0_i32 : i32, i32
  }
}

</mosaic_0001>

<sc_bundles>
// kernel: kernel.5.cloned.1.call-start
scs
__scs_entry_jumppad:
0x0: {  	(pc) =	sbr.rel $0x88, $3  }
0x1: {  	(tag) =	ssettag $0x0;
	lr =	simm.s32 $0x1  }
0x2: {  	[smem:$0x3F99] =	sst lr;
	_ =	strace $0xD0000000  }
0x3: {  	_ = 	snop  }
0x4: {  	_ = 	snop  }
0x5: {  	_ = 	snop  }
0x6: {  	_ = 	snop  }
0x7: {  	_ = 	snop  }
__scs_overlays_trampoline_lowered:
0x8: {  	[smem:$0x3FA8] =	sst s0  }
0x9: {  	[smem:$0x3FA9] =	sst s1  }
0xa: {  	[smem:$0x3FAA] =	sst s2  }
0xb: {  	[smem:$0x3FAB] =	sst s3  }
0xc: {  	[smem:$0x3FAC] =	sst s4  }
0xd: {  	[smem:$0x3FAD] =	sst s5  }
0xe: {  	[smem:$0x3FAE] =	sst s6  }
0xf: {  	[smem:$0x3FAF] =	sst s7  }
0x10: {  	[smem:$0x3FB0] =	sst s8  }
0x11: {  	[smem:$0x3FB1] =	sst s9;
	s0 =	simm.s32 @!p0 $0x0  }
0x12: {  	s1 =	sld [smem:$0x3F97];
	s0 =	simm.s32 @p0 $0x1  }
0x13: {  	[smem:$0x3FB2] =	sst s0;
	s0 =	simm.s32 @!p1 $0x0  }
0x14: {  	s2 =	sld [smem:$0x3F96];
	s0 =	simm.s32 @p1 $0x1  }
0x15: {  	[smem:$0x3FB3] =	sst s0;
	s0 =	simm.s32 @!p2 $0x0  }
0x16: {  	s3 =	sld [smem:$0x3FDB];
	s0 =	simm.s32 @p2 $0x1  }
0x17: {  	s4 =	simm.s32 $0x1BF5;
	[smem:$0x3FB5] =	sst s0  }
0x18: {  	s0 =	sld [smem:$0x3F98];
	_ =	swait.ge [sflag:s4], $0x0  }
0x19: {  	s7 =	sld [smem:$0x3F99]  }
0x1a: {  	s8 =	sadd.s32 $0xFFFFE003, lr  }
0x1b: {  	s9 =	sadd.s32 $0xFFFFFEF7, lr;
	s5 =	simm.s32 $0xFFFFFFFF;
	p2 =	slt.u32 s8, $0xFFFFF086  }
0x1c: {  	p1 =	slt.u32 s9, $0xF7A;
	s5 =	simm.s32 @!p2 $0x0  }
0x1d: {  	s5 =	simm.s32 @p1 $0x1;
	p0 =	seq.s32 s7, s2  }
0x1e: {  	s7 =	smul.u32 @!p0 $0xF7A, s2;
	p2 =	seq.s32 @!p0 s5, $0x0  }
0x1f: {  	s9 =	smul.u32 $0xF7A, s1;
	s8 =	simm.s32 @!p0 $0x1BF5;
	p2 =	por !p2, p0  }
0x20: {  	[sflag:s8] =	ssyncset.s32 @!p0 $0xFFFFF086;
	s6 =	sadd.s32 @!p0 s3, s7;
	s7 =	simm.s32 @!p0 $0x108  }
0x21: {  	s3 =	sadd.s32 s3, s9;
	s6 =	sadd.s32 @!p0 $0x88, s6;
	s7 =	simm.s32 @p2 $0x1082  }
0x22: {  	[simem:s7], [sflag:s8] =	dma.local @!p0 [hbm:s6], $0xF7A  }
0x23: {  	s9 =	sor.u32 $0xD0000000, s2;
	s6 =	simm.s32 $0x108;
	_ =	swait.ge @!p0 [sflag:s8], $0x0  }
0x24: {  	s3 =	sadd.s32 $0x88, s3;
	s6 =	simm.s32 @!p1 $0x1082;
	[sflag:s4] =	ssyncset.s32 $0xFFFFF086  }
0x25: {  	[simem:s6], [sflag:s4] =	dma.local [hbm:s3], $0xF7A  }
0x26: {  	[smem:$0x3F99] =	sst s1;
	(tag) =	ssettag s2;
	_ =	strace s9  }
0x27: {  	s1 =	sld [smem:$0x3FA9]  }
0x28: {  	s2 =	sld [smem:$0x3FAA]  }
0x29: {  	s4 =	sld [smem:$0x3FAC]  }
0x2a: {  	p0 =	seq.s32 s5, $0x0;
	s5 =	sld [smem:$0x3FAD]  }
0x2b: {  	s6 =	sld [smem:$0x3FAE]  }
0x2c: {  	s7 =	sld [smem:$0x3FAF]  }
0x2d: {  	s3 =	simm.s32 $0x108;
	s8 =	sld [smem:$0x3FB0]  }
0x2e: {  	s3 =	simm.s32 @!p0 $0x1082;
	s9 =	sld [smem:$0x3FB1]  }
0x2f: {  	lr =	sadd.s32 s0, s3;
	s0 =	sld [smem:$0x3FA8]  }
0x30: {  	s3 =	sld [smem:$0x3FAB]  }
0x31: {  	[smem:$0x3FB4] =	sst s10  }
0x32: {  	s10 =	sld [smem:$0x3FB2];
	_ =	sdelay $0x3  }
0x33: {  	p0 =	seq.s32 s10, $0x1;
	s10 =	sld [smem:$0x3FB4];
	_ =	sdelay $0x3  }
0x34: {  	[smem:$0x3FB4] =	sst s10  }
0x35: {  	s10 =	sld [smem:$0x3FB3];
	_ =	sdelay $0x3  }
0x36: {  	p1 =	seq.s32 s10, $0x1;
	s10 =	sld [smem:$0x3FB4];
	_ =	sdelay $0x3  }
0x37: {  	[smem:$0x3FB4] =	sst s10  }
0x38: {  	s10 =	sld [smem:$0x3FB5]  }
0x39: {  	_ = 	snop;
	(pc) =	sbr.ind lr, $3  }
0x3a: {  	_ = 	snop  }
0x3b: {  	_ = 	snop  }
0x3c: {  	p2 =	seq.s32 s10, $0x1;
	s10 =	sld [smem:$0x3FB4]  }
0x3d: {  	_ =	shalt  }
0x3e: {  	_ =	shalt  }
0x3f: {  	_ =	shalt  }
0x40: {  	_ =	shalt  }
0x41: {  	_ =	shalt  }
0x42: {  	_ =	shalt  }
0x43: {  	_ =	shalt  }
0x44: {  	_ =	shalt  }
0x45: {  	_ =	shalt  }
0x46: {  	_ =	shalt  }
0x47: {  	_ =	shalt  }
0x48: {  	_ =	shalt  }
0x49: {  	_ =	shalt  }
0x4a: {  	_ =	shalt  }
0x4b: {  	_ =	shalt  }
0x4c: {  	_ =	shalt  }
0x4d: {  	_ =	shalt  }
0x4e: {  	_ =	shalt  }
0x4f: {  	_ =	shalt  }
0x50: {  	_ =	shalt  }
0x51: {  	_ =	shalt  }
0x52: {  	_ =	shalt  }
0x53: {  	_ =	shalt  }
0x54: {  	_ =	shalt  }
0x55: {  	_ =	shalt  }
0x56: {  	_ =	shalt  }
0x57: {  	_ =	shalt  }
0x58: {  	_ =	shalt  }
0x59: {  	_ =	shalt  }
0x5a: {  	_ =	shalt  }
0x5b: {  	_ =	shalt  }
0x5c: {  	_ =	shalt  }
0x5d: {  	_ =	shalt  }
0x5e: {  	_ =	shalt  }
0x5f: {  	_ =	shalt  }
0x60: {  	_ =	shalt  }
0x61: {  	_ =	shalt  }
0x62: {  	_ =	shalt  }
0x63: {  	_ =	shalt  }
0x64: {  	_ =	shalt  }
0x65: {  	_ =	shalt  }
0x66: {  	_ =	shalt  }
0x67: {  	_ =	shalt  }
0x68: {  	_ =	shalt  }
0x69: {  	_ =	shalt  }
0x6a: {  	_ =	shalt  }
0x6b: {  	_ =	shalt  }
0x6c: {  	_ =	shalt  }
0x6d: {  	_ =	shalt  }
0x6e: {  	_ =	shalt  }
0x6f: {  	_ =	shalt  }
0x70: {  	_ =	shalt  }
0x71: {  	_ =	shalt  }
0x72: {  	_ =	shalt  }
0x73: {  	_ =	shalt  }
0x74: {  	_ =	shalt  }
0x75: {  	_ =	shalt  }
0x76: {  	_ =	shalt  }
0x77: {  	_ =	shalt  }
0x78: {  	_ =	shalt  }
0x79: {  	_ =	shalt  }
0x7a: {  	_ =	shalt  }
0x7b: {  	_ =	shalt  }
0x7c: {  	_ =	shalt  }
0x7d: {  	_ =	shalt  }
0x7e: {  	_ =	shalt  }
0x7f: {  	_ =	shalt  }
0x80: {  	_ =	shalt  }
0x81: {  	_ =	shalt  }
0x82: {  	_ =	shalt  }
0x83: {  	_ =	shalt  }
0x84: {  	_ =	shalt  }
0x85: {  	_ =	shalt  }
0x86: {  	_ =	shalt  }
0x87: {  	_ =	shalt  }
.Lfunc_end0:
.L_simem_size_0:
called_computation_lowered:
.L_overlay_start_0:
0x88: {  	s2 =	sld [smem:$0x3FD9]  }
0x89: {  	s3 =	sld [smem:$0x3FFE];
	_ =	sdelay $0x1  }
0x8a: {  	s1 =	srdreg.scid  }
0x8b: {  	s0 =	sand.u32 $0x1, s1  }
0x8c: {  	s17 =	sshll.u32 s0, $0xA;
	s2 =	sadd.s32 s3, s2  }
0x8d: {  	s2 =	sadd.s32 s2, s17  }
0x8e: {  	[smem:$0x3FC0] =	sst s2  }
0x8f: {  	_ = 	snop  }
0x90: {  	s2 =	sld [smem:$0x3FD0];
	(tm) =	ssettm $0x1  }
0x91: {  	s18 =	sld [smem:$0x3FFB];
	_ =	sdelay $0x3  }
0x92: {  	_ =	strace s18  }
0x93: {  	s3 =	sld [smem:$0x3FFC];
	_ =	sdelay $0x3  }
0x94: {  	_ =	strace s3  }
0x95: {  	s3 =	sld [smem:$0x3FFD];
	_ =	sdelay $0x3  }
0x96: {  	_ =	strace s3  }
0x97: {  	_ =	strace $0x8FFFFFFF  }
0x98: {  	s19 =	sld [smem:$0x3FDB];
	_ =	sdelay $0x1  }
0x99: {  	s4 =	simm.s32 $_scs_section_size  }
0x9a: {  	s5 =	simm.s32 $_size__tile_overlayer_lowered;
	s6 =	simm.s32 $_tile_overlayer_lowered  }
0x9b: {  	s22 =	simm.s32 $0x1BFF;
	s21 =	sshll.u32 s6, $0x1;
	s3 =	sadd.s32 s4, s19  }
0x9c: {  	s7 =	simm.s32 $0x0;
	s20 =	sshll.u32 s5, $0x1;
	s5 =	sadd.s32 s21, s3  }
0x9d: {  	[timem:s7], [sflag:s22] =	dma.local [hbm:s5], s20  }
0x9e: {  	_ =	swait.ge [sflag:s22], s20  }
0x9f: {  	s4 =	ssub.s32 $0x0, s20;
	[sflag:s22] =	ssyncset.done $0x0  }
0xa0: {  	[sflag:s22] =	ssyncadd.s32 s4;
	_ =	sdelay $0x1  }
0xa1: {  	s23 =	simm.s32 $0x1B8B  }
0xa2: {  	_ =	swait.ge [sflag:s23], $0x1  }
0xa3: {  	[sflag:s23] =	ssyncset.done $0x0  }
0xa4: {  	s25 =	simm.s32 $0x1B8E;
	s24 =	sld [smem:$0x3FFE];
	[sflag:s23] =	ssyncadd.s32 $0xFFFFFFFF  }
0xa5: {  	s26 =	simm.s32 $execute0_lowered;
	[smem:$0x3FD2] =	sst s25  }
0xa6: {  	s5 =	sshll.u32 s26, $0x1;
	_ =	strace $0x80000046;
	[dreg:$0x1] =	wrdreg $0xFFFFFFFF  }
0xa7: {  	s28 =	simm.s32 $_size_execute0_lowered;
	s3 =	sadd.s32 s3, s5;
	[dreg:$0x0] =	wrdreg $0x0  }
0xa8: {  	s5 =	sshll.u32 s28, $0x1;
	[dreg:$0x2] =	wrdreg s3  }
0xa9: {  	[dreg:$0x3] =	wrdreg s5  }
0xaa: {  	[dreg:$0x4] =	wrdreg $0xC0  }
0xab: {  	_ =	task [dreg:s7], $0x5FFFF  }
0xac: {  	[dreg:$0x1] =	wrdreg $0xFFFFFFFF  }
0xad: {  	[dreg:$0x0] =	wrdreg $0x60  }
0xae: {  	[dreg:$0x2] =	wrdreg s24  }
0xaf: {  	[dreg:$0x3] =	wrdreg s2  }
0xb0: {  	[dreg:$0x4] =	wrdreg $0xBC000  }
0xb1: {  	[dreg:$0x5] =	wrdreg $0x9  }
0xb2: {  	_ =	task.clear_ibuf [dreg:s7], $0x6FFFF;
	_ =	strace $0x90000046  }
0xb3: {  	s29 =	simm.s32 $0x9;
	_ =	strace $0x80000048  }
0xb4: {  	_ =	swait.ge [sflag:s29], $0x1  }
0xb5: {  	[sflag:s29] =	ssyncadd.s32 $0xFFFFFFFF  }
0xb6: {  	_ =	strace $0x90000048  }
0xb7: {  	_ =	sfence  }
0xb8: {  	s30 =	sld [smem:$0x0];
	_ =	sdelay $0x2  }
0xb9: {  	s31 =	sshll.u32 s1, $0xD;
	s1 =	sshrl.u32 s1, $0x2  }
0xba: {  	s3 =	sand.u32 $0x4000, s31;
	s1 =	sadd.s32 s1, s30  }
0xbb: {  	s0 =	sor.u32 s3, s0;
	s1 =	sshll.u32 s1, $0x11  }
0xbc: {  	s0 =	sor.u32 s1, s0  }
0xbd: {  	s0 =	sadd.s32 $0x8F2B, s0  }
0xbe: {  	[sflag:s0] =	ssyncadd.remote.s32 $0x1  }
0xbf: {  	_ =	sfence.sel $0xFFFF  }
0xc0: {  	[dreg:$0x0] =	wrdreg $0xFFFFFFFF;
	(pc) =	sbr.abs _section_cstart, $3  }
0xc1: {  	[dreg:$0x1] =	wrdreg $0xFFFFFFFF  }
0xc2: {  	_ =	task.clear_ibuf [dreg:s7], $0x2FFFF;
	_ =	strace $0x9FFFFFFF  }
0xc3: {  	(tm) =	ssettm $0x7FFFFFFF  }
tec
execute0_lowered:
.L_overlay_start_1:
0x0: {  	(tag) =	ssettag $0x1  }
0x1: {  	s0 =	rddreg [dreg:$0x0]  }
0x2: {  	s3 =	rddreg [dreg:$0x1]  }
0x3: {  	s1 =	rddreg [dreg:$0x2]  }
0x4: {  	s2 =	simm.s32 $0x0;
	s5 =	srdreg.scid;
	s12 =	stileid.u32  }
0x5: {  	s28 =	simm.s32 $0x5C00;
	s29 =	simm.s32 $0x2;
	[smem:$0x7FF] =	sst s2  }
0x6: {  	s4 =	sadd.s32 $0x139800, s0;
	s6 =	sand.u32 $0x1, s5;
	s7 =	sadd.s32 $0x1000, s0  }
0x7: {  	s8 =	smul.u32 $0x4E000, s12;
	s9 =	sadd.s32 $0xB000, s0;
	s0 =	sadd.s32 $0x15000, s0  }
0x8: {  	s15 =	smul.u32 $0x13800, s12;
	p0 =	sne.s32 s12, $0xF;
	_ =	strace $0x80000047  }
0x9: {  	s5 =	ssub.s32 $0x2, s6;
	s11 =	sshll.u32 s6, $0x4;
	s6 =	smul.u32 $0x138800, s6  }
0xa: {  	s10 =	sshrl.u32 s5, $0x1;
	s8 =	sshrl.u32 s8, $0x2;
	s20 =	sor.u32 s12, s11  }
0xb: {  	s19 =	ssub.s32 s5, s10;
	s8 =	sadd.s32 s8, s1;
	s5 =	sadd.s32 s15, s1  }
0xc: {  	s22 =	smul.u32 $0x2800, s20;
	s10 =	sadd.s32 $0x138000, s1;
	s21 =	sadd.s32 $0x4000, s8  }
0xd: {  	s31 =	sadd.s32 s15, s6;
	s23 =	sadd.s32 $0x8000, s8;
	[dreg:$0x4] =	wrdreg s21  }
0xe: {  	s6 =	sshrl.u32 s6, $0x3;
	s24 =	sadd.s32 $0xC000, s8;
	[dreg:$0x5] =	wrdreg s23  }
0xf: {  	s20 =	simm.s32 $0x7C00;
	s8 =	sadd.s32 $0x10000, s8;
	[dreg:$0x6] =	wrdreg s24  }
0x10: {  	s19 =	smax.u32 s19, $0x1;
	[dreg:$0x7] =	wrdreg s8;
	s25 =	sshrl.u32 s22, $0x3  }
0x11: {  	s21 =	simm.s32 $0x3;
	s23 =	simm.s32 $0x2800;
	s24 =	simm.s32 $0x80  }
0x12: {  	s11 =	sadd.s32 s3, s25;
	s26 =	sadd.s32 s7, s25;
	s30 =	sadd.s32 $0x280, s25  }
0x13: {  	s13 =	sadd.s32 s9, s25;
	s25 =	simm.s32 $0x3C00;
	[dreg:$0x8] =	wrdreg s11  }
0x14: {  	[dreg:$0x9] =	wrdreg s26;
	s14 =	sadd.s32 s3, s30;
	s3 =	sshrl.u32 s31, $0x3  }
0x15: {  	s15 =	sadd.s32 s7, s30;
	s17 =	sadd.s32 s0, s3;
	s0 =	sadd.s32 s0, s6  }
0x16: {  	v0 =	vimm.f32 $0.0e+00;
	s16 =	sadd.s32 s9, s30;
	s26 =	simm.s32 $0x1;
	s18 =	sadd.s32 $0x27000, s0  }
.LBB2_1:
0x17: {  	s0 =	simm.s32 $0x0;
	s3 =	simm.s32 $0x200  }
.LBB2_2:
0x18: {  	p1 =	sne.s32 s3, $0xFE00;
	[tilespmem:s0+$0x7C70] =	vst v0  }
0x19: {  	[tilespmem:s0+$0x7C00] =	vst v0  }
0x1a: {  	[tilespmem:s0+$0x7C10] =	vst v0  }
.Ltmp0:
0x1b: {  	[tilespmem:s0+$0x7C20] =	vst v0;
	(pc) =	sbr.rel @p1 .LBB2_2-.Ltmp0, $4  }
0x1c: {  	[tilespmem:s0+$0x7C30] =	vst v0  }
0x1d: {  	[tilespmem:s0+$0x7C40] =	vst v0  }
0x1e: {  	[tilespmem:s0+$0x7C50] =	vst v0  }
0x1f: {  	[tilespmem:s0+$0x7C60] =	vst v0;
	s0 =	sshra.s32 s3, $0x2;
	s3 =	sadd.s32 $0x200, s3  }
0x20: {  	[tilespmem:s0+$0x7C70] =	vst v0  }
0x21: {  	[tilespmem:s0+$0x7C00] =	vst v0  }
0x22: {  	[tilespmem:s0+$0x7C10] =	vst v0  }
0x23: {  	[tilespmem:s0+$0x7C20] =	vst v0  }
0x24: {  	[tilespmem:s0+$0x7C30] =	vst v0  }
0x25: {  	[tilespmem:s0+$0x7C40] =	vst v0  }
0x26: {  	[tilespmem:s0+$0x7C50] =	vst v0  }
0x27: {  	[tilespmem:s0+$0x7C60] =	vst v0  }
0x28: {  	[spmem:s5] =	stream.linear.scatter [tilespmem:s20], [sflag:$0x3], $0x4000, $0x38;
	[tilespmem:$0x1F480] =	vst v63  }
0x29: {  	_ =	swait.ge [sflag:s21], $0x4000  }
0x2a: {  	[sflag:s21] =	ssyncset.done $0x0  }
0x2b: {  	s9 =	rddreg [dreg:$0x4];
	[sflag:s21] =	ssyncadd.s32 $0xFFFFC000  }
0x2c: {  	[spmem:s9] =	stream.linear.scatter [tilespmem:s20], [sflag:$0x3], $0x4000, $0x38;
	[tilespmem:$0x1F480] =	vst v63  }
0x2d: {  	_ =	swait.ge [sflag:s21], $0x4000  }
0x2e: {  	[sflag:s21] =	ssyncset.done $0x0  }
0x2f: {  	s11 =	rddreg [dreg:$0x5];
	[sflag:s21] =	ssyncadd.s32 $0xFFFFC000  }
0x30: {  	[spmem:s11] =	stream.linear.scatter [tilespmem:s20], [sflag:$0x3], $0x4000, $0x38;
	[tilespmem:$0x1F480] =	vst v63  }
0x31: {  	_ =	swait.ge [sflag:s21], $0x4000  }
0x32: {  	[sflag:s21] =	ssyncset.done $0x0  }
0x33: {  	s12 =	rddreg [dreg:$0x6];
	[sflag:s21] =	ssyncadd.s32 $0xFFFFC000  }
0x34: {  	[spmem:s12] =	stream.linear.scatter [tilespmem:s20], [sflag:$0x3], $0x4000, $0x38;
	[tilespmem:$0x1F480] =	vst v63  }
0x35: {  	_ =	swait.ge [sflag:s21], $0x4000  }
0x36: {  	[sflag:s21] =	ssyncset.done $0x0  }
0x37: {  	s22 =	rddreg [dreg:$0x7];
	[sflag:s21] =	ssyncadd.s32 $0xFFFFC000  }
0x38: {  	[spmem:s22] =	stream.linear.scatter [tilespmem:s20], [sflag:$0x3], $0x3800, $0x38;
	[tilespmem:$0x1F480] =	vst v63  }
0x39: {  	_ =	swait.ge [sflag:s21], $0x3800  }
0x3a: {  	[sflag:s21] =	ssyncset.done $0x0  }
0x3b: {  	s0 =	simm.s32 @!p0 $0x7C00;
	[sflag:s21] =	ssyncadd.s32 $0xFFFFC800  }
0x3c: {  	[spmem:s10] =	stream.linear.scatter @!p0 [tilespmem:s0], [sflag:$0x3], $0x800, $0x38;
	[tilespmem:$0x1F480] =	vst v63  }
0x3d: {  	s0 =	simm.s32 @!p0 $0x3  }
0x3e: {  	_ =	swait.ge @!p0 [sflag:s0], $0x800  }
0x3f: {  	[sflag:s0] =	ssyncset.done @!p0 $0x0  }
0x40: {  	[sflag:s0] =	ssyncadd.s32 @!p0 $0xFFFFF800  }
0x41: {  	[bflag:$0x0] =	sbarrier.arrive $0xFFFF  }
0x42: {  	s3 =	simm.s32 $0x0;
	s30 =	rddreg [dreg:$0x8]  }
0x43: {  	[tilespmem:s3], [sflag:$0x3] =	stream.linear.gather [hbm4b:s30+s3], $0x1400, $0x38;
	[tilespmem:$0x1F480] =	vst v63  }
0x44: {  	_ =	swait.ge [sflag:s21], $0x1400  }
0x45: {  	[sflag:s21] =	ssyncset.done $0x0  }
0x46: {  	s6 =	simm.s32 $0x1400;
	s31 =	rddreg [dreg:$0x9];
	[sflag:s21] =	ssyncadd.s32 $0xFFFFEC00  }
0x47: {  	[tilespmem:s6], [sflag:$0x3] =	stream.linear.gather [hbm4b:s31+s3], $0x1400, $0x38;
	[tilespmem:$0x1F480] =	vst v63  }
0x48: {  	_ =	swait.ge [sflag:s21], $0x1400  }
0x49: {  	[sflag:s21] =	ssyncset.done $0x0  }
0x4a: {  	[sflag:s21] =	ssyncadd.s32 $0xFFFFEC00  }
0x4b: {  	[tilespmem:s23], [sflag:$0x3] =	stream.linear.gather [hbm4b:s13+s3], $0x1400, $0x38;
	[tilespmem:$0x1F480] =	vst v63  }
0x4c: {  	_ =	swait.ge [sflag:s21], $0x1400  }
0x4d: {  	[sflag:s21] =	ssyncset.done $0x0  }
0x4e: {  	s22 =	simm.s32 $0x0;
	[sflag:s21] =	ssyncadd.s32 $0xFFFFEC00  }
0x4f: {  	[tilespmem:s25], [sflag:$0x1] =	stream.indirect.gather [hbm4b:s4+s24], $0x40, s3, s24, $0xb8;
	[tilespmem:$0x1F480] =	vst v63  }
.LBB2_4:
0x50: {  	s31 =	sshll.u32 s22, $0x8;
	v2 =	vmov s3  }
0x51: {  	v1 =	vmov s31;
	v2 =	vand.u32 $0x7C, v2  }
0x52: {  	v2 =	vor.u32 v1, v2  }
0x53: {  	v2 =	vbroadcast v2, $0x0  }
0x54: {  	_ =	swait.ge [sflag:s26], $0x2000  }
0x55: {  	s0 =	sshllo.u32 s22, $0x1;
	[sflag:s26] =	ssyncset.done $0x0  }
0x56: {  	s30 =	sshll.u32 s0, $0x7;
	s0 =	simm.s32 $0x3C80;
	[sflag:s26] =	ssyncadd.s32 $0xFFFFE000  }
0x57: {  	[tilespmem:s28], [sflag:$0x2] =	stream.indirect.gather [hbm4b:s4+s24], $0x40, s30, s24, $0xb8;
	[tilespmem:$0x1F480] =	vst v63  }
0x58: {  	v3 =	vld [tilespmem:s0+$0xFFFFFF80]  }
0x59: {  	v2 =	vld.idx.msk [tilespmem:v2+s23+$0x0], $0xffff;
	_ =	sdelay $0x3  }
0x5a: {  	v4 =	vshll.u32 v3, $0x10  }
0x5b: {  	v3 =	vand.u32 $0xFFFF0000, v3;
	v4 =	vmul.f32 v4, v2  }
0x5c: {  	s6 =	simm.s32 $0x7D00;
	v3 =	vmul.f32 v3, v2  }
0x5d: {  	[tilespmem:s6+$0xFFFFFF00] =	vst v4  }
0x5e: {  	[tilespmem:s6+$0xFFFFFF10] =	vst v3  }
0x5f: {  	v3 =	vld [tilespmem:s0+$0xFFFFFF90];
	_ =	sdelay $0x4  }
0x60: {  	v49 =	vshll.u32 v3, $0x10  }
0x61: {  	v3 =	vand.u32 $0xFFFF0000, v3;
	v4 =	vmul.f32 v49, v2  }
0x62: {  	v3 =	vmul.f32 v3, v2  }
0x63: {  	[tilespmem:s6+$0xFFFFFF20] =	vst v4  }
0x64: {  	[tilespmem:s6+$0xFFFFFF30] =	vst v3  }
0x65: {  	v3 =	vld [tilespmem:s0+$0xFFFFFFA0];
	_ =	sdelay $0x4  }
0x66: {  	v50 =	vshll.u32 v3, $0x10  }
0x67: {  	v3 =	vand.u32 $0xFFFF0000, v3;
	v4 =	vmul.f32 v50, v2  }
0x68: {  	v3 =	vmul.f32 v3, v2  }
0x69: {  	[tilespmem:s6+$0xFFFFFF40] =	vst v4  }
0x6a: {  	[tilespmem:s6+$0xFFFFFF50] =	vst v3  }
0x6b: {  	v3 =	vld [tilespmem:s0+$0xFFFFFFB0]  }
0x6c: {  	s7 =	simm.s32 $0x1  }
0x6d: {  	v51 =	vmov s7  }
0x6e: {  	v4 =	vand.u32 $0x7D, v51  }
0x6f: {  	v4 =	vor.u32 v1, v4  }
0x70: {  	v4 =	vbroadcast v4, $0x0;
	v5 =	vshll.u32 v3, $0x10  }
0x71: {  	v3 =	vand.u32 $0xFFFF0000, v3;
	v5 =	vmul.f32 v5, v2  }
0x72: {  	v2 =	vmul.f32 v3, v2  }
0x73: {  	[tilespmem:s6+$0xFFFFFF60] =	vst v5  }
0x74: {  	[tilespmem:s6+$0xFFFFFF70] =	vst v2  }
0x75: {  	v2 =	vld [tilespmem:s0+$0xFFFFFFC0]  }
0x76: {  	v3 =	vld.idx.msk [tilespmem:v4+s23+$0x0], $0xffff;
	_ =	sdelay $0x3  }
0x77: {  	v52 =	vshll.u32 v2, $0x10  }
0x78: {  	v2 =	vand.u32 $0xFFFF0000, v2;
	v4 =	vmul.f32 v52, v3  }
0x79: {  	v2 =	vmul.f32 v2, v3  }
0x7a: {  	[tilespmem:s6+$0xFFFFFF80] =	vst v4  }
0x7b: {  	[tilespmem:s6+$0xFFFFFF90] =	vst v2  }
0x7c: {  	v2 =	vld [tilespmem:s0+$0xFFFFFFD0];
	_ =	sdelay $0x4  }
0x7d: {  	v53 =	vshll.u32 v2, $0x10  }
0x7e: {  	v2 =	vand.u32 $0xFFFF0000, v2;
	v4 =	vmul.f32 v53, v3  }
0x7f: {  	v2 =	vmul.f32 v2, v3  }
0x80: {  	[tilespmem:s6+$0xFFFFFFA0] =	vst v4  }
0x81: {  	[tilespmem:s6+$0xFFFFFFB0] =	vst v2  }
0x82: {  	v2 =	vld [tilespmem:s0+$0xFFFFFFE0];
	_ =	sdelay $0x4  }
0x83: {  	v54 =	vshll.u32 v2, $0x10  }
0x84: {  	v2 =	vand.u32 $0xFFFF0000, v2;
	v4 =	vmul.f32 v54, v3  }
0x85: {  	v2 =	vmul.f32 v2, v3  }
0x86: {  	[tilespmem:s6+$0xFFFFFFC0] =	vst v4  }
0x87: {  	[tilespmem:s6+$0xFFFFFFD0] =	vst v2  }
0x88: {  	v2 =	vld [tilespmem:s0+$0xFFFFFFF0]  }
0x89: {  	s11 =	simm.s32 $0x2  }
0x8a: {  	v55 =	vmov s11  }
0x8b: {  	v4 =	vand.u32 $0x7E, v55  }
0x8c: {  	v4 =	vor.u32 v1, v4  }
0x8d: {  	v4 =	vbroadcast v4, $0x0;
	v56 =	vshll.u32 v2, $0x10  }
0x8e: {  	v2 =	vand.u32 $0xFFFF0000, v2;
	v5 =	vmul.f32 v56, v3  }
0x8f: {  	v2 =	vmul.f32 v2, v3  }
0x90: {  	[tilespmem:s6+$0xFFFFFFE0] =	vst v5  }
0x91: {  	[tilespmem:s6+$0xFFFFFFF0] =	vst v2  }
0x92: {  	v2 =	vld [tilespmem:s0+$0x0]  }
0x93: {  	v3 =	vld.idx.msk [tilespmem:v4+s23+$0x0], $0xffff;
	_ =	sdelay $0x3  }
0x94: {  	v57 =	vshll.u32 v2, $0x10  }
0x95: {  	v2 =	vand.u32 $0xFFFF0000, v2;
	v4 =	vmul.f32 v57, v3  }
0x96: {  	v2 =	vmul.f32 v2, v3  }
0x97: {  	[tilespmem:s6+$0x0] =	vst v4  }
0x98: {  	[tilespmem:s6+$0x10] =	vst v2  }
0x99: {  	v2 =	vld [tilespmem:s0+$0x10];
	_ =	sdelay $0x4  }
0x9a: {  	v58 =	vshll.u32 v2, $0x10  }
0x9b: {  	v2 =	vand.u32 $0xFFFF0000, v2;
	v4 =	vmul.f32 v58, v3  }
0x9c: {  	v2 =	vmul.f32 v2, v3  }
0x9d: {  	[tilespmem:s6+$0x20] =	vst v4  }
0x9e: {  	[tilespmem:s6+$0x30] =	vst v2  }
0x9f: {  	v2 =	vld [tilespmem:s0+$0x20];
	_ =	sdelay $0x4  }
0xa0: {  	v59 =	vshll.u32 v2, $0x10  }
0xa1: {  	v2 =	vand.u32 $0xFFFF0000, v2;
	v4 =	vmul.f32 v59, v3  }
0xa2: {  	v2 =	vmul.f32 v2, v3  }
0xa3: {  	[tilespmem:s6+$0x40] =	vst v4  }
0xa4: {  	[tilespmem:s6+$0x50] =	vst v2  }
0xa5: {  	v2 =	vld [tilespmem:s0+$0x30]  }
0xa6: {  	s12 =	simm.s32 $0x3  }
0xa7: {  	v60 =	vmov s12  }
0xa8: {  	v4 =	vand.u32 $0x7F, v60  }
0xa9: {  	v4 =	vor.u32 v1, v4  }
0xaa: {  	v4 =	vbroadcast v4, $0x0;
	v61 =	vshll.u32 v2, $0x10  }
0xab: {  	v2 =	vand.u32 $0xFFFF0000, v2;
	v5 =	vmul.f32 v61, v3  }
0xac: {  	v2 =	vmul.f32 v2, v3  }
0xad: {  	[tilespmem:s6+$0x60] =	vst v5  }
0xae: {  	[tilespmem:s6+$0x70] =	vst v2  }
0xaf: {  	v3 =	vld [tilespmem:s0+$0x40]  }
0xb0: {  	v2 =	vld.idx.msk [tilespmem:v4+s23+$0x0], $0xffff;
	_ =	sdelay $0x3  }
0xb1: {  	v62 =	vshll.u32 v3, $0x10  }
0xb2: {  	v3 =	vand.u32 $0xFFFF0000, v3;
	v4 =	vmul.f32 v62, v2  }
0xb3: {  	v3 =	vmul.f32 v3, v2  }
0xb4: {  	[tilespmem:s6+$0x80] =	vst v4  }
0xb5: {  	[tilespmem:s6+$0x90] =	vst v3  }
0xb6: {  	v3 =	vld [tilespmem:s0+$0x50];
	_ =	sdelay $0x4  }
0xb7: {  	v63 =	vshll.u32 v3, $0x10  }
0xb8: {  	v3 =	vand.u32 $0xFFFF0000, v3;
	v4 =	vmul.f32 v63, v2  }
0xb9: {  	v3 =	vmul.f32 v3, v2  }
0xba: {  	[tilespmem:s6+$0xA0] =	vst v4  }
0xbb: {  	s8 =	simm.s32 $0x4;
	s9 =	simm.s32 $0x3C80;
	s7 =	simm.s32 $0x7D00;
	[tilespmem:s6+$0xB0] =	vst v3  }
.LBB2_5:
0xbc: {  	p1 =	sne.s32 s8, $0x7C;
	v3 =	vld [tilespmem:s0+$0x60];
	s9 =	sadd.s32 $0x100, s9;
	s6 =	sadd.s32 $0x200, s6  }
0xbd: {  	s11 =	smov.u32 s8;
	s8 =	sadd.s32 $0x4, s8;
	_ =	sdelay $0x3  }
0xbe: {  	v4 =	vshll.u32 v3, $0x10;
	v3 =	vand.u32 $0xFFFF0000, v3  }
0xbf: {  	v4 =	vmul.f32 v4, v2;
	v3 =	vmul.f32 v3, v2;
	_ =	sdelay $0x1  }
0xc0: {  	[tilespmem:s7+$0xC0] =	vst v4  }
0xc1: {  	[tilespmem:s7+$0xD0] =	vst v3  }
0xc2: {  	v3 =	vld [tilespmem:s0+$0x70];
	s0 =	smov.u32 s9;
	_ =	sdelay $0x1  }
0xc3: {  	v4 =	vmov s11  }
0xc4: {  	v4 =	vand.u32 $0x7C, v4  }
0xc5: {  	v4 =	vor.u32 v1, v4  }
0xc6: {  	v4 =	vbroadcast v4, $0x0;
	v5 =	vshll.u32 v3, $0x10;
	v3 =	vand.u32 $0xFFFF0000, v3  }
0xc7: {  	v5 =	vmul.f32 v5, v2;
	v2 =	vmul.f32 v3, v2;
	_ =	sdelay $0x1  }
0xc8: {  	[tilespmem:s7+$0xE0] =	vst v5  }
0xc9: {  	[tilespmem:s7+$0xF0] =	vst v2;
	s7 =	smov.u32 s6  }
0xca: {  	v2 =	vld [tilespmem:s9+$0xFFFFFF80]  }
0xcb: {  	v3 =	vld.idx.msk [tilespmem:v4+s23+$0x0], $0xffff;
	_ =	sdelay $0x4  }
0xcc: {  	v4 =	vshll.u32 v2, $0x10;
	v2 =	vand.u32 $0xFFFF0000, v2  }
0xcd: {  	v4 =	vmul.f32 v4, v3;
	v2 =	vmul.f32 v2, v3;
	_ =	sdelay $0x1  }
0xce: {  	[tilespmem:s6+$0xFFFFFF00] =	vst v4  }
0xcf: {  	[tilespmem:s6+$0xFFFFFF10] =	vst v2  }
0xd0: {  	v2 =	vld [tilespmem:s9+$0xFFFFFF90];
	_ =	sdelay $0x4  }
0xd1: {  	v4 =	vshll.u32 v2, $0x10;
	v2 =	vand.u32 $0xFFFF0000, v2  }
0xd2: {  	v4 =	vmul.f32 v4, v3;
	v2 =	vmul.f32 v2, v3;
	_ =	sdelay $0x1  }
0xd3: {  	[tilespmem:s6+$0xFFFFFF20] =	vst v4  }
0xd4: {  	[tilespmem:s6+$0xFFFFFF30] =	vst v2  }
0xd5: {  	v2 =	vld [tilespmem:s9+$0xFFFFFFA0];
	_ =	sdelay $0x4  }
0xd6: {  	v4 =	vshll.u32 v2, $0x10;
	v2 =	vand.u32 $0xFFFF0000, v2  }
0xd7: {  	v4 =	vmul.f32 v4, v3;
	v2 =	vmul.f32 v2, v3;
	_ =	sdelay $0x1  }
0xd8: {  	[tilespmem:s6+$0xFFFFFF40] =	vst v4  }
0xd9: {  	[tilespmem:s6+$0xFFFFFF50] =	vst v2  }
0xda: {  	s12 =	sadd.s32 $0x1, s11;
	v2 =	vld [tilespmem:s9+$0xFFFFFFB0]  }
0xdb: {  	v4 =	vmov s12  }
0xdc: {  	v4 =	vand.u32 $0x7D, v4  }
0xdd: {  	v4 =	vor.u32 v1, v4  }
0xde: {  	v4 =	vbroadcast v4, $0x0  }
0xdf: {  	v5 =	vshll.u32 v2, $0x10;
	v2 =	vand.u32 $0xFFFF0000, v2  }
0xe0: {  	v5 =	vmul.f32 v5, v3;
	v2 =	vmul.f32 v2, v3;
	_ =	sdelay $0x1  }
0xe1: {  	[tilespmem:s6+$0xFFFFFF60] =	vst v5  }
0xe2: {  	[tilespmem:s6+$0xFFFFFF70] =	vst v2  }
0xe3: {  	v2 =	vld.idx.msk [tilespmem:v4+s23+$0x0], $0xffff  }
0xe4: {  	v3 =	vld [tilespmem:s9+$0xFFFFFFC0];
	_ =	sdelay $0x4  }
0xe5: {  	v4 =	vshll.u32 v3, $0x10;
	v3 =	vand.u32 $0xFFFF0000, v3  }
0xe6: {  	v4 =	vmul.f32 v4, v2;
	v3 =	vmul.f32 v3, v2;
	_ =	sdelay $0x1  }
0xe7: {  	[tilespmem:s6+$0xFFFFFF80] =	vst v4  }
0xe8: {  	[tilespmem:s6+$0xFFFFFF90] =	vst v3  }
0xe9: {  	v3 =	vld [tilespmem:s9+$0xFFFFFFD0];
	_ =	sdelay $0x4  }
0xea: {  	v4 =	vshll.u32 v3, $0x10;
	v3 =	vand.u32 $0xFFFF0000, v3  }
0xeb: {  	v4 =	vmul.f32 v4, v2;
	v3 =	vmul.f32 v3, v2;
	_ =	sdelay $0x1  }
0xec: {  	[tilespmem:s6+$0xFFFFFFA0] =	vst v4  }
0xed: {  	[tilespmem:s6+$0xFFFFFFB0] =	vst v3  }
0xee: {  	v3 =	vld [tilespmem:s9+$0xFFFFFFE0];
	_ =	sdelay $0x4  }
0xef: {  	v4 =	vshll.u32 v3, $0x10;
	v3 =	vand.u32 $0xFFFF0000, v3  }
0xf0: {  	v4 =	vmul.f32 v4, v2;
	v3 =	vmul.f32 v3, v2;
	_ =	sdelay $0x1  }
0xf1: {  	[tilespmem:s6+$0xFFFFFFC0] =	vst v4  }
0xf2: {  	[tilespmem:s6+$0xFFFFFFD0] =	vst v3  }
0xf3: {  	s12 =	sadd.s32 $0x2, s11;
	v3 =	vld [tilespmem:s9+$0xFFFFFFF0]  }
0xf4: {  	v4 =	vmov s12  }
0xf5: {  	v4 =	vand.u32 $0x7E, v4  }
0xf6: {  	v4 =	vor.u32 v1, v4  }
0xf7: {  	v4 =	vbroadcast v4, $0x0  }
0xf8: {  	v5 =	vshll.u32 v3, $0x10;
	v3 =	vand.u32 $0xFFFF0000, v3  }
0xf9: {  	v5 =	vmul.f32 v5, v2;
	v2 =	vmul.f32 v3, v2;
	_ =	sdelay $0x1  }
0xfa: {  	[tilespmem:s6+$0xFFFFFFE0] =	vst v5  }
0xfb: {  	[tilespmem:s6+$0xFFFFFFF0] =	vst v2  }
0xfc: {  	v2 =	vld.idx.msk [tilespmem:v4+s23+$0x0], $0xffff  }
0xfd: {  	v3 =	vld [tilespmem:s9+$0x0];
	_ =	sdelay $0x4  }
0xfe: {  	v4 =	vshll.u32 v3, $0x10;
	v3 =	vand.u32 $0xFFFF0000, v3  }
0xff: {  	v4 =	vmul.f32 v4, v2;
	v3 =	vmul.f32 v3, v2;
	_ =	sdelay $0x1  }
0x100: {  	[tilespmem:s6+$0x0] =	vst v4  }
0x101: {  	[tilespmem:s6+$0x10] =	vst v3  }
0x102: {  	v3 =	vld [tilespmem:s9+$0x10];
	_ =	sdelay $0x4  }
0x103: {  	v4 =	vshll.u32 v3, $0x10;
	v3 =	vand.u32 $0xFFFF0000, v3  }
0x104: {  	v4 =	vmul.f32 v4, v2;
	v3 =	vmul.f32 v3, v2;
	_ =	sdelay $0x1  }
0x105: {  	[tilespmem:s6+$0x20] =	vst v4  }
0x106: {  	[tilespmem:s6+$0x30] =	vst v3  }
0x107: {  	v3 =	vld [tilespmem:s9+$0x20];
	_ =	sdelay $0x4  }
0x108: {  	v4 =	vshll.u32 v3, $0x10;
	v3 =	vand.u32 $0xFFFF0000, v3  }
0x109: {  	v4 =	vmul.f32 v4, v2;
	v3 =	vmul.f32 v3, v2;
	_ =	sdelay $0x1  }
0x10a: {  	[tilespmem:s6+$0x40] =	vst v4  }
0x10b: {  	[tilespmem:s6+$0x50] =	vst v3  }
0x10c: {  	s11 =	sadd.s32 $0x3, s11;
	v3 =	vld [tilespmem:s9+$0x30]  }
0x10d: {  	v4 =	vmov s11  }
0x10e: {  	v4 =	vand.u32 $0x7F, v4  }
0x10f: {  	v4 =	vor.u32 v1, v4  }
0x110: {  	v4 =	vbroadcast v4, $0x0  }
0x111: {  	v5 =	vshll.u32 v3, $0x10;
	v3 =	vand.u32 $0xFFFF0000, v3  }
0x112: {  	v5 =	vmul.f32 v5, v2;
	v2 =	vmul.f32 v3, v2;
	_ =	sdelay $0x1  }
0x113: {  	[tilespmem:s6+$0x60] =	vst v5  }
0x114: {  	[tilespmem:s6+$0x70] =	vst v2  }
0x115: {  	v2 =	vld.idx.msk [tilespmem:v4+s23+$0x0], $0xffff  }
0x116: {  	v3 =	vld [tilespmem:s9+$0x40];
	_ =	sdelay $0x4  }
0x117: {  	v4 =	vshll.u32 v3, $0x10;
	v3 =	vand.u32 $0xFFFF0000, v3  }
0x118: {  	v4 =	vmul.f32 v4, v2;
	v3 =	vmul.f32 v3, v2;
	_ =	sdelay $0x1  }
0x119: {  	[tilespmem:s6+$0x80] =	vst v4  }
0x11a: {  	[tilespmem:s6+$0x90] =	vst v3  }
0x11b: {  	v3 =	vld [tilespmem:s9+$0x50];
	_ =	sdelay $0x4  }
.Ltmp1:
0x11c: {  	v4 =	vshll.u32 v3, $0x10;
	v3 =	vand.u32 $0xFFFF0000, v3;
	(pc) =	sbr.rel @p1 .LBB2_5-.Ltmp1, $3  }
0x11d: {  	v4 =	vmul.f32 v4, v2;
	v3 =	vmul.f32 v3, v2;
	_ =	sdelay $0x1  }
0x11e: {  	[tilespmem:s6+$0xA0] =	vst v4  }
0x11f: {  	[tilespmem:s6+$0xB0] =	vst v3  }
0x120: {  	v1 =	vld [tilespmem:s0+$0x60];
	_ =	sdelay $0x4  }
0x121: {  	v3 =	vshll.u32 v1, $0x10  }
0x122: {  	v1 =	vand.u32 $0xFFFF0000, v1;
	v3 =	vmul.f32 v3, v2  }
0x123: {  	v1 =	vmul.f32 v1, v2  }
0x124: {  	[tilespmem:s7+$0xC0] =	vst v3  }
0x125: {  	[tilespmem:s7+$0xD0] =	vst v1  }
0x126: {  	v1 =	vld [tilespmem:s0+$0x70];
	_ =	sdelay $0x4  }
0x127: {  	v3 =	vshll.u32 v1, $0x10  }
0x128: {  	v1 =	vand.u32 $0xFFFF0000, v1;
	v3 =	vmul.f32 v3, v2  }
0x129: {  	v1 =	vmul.f32 v1, v2  }
0x12a: {  	s8 =	sand.u32 $0x3FFFFF00, s31;
	[tilespmem:s7+$0xE0] =	vst v3  }
0x12b: {  	s9 =	simm.s32 $0x0;
	s6 =	sadd.s32 $0x1400, s8;
	[tilespmem:s7+$0xF0] =	vst v1  }
0x12c: {  	[spmem:s1] =	stream.indirect.scatter.add.f32 [tilespmem:s20], [sflag:$0x3], $0x80, s6, s24, $0xb8;
	[tilespmem:$0x1F480] =	vst v63  }
0x12d: {  	v2 =	vmov s9;
	_ =	swait.ge [sflag:s21], $0x4000  }
0x12e: {  	v2 =	vand.u32 $0x7C, v2;
	v1 =	vmov s30;
	[sflag:s21] =	ssyncset.done $0x0  }
0x12f: {  	v2 =	vor.u32 v1, v2;
	[sflag:s21] =	ssyncadd.s32 $0xFFFFC000  }
0x130: {  	v2 =	vbroadcast v2, $0x0;
	_ =	swait.ge [sflag:s29], $0x2000  }
0x131: {  	[sflag:s29] =	ssyncset.done $0x0  }
0x132: {  	s0 =	sadd.s32 $0x100, s8;
	[sflag:s29] =	ssyncadd.s32 $0xFFFFE000  }
0x133: {  	[tilespmem:s25], [sflag:$0x1] =	stream.indirect.gather [hbm4b:s4+s24], $0x40, s0, s24, $0xb8;
	[tilespmem:$0x1F480] =	vst v63  }
0x134: {  	s0 =	simm.s32 $0x5C80  }
0x135: {  	v3 =	vld [tilespmem:s0+$0xFFFFFF80]  }
0x136: {  	v2 =	vld.idx.msk [tilespmem:v2+s23+$0x0], $0xffff;
	_ =	sdelay $0x3  }
0x137: {  	v4 =	vshll.u32 v3, $0x10  }
0x138: {  	v3 =	vand.u32 $0xFFFF0000, v3;
	v4 =	vmul.f32 v4, v2  }
0x139: {  	s6 =	simm.s32 $0x7D00;
	v3 =	vmul.f32 v3, v2  }
0x13a: {  	[tilespmem:s6+$0xFFFFFF00] =	vst v4  }
0x13b: {  	[tilespmem:s6+$0xFFFFFF10] =	vst v3  }
0x13c: {  	v3 =	vld [tilespmem:s0+$0xFFFFFF90];
	_ =	sdelay $0x4  }
0x13d: {  	v49 =	vshll.u32 v3, $0x10  }
0x13e: {  	v3 =	vand.u32 $0xFFFF0000, v3;
	v4 =	vmul.f32 v49, v2  }
0x13f: {  	v3 =	vmul.f32 v3, v2  }
0x140: {  	[tilespmem:s6+$0xFFFFFF20] =	vst v4  }
0x141: {  	[tilespmem:s6+$0xFFFFFF30] =	vst v3  }
0x142: {  	v3 =	vld [tilespmem:s0+$0xFFFFFFA0];
	_ =	sdelay $0x4  }
0x143: {  	v50 =	vshll.u32 v3, $0x10  }
0x144: {  	v3 =	vand.u32 $0xFFFF0000, v3;
	v4 =	vmul.f32 v50, v2  }
0x145: {  	v3 =	vmul.f32 v3, v2  }
0x146: {  	[tilespmem:s6+$0xFFFFFF40] =	vst v4  }
0x147: {  	[tilespmem:s6+$0xFFFFFF50] =	vst v3  }
0x148: {  	v3 =	vld [tilespmem:s0+$0xFFFFFFB0]  }
0x149: {  	s11 =	simm.s32 $0x1  }
0x14a: {  	v51 =	vmov s11  }
0x14b: {  	v4 =	vand.u32 $0x7D, v51  }
0x14c: {  	v4 =	vor.u32 v1, v4  }
0x14d: {  	v4 =	vbroadcast v4, $0x0;
	v5 =	vshll.u32 v3, $0x10  }
0x14e: {  	v3 =	vand.u32 $0xFFFF0000, v3;
	v5 =	vmul.f32 v5, v2  }
0x14f: {  	v2 =	vmul.f32 v3, v2  }
0x150: {  	[tilespmem:s6+$0xFFFFFF60] =	vst v5  }
0x151: {  	[tilespmem:s6+$0xFFFFFF70] =	vst v2  }
0x152: {  	v2 =	vld [tilespmem:s0+$0xFFFFFFC0]  }
0x153: {  	v3 =	vld.idx.msk [tilespmem:v4+s23+$0x0], $0xffff;
	_ =	sdelay $0x3  }
0x154: {  	v52 =	vshll.u32 v2, $0x10  }
0x155: {  	v2 =	vand.u32 $0xFFFF0000, v2;
	v4 =	vmul.f32 v52, v3  }
0x156: {  	v2 =	vmul.f32 v2, v3  }
0x157: {  	[tilespmem:s6+$0xFFFFFF80] =	vst v4  }
0x158: {  	[tilespmem:s6+$0xFFFFFF90] =	vst v2  }
0x159: {  	v2 =	vld [tilespmem:s0+$0xFFFFFFD0];
	_ =	sdelay $0x4  }
0x15a: {  	v53 =	vshll.u32 v2, $0x10  }
0x15b: {  	v2 =	vand.u32 $0xFFFF0000, v2;
	v4 =	vmul.f32 v53, v3  }
0x15c: {  	v2 =	vmul.f32 v2, v3  }
0x15d: {  	[tilespmem:s6+$0xFFFFFFA0] =	vst v4  }
0x15e: {  	[tilespmem:s6+$0xFFFFFFB0] =	vst v2  }
0x15f: {  	v2 =	vld [tilespmem:s0+$0xFFFFFFE0];
	_ =	sdelay $0x4  }
0x160: {  	v54 =	vshll.u32 v2, $0x10  }
0x161: {  	v2 =	vand.u32 $0xFFFF0000, v2;
	v4 =	vmul.f32 v54, v3  }
0x162: {  	v2 =	vmul.f32 v2, v3  }
0x163: {  	[tilespmem:s6+$0xFFFFFFC0] =	vst v4  }
0x164: {  	[tilespmem:s6+$0xFFFFFFD0] =	vst v2  }
0x165: {  	v2 =	vld [tilespmem:s0+$0xFFFFFFF0]  }
0x166: {  	s12 =	simm.s32 $0x2  }
0x167: {  	v55 =	vmov s12  }
0x168: {  	v4 =	vand.u32 $0x7E, v55  }
0x169: {  	v4 =	vor.u32 v1, v4  }
0x16a: {  	v4 =	vbroadcast v4, $0x0;
	v56 =	vshll.u32 v2, $0x10  }
0x16b: {  	v2 =	vand.u32 $0xFFFF0000, v2;
	v5 =	vmul.f32 v56, v3  }
0x16c: {  	v2 =	vmul.f32 v2, v3  }
0x16d: {  	[tilespmem:s6+$0xFFFFFFE0] =	vst v5  }
0x16e: {  	[tilespmem:s6+$0xFFFFFFF0] =	vst v2  }
0x16f: {  	v2 =	vld [tilespmem:s0+$0x0]  }
0x170: {  	v3 =	vld.idx.msk [tilespmem:v4+s23+$0x0], $0xffff;
	_ =	sdelay $0x3  }
0x171: {  	v57 =	vshll.u32 v2, $0x10  }
0x172: {  	v2 =	vand.u32 $0xFFFF0000, v2;
	v4 =	vmul.f32 v57, v3  }
0x173: {  	v2 =	vmul.f32 v2, v3  }
0x174: {  	[tilespmem:s6+$0x0] =	vst v4  }
0x175: {  	[tilespmem:s6+$0x10] =	vst v2  }
0x176: {  	v2 =	vld [tilespmem:s0+$0x10];
	_ =	sdelay $0x4  }
0x177: {  	v58 =	vshll.u32 v2, $0x10  }
0x178: {  	v2 =	vand.u32 $0xFFFF0000, v2;
	v4 =	vmul.f32 v58, v3  }
0x179: {  	v2 =	vmul.f32 v2, v3  }
0x17a: {  	[tilespmem:s6+$0x20] =	vst v4  }
0x17b: {  	[tilespmem:s6+$0x30] =	vst v2  }
0x17c: {  	v2 =	vld [tilespmem:s0+$0x20];
	_ =	sdelay $0x4  }
0x17d: {  	v59 =	vshll.u32 v2, $0x10  }
0x17e: {  	v2 =	vand.u32 $0xFFFF0000, v2;
	v4 =	vmul.f32 v59, v3  }
0x17f: {  	v2 =	vmul.f32 v2, v3  }
0x180: {  	[tilespmem:s6+$0x40] =	vst v4  }
0x181: {  	[tilespmem:s6+$0x50] =	vst v2  }
0x182: {  	v2 =	vld [tilespmem:s0+$0x30]  }
0x183: {  	s31 =	simm.s32 $0x3  }
0x184: {  	v60 =	vmov s31  }
0x185: {  	v4 =	vand.u32 $0x7F, v60  }
0x186: {  	v4 =	vor.u32 v1, v4  }
0x187: {  	v4 =	vbroadcast v4, $0x0;
	v61 =	vshll.u32 v2, $0x10  }
0x188: {  	v2 =	vand.u32 $0xFFFF0000, v2;
	v5 =	vmul.f32 v61, v3  }
0x189: {  	v2 =	vmul.f32 v2, v3  }
0x18a: {  	[tilespmem:s6+$0x60] =	vst v5  }
0x18b: {  	[tilespmem:s6+$0x70] =	vst v2  }
0x18c: {  	v3 =	vld [tilespmem:s0+$0x40]  }
0x18d: {  	v2 =	vld.idx.msk [tilespmem:v4+s23+$0x0], $0xffff;
	_ =	sdelay $0x3  }
0x18e: {  	v62 =	vshll.u32 v3, $0x10  }
0x18f: {  	v3 =	vand.u32 $0xFFFF0000, v3;
	v4 =	vmul.f32 v62, v2  }
0x190: {  	v3 =	vmul.f32 v3, v2  }
0x191: {  	[tilespmem:s6+$0x80] =	vst v4  }
0x192: {  	[tilespmem:s6+$0x90] =	vst v3  }
0x193: {  	v3 =	vld [tilespmem:s0+$0x50];
	_ =	sdelay $0x4  }
0x194: {  	v63 =	vshll.u32 v3, $0x10  }
0x195: {  	v3 =	vand.u32 $0xFFFF0000, v3;
	v4 =	vmul.f32 v63, v2  }
0x196: {  	v3 =	vmul.f32 v3, v2  }
0x197: {  	[tilespmem:s6+$0xA0] =	vst v4  }
0x198: {  	s8 =	simm.s32 $0x4;
	s9 =	simm.s32 $0x5C80;
	s7 =	simm.s32 $0x7D00;
	[tilespmem:s6+$0xB0] =	vst v3  }
.LBB2_7:
0x199: {  	p1 =	sne.s32 s8, $0x7C;
	v3 =	vld [tilespmem:s0+$0x60];
	s9 =	sadd.s32 $0x100, s9;
	s6 =	sadd.s32 $0x200, s6  }
0x19a: {  	s11 =	smov.u32 s8;
	s8 =	sadd.s32 $0x4, s8;
	_ =	sdelay $0x3  }
0x19b: {  	v4 =	vshll.u32 v3, $0x10;
	v3 =	vand.u32 $0xFFFF0000, v3  }
0x19c: {  	v4 =	vmul.f32 v4, v2;
	v3 =	vmul.f32 v3, v2;
	_ =	sdelay $0x1  }
0x19d: {  	[tilespmem:s7+$0xC0] =	vst v4  }
0x19e: {  	[tilespmem:s7+$0xD0] =	vst v3  }
0x19f: {  	v3 =	vld [tilespmem:s0+$0x70];
	s0 =	smov.u32 s9;
	_ =	sdelay $0x1  }
0x1a0: {  	v4 =	vmov s11  }
0x1a1: {  	v4 =	vand.u32 $0x7C, v4  }
0x1a2: {  	v4 =	vor.u32 v1, v4  }
0x1a3: {  	v4 =	vbroadcast v4, $0x0;
	v5 =	vshll.u32 v3, $0x10;
	v3 =	vand.u32 $0xFFFF0000, v3  }
0x1a4: {  	v5 =	vmul.f32 v5, v2;
	v2 =	vmul.f32 v3, v2;
	_ =	sdelay $0x1  }
0x1a5: {  	[tilespmem:s7+$0xE0] =	vst v5  }
0x1a6: {  	[tilespmem:s7+$0xF0] =	vst v2;
	s7 =	smov.u32 s6  }
0x1a7: {  	v2 =	vld [tilespmem:s9+$0xFFFFFF80]  }
0x1a8: {  	v3 =	vld.idx.msk [tilespmem:v4+s23+$0x0], $0xffff;
	_ =	sdelay $0x4  }
0x1a9: {  	v4 =	vshll.u32 v2, $0x10;
	v2 =	vand.u32 $0xFFFF0000, v2  }
0x1aa: {  	v4 =	vmul.f32 v4, v3;
	v2 =	vmul.f32 v2, v3;
	_ =	sdelay $0x1  }
0x1ab: {  	[tilespmem:s6+$0xFFFFFF00] =	vst v4  }
0x1ac: {  	[tilespmem:s6+$0xFFFFFF10] =	vst v2  }
0x1ad: {  	v2 =	vld [tilespmem:s9+$0xFFFFFF90];
	_ =	sdelay $0x4  }
0x1ae: {  	v4 =	vshll.u32 v2, $0x10;
	v2 =	vand.u32 $0xFFFF0000, v2  }
0x1af: {  	v4 =	vmul.f32 v4, v3;
	v2 =	vmul.f32 v2, v3;
	_ =	sdelay $0x1  }
0x1b0: {  	[tilespmem:s6+$0xFFFFFF20] =	vst v4  }
0x1b1: {  	[tilespmem:s6+$0xFFFFFF30] =	vst v2  }
0x1b2: {  	v2 =	vld [tilespmem:s9+$0xFFFFFFA0];
	_ =	sdelay $0x4  }
0x1b3: {  	v4 =	vshll.u32 v2, $0x10;
	v2 =	vand.u32 $0xFFFF0000, v2  }
0x1b4: {  	v4 =	vmul.f32 v4, v3;
	v2 =	vmul.f32 v2, v3;
	_ =	sdelay $0x1  }
0x1b5: {  	[tilespmem:s6+$0xFFFFFF40] =	vst v4  }
0x1b6: {  	[tilespmem:s6+$0xFFFFFF50] =	vst v2  }
0x1b7: {  	s12 =	sadd.s32 $0x1, s11;
	v2 =	vld [tilespmem:s9+$0xFFFFFFB0]  }
0x1b8: {  	v4 =	vmov s12  }
0x1b9: {  	v4 =	vand.u32 $0x7D, v4  }
0x1ba: {  	v4 =	vor.u32 v1, v4  }
0x1bb: {  	v4 =	vbroadcast v4, $0x0  }
0x1bc: {  	v5 =	vshll.u32 v2, $0x10;
	v2 =	vand.u32 $0xFFFF0000, v2  }
0x1bd: {  	v5 =	vmul.f32 v5, v3;
	v2 =	vmul.f32 v2, v3;
	_ =	sdelay $0x1  }
0x1be: {  	[tilespmem:s6+$0xFFFFFF60] =	vst v5  }
0x1bf: {  	[tilespmem:s6+$0xFFFFFF70] =	vst v2  }
0x1c0: {  	v2 =	vld.idx.msk [tilespmem:v4+s23+$0x0], $0xffff  }
0x1c1: {  	v3 =	vld [tilespmem:s9+$0xFFFFFFC0];
	_ =	sdelay $0x4  }
0x1c2: {  	v4 =	vshll.u32 v3, $0x10;
	v3 =	vand.u32 $0xFFFF0000, v3  }
0x1c3: {  	v4 =	vmul.f32 v4, v2;
	v3 =	vmul.f32 v3, v2;
	_ =	sdelay $0x1  }
0x1c4: {  	[tilespmem:s6+$0xFFFFFF80] =	vst v4  }
0x1c5: {  	[tilespmem:s6+$0xFFFFFF90] =	vst v3  }
0x1c6: {  	v3 =	vld [tilespmem:s9+$0xFFFFFFD0];
	_ =	sdelay $0x4  }
0x1c7: {  	v4 =	vshll.u32 v3, $0x10;
	v3 =	vand.u32 $0xFFFF0000, v3  }
0x1c8: {  	v4 =	vmul.f32 v4, v2;
	v3 =	vmul.f32 v3, v2;
	_ =	sdelay $0x1  }
0x1c9: {  	[tilespmem:s6+$0xFFFFFFA0] =	vst v4  }
0x1ca: {  	[tilespmem:s6+$0xFFFFFFB0] =	vst v3  }
0x1cb: {  	v3 =	vld [tilespmem:s9+$0xFFFFFFE0];
	_ =	sdelay $0x4  }
0x1cc: {  	v4 =	vshll.u32 v3, $0x10;
	v3 =	vand.u32 $0xFFFF0000, v3  }
0x1cd: {  	v4 =	vmul.f32 v4, v2;
	v3 =	vmul.f32 v3, v2;
	_ =	sdelay $0x1  }
0x1ce: {  	[tilespmem:s6+$0xFFFFFFC0] =	vst v4  }
0x1cf: {  	[tilespmem:s6+$0xFFFFFFD0] =	vst v3  }
0x1d0: {  	s12 =	sadd.s32 $0x2, s11;
	v3 =	vld [tilespmem:s9+$0xFFFFFFF0]  }
0x1d1: {  	v4 =	vmov s12  }
0x1d2: {  	v4 =	vand.u32 $0x7E, v4  }
0x1d3: {  	v4 =	vor.u32 v1, v4  }
0x1d4: {  	v4 =	vbroadcast v4, $0x0  }
0x1d5: {  	v5 =	vshll.u32 v3, $0x10;
	v3 =	vand.u32 $0xFFFF0000, v3  }
0x1d6: {  	v5 =	vmul.f32 v5, v2;
	v2 =	vmul.f32 v3, v2;
	_ =	sdelay $0x1  }
0x1d7: {  	[tilespmem:s6+$0xFFFFFFE0] =	vst v5  }
0x1d8: {  	[tilespmem:s6+$0xFFFFFFF0] =	vst v2  }
0x1d9: {  	v2 =	vld.idx.msk [tilespmem:v4+s23+$0x0], $0xffff  }
0x1da: {  	v3 =	vld [tilespmem:s9+$0x0];
	_ =	sdelay $0x4  }
0x1db: {  	v4 =	vshll.u32 v3, $0x10;
	v3 =	vand.u32 $0xFFFF0000, v3  }
0x1dc: {  	v4 =	vmul.f32 v4, v2;
	v3 =	vmul.f32 v3, v2;
	_ =	sdelay $0x1  }
0x1dd: {  	[tilespmem:s6+$0x0] =	vst v4  }
0x1de: {  	[tilespmem:s6+$0x10] =	vst v3  }
0x1df: {  	v3 =	vld [tilespmem:s9+$0x10];
	_ =	sdelay $0x4  }
0x1e0: {  	v4 =	vshll.u32 v3, $0x10;
	v3 =	vand.u32 $0xFFFF0000, v3  }
0x1e1: {  	v4 =	vmul.f32 v4, v2;
	v3 =	vmul.f32 v3, v2;
	_ =	sdelay $0x1  }
0x1e2: {  	[tilespmem:s6+$0x20] =	vst v4  }
0x1e3: {  	[tilespmem:s6+$0x30] =	vst v3  }
0x1e4: {  	v3 =	vld [tilespmem:s9+$0x20];
	_ =	sdelay $0x4  }
0x1e5: {  	v4 =	vshll.u32 v3, $0x10;
	v3 =	vand.u32 $0xFFFF0000, v3  }
0x1e6: {  	v4 =	vmul.f32 v4, v2;
	v3 =	vmul.f32 v3, v2;
	_ =	sdelay $0x1  }
0x1e7: {  	[tilespmem:s6+$0x40] =	vst v4  }
0x1e8: {  	[tilespmem:s6+$0x50] =	vst v3  }
0x1e9: {  	s11 =	sadd.s32 $0x3, s11;
	v3 =	vld [tilespmem:s9+$0x30]  }
0x1ea: {  	v4 =	vmov s11  }
0x1eb: {  	v4 =	vand.u32 $0x7F, v4  }
0x1ec: {  	v4 =	vor.u32 v1, v4  }
0x1ed: {  	v4 =	vbroadcast v4, $0x0  }
0x1ee: {  	v5 =	vshll.u32 v3, $0x10;
	v3 =	vand.u32 $0xFFFF0000, v3  }
0x1ef: {  	v5 =	vmul.f32 v5, v2;
	v2 =	vmul.f32 v3, v2;
	_ =	sdelay $0x1  }
0x1f0: {  	[tilespmem:s6+$0x60] =	vst v5  }
0x1f1: {  	[tilespmem:s6+$0x70] =	vst v2  }
0x1f2: {  	v2 =	vld.idx.msk [tilespmem:v4+s23+$0x0], $0xffff  }
0x1f3: {  	v3 =	vld [tilespmem:s9+$0x40];
	_ =	sdelay $0x4  }
0x1f4: {  	v4 =	vshll.u32 v3, $0x10;
	v3 =	vand.u32 $0xFFFF0000, v3  }
0x1f5: {  	v4 =	vmul.f32 v4, v2;
	v3 =	vmul.f32 v3, v2;
	_ =	sdelay $0x1  }
0x1f6: {  	[tilespmem:s6+$0x80] =	vst v4  }
0x1f7: {  	[tilespmem:s6+$0x90] =	vst v3  }
0x1f8: {  	v3 =	vld [tilespmem:s9+$0x50];
	_ =	sdelay $0x4  }
.Ltmp2:
0x1f9: {  	v4 =	vshll.u32 v3, $0x10;
	v3 =	vand.u32 $0xFFFF0000, v3;
	(pc) =	sbr.rel @p1 .LBB2_7-.Ltmp2, $3  }
0x1fa: {  	v4 =	vmul.f32 v4, v2;
	v3 =	vmul.f32 v3, v2;
	_ =	sdelay $0x1  }
0x1fb: {  	[tilespmem:s6+$0xA0] =	vst v4  }
0x1fc: {  	[tilespmem:s6+$0xB0] =	vst v3  }
0x1fd: {  	v1 =	vld [tilespmem:s0+$0x60];
	_ =	sdelay $0x4  }
0x1fe: {  	v3 =	vshll.u32 v1, $0x10  }
0x1ff: {  	v1 =	vand.u32 $0xFFFF0000, v1;
	v3 =	vmul.f32 v3, v2  }
0x200: {  	v1 =	vmul.f32 v1, v2  }
0x201: {  	[tilespmem:s7+$0xC0] =	vst v3  }
0x202: {  	[tilespmem:s7+$0xD0] =	vst v1  }
0x203: {  	v1 =	vld [tilespmem:s0+$0x70];
	_ =	sdelay $0x4  }
0x204: {  	v3 =	vshll.u32 v1, $0x10  }
0x205: {  	v1 =	vand.u32 $0xFFFF0000, v1;
	v3 =	vmul.f32 v3, v2  }
0x206: {  	s22 =	sadd.s32 $0x1, s22;
	v1 =	vmul.f32 v1, v2  }
0x207: {  	p1 =	sne.s32 s22, $0x13;
	[tilespmem:s7+$0xE0] =	vst v3  }
.Ltmp3:
0x208: {  	s31 =	sadd.s32 $0x1400, s30;
	[tilespmem:s7+$0xF0] =	vst v1;
	(pc) =	sbr.rel @p1 .LBB2_4-.Ltmp3, $4  }
0x209: {  	[spmem:s1] =	stream.indirect.scatter.add.f32 [tilespmem:s20], [sflag:$0x3], $0x80, s31, s24, $0xb8;
	[tilespmem:$0x1F480] =	vst v63  }
0x20a: {  	_ =	swait.ge [sflag:s21], $0x4000  }
0x20b: {  	[sflag:s21] =	ssyncset.done $0x0  }
0x20c: {  	[sflag:s21] =	ssyncadd.s32 $0xFFFFC000  }
0x20d: {  	s0 =	simm.s32 $0x0  }
0x20e: {  	v1 =	vmov s0  }
0x20f: {  	v1 =	vand.u32 $0x7C, v1  }
0x210: {  	v1 =	vor.u32 $0x1300, v1  }
0x211: {  	v1 =	vbroadcast v1, $0x0  }
0x212: {  	_ =	swait.ge [sflag:s26], $0x2000  }
0x213: {  	[sflag:s26] =	ssyncset.done $0x0  }
0x214: {  	s22 =	simm.s32 $0x1380;
	s0 =	simm.s32 $0x3C80;
	[sflag:s26] =	ssyncadd.s32 $0xFFFFE000  }
0x215: {  	[tilespmem:s28], [sflag:$0x2] =	stream.indirect.gather [hbm4b:s4+s24], $0x40, s22, s24, $0xb8;
	[tilespmem:$0x1F480] =	vst v63  }
0x216: {  	v2 =	vld [tilespmem:s0+$0xFFFFFF80]  }
0x217: {  	v1 =	vld.idx.msk [tilespmem:v1+s23+$0x0], $0xffff;
	_ =	sdelay $0x3  }
0x218: {  	v3 =	vshll.u32 v2, $0x10  }
0x219: {  	v2 =	vand.u32 $0xFFFF0000, v2;
	v3 =	vmul.f32 v3, v1  }
0x21a: {  	s3 =	simm.s32 $0x7D00;
	v2 =	vmul.f32 v2, v1  }
0x21b: {  	[tilespmem:s3+$0xFFFFFF00] =	vst v3  }
0x21c: {  	[tilespmem:s3+$0xFFFFFF10] =	vst v2  }
0x21d: {  	v2 =	vld [tilespmem:s0+$0xFFFFFF90];
	_ =	sdelay $0x4  }
0x21e: {  	v3 =	vshll.u32 v2, $0x10  }
0x21f: {  	v2 =	vand.u32 $0xFFFF0000, v2;
	v3 =	vmul.f32 v3, v1  }
0x220: {  	v2 =	vmul.f32 v2, v1  }
0x221: {  	[tilespmem:s3+$0xFFFFFF20] =	vst v3  }
0x222: {  	[tilespmem:s3+$0xFFFFFF30] =	vst v2  }
0x223: {  	v2 =	vld [tilespmem:s0+$0xFFFFFFA0];
	_ =	sdelay $0x4  }
0x224: {  	v3 =	vshll.u32 v2, $0x10  }
0x225: {  	v2 =	vand.u32 $0xFFFF0000, v2;
	v3 =	vmul.f32 v3, v1  }
0x226: {  	v2 =	vmul.f32 v2, v1  }
0x227: {  	[tilespmem:s3+$0xFFFFFF40] =	vst v3  }
0x228: {  	[tilespmem:s3+$0xFFFFFF50] =	vst v2  }
0x229: {  	v2 =	vld [tilespmem:s0+$0xFFFFFFB0]  }
0x22a: {  	s6 =	simm.s32 $0x1  }
0x22b: {  	v3 =	vmov s6  }
0x22c: {  	v3 =	vand.u32 $0x7D, v3  }
0x22d: {  	v3 =	vor.u32 $0x1300, v3  }
0x22e: {  	v3 =	vbroadcast v3, $0x0;
	v4 =	vshll.u32 v2, $0x10  }
0x22f: {  	v2 =	vand.u32 $0xFFFF0000, v2;
	v4 =	vmul.f32 v4, v1  }
0x230: {  	v1 =	vmul.f32 v2, v1  }
0x231: {  	[tilespmem:s3+$0xFFFFFF60] =	vst v4  }
0x232: {  	[tilespmem:s3+$0xFFFFFF70] =	vst v1  }
0x233: {  	v1 =	vld [tilespmem:s0+$0xFFFFFFC0]  }
0x234: {  	v2 =	vld.idx.msk [tilespmem:v3+s23+$0x0], $0xffff;
	_ =	sdelay $0x3  }
0x235: {  	v3 =	vshll.u32 v1, $0x10  }
0x236: {  	v1 =	vand.u32 $0xFFFF0000, v1;
	v3 =	vmul.f32 v3, v2  }
0x237: {  	v1 =	vmul.f32 v1, v2  }
0x238: {  	[tilespmem:s3+$0xFFFFFF80] =	vst v3  }
0x239: {  	[tilespmem:s3+$0xFFFFFF90] =	vst v1  }
0x23a: {  	v1 =	vld [tilespmem:s0+$0xFFFFFFD0];
	_ =	sdelay $0x4  }
0x23b: {  	v3 =	vshll.u32 v1, $0x10  }
0x23c: {  	v1 =	vand.u32 $0xFFFF0000, v1;
	v3 =	vmul.f32 v3, v2  }
0x23d: {  	v1 =	vmul.f32 v1, v2  }
0x23e: {  	[tilespmem:s3+$0xFFFFFFA0] =	vst v3  }
0x23f: {  	[tilespmem:s3+$0xFFFFFFB0] =	vst v1  }
0x240: {  	v1 =	vld [tilespmem:s0+$0xFFFFFFE0];
	_ =	sdelay $0x4  }
0x241: {  	v3 =	vshll.u32 v1, $0x10  }
0x242: {  	v1 =	vand.u32 $0xFFFF0000, v1;
	v3 =	vmul.f32 v3, v2  }
0x243: {  	v1 =	vmul.f32 v1, v2  }
0x244: {  	[tilespmem:s3+$0xFFFFFFC0] =	vst v3  }
0x245: {  	[tilespmem:s3+$0xFFFFFFD0] =	vst v1  }
0x246: {  	v1 =	vld [tilespmem:s0+$0xFFFFFFF0]  }
0x247: {  	s30 =	simm.s32 $0x2  }
0x248: {  	v3 =	vmov s30  }
0x249: {  	v3 =	vand.u32 $0x7E, v3  }
0x24a: {  	v3 =	vor.u32 $0x1300, v3  }
0x24b: {  	v3 =	vbroadcast v3, $0x0;
	v62 =	vshll.u32 v1, $0x10  }
0x24c: {  	v1 =	vand.u32 $0xFFFF0000, v1;
	v4 =	vmul.f32 v62, v2  }
0x24d: {  	v1 =	vmul.f32 v1, v2  }
0x24e: {  	[tilespmem:s3+$0xFFFFFFE0] =	vst v4  }
0x24f: {  	[tilespmem:s3+$0xFFFFFFF0] =	vst v1  }
0x250: {  	v1 =	vld [tilespmem:s0+$0x0]  }
0x251: {  	v2 =	vld.idx.msk [tilespmem:v3+s23+$0x0], $0xffff;
	_ =	sdelay $0x3  }
0x252: {  	v3 =	vshll.u32 v1, $0x10  }
0x253: {  	v1 =	vand.u32 $0xFFFF0000, v1;
	v3 =	vmul.f32 v3, v2  }
0x254: {  	v1 =	vmul.f32 v1, v2  }
0x255: {  	[tilespmem:s3+$0x0] =	vst v3  }
0x256: {  	[tilespmem:s3+$0x10] =	vst v1  }
0x257: {  	v1 =	vld [tilespmem:s0+$0x10];
	_ =	sdelay $0x4  }
0x258: {  	v3 =	vshll.u32 v1, $0x10  }
0x259: {  	v1 =	vand.u32 $0xFFFF0000, v1;
	v3 =	vmul.f32 v3, v2  }
0x25a: {  	v1 =	vmul.f32 v1, v2  }
0x25b: {  	[tilespmem:s3+$0x20] =	vst v3  }
0x25c: {  	[tilespmem:s3+$0x30] =	vst v1  }
0x25d: {  	v1 =	vld [tilespmem:s0+$0x20];
	_ =	sdelay $0x4  }
0x25e: {  	v3 =	vshll.u32 v1, $0x10  }
0x25f: {  	v1 =	vand.u32 $0xFFFF0000, v1;
	v3 =	vmul.f32 v3, v2  }
0x260: {  	v1 =	vmul.f32 v1, v2  }
0x261: {  	[tilespmem:s3+$0x40] =	vst v3  }
0x262: {  	[tilespmem:s3+$0x50] =	vst v1  }
0x263: {  	v1 =	vld [tilespmem:s0+$0x30]  }
0x264: {  	s31 =	simm.s32 $0x3  }
0x265: {  	v3 =	vmov s31  }
0x266: {  	v3 =	vand.u32 $0x7F, v3  }
0x267: {  	v3 =	vor.u32 $0x1300, v3  }
0x268: {  	v3 =	vbroadcast v3, $0x0;
	v63 =	vshll.u32 v1, $0x10  }
0x269: {  	v1 =	vand.u32 $0xFFFF0000, v1;
	v4 =	vmul.f32 v63, v2  }
0x26a: {  	v1 =	vmul.f32 v1, v2  }
0x26b: {  	[tilespmem:s3+$0x60] =	vst v4  }
0x26c: {  	[tilespmem:s3+$0x70] =	vst v1  }
0x26d: {  	v2 =	vld [tilespmem:s0+$0x40]  }
0x26e: {  	v1 =	vld.idx.msk [tilespmem:v3+s23+$0x0], $0xffff;
	_ =	sdelay $0x3  }
0x26f: {  	v3 =	vshll.u32 v2, $0x10  }
0x270: {  	v2 =	vand.u32 $0xFFFF0000, v2;
	v3 =	vmul.f32 v3, v1  }
0x271: {  	v2 =	vmul.f32 v2, v1  }
0x272: {  	[tilespmem:s3+$0x80] =	vst v3  }
0x273: {  	[tilespmem:s3+$0x90] =	vst v2  }
0x274: {  	v2 =	vld [tilespmem:s0+$0x50];
	_ =	sdelay $0x4  }
0x275: {  	v3 =	vshll.u32 v2, $0x10  }
0x276: {  	v2 =	vand.u32 $0xFFFF0000, v2;
	v3 =	vmul.f32 v3, v1  }
0x277: {  	v2 =	vmul.f32 v2, v1  }
0x278: {  	[tilespmem:s3+$0xA0] =	vst v3  }
0x279: {  	s7 =	simm.s32 $0x4;
	s8 =	simm.s32 $0x3C80;
	s6 =	simm.s32 $0x7D00;
	[tilespmem:s3+$0xB0] =	vst v2  }
.LBB2_10:
0x27a: {  	p1 =	sne.s32 s7, $0x7C;
	v2 =	vld [tilespmem:s0+$0x60];
	s8 =	sadd.s32 $0x100, s8;
	s3 =	sadd.s32 $0x200, s3  }
0x27b: {  	s9 =	smov.u32 s7;
	s7 =	sadd.s32 $0x4, s7;
	_ =	sdelay $0x3  }
0x27c: {  	v3 =	vshll.u32 v2, $0x10;
	v2 =	vand.u32 $0xFFFF0000, v2  }
0x27d: {  	v3 =	vmul.f32 v3, v1;
	v2 =	vmul.f32 v2, v1;
	_ =	sdelay $0x1  }
0x27e: {  	[tilespmem:s6+$0xC0] =	vst v3  }
0x27f: {  	[tilespmem:s6+$0xD0] =	vst v2  }
0x280: {  	v2 =	vld [tilespmem:s0+$0x70];
	s0 =	smov.u32 s8;
	_ =	sdelay $0x1  }
0x281: {  	v3 =	vmov s9  }
0x282: {  	v3 =	vand.u32 $0x7C, v3  }
0x283: {  	v3 =	vor.u32 $0x1300, v3  }
0x284: {  	v3 =	vbroadcast v3, $0x0;
	v4 =	vshll.u32 v2, $0x10;
	v2 =	vand.u32 $0xFFFF0000, v2  }
0x285: {  	v4 =	vmul.f32 v4, v1;
	v1 =	vmul.f32 v2, v1;
	_ =	sdelay $0x1  }
0x286: {  	[tilespmem:s6+$0xE0] =	vst v4  }
0x287: {  	[tilespmem:s6+$0xF0] =	vst v1;
	s6 =	smov.u32 s3  }
0x288: {  	v1 =	vld [tilespmem:s8+$0xFFFFFF80]  }
0x289: {  	v2 =	vld.idx.msk [tilespmem:v3+s23+$0x0], $0xffff;
	_ =	sdelay $0x4  }
0x28a: {  	v3 =	vshll.u32 v1, $0x10;
	v1 =	vand.u32 $0xFFFF0000, v1  }
0x28b: {  	v3 =	vmul.f32 v3, v2;
	v1 =	vmul.f32 v1, v2;
	_ =	sdelay $0x1  }
0x28c: {  	[tilespmem:s3+$0xFFFFFF00] =	vst v3  }
0x28d: {  	[tilespmem:s3+$0xFFFFFF10] =	vst v1  }
0x28e: {  	v1 =	vld [tilespmem:s8+$0xFFFFFF90];
	_ =	sdelay $0x4  }
0x28f: {  	v3 =	vshll.u32 v1, $0x10;
	v1 =	vand.u32 $0xFFFF0000, v1  }
0x290: {  	v3 =	vmul.f32 v3, v2;
	v1 =	vmul.f32 v1, v2;
	_ =	sdelay $0x1  }
0x291: {  	[tilespmem:s3+$0xFFFFFF20] =	vst v3  }
0x292: {  	[tilespmem:s3+$0xFFFFFF30] =	vst v1  }
0x293: {  	v1 =	vld [tilespmem:s8+$0xFFFFFFA0];
	_ =	sdelay $0x4  }
0x294: {  	v3 =	vshll.u32 v1, $0x10;
	v1 =	vand.u32 $0xFFFF0000, v1  }
0x295: {  	v3 =	vmul.f32 v3, v2;
	v1 =	vmul.f32 v1, v2;
	_ =	sdelay $0x1  }
0x296: {  	[tilespmem:s3+$0xFFFFFF40] =	vst v3  }
0x297: {  	[tilespmem:s3+$0xFFFFFF50] =	vst v1  }
0x298: {  	s11 =	sadd.s32 $0x1, s9;
	v1 =	vld [tilespmem:s8+$0xFFFFFFB0]  }
0x299: {  	v3 =	vmov s11  }
0x29a: {  	v3 =	vand.u32 $0x7D, v3  }
0x29b: {  	v3 =	vor.u32 $0x1300, v3  }
0x29c: {  	v3 =	vbroadcast v3, $0x0  }
0x29d: {  	v4 =	vshll.u32 v1, $0x10;
	v1 =	vand.u32 $0xFFFF0000, v1  }
0x29e: {  	v4 =	vmul.f32 v4, v2;
	v1 =	vmul.f32 v1, v2;
	_ =	sdelay $0x1  }
0x29f: {  	[tilespmem:s3+$0xFFFFFF60] =	vst v4  }
0x2a0: {  	[tilespmem:s3+$0xFFFFFF70] =	vst v1  }
0x2a1: {  	v1 =	vld.idx.msk [tilespmem:v3+s23+$0x0], $0xffff  }
0x2a2: {  	v2 =	vld [tilespmem:s8+$0xFFFFFFC0];
	_ =	sdelay $0x4  }
0x2a3: {  	v3 =	vshll.u32 v2, $0x10;
	v2 =	vand.u32 $0xFFFF0000, v2  }
0x2a4: {  	v3 =	vmul.f32 v3, v1;
	v2 =	vmul.f32 v2, v1;
	_ =	sdelay $0x1  }
0x2a5: {  	[tilespmem:s3+$0xFFFFFF80] =	vst v3  }
0x2a6: {  	[tilespmem:s3+$0xFFFFFF90] =	vst v2  }
0x2a7: {  	v2 =	vld [tilespmem:s8+$0xFFFFFFD0];
	_ =	sdelay $0x4  }
0x2a8: {  	v3 =	vshll.u32 v2, $0x10;
	v2 =	vand.u32 $0xFFFF0000, v2  }
0x2a9: {  	v3 =	vmul.f32 v3, v1;
	v2 =	vmul.f32 v2, v1;
	_ =	sdelay $0x1  }
0x2aa: {  	[tilespmem:s3+$0xFFFFFFA0] =	vst v3  }
0x2ab: {  	[tilespmem:s3+$0xFFFFFFB0] =	vst v2  }
0x2ac: {  	v2 =	vld [tilespmem:s8+$0xFFFFFFE0];
	_ =	sdelay $0x4  }
0x2ad: {  	v3 =	vshll.u32 v2, $0x10;
	v2 =	vand.u32 $0xFFFF0000, v2  }
0x2ae: {  	v3 =	vmul.f32 v3, v1;
	v2 =	vmul.f32 v2, v1;
	_ =	sdelay $0x1  }
0x2af: {  	[tilespmem:s3+$0xFFFFFFC0] =	vst v3  }
0x2b0: {  	[tilespmem:s3+$0xFFFFFFD0] =	vst v2  }
0x2b1: {  	s11 =	sadd.s32 $0x2, s9;
	v2 =	vld [tilespmem:s8+$0xFFFFFFF0]  }
0x2b2: {  	v3 =	vmov s11  }
0x2b3: {  	v3 =	vand.u32 $0x7E, v3  }
0x2b4: {  	v3 =	vor.u32 $0x1300, v3  }
0x2b5: {  	v3 =	vbroadcast v3, $0x0  }
0x2b6: {  	v4 =	vshll.u32 v2, $0x10;
	v2 =	vand.u32 $0xFFFF0000, v2  }
0x2b7: {  	v4 =	vmul.f32 v4, v1;
	v1 =	vmul.f32 v2, v1;
	_ =	sdelay $0x1  }
0x2b8: {  	[tilespmem:s3+$0xFFFFFFE0] =	vst v4  }
0x2b9: {  	[tilespmem:s3+$0xFFFFFFF0] =	vst v1  }
0x2ba: {  	v1 =	vld.idx.msk [tilespmem:v3+s23+$0x0], $0xffff  }
0x2bb: {  	v2 =	vld [tilespmem:s8+$0x0];
	_ =	sdelay $0x4  }
0x2bc: {  	v3 =	vshll.u32 v2, $0x10;
	v2 =	vand.u32 $0xFFFF0000, v2  }
0x2bd: {  	v3 =	vmul.f32 v3, v1;
	v2 =	vmul.f32 v2, v1;
	_ =	sdelay $0x1  }
0x2be: {  	[tilespmem:s3+$0x0] =	vst v3  }
0x2bf: {  	[tilespmem:s3+$0x10] =	vst v2  }
0x2c0: {  	v2 =	vld [tilespmem:s8+$0x10];
	_ =	sdelay $0x4  }
0x2c1: {  	v3 =	vshll.u32 v2, $0x10;
	v2 =	vand.u32 $0xFFFF0000, v2  }
0x2c2: {  	v3 =	vmul.f32 v3, v1;
	v2 =	vmul.f32 v2, v1;
	_ =	sdelay $0x1  }
0x2c3: {  	[tilespmem:s3+$0x20] =	vst v3  }
0x2c4: {  	[tilespmem:s3+$0x30] =	vst v2  }
0x2c5: {  	v2 =	vld [tilespmem:s8+$0x20];
	_ =	sdelay $0x4  }
0x2c6: {  	v3 =	vshll.u32 v2, $0x10;
	v2 =	vand.u32 $0xFFFF0000, v2  }
0x2c7: {  	v3 =	vmul.f32 v3, v1;
	v2 =	vmul.f32 v2, v1;
	_ =	sdelay $0x1  }
0x2c8: {  	[tilespmem:s3+$0x40] =	vst v3  }
0x2c9: {  	[tilespmem:s3+$0x50] =	vst v2  }
0x2ca: {  	s9 =	sadd.s32 $0x3, s9;
	v2 =	vld [tilespmem:s8+$0x30]  }
0x2cb: {  	v3 =	vmov s9  }
0x2cc: {  	v3 =	vand.u32 $0x7F, v3  }
0x2cd: {  	v3 =	vor.u32 $0x1300, v3  }
0x2ce: {  	v3 =	vbroadcast v3, $0x0  }
0x2cf: {  	v4 =	vshll.u32 v2, $0x10;
	v2 =	vand.u32 $0xFFFF0000, v2  }
0x2d0: {  	v4 =	vmul.f32 v4, v1;
	v1 =	vmul.f32 v2, v1;
	_ =	sdelay $0x1  }
0x2d1: {  	[tilespmem:s3+$0x60] =	vst v4  }
0x2d2: {  	[tilespmem:s3+$0x70] =	vst v1  }
0x2d3: {  	v1 =	vld.idx.msk [tilespmem:v3+s23+$0x0], $0xffff  }
0x2d4: {  	v2 =	vld [tilespmem:s8+$0x40];
	_ =	sdelay $0x4  }
0x2d5: {  	v3 =	vshll.u32 v2, $0x10;
	v2 =	vand.u32 $0xFFFF0000, v2  }
0x2d6: {  	v3 =	vmul.f32 v3, v1;
	v2 =	vmul.f32 v2, v1;
	_ =	sdelay $0x1  }
0x2d7: {  	[tilespmem:s3+$0x80] =	vst v3  }
0x2d8: {  	[tilespmem:s3+$0x90] =	vst v2  }
0x2d9: {  	v2 =	vld [tilespmem:s8+$0x50];
	_ =	sdelay $0x4  }
.Ltmp4:
0x2da: {  	v3 =	vshll.u32 v2, $0x10;
	v2 =	vand.u32 $0xFFFF0000, v2;
	(pc) =	sbr.rel @p1 .LBB2_10-.Ltmp4, $3  }
0x2db: {  	v3 =	vmul.f32 v3, v1;
	v2 =	vmul.f32 v2, v1;
	_ =	sdelay $0x1  }
0x2dc: {  	[tilespmem:s3+$0xA0] =	vst v3  }
0x2dd: {  	[tilespmem:s3+$0xB0] =	vst v2  }
0x2de: {  	v2 =	vld [tilespmem:s0+$0x60];
	_ =	sdelay $0x4  }
0x2df: {  	v3 =	vshll.u32 v2, $0x10  }
0x2e0: {  	v2 =	vand.u32 $0xFFFF0000, v2;
	v3 =	vmul.f32 v3, v1  }
0x2e1: {  	v2 =	vmul.f32 v2, v1  }
0x2e2: {  	[tilespmem:s6+$0xC0] =	vst v3  }
0x2e3: {  	[tilespmem:s6+$0xD0] =	vst v2  }
0x2e4: {  	v2 =	vld [tilespmem:s0+$0x70];
	_ =	sdelay $0x4  }
0x2e5: {  	v3 =	vshll.u32 v2, $0x10  }
0x2e6: {  	v2 =	vand.u32 $0xFFFF0000, v2;
	v3 =	vmul.f32 v3, v1  }
0x2e7: {  	v1 =	vmul.f32 v2, v1  }
0x2e8: {  	s11 =	simm.s32 $0x0;
	[tilespmem:s6+$0xE0] =	vst v3  }
0x2e9: {  	s12 =	simm.s32 $0x2700;
	[tilespmem:s6+$0xF0] =	vst v1;
	v1 =	vmov s11  }
0x2ea: {  	[spmem:s1] =	stream.indirect.scatter.add.f32 [tilespmem:s20], [sflag:$0x3], $0x80, s12, s24, $0xb8;
	v1 =	vand.u32 $0x7C, v1;
	[tilespmem:$0x1F480] =	vst v63  }
0x2eb: {  	_ =	swait.ge [sflag:s21], $0x4000;
	v1 =	vor.u32 $0x1380, v1  }
0x2ec: {  	[sflag:s21] =	ssyncset.done $0x0;
	v1 =	vbroadcast v1, $0x0  }
0x2ed: {  	[sflag:s21] =	ssyncadd.s32 $0xFFFFC000  }
0x2ee: {  	_ =	swait.ge [sflag:s29], $0x2000  }
0x2ef: {  	[sflag:s29] =	ssyncset.done $0x0  }
0x2f0: {  	s0 =	simm.s32 $0x5C80;
	[sflag:s29] =	ssyncadd.s32 $0xFFFFE000  }
0x2f1: {  	v2 =	vld [tilespmem:s0+$0xFFFFFF80]  }
0x2f2: {  	v1 =	vld.idx.msk [tilespmem:v1+s23+$0x0], $0xffff;
	_ =	sdelay $0x3  }
0x2f3: {  	v3 =	vshll.u32 v2, $0x10  }
0x2f4: {  	v2 =	vand.u32 $0xFFFF0000, v2;
	v3 =	vmul.f32 v3, v1  }
0x2f5: {  	s3 =	simm.s32 $0x7D00;
	v2 =	vmul.f32 v2, v1  }
0x2f6: {  	[tilespmem:s3+$0xFFFFFF00] =	vst v3  }
0x2f7: {  	[tilespmem:s3+$0xFFFFFF10] =	vst v2  }
0x2f8: {  	v2 =	vld [tilespmem:s0+$0xFFFFFF90];
	_ =	sdelay $0x4  }
0x2f9: {  	v3 =	vshll.u32 v2, $0x10  }
0x2fa: {  	v2 =	vand.u32 $0xFFFF0000, v2;
	v3 =	vmul.f32 v3, v1  }
0x2fb: {  	v2 =	vmul.f32 v2, v1  }
0x2fc: {  	[tilespmem:s3+$0xFFFFFF20] =	vst v3  }
0x2fd: {  	[tilespmem:s3+$0xFFFFFF30] =	vst v2  }
0x2fe: {  	v2 =	vld [tilespmem:s0+$0xFFFFFFA0];
	_ =	sdelay $0x4  }
0x2ff: {  	v3 =	vshll.u32 v2, $0x10  }
0x300: {  	v2 =	vand.u32 $0xFFFF0000, v2;
	v3 =	vmul.f32 v3, v1  }
0x301: {  	v2 =	vmul.f32 v2, v1  }
0x302: {  	[tilespmem:s3+$0xFFFFFF40] =	vst v3  }
0x303: {  	[tilespmem:s3+$0xFFFFFF50] =	vst v2  }
0x304: {  	v2 =	vld [tilespmem:s0+$0xFFFFFFB0]  }
0x305: {  	s22 =	simm.s32 $0x1  }
0x306: {  	v3 =	vmov s22  }
0x307: {  	v3 =	vand.u32 $0x7D, v3  }
0x308: {  	v3 =	vor.u32 $0x1380, v3  }
0x309: {  	v3 =	vbroadcast v3, $0x0;
	v4 =	vshll.u32 v2, $0x10  }
0x30a: {  	v2 =	vand.u32 $0xFFFF0000, v2;
	v4 =	vmul.f32 v4, v1  }
0x30b: {  	v1 =	vmul.f32 v2, v1  }
0x30c: {  	[tilespmem:s3+$0xFFFFFF60] =	vst v4  }
0x30d: {  	[tilespmem:s3+$0xFFFFFF70] =	vst v1  }
0x30e: {  	v1 =	vld [tilespmem:s0+$0xFFFFFFC0]  }
0x30f: {  	v2 =	vld.idx.msk [tilespmem:v3+s23+$0x0], $0xffff;
	_ =	sdelay $0x3  }
0x310: {  	v3 =	vshll.u32 v1, $0x10  }
0x311: {  	v1 =	vand.u32 $0xFFFF0000, v1;
	v3 =	vmul.f32 v3, v2  }
0x312: {  	v1 =	vmul.f32 v1, v2  }
0x313: {  	[tilespmem:s3+$0xFFFFFF80] =	vst v3  }
0x314: {  	[tilespmem:s3+$0xFFFFFF90] =	vst v1  }
0x315: {  	v1 =	vld [tilespmem:s0+$0xFFFFFFD0];
	_ =	sdelay $0x4  }
0x316: {  	v3 =	vshll.u32 v1, $0x10  }
0x317: {  	v1 =	vand.u32 $0xFFFF0000, v1;
	v3 =	vmul.f32 v3, v2  }
0x318: {  	v1 =	vmul.f32 v1, v2  }
0x319: {  	[tilespmem:s3+$0xFFFFFFA0] =	vst v3  }
0x31a: {  	[tilespmem:s3+$0xFFFFFFB0] =	vst v1  }
0x31b: {  	v1 =	vld [tilespmem:s0+$0xFFFFFFE0];
	_ =	sdelay $0x4  }
0x31c: {  	v3 =	vshll.u32 v1, $0x10  }
0x31d: {  	v1 =	vand.u32 $0xFFFF0000, v1;
	v3 =	vmul.f32 v3, v2  }
0x31e: {  	v1 =	vmul.f32 v1, v2  }
0x31f: {  	[tilespmem:s3+$0xFFFFFFC0] =	vst v3  }
0x320: {  	[tilespmem:s3+$0xFFFFFFD0] =	vst v1  }
0x321: {  	v1 =	vld [tilespmem:s0+$0xFFFFFFF0]  }
0x322: {  	s30 =	simm.s32 $0x2  }
0x323: {  	v3 =	vmov s30  }
0x324: {  	v3 =	vand.u32 $0x7E, v3  }
0x325: {  	v3 =	vor.u32 $0x1380, v3  }
0x326: {  	v3 =	vbroadcast v3, $0x0;
	v62 =	vshll.u32 v1, $0x10  }
0x327: {  	v1 =	vand.u32 $0xFFFF0000, v1;
	v4 =	vmul.f32 v62, v2  }
0x328: {  	v1 =	vmul.f32 v1, v2  }
0x329: {  	[tilespmem:s3+$0xFFFFFFE0] =	vst v4  }
0x32a: {  	[tilespmem:s3+$0xFFFFFFF0] =	vst v1  }
0x32b: {  	v1 =	vld [tilespmem:s0+$0x0]  }
0x32c: {  	v2 =	vld.idx.msk [tilespmem:v3+s23+$0x0], $0xffff;
	_ =	sdelay $0x3  }
0x32d: {  	v3 =	vshll.u32 v1, $0x10  }
0x32e: {  	v1 =	vand.u32 $0xFFFF0000, v1;
	v3 =	vmul.f32 v3, v2  }
0x32f: {  	v1 =	vmul.f32 v1, v2  }
0x330: {  	[tilespmem:s3+$0x0] =	vst v3  }
0x331: {  	[tilespmem:s3+$0x10] =	vst v1  }
0x332: {  	v1 =	vld [tilespmem:s0+$0x10];
	_ =	sdelay $0x4  }
0x333: {  	v3 =	vshll.u32 v1, $0x10  }
0x334: {  	v1 =	vand.u32 $0xFFFF0000, v1;
	v3 =	vmul.f32 v3, v2  }
0x335: {  	v1 =	vmul.f32 v1, v2  }
0x336: {  	[tilespmem:s3+$0x20] =	vst v3  }
0x337: {  	[tilespmem:s3+$0x30] =	vst v1  }
0x338: {  	v1 =	vld [tilespmem:s0+$0x20];
	_ =	sdelay $0x4  }
0x339: {  	v3 =	vshll.u32 v1, $0x10  }
0x33a: {  	v1 =	vand.u32 $0xFFFF0000, v1;
	v3 =	vmul.f32 v3, v2  }
0x33b: {  	v1 =	vmul.f32 v1, v2  }
0x33c: {  	[tilespmem:s3+$0x40] =	vst v3  }
0x33d: {  	[tilespmem:s3+$0x50] =	vst v1  }
0x33e: {  	v1 =	vld [tilespmem:s0+$0x30]  }
0x33f: {  	s31 =	simm.s32 $0x3  }
0x340: {  	v3 =	vmov s31  }
0x341: {  	v3 =	vand.u32 $0x7F, v3  }
0x342: {  	v3 =	vor.u32 $0x1380, v3  }
0x343: {  	v3 =	vbroadcast v3, $0x0;
	v63 =	vshll.u32 v1, $0x10  }
0x344: {  	v1 =	vand.u32 $0xFFFF0000, v1;
	v4 =	vmul.f32 v63, v2  }
0x345: {  	v1 =	vmul.f32 v1, v2  }
0x346: {  	[tilespmem:s3+$0x60] =	vst v4  }
0x347: {  	[tilespmem:s3+$0x70] =	vst v1  }
0x348: {  	v2 =	vld [tilespmem:s0+$0x40]  }
0x349: {  	v1 =	vld.idx.msk [tilespmem:v3+s23+$0x0], $0xffff;
	_ =	sdelay $0x3  }
0x34a: {  	v3 =	vshll.u32 v2, $0x10  }
0x34b: {  	v2 =	vand.u32 $0xFFFF0000, v2;
	v3 =	vmul.f32 v3, v1  }
0x34c: {  	v2 =	vmul.f32 v2, v1  }
0x34d: {  	[tilespmem:s3+$0x80] =	vst v3  }
0x34e: {  	[tilespmem:s3+$0x90] =	vst v2  }
0x34f: {  	v2 =	vld [tilespmem:s0+$0x50];
	_ =	sdelay $0x4  }
0x350: {  	v3 =	vshll.u32 v2, $0x10  }
0x351: {  	v2 =	vand.u32 $0xFFFF0000, v2;
	v3 =	vmul.f32 v3, v1  }
0x352: {  	v2 =	vmul.f32 v2, v1  }
0x353: {  	[tilespmem:s3+$0xA0] =	vst v3  }
0x354: {  	s7 =	simm.s32 $0x4;
	s8 =	simm.s32 $0x5C80;
	s6 =	simm.s32 $0x7D00;
	[tilespmem:s3+$0xB0] =	vst v2  }
.LBB2_12:
0x355: {  	p1 =	sne.s32 s7, $0x7C;
	v2 =	vld [tilespmem:s0+$0x60];
	s8 =	sadd.s32 $0x100, s8;
	s3 =	sadd.s32 $0x200, s3  }
0x356: {  	s9 =	smov.u32 s7;
	s7 =	sadd.s32 $0x4, s7;
	_ =	sdelay $0x3  }
0x357: {  	v3 =	vshll.u32 v2, $0x10;
	v2 =	vand.u32 $0xFFFF0000, v2  }
0x358: {  	v3 =	vmul.f32 v3, v1;
	v2 =	vmul.f32 v2, v1;
	_ =	sdelay $0x1  }
0x359: {  	[tilespmem:s6+$0xC0] =	vst v3  }
0x35a: {  	[tilespmem:s6+$0xD0] =	vst v2  }
0x35b: {  	v2 =	vld [tilespmem:s0+$0x70];
	s0 =	smov.u32 s8;
	_ =	sdelay $0x1  }
0x35c: {  	v3 =	vmov s9  }
0x35d: {  	v3 =	vand.u32 $0x7C, v3  }
0x35e: {  	v3 =	vor.u32 $0x1380, v3  }
0x35f: {  	v3 =	vbroadcast v3, $0x0;
	v4 =	vshll.u32 v2, $0x10;
	v2 =	vand.u32 $0xFFFF0000, v2  }
0x360: {  	v4 =	vmul.f32 v4, v1;
	v1 =	vmul.f32 v2, v1;
	_ =	sdelay $0x1  }
0x361: {  	[tilespmem:s6+$0xE0] =	vst v4  }
0x362: {  	[tilespmem:s6+$0xF0] =	vst v1;
	s6 =	smov.u32 s3  }
0x363: {  	v1 =	vld [tilespmem:s8+$0xFFFFFF80]  }
0x364: {  	v2 =	vld.idx.msk [tilespmem:v3+s23+$0x0], $0xffff;
	_ =	sdelay $0x4  }
0x365: {  	v3 =	vshll.u32 v1, $0x10;
	v1 =	vand.u32 $0xFFFF0000, v1  }
0x366: {  	v3 =	vmul.f32 v3, v2;
	v1 =	vmul.f32 v1, v2;
	_ =	sdelay $0x1  }
0x367: {  	[tilespmem:s3+$0xFFFFFF00] =	vst v3  }
0x368: {  	[tilespmem:s3+$0xFFFFFF10] =	vst v1  }
0x369: {  	v1 =	vld [tilespmem:s8+$0xFFFFFF90];
	_ =	sdelay $0x4  }
0x36a: {  	v3 =	vshll.u32 v1, $0x10;
	v1 =	vand.u32 $0xFFFF0000, v1  }
0x36b: {  	v3 =	vmul.f32 v3, v2;
	v1 =	vmul.f32 v1, v2;
	_ =	sdelay $0x1  }
0x36c: {  	[tilespmem:s3+$0xFFFFFF20] =	vst v3  }
0x36d: {  	[tilespmem:s3+$0xFFFFFF30] =	vst v1  }
0x36e: {  	v1 =	vld [tilespmem:s8+$0xFFFFFFA0];
	_ =	sdelay $0x4  }
0x36f: {  	v3 =	vshll.u32 v1, $0x10;
	v1 =	vand.u32 $0xFFFF0000, v1  }
0x370: {  	v3 =	vmul.f32 v3, v2;
	v1 =	vmul.f32 v1, v2;
	_ =	sdelay $0x1  }
0x371: {  	[tilespmem:s3+$0xFFFFFF40] =	vst v3  }
0x372: {  	[tilespmem:s3+$0xFFFFFF50] =	vst v1  }
0x373: {  	s11 =	sadd.s32 $0x1, s9;
	v1 =	vld [tilespmem:s8+$0xFFFFFFB0]  }
0x374: {  	v3 =	vmov s11  }
0x375: {  	v3 =	vand.u32 $0x7D, v3  }
0x376: {  	v3 =	vor.u32 $0x1380, v3  }
0x377: {  	v3 =	vbroadcast v3, $0x0  }
0x378: {  	v4 =	vshll.u32 v1, $0x10;
	v1 =	vand.u32 $0xFFFF0000, v1  }
0x379: {  	v4 =	vmul.f32 v4, v2;
	v1 =	vmul.f32 v1, v2;
	_ =	sdelay $0x1  }
0x37a: {  	[tilespmem:s3+$0xFFFFFF60] =	vst v4  }
0x37b: {  	[tilespmem:s3+$0xFFFFFF70] =	vst v1  }
0x37c: {  	v1 =	vld.idx.msk [tilespmem:v3+s23+$0x0], $0xffff  }
0x37d: {  	v2 =	vld [tilespmem:s8+$0xFFFFFFC0];
	_ =	sdelay $0x4  }
0x37e: {  	v3 =	vshll.u32 v2, $0x10;
	v2 =	vand.u32 $0xFFFF0000, v2  }
0x37f: {  	v3 =	vmul.f32 v3, v1;
	v2 =	vmul.f32 v2, v1;
	_ =	sdelay $0x1  }
0x380: {  	[tilespmem:s3+$0xFFFFFF80] =	vst v3  }
0x381: {  	[tilespmem:s3+$0xFFFFFF90] =	vst v2  }
0x382: {  	v2 =	vld [tilespmem:s8+$0xFFFFFFD0];
	_ =	sdelay $0x4  }
0x383: {  	v3 =	vshll.u32 v2, $0x10;
	v2 =	vand.u32 $0xFFFF0000, v2  }
0x384: {  	v3 =	vmul.f32 v3, v1;
	v2 =	vmul.f32 v2, v1;
	_ =	sdelay $0x1  }
0x385: {  	[tilespmem:s3+$0xFFFFFFA0] =	vst v3  }
0x386: {  	[tilespmem:s3+$0xFFFFFFB0] =	vst v2  }
0x387: {  	v2 =	vld [tilespmem:s8+$0xFFFFFFE0];
	_ =	sdelay $0x4  }
0x388: {  	v3 =	vshll.u32 v2, $0x10;
	v2 =	vand.u32 $0xFFFF0000, v2  }
0x389: {  	v3 =	vmul.f32 v3, v1;
	v2 =	vmul.f32 v2, v1;
	_ =	sdelay $0x1  }
0x38a: {  	[tilespmem:s3+$0xFFFFFFC0] =	vst v3  }
0x38b: {  	[tilespmem:s3+$0xFFFFFFD0] =	vst v2  }
0x38c: {  	s11 =	sadd.s32 $0x2, s9;
	v2 =	vld [tilespmem:s8+$0xFFFFFFF0]  }
0x38d: {  	v3 =	vmov s11  }
0x38e: {  	v3 =	vand.u32 $0x7E, v3  }
0x38f: {  	v3 =	vor.u32 $0x1380, v3  }
0x390: {  	v3 =	vbroadcast v3, $0x0  }
0x391: {  	v4 =	vshll.u32 v2, $0x10;
	v2 =	vand.u32 $0xFFFF0000, v2  }
0x392: {  	v4 =	vmul.f32 v4, v1;
	v1 =	vmul.f32 v2, v1;
	_ =	sdelay $0x1  }
0x393: {  	[tilespmem:s3+$0xFFFFFFE0] =	vst v4  }
0x394: {  	[tilespmem:s3+$0xFFFFFFF0] =	vst v1  }
0x395: {  	v1 =	vld.idx.msk [tilespmem:v3+s23+$0x0], $0xffff  }
0x396: {  	v2 =	vld [tilespmem:s8+$0x0];
	_ =	sdelay $0x4  }
0x397: {  	v3 =	vshll.u32 v2, $0x10;
	v2 =	vand.u32 $0xFFFF0000, v2  }
0x398: {  	v3 =	vmul.f32 v3, v1;
	v2 =	vmul.f32 v2, v1;
	_ =	sdelay $0x1  }
0x399: {  	[tilespmem:s3+$0x0] =	vst v3  }
0x39a: {  	[tilespmem:s3+$0x10] =	vst v2  }
0x39b: {  	v2 =	vld [tilespmem:s8+$0x10];
	_ =	sdelay $0x4  }
0x39c: {  	v3 =	vshll.u32 v2, $0x10;
	v2 =	vand.u32 $0xFFFF0000, v2  }
0x39d: {  	v3 =	vmul.f32 v3, v1;
	v2 =	vmul.f32 v2, v1;
	_ =	sdelay $0x1  }
0x39e: {  	[tilespmem:s3+$0x20] =	vst v3  }
0x39f: {  	[tilespmem:s3+$0x30] =	vst v2  }
0x3a0: {  	v2 =	vld [tilespmem:s8+$0x20];
	_ =	sdelay $0x4  }
0x3a1: {  	v3 =	vshll.u32 v2, $0x10;
	v2 =	vand.u32 $0xFFFF0000, v2  }
0x3a2: {  	v3 =	vmul.f32 v3, v1;
	v2 =	vmul.f32 v2, v1;
	_ =	sdelay $0x1  }
0x3a3: {  	[tilespmem:s3+$0x40] =	vst v3  }
0x3a4: {  	[tilespmem:s3+$0x50] =	vst v2  }
0x3a5: {  	s9 =	sadd.s32 $0x3, s9;
	v2 =	vld [tilespmem:s8+$0x30]  }
0x3a6: {  	v3 =	vmov s9  }
0x3a7: {  	v3 =	vand.u32 $0x7F, v3  }
0x3a8: {  	v3 =	vor.u32 $0x1380, v3  }
0x3a9: {  	v3 =	vbroadcast v3, $0x0  }
0x3aa: {  	v4 =	vshll.u32 v2, $0x10;
	v2 =	vand.u32 $0xFFFF0000, v2  }
0x3ab: {  	v4 =	vmul.f32 v4, v1;
	v1 =	vmul.f32 v2, v1;
	_ =	sdelay $0x1  }
0x3ac: {  	[tilespmem:s3+$0x60] =	vst v4  }
0x3ad: {  	[tilespmem:s3+$0x70] =	vst v1  }
0x3ae: {  	v1 =	vld.idx.msk [tilespmem:v3+s23+$0x0], $0xffff  }
0x3af: {  	v2 =	vld [tilespmem:s8+$0x40];
	_ =	sdelay $0x4  }
0x3b0: {  	v3 =	vshll.u32 v2, $0x10;
	v2 =	vand.u32 $0xFFFF0000, v2  }
0x3b1: {  	v3 =	vmul.f32 v3, v1;
	v2 =	vmul.f32 v2, v1;
	_ =	sdelay $0x1  }
0x3b2: {  	[tilespmem:s3+$0x80] =	vst v3  }
0x3b3: {  	[tilespmem:s3+$0x90] =	vst v2  }
0x3b4: {  	v2 =	vld [tilespmem:s8+$0x50];
	_ =	sdelay $0x4  }
.Ltmp5:
0x3b5: {  	v3 =	vshll.u32 v2, $0x10;
	v2 =	vand.u32 $0xFFFF0000, v2;
	(pc) =	sbr.rel @p1 .LBB2_12-.Ltmp5, $3  }
0x3b6: {  	v3 =	vmul.f32 v3, v1;
	v2 =	vmul.f32 v2, v1;
	_ =	sdelay $0x1  }
0x3b7: {  	[tilespmem:s3+$0xA0] =	vst v3  }
0x3b8: {  	[tilespmem:s3+$0xB0] =	vst v2  }
0x3b9: {  	v2 =	vld [tilespmem:s0+$0x60];
	_ =	sdelay $0x4  }
0x3ba: {  	v3 =	vshll.u32 v2, $0x10  }
0x3bb: {  	v2 =	vand.u32 $0xFFFF0000, v2;
	v3 =	vmul.f32 v3, v1  }
0x3bc: {  	v2 =	vmul.f32 v2, v1  }
0x3bd: {  	[tilespmem:s6+$0xC0] =	vst v3  }
0x3be: {  	[tilespmem:s6+$0xD0] =	vst v2  }
0x3bf: {  	v2 =	vld [tilespmem:s0+$0x70];
	_ =	sdelay $0x4  }
0x3c0: {  	v3 =	vshll.u32 v2, $0x10  }
0x3c1: {  	v2 =	vand.u32 $0xFFFF0000, v2;
	v3 =	vmul.f32 v3, v1  }
0x3c2: {  	v1 =	vmul.f32 v2, v1  }
0x3c3: {  	[tilespmem:s6+$0xE0] =	vst v3  }
0x3c4: {  	s30 =	simm.s32 $0x2780;
	[tilespmem:s6+$0xF0] =	vst v1  }
0x3c5: {  	[spmem:s1] =	stream.indirect.scatter.add.f32 [tilespmem:s20], [sflag:$0x3], $0x80, s30, s24, $0xb8;
	[tilespmem:$0x1F480] =	vst v63  }
0x3c6: {  	_ =	swait.ge [sflag:s21], $0x4000  }
0x3c7: {  	[sflag:s21] =	ssyncset.done $0x0  }
0x3c8: {  	s3 =	simm.s32 $0x0;
	[sflag:s21] =	ssyncadd.s32 $0xFFFFC000  }
0x3c9: {  	[tilespmem:s3], [sflag:$0x3] =	stream.linear.gather [hbm4b:s14+s3], $0x1400, $0x38;
	[tilespmem:$0x1F480] =	vst v63  }
0x3ca: {  	_ =	swait.ge [sflag:s21], $0x1400  }
0x3cb: {  	[sflag:s21] =	ssyncset.done $0x0  }
0x3cc: {  	s31 =	simm.s32 $0x1400;
	[sflag:s21] =	ssyncadd.s32 $0xFFFFEC00  }
0x3cd: {  	[tilespmem:s31], [sflag:$0x3] =	stream.linear.gather [hbm4b:s15+s3], $0x1400, $0x38;
	[tilespmem:$0x1F480] =	vst v63  }
0x3ce: {  	_ =	swait.ge [sflag:s21], $0x1400  }
0x3cf: {  	[sflag:s21] =	ssyncset.done $0x0  }
0x3d0: {  	[sflag:s21] =	ssyncadd.s32 $0xFFFFEC00  }
0x3d1: {  	[tilespmem:s23], [sflag:$0x3] =	stream.linear.gather [hbm4b:s16+s3], $0x1400, $0x38;
	[tilespmem:$0x1F480] =	vst v63  }
0x3d2: {  	_ =	swait.ge [sflag:s21], $0x1400  }
0x3d3: {  	[sflag:s21] =	ssyncset.done $0x0  }
0x3d4: {  	s22 =	simm.s32 $0x0;
	[sflag:s21] =	ssyncadd.s32 $0xFFFFEC00  }
0x3d5: {  	[tilespmem:s25], [sflag:$0x1] =	stream.indirect.gather [hbm4b:s4+s24], $0x40, s3, s24, $0xb8;
	[tilespmem:$0x1F480] =	vst v63  }
.LBB2_14:
0x3d6: {  	s31 =	sshll.u32 s22, $0x8;
	v2 =	vmov s3  }
0x3d7: {  	v1 =	vmov s31;
	v2 =	vand.u32 $0x7C, v2  }
0x3d8: {  	v2 =	vor.u32 v1, v2  }
0x3d9: {  	v2 =	vbroadcast v2, $0x0  }
0x3da: {  	_ =	swait.ge [sflag:s26], $0x2000  }
0x3db: {  	s0 =	sshllo.u32 s22, $0x1;
	[sflag:s26] =	ssyncset.done $0x0  }
0x3dc: {  	s30 =	sshll.u32 s0, $0x7;
	s0 =	simm.s32 $0x3C80;
	[sflag:s26] =	ssyncadd.s32 $0xFFFFE000  }
0x3dd: {  	[tilespmem:s28], [sflag:$0x2] =	stream.indirect.gather [hbm4b:s4+s24], $0x40, s30, s24, $0xb8;
	[tilespmem:$0x1F480] =	vst v63  }
0x3de: {  	v3 =	vld [tilespmem:s0+$0xFFFFFF80]  }
0x3df: {  	v2 =	vld.idx.msk [tilespmem:v2+s23+$0x0], $0xffff;
	_ =	sdelay $0x3  }
0x3e0: {  	v4 =	vshll.u32 v3, $0x10  }
0x3e1: {  	v3 =	vand.u32 $0xFFFF0000, v3;
	v4 =	vmul.f32 v4, v2  }
0x3e2: {  	s6 =	simm.s32 $0x7D00;
	v3 =	vmul.f32 v3, v2  }
0x3e3: {  	[tilespmem:s6+$0xFFFFFF00] =	vst v4  }
0x3e4: {  	[tilespmem:s6+$0xFFFFFF10] =	vst v3  }
0x3e5: {  	v3 =	vld [tilespmem:s0+$0xFFFFFF90];
	_ =	sdelay $0x4  }
0x3e6: {  	v49 =	vshll.u32 v3, $0x10  }
0x3e7: {  	v3 =	vand.u32 $0xFFFF0000, v3;
	v4 =	vmul.f32 v49, v2  }
0x3e8: {  	v3 =	vmul.f32 v3, v2  }
0x3e9: {  	[tilespmem:s6+$0xFFFFFF20] =	vst v4  }
0x3ea: {  	[tilespmem:s6+$0xFFFFFF30] =	vst v3  }
0x3eb: {  	v3 =	vld [tilespmem:s0+$0xFFFFFFA0];
	_ =	sdelay $0x4  }
0x3ec: {  	v50 =	vshll.u32 v3, $0x10  }
0x3ed: {  	v3 =	vand.u32 $0xFFFF0000, v3;
	v4 =	vmul.f32 v50, v2  }
0x3ee: {  	v3 =	vmul.f32 v3, v2  }
0x3ef: {  	[tilespmem:s6+$0xFFFFFF40] =	vst v4  }
0x3f0: {  	[tilespmem:s6+$0xFFFFFF50] =	vst v3  }
0x3f1: {  	v3 =	vld [tilespmem:s0+$0xFFFFFFB0]  }
0x3f2: {  	s7 =	simm.s32 $0x1  }
0x3f3: {  	v51 =	vmov s7  }
0x3f4: {  	v4 =	vand.u32 $0x7D, v51  }
0x3f5: {  	v4 =	vor.u32 v1, v4  }
0x3f6: {  	v4 =	vbroadcast v4, $0x0;
	v5 =	vshll.u32 v3, $0x10  }
0x3f7: {  	v3 =	vand.u32 $0xFFFF0000, v3;
	v5 =	vmul.f32 v5, v2  }
0x3f8: {  	v2 =	vmul.f32 v3, v2  }
0x3f9: {  	[tilespmem:s6+$0xFFFFFF60] =	vst v5  }
0x3fa: {  	[tilespmem:s6+$0xFFFFFF70] =	vst v2  }
0x3fb: {  	v2 =	vld [tilespmem:s0+$0xFFFFFFC0]  }
0x3fc: {  	v3 =	vld.idx.msk [tilespmem:v4+s23+$0x0], $0xffff;
	_ =	sdelay $0x3  }
0x3fd: {  	v52 =	vshll.u32 v2, $0x10  }
0x3fe: {  	v2 =	vand.u32 $0xFFFF0000, v2;
	v4 =	vmul.f32 v52, v3  }
0x3ff: {  	v2 =	vmul.f32 v2, v3  }
0x400: {  	[tilespmem:s6+$0xFFFFFF80] =	vst v4  }
0x401: {  	[tilespmem:s6+$0xFFFFFF90] =	vst v2  }
0x402: {  	v2 =	vld [tilespmem:s0+$0xFFFFFFD0];
	_ =	sdelay $0x4  }
0x403: {  	v53 =	vshll.u32 v2, $0x10  }
0x404: {  	v2 =	vand.u32 $0xFFFF0000, v2;
	v4 =	vmul.f32 v53, v3  }
0x405: {  	v2 =	vmul.f32 v2, v3  }
0x406: {  	[tilespmem:s6+$0xFFFFFFA0] =	vst v4  }
0x407: {  	[tilespmem:s6+$0xFFFFFFB0] =	vst v2  }
0x408: {  	v2 =	vld [tilespmem:s0+$0xFFFFFFE0];
	_ =	sdelay $0x4  }
0x409: {  	v54 =	vshll.u32 v2, $0x10  }
0x40a: {  	v2 =	vand.u32 $0xFFFF0000, v2;
	v4 =	vmul.f32 v54, v3  }
0x40b: {  	v2 =	vmul.f32 v2, v3  }
0x40c: {  	[tilespmem:s6+$0xFFFFFFC0] =	vst v4  }
0x40d: {  	[tilespmem:s6+$0xFFFFFFD0] =	vst v2  }
0x40e: {  	v2 =	vld [tilespmem:s0+$0xFFFFFFF0]  }
0x40f: {  	s11 =	simm.s32 $0x2  }
0x410: {  	v55 =	vmov s11  }
0x411: {  	v4 =	vand.u32 $0x7E, v55  }
0x412: {  	v4 =	vor.u32 v1, v4  }
0x413: {  	v4 =	vbroadcast v4, $0x0;
	v56 =	vshll.u32 v2, $0x10  }
0x414: {  	v2 =	vand.u32 $0xFFFF0000, v2;
	v5 =	vmul.f32 v56, v3  }
0x415: {  	v2 =	vmul.f32 v2, v3  }
0x416: {  	[tilespmem:s6+$0xFFFFFFE0] =	vst v5  }
0x417: {  	[tilespmem:s6+$0xFFFFFFF0] =	vst v2  }
0x418: {  	v2 =	vld [tilespmem:s0+$0x0]  }
0x419: {  	v3 =	vld.idx.msk [tilespmem:v4+s23+$0x0], $0xffff;
	_ =	sdelay $0x3  }
0x41a: {  	v57 =	vshll.u32 v2, $0x10  }
0x41b: {  	v2 =	vand.u32 $0xFFFF0000, v2;
	v4 =	vmul.f32 v57, v3  }
0x41c: {  	v2 =	vmul.f32 v2, v3  }
0x41d: {  	[tilespmem:s6+$0x0] =	vst v4  }
0x41e: {  	[tilespmem:s6+$0x10] =	vst v2  }
0x41f: {  	v2 =	vld [tilespmem:s0+$0x10];
	_ =	sdelay $0x4  }
0x420: {  	v58 =	vshll.u32 v2, $0x10  }
0x421: {  	v2 =	vand.u32 $0xFFFF0000, v2;
	v4 =	vmul.f32 v58, v3  }
0x422: {  	v2 =	vmul.f32 v2, v3  }
0x423: {  	[tilespmem:s6+$0x20] =	vst v4  }
0x424: {  	[tilespmem:s6+$0x30] =	vst v2  }
0x425: {  	v2 =	vld [tilespmem:s0+$0x20];
	_ =	sdelay $0x4  }
0x426: {  	v59 =	vshll.u32 v2, $0x10  }
0x427: {  	v2 =	vand.u32 $0xFFFF0000, v2;
	v4 =	vmul.f32 v59, v3  }
0x428: {  	v2 =	vmul.f32 v2, v3  }
0x429: {  	[tilespmem:s6+$0x40] =	vst v4  }
0x42a: {  	[tilespmem:s6+$0x50] =	vst v2  }
0x42b: {  	v2 =	vld [tilespmem:s0+$0x30]  }
0x42c: {  	s12 =	simm.s32 $0x3  }
0x42d: {  	v60 =	vmov s12  }
0x42e: {  	v4 =	vand.u32 $0x7F, v60  }
0x42f: {  	v4 =	vor.u32 v1, v4  }
0x430: {  	v4 =	vbroadcast v4, $0x0;
	v61 =	vshll.u32 v2, $0x10  }
0x431: {  	v2 =	vand.u32 $0xFFFF0000, v2;
	v5 =	vmul.f32 v61, v3  }
0x432: {  	v2 =	vmul.f32 v2, v3  }
0x433: {  	[tilespmem:s6+$0x60] =	vst v5  }
0x434: {  	[tilespmem:s6+$0x70] =	vst v2  }
0x435: {  	v3 =	vld [tilespmem:s0+$0x40]  }
0x436: {  	v2 =	vld.idx.msk [tilespmem:v4+s23+$0x0], $0xffff;
	_ =	sdelay $0x3  }
0x437: {  	v62 =	vshll.u32 v3, $0x10  }
0x438: {  	v3 =	vand.u32 $0xFFFF0000, v3;
	v4 =	vmul.f32 v62, v2  }
0x439: {  	v3 =	vmul.f32 v3, v2  }
0x43a: {  	[tilespmem:s6+$0x80] =	vst v4  }
0x43b: {  	[tilespmem:s6+$0x90] =	vst v3  }
0x43c: {  	v3 =	vld [tilespmem:s0+$0x50];
	_ =	sdelay $0x4  }
0x43d: {  	v63 =	vshll.u32 v3, $0x10  }
0x43e: {  	v3 =	vand.u32 $0xFFFF0000, v3;
	v4 =	vmul.f32 v63, v2  }
0x43f: {  	v3 =	vmul.f32 v3, v2  }
0x440: {  	[tilespmem:s6+$0xA0] =	vst v4  }
0x441: {  	s8 =	simm.s32 $0x4;
	s9 =	simm.s32 $0x3C80;
	s7 =	simm.s32 $0x7D00;
	[tilespmem:s6+$0xB0] =	vst v3  }
.LBB2_15:
0x442: {  	p1 =	sne.s32 s8, $0x7C;
	v3 =	vld [tilespmem:s0+$0x60];
	s9 =	sadd.s32 $0x100, s9;
	s6 =	sadd.s32 $0x200, s6  }
0x443: {  	s11 =	smov.u32 s8;
	s8 =	sadd.s32 $0x4, s8;
	_ =	sdelay $0x3  }
0x444: {  	v4 =	vshll.u32 v3, $0x10;
	v3 =	vand.u32 $0xFFFF0000, v3  }
0x445: {  	v4 =	vmul.f32 v4, v2;
	v3 =	vmul.f32 v3, v2;
	_ =	sdelay $0x1  }
0x446: {  	[tilespmem:s7+$0xC0] =	vst v4  }
0x447: {  	[tilespmem:s7+$0xD0] =	vst v3  }
0x448: {  	v3 =	vld [tilespmem:s0+$0x70];
	s0 =	smov.u32 s9;
	_ =	sdelay $0x1  }
0x449: {  	v4 =	vmov s11  }
0x44a: {  	v4 =	vand.u32 $0x7C, v4  }
0x44b: {  	v4 =	vor.u32 v1, v4  }
0x44c: {  	v4 =	vbroadcast v4, $0x0;
	v5 =	vshll.u32 v3, $0x10;
	v3 =	vand.u32 $0xFFFF0000, v3  }
0x44d: {  	v5 =	vmul.f32 v5, v2;
	v2 =	vmul.f32 v3, v2;
	_ =	sdelay $0x1  }
0x44e: {  	[tilespmem:s7+$0xE0] =	vst v5  }
0x44f: {  	[tilespmem:s7+$0xF0] =	vst v2;
	s7 =	smov.u32 s6  }
0x450: {  	v2 =	vld [tilespmem:s9+$0xFFFFFF80]  }
0x451: {  	v3 =	vld.idx.msk [tilespmem:v4+s23+$0x0], $0xffff;
	_ =	sdelay $0x4  }
0x452: {  	v4 =	vshll.u32 v2, $0x10;
	v2 =	vand.u32 $0xFFFF0000, v2  }
0x453: {  	v4 =	vmul.f32 v4, v3;
	v2 =	vmul.f32 v2, v3;
	_ =	sdelay $0x1  }
0x454: {  	[tilespmem:s6+$0xFFFFFF00] =	vst v4  }
0x455: {  	[tilespmem:s6+$0xFFFFFF10] =	vst v2  }
0x456: {  	v2 =	vld [tilespmem:s9+$0xFFFFFF90];
	_ =	sdelay $0x4  }
0x457: {  	v4 =	vshll.u32 v2, $0x10;
	v2 =	vand.u32 $0xFFFF0000, v2  }
0x458: {  	v4 =	vmul.f32 v4, v3;
	v2 =	vmul.f32 v2, v3;
	_ =	sdelay $0x1  }
0x459: {  	[tilespmem:s6+$0xFFFFFF20] =	vst v4  }
0x45a: {  	[tilespmem:s6+$0xFFFFFF30] =	vst v2  }
0x45b: {  	v2 =	vld [tilespmem:s9+$0xFFFFFFA0];
	_ =	sdelay $0x4  }
0x45c: {  	v4 =	vshll.u32 v2, $0x10;
	v2 =	vand.u32 $0xFFFF0000, v2  }
0x45d: {  	v4 =	vmul.f32 v4, v3;
	v2 =	vmul.f32 v2, v3;
	_ =	sdelay $0x1  }
0x45e: {  	[tilespmem:s6+$0xFFFFFF40] =	vst v4  }
0x45f: {  	[tilespmem:s6+$0xFFFFFF50] =	vst v2  }
0x460: {  	s12 =	sadd.s32 $0x1, s11;
	v2 =	vld [tilespmem:s9+$0xFFFFFFB0]  }
0x461: {  	v4 =	vmov s12  }
0x462: {  	v4 =	vand.u32 $0x7D, v4  }
0x463: {  	v4 =	vor.u32 v1, v4  }
0x464: {  	v4 =	vbroadcast v4, $0x0  }
0x465: {  	v5 =	vshll.u32 v2, $0x10;
	v2 =	vand.u32 $0xFFFF0000, v2  }
0x466: {  	v5 =	vmul.f32 v5, v3;
	v2 =	vmul.f32 v2, v3;
	_ =	sdelay $0x1  }
0x467: {  	[tilespmem:s6+$0xFFFFFF60] =	vst v5  }
0x468: {  	[tilespmem:s6+$0xFFFFFF70] =	vst v2  }
0x469: {  	v2 =	vld.idx.msk [tilespmem:v4+s23+$0x0], $0xffff  }
0x46a: {  	v3 =	vld [tilespmem:s9+$0xFFFFFFC0];
	_ =	sdelay $0x4  }
0x46b: {  	v4 =	vshll.u32 v3, $0x10;
	v3 =	vand.u32 $0xFFFF0000, v3  }
0x46c: {  	v4 =	vmul.f32 v4, v2;
	v3 =	vmul.f32 v3, v2;
	_ =	sdelay $0x1  }
0x46d: {  	[tilespmem:s6+$0xFFFFFF80] =	vst v4  }
0x46e: {  	[tilespmem:s6+$0xFFFFFF90] =	vst v3  }
0x46f: {  	v3 =	vld [tilespmem:s9+$0xFFFFFFD0];
	_ =	sdelay $0x4  }
0x470: {  	v4 =	vshll.u32 v3, $0x10;
	v3 =	vand.u32 $0xFFFF0000, v3  }
0x471: {  	v4 =	vmul.f32 v4, v2;
	v3 =	vmul.f32 v3, v2;
	_ =	sdelay $0x1  }
0x472: {  	[tilespmem:s6+$0xFFFFFFA0] =	vst v4  }
0x473: {  	[tilespmem:s6+$0xFFFFFFB0] =	vst v3  }
0x474: {  	v3 =	vld [tilespmem:s9+$0xFFFFFFE0];
	_ =	sdelay $0x4  }
0x475: {  	v4 =	vshll.u32 v3, $0x10;
	v3 =	vand.u32 $0xFFFF0000, v3  }
0x476: {  	v4 =	vmul.f32 v4, v2;
	v3 =	vmul.f32 v3, v2;
	_ =	sdelay $0x1  }
0x477: {  	[tilespmem:s6+$0xFFFFFFC0] =	vst v4  }
0x478: {  	[tilespmem:s6+$0xFFFFFFD0] =	vst v3  }
0x479: {  	s12 =	sadd.s32 $0x2, s11;
	v3 =	vld [tilespmem:s9+$0xFFFFFFF0]  }
0x47a: {  	v4 =	vmov s12  }
0x47b: {  	v4 =	vand.u32 $0x7E, v4  }
0x47c: {  	v4 =	vor.u32 v1, v4  }
0x47d: {  	v4 =	vbroadcast v4, $0x0  }
0x47e: {  	v5 =	vshll.u32 v3, $0x10;
	v3 =	vand.u32 $0xFFFF0000, v3  }
0x47f: {  	v5 =	vmul.f32 v5, v2;
	v2 =	vmul.f32 v3, v2;
	_ =	sdelay $0x1  }
0x480: {  	[tilespmem:s6+$0xFFFFFFE0] =	vst v5  }
0x481: {  	[tilespmem:s6+$0xFFFFFFF0] =	vst v2  }
0x482: {  	v2 =	vld.idx.msk [tilespmem:v4+s23+$0x0], $0xffff  }
0x483: {  	v3 =	vld [tilespmem:s9+$0x0];
	_ =	sdelay $0x4  }
0x484: {  	v4 =	vshll.u32 v3, $0x10;
	v3 =	vand.u32 $0xFFFF0000, v3  }
0x485: {  	v4 =	vmul.f32 v4, v2;
	v3 =	vmul.f32 v3, v2;
	_ =	sdelay $0x1  }
0x486: {  	[tilespmem:s6+$0x0] =	vst v4  }
0x487: {  	[tilespmem:s6+$0x10] =	vst v3  }
0x488: {  	v3 =	vld [tilespmem:s9+$0x10];
	_ =	sdelay $0x4  }
0x489: {  	v4 =	vshll.u32 v3, $0x10;
	v3 =	vand.u32 $0xFFFF0000, v3  }
0x48a: {  	v4 =	vmul.f32 v4, v2;
	v3 =	vmul.f32 v3, v2;
	_ =	sdelay $0x1  }
0x48b: {  	[tilespmem:s6+$0x20] =	vst v4  }
0x48c: {  	[tilespmem:s6+$0x30] =	vst v3  }
0x48d: {  	v3 =	vld [tilespmem:s9+$0x20];
	_ =	sdelay $0x4  }
0x48e: {  	v4 =	vshll.u32 v3, $0x10;
	v3 =	vand.u32 $0xFFFF0000, v3  }
0x48f: {  	v4 =	vmul.f32 v4, v2;
	v3 =	vmul.f32 v3, v2;
	_ =	sdelay $0x1  }
0x490: {  	[tilespmem:s6+$0x40] =	vst v4  }
0x491: {  	[tilespmem:s6+$0x50] =	vst v3  }
0x492: {  	s11 =	sadd.s32 $0x3, s11;
	v3 =	vld [tilespmem:s9+$0x30]  }
0x493: {  	v4 =	vmov s11  }
0x494: {  	v4 =	vand.u32 $0x7F, v4  }
0x495: {  	v4 =	vor.u32 v1, v4  }
0x496: {  	v4 =	vbroadcast v4, $0x0  }
0x497: {  	v5 =	vshll.u32 v3, $0x10;
	v3 =	vand.u32 $0xFFFF0000, v3  }
0x498: {  	v5 =	vmul.f32 v5, v2;
	v2 =	vmul.f32 v3, v2;
	_ =	sdelay $0x1  }
0x499: {  	[tilespmem:s6+$0x60] =	vst v5  }
0x49a: {  	[tilespmem:s6+$0x70] =	vst v2  }
0x49b: {  	v2 =	vld.idx.msk [tilespmem:v4+s23+$0x0], $0xffff  }
0x49c: {  	v3 =	vld [tilespmem:s9+$0x40];
	_ =	sdelay $0x4  }
0x49d: {  	v4 =	vshll.u32 v3, $0x10;
	v3 =	vand.u32 $0xFFFF0000, v3  }
0x49e: {  	v4 =	vmul.f32 v4, v2;
	v3 =	vmul.f32 v3, v2;
	_ =	sdelay $0x1  }
0x49f: {  	[tilespmem:s6+$0x80] =	vst v4  }
0x4a0: {  	[tilespmem:s6+$0x90] =	vst v3  }
0x4a1: {  	v3 =	vld [tilespmem:s9+$0x50];
	_ =	sdelay $0x4  }
.Ltmp6:
0x4a2: {  	v4 =	vshll.u32 v3, $0x10;
	v3 =	vand.u32 $0xFFFF0000, v3;
	(pc) =	sbr.rel @p1 .LBB2_15-.Ltmp6, $3  }
0x4a3: {  	v4 =	vmul.f32 v4, v2;
	v3 =	vmul.f32 v3, v2;
	_ =	sdelay $0x1  }
0x4a4: {  	[tilespmem:s6+$0xA0] =	vst v4  }
0x4a5: {  	[tilespmem:s6+$0xB0] =	vst v3  }
0x4a6: {  	v1 =	vld [tilespmem:s0+$0x60];
	_ =	sdelay $0x4  }
0x4a7: {  	v3 =	vshll.u32 v1, $0x10  }
0x4a8: {  	v1 =	vand.u32 $0xFFFF0000, v1;
	v3 =	vmul.f32 v3, v2  }
0x4a9: {  	v1 =	vmul.f32 v1, v2  }
0x4aa: {  	[tilespmem:s7+$0xC0] =	vst v3  }
0x4ab: {  	[tilespmem:s7+$0xD0] =	vst v1  }
0x4ac: {  	v1 =	vld [tilespmem:s0+$0x70];
	_ =	sdelay $0x4  }
0x4ad: {  	v3 =	vshll.u32 v1, $0x10  }
0x4ae: {  	v1 =	vand.u32 $0xFFFF0000, v1;
	v3 =	vmul.f32 v3, v2  }
0x4af: {  	v1 =	vmul.f32 v1, v2  }
0x4b0: {  	s8 =	sand.u32 $0x3FFFFF00, s31;
	[tilespmem:s7+$0xE0] =	vst v3  }
0x4b1: {  	s9 =	simm.s32 $0x0;
	s6 =	sadd.s32 $0x1400, s8;
	[tilespmem:s7+$0xF0] =	vst v1  }
0x4b2: {  	[spmem:s1] =	stream.indirect.scatter.add.f32 [tilespmem:s20], [sflag:$0x3], $0x80, s6, s24, $0xb8;
	[tilespmem:$0x1F480] =	vst v63  }
0x4b3: {  	v2 =	vmov s9;
	_ =	swait.ge [sflag:s21], $0x4000  }
0x4b4: {  	v2 =	vand.u32 $0x7C, v2;
	v1 =	vmov s30;
	[sflag:s21] =	ssyncset.done $0x0  }
0x4b5: {  	v2 =	vor.u32 v1, v2;
	[sflag:s21] =	ssyncadd.s32 $0xFFFFC000  }
0x4b6: {  	v2 =	vbroadcast v2, $0x0;
	_ =	swait.ge [sflag:s29], $0x2000  }
0x4b7: {  	[sflag:s29] =	ssyncset.done $0x0  }
0x4b8: {  	s0 =	sadd.s32 $0x100, s8;
	[sflag:s29] =	ssyncadd.s32 $0xFFFFE000  }
0x4b9: {  	[tilespmem:s25], [sflag:$0x1] =	stream.indirect.gather [hbm4b:s4+s24], $0x40, s0, s24, $0xb8;
	[tilespmem:$0x1F480] =	vst v63  }
0x4ba: {  	s0 =	simm.s32 $0x5C80  }
0x4bb: {  	v3 =	vld [tilespmem:s0+$0xFFFFFF80]  }
0x4bc: {  	v2 =	vld.idx.msk [tilespmem:v2+s23+$0x0], $0xffff;
	_ =	sdelay $0x3  }
0x4bd: {  	v4 =	vshll.u32 v3, $0x10  }
0x4be: {  	v3 =	vand.u32 $0xFFFF0000, v3;
	v4 =	vmul.f32 v4, v2  }
0x4bf: {  	s6 =	simm.s32 $0x7D00;
	v3 =	vmul.f32 v3, v2  }
0x4c0: {  	[tilespmem:s6+$0xFFFFFF00] =	vst v4  }
0x4c1: {  	[tilespmem:s6+$0xFFFFFF10] =	vst v3  }
0x4c2: {  	v3 =	vld [tilespmem:s0+$0xFFFFFF90];
	_ =	sdelay $0x4  }
0x4c3: {  	v49 =	vshll.u32 v3, $0x10  }
0x4c4: {  	v3 =	vand.u32 $0xFFFF0000, v3;
	v4 =	vmul.f32 v49, v2  }
0x4c5: {  	v3 =	vmul.f32 v3, v2  }
0x4c6: {  	[tilespmem:s6+$0xFFFFFF20] =	vst v4  }
0x4c7: {  	[tilespmem:s6+$0xFFFFFF30] =	vst v3  }
0x4c8: {  	v3 =	vld [tilespmem:s0+$0xFFFFFFA0];
	_ =	sdelay $0x4  }
0x4c9: {  	v50 =	vshll.u32 v3, $0x10  }
0x4ca: {  	v3 =	vand.u32 $0xFFFF0000, v3;
	v4 =	vmul.f32 v50, v2  }
0x4cb: {  	v3 =	vmul.f32 v3, v2  }
0x4cc: {  	[tilespmem:s6+$0xFFFFFF40] =	vst v4  }
0x4cd: {  	[tilespmem:s6+$0xFFFFFF50] =	vst v3  }
0x4ce: {  	v3 =	vld [tilespmem:s0+$0xFFFFFFB0]  }
0x4cf: {  	s11 =	simm.s32 $0x1  }
0x4d0: {  	v51 =	vmov s11  }
0x4d1: {  	v4 =	vand.u32 $0x7D, v51  }
0x4d2: {  	v4 =	vor.u32 v1, v4  }
0x4d3: {  	v4 =	vbroadcast v4, $0x0;
	v5 =	vshll.u32 v3, $0x10  }
0x4d4: {  	v3 =	vand.u32 $0xFFFF0000, v3;
	v5 =	vmul.f32 v5, v2  }
0x4d5: {  	v2 =	vmul.f32 v3, v2  }
0x4d6: {  	[tilespmem:s6+$0xFFFFFF60] =	vst v5  }
0x4d7: {  	[tilespmem:s6+$0xFFFFFF70] =	vst v2  }
0x4d8: {  	v2 =	vld [tilespmem:s0+$0xFFFFFFC0]  }
0x4d9: {  	v3 =	vld.idx.msk [tilespmem:v4+s23+$0x0], $0xffff;
	_ =	sdelay $0x3  }
0x4da: {  	v52 =	vshll.u32 v2, $0x10  }
0x4db: {  	v2 =	vand.u32 $0xFFFF0000, v2;
	v4 =	vmul.f32 v52, v3  }
0x4dc: {  	v2 =	vmul.f32 v2, v3  }
0x4dd: {  	[tilespmem:s6+$0xFFFFFF80] =	vst v4  }
0x4de: {  	[tilespmem:s6+$0xFFFFFF90] =	vst v2  }
0x4df: {  	v2 =	vld [tilespmem:s0+$0xFFFFFFD0];
	_ =	sdelay $0x4  }
0x4e0: {  	v53 =	vshll.u32 v2, $0x10  }
0x4e1: {  	v2 =	vand.u32 $0xFFFF0000, v2;
	v4 =	vmul.f32 v53, v3  }
0x4e2: {  	v2 =	vmul.f32 v2, v3  }
0x4e3: {  	[tilespmem:s6+$0xFFFFFFA0] =	vst v4  }
0x4e4: {  	[tilespmem:s6+$0xFFFFFFB0] =	vst v2  }
0x4e5: {  	v2 =	vld [tilespmem:s0+$0xFFFFFFE0];
	_ =	sdelay $0x4  }
0x4e6: {  	v54 =	vshll.u32 v2, $0x10  }
0x4e7: {  	v2 =	vand.u32 $0xFFFF0000, v2;
	v4 =	vmul.f32 v54, v3  }
0x4e8: {  	v2 =	vmul.f32 v2, v3  }
0x4e9: {  	[tilespmem:s6+$0xFFFFFFC0] =	vst v4  }
0x4ea: {  	[tilespmem:s6+$0xFFFFFFD0] =	vst v2  }
0x4eb: {  	v2 =	vld [tilespmem:s0+$0xFFFFFFF0]  }
0x4ec: {  	s12 =	simm.s32 $0x2  }
0x4ed: {  	v55 =	vmov s12  }
0x4ee: {  	v4 =	vand.u32 $0x7E, v55  }
0x4ef: {  	v4 =	vor.u32 v1, v4  }
0x4f0: {  	v4 =	vbroadcast v4, $0x0;
	v56 =	vshll.u32 v2, $0x10  }
0x4f1: {  	v2 =	vand.u32 $0xFFFF0000, v2;
	v5 =	vmul.f32 v56, v3  }
0x4f2: {  	v2 =	vmul.f32 v2, v3  }
0x4f3: {  	[tilespmem:s6+$0xFFFFFFE0] =	vst v5  }
0x4f4: {  	[tilespmem:s6+$0xFFFFFFF0] =	vst v2  }
0x4f5: {  	v2 =	vld [tilespmem:s0+$0x0]  }
0x4f6: {  	v3 =	vld.idx.msk [tilespmem:v4+s23+$0x0], $0xffff;
	_ =	sdelay $0x3  }
0x4f7: {  	v57 =	vshll.u32 v2, $0x10  }
0x4f8: {  	v2 =	vand.u32 $0xFFFF0000, v2;
	v4 =	vmul.f32 v57, v3  }
0x4f9: {  	v2 =	vmul.f32 v2, v3  }
0x4fa: {  	[tilespmem:s6+$0x0] =	vst v4  }
0x4fb: {  	[tilespmem:s6+$0x10] =	vst v2  }
0x4fc: {  	v2 =	vld [tilespmem:s0+$0x10];
	_ =	sdelay $0x4  }
0x4fd: {  	v58 =	vshll.u32 v2, $0x10  }
0x4fe: {  	v2 =	vand.u32 $0xFFFF0000, v2;
	v4 =	vmul.f32 v58, v3  }
0x4ff: {  	v2 =	vmul.f32 v2, v3  }
0x500: {  	[tilespmem:s6+$0x20] =	vst v4  }
0x501: {  	[tilespmem:s6+$0x30] =	vst v2  }
0x502: {  	v2 =	vld [tilespmem:s0+$0x20];
	_ =	sdelay $0x4  }
0x503: {  	v59 =	vshll.u32 v2, $0x10  }
0x504: {  	v2 =	vand.u32 $0xFFFF0000, v2;
	v4 =	vmul.f32 v59, v3  }
0x505: {  	v2 =	vmul.f32 v2, v3  }
0x506: {  	[tilespmem:s6+$0x40] =	vst v4  }
0x507: {  	[tilespmem:s6+$0x50] =	vst v2  }
0x508: {  	v2 =	vld [tilespmem:s0+$0x30]  }
0x509: {  	s31 =	simm.s32 $0x3  }
0x50a: {  	v60 =	vmov s31  }
0x50b: {  	v4 =	vand.u32 $0x7F, v60  }
0x50c: {  	v4 =	vor.u32 v1, v4  }
0x50d: {  	v4 =	vbroadcast v4, $0x0;
	v61 =	vshll.u32 v2, $0x10  }
0x50e: {  	v2 =	vand.u32 $0xFFFF0000, v2;
	v5 =	vmul.f32 v61, v3  }
0x50f: {  	v2 =	vmul.f32 v2, v3  }
0x510: {  	[tilespmem:s6+$0x60] =	vst v5  }
0x511: {  	[tilespmem:s6+$0x70] =	vst v2  }
0x512: {  	v3 =	vld [tilespmem:s0+$0x40]  }
0x513: {  	v2 =	vld.idx.msk [tilespmem:v4+s23+$0x0], $0xffff;
	_ =	sdelay $0x3  }
0x514: {  	v62 =	vshll.u32 v3, $0x10  }
0x515: {  	v3 =	vand.u32 $0xFFFF0000, v3;
	v4 =	vmul.f32 v62, v2  }
0x516: {  	v3 =	vmul.f32 v3, v2  }
0x517: {  	[tilespmem:s6+$0x80] =	vst v4  }
0x518: {  	[tilespmem:s6+$0x90] =	vst v3  }
0x519: {  	v3 =	vld [tilespmem:s0+$0x50];
	_ =	sdelay $0x4  }
0x51a: {  	v63 =	vshll.u32 v3, $0x10  }
0x51b: {  	v3 =	vand.u32 $0xFFFF0000, v3;
	v4 =	vmul.f32 v63, v2  }
0x51c: {  	v3 =	vmul.f32 v3, v2  }
0x51d: {  	[tilespmem:s6+$0xA0] =	vst v4  }
0x51e: {  	s8 =	simm.s32 $0x4;
	s9 =	simm.s32 $0x5C80;
	s7 =	simm.s32 $0x7D00;
	[tilespmem:s6+$0xB0] =	vst v3  }
.LBB2_17:
0x51f: {  	p1 =	sne.s32 s8, $0x7C;
	v3 =	vld [tilespmem:s0+$0x60];
	s9 =	sadd.s32 $0x100, s9;
	s6 =	sadd.s32 $0x200, s6  }
0x520: {  	s11 =	smov.u32 s8;
	s8 =	sadd.s32 $0x4, s8;
	_ =	sdelay $0x3  }
0x521: {  	v4 =	vshll.u32 v3, $0x10;
	v3 =	vand.u32 $0xFFFF0000, v3  }
0x522: {  	v4 =	vmul.f32 v4, v2;
	v3 =	vmul.f32 v3, v2;
	_ =	sdelay $0x1  }
0x523: {  	[tilespmem:s7+$0xC0] =	vst v4  }
0x524: {  	[tilespmem:s7+$0xD0] =	vst v3  }
0x525: {  	v3 =	vld [tilespmem:s0+$0x70];
	s0 =	smov.u32 s9;
	_ =	sdelay $0x1  }
0x526: {  	v4 =	vmov s11  }
0x527: {  	v4 =	vand.u32 $0x7C, v4  }
0x528: {  	v4 =	vor.u32 v1, v4  }
0x529: {  	v4 =	vbroadcast v4, $0x0;
	v5 =	vshll.u32 v3, $0x10;
	v3 =	vand.u32 $0xFFFF0000, v3  }
0x52a: {  	v5 =	vmul.f32 v5, v2;
	v2 =	vmul.f32 v3, v2;
	_ =	sdelay $0x1  }
0x52b: {  	[tilespmem:s7+$0xE0] =	vst v5  }
0x52c: {  	[tilespmem:s7+$0xF0] =	vst v2;
	s7 =	smov.u32 s6  }
0x52d: {  	v2 =	vld [tilespmem:s9+$0xFFFFFF80]  }
0x52e: {  	v3 =	vld.idx.msk [tilespmem:v4+s23+$0x0], $0xffff;
	_ =	sdelay $0x4  }
0x52f: {  	v4 =	vshll.u32 v2, $0x10;
	v2 =	vand.u32 $0xFFFF0000, v2  }
0x530: {  	v4 =	vmul.f32 v4, v3;
	v2 =	vmul.f32 v2, v3;
	_ =	sdelay $0x1  }
0x531: {  	[tilespmem:s6+$0xFFFFFF00] =	vst v4  }
0x532: {  	[tilespmem:s6+$0xFFFFFF10] =	vst v2  }
0x533: {  	v2 =	vld [tilespmem:s9+$0xFFFFFF90];
	_ =	sdelay $0x4  }
0x534: {  	v4 =	vshll.u32 v2, $0x10;
	v2 =	vand.u32 $0xFFFF0000, v2  }
0x535: {  	v4 =	vmul.f32 v4, v3;
	v2 =	vmul.f32 v2, v3;
	_ =	sdelay $0x1  }
0x536: {  	[tilespmem:s6+$0xFFFFFF20] =	vst v4  }
0x537: {  	[tilespmem:s6+$0xFFFFFF30] =	vst v2  }
0x538: {  	v2 =	vld [tilespmem:s9+$0xFFFFFFA0];
	_ =	sdelay $0x4  }
0x539: {  	v4 =	vshll.u32 v2, $0x10;
	v2 =	vand.u32 $0xFFFF0000, v2  }
0x53a: {  	v4 =	vmul.f32 v4, v3;
	v2 =	vmul.f32 v2, v3;
	_ =	sdelay $0x1  }
0x53b: {  	[tilespmem:s6+$0xFFFFFF40] =	vst v4  }
0x53c: {  	[tilespmem:s6+$0xFFFFFF50] =	vst v2  }
0x53d: {  	s12 =	sadd.s32 $0x1, s11;
	v2 =	vld [tilespmem:s9+$0xFFFFFFB0]  }
0x53e: {  	v4 =	vmov s12  }
0x53f: {  	v4 =	vand.u32 $0x7D, v4  }
0x540: {  	v4 =	vor.u32 v1, v4  }
0x541: {  	v4 =	vbroadcast v4, $0x0  }
0x542: {  	v5 =	vshll.u32 v2, $0x10;
	v2 =	vand.u32 $0xFFFF0000, v2  }
0x543: {  	v5 =	vmul.f32 v5, v3;
	v2 =	vmul.f32 v2, v3;
	_ =	sdelay $0x1  }
0x544: {  	[tilespmem:s6+$0xFFFFFF60] =	vst v5  }
0x545: {  	[tilespmem:s6+$0xFFFFFF70] =	vst v2  }
0x546: {  	v2 =	vld.idx.msk [tilespmem:v4+s23+$0x0], $0xffff  }
0x547: {  	v3 =	vld [tilespmem:s9+$0xFFFFFFC0];
	_ =	sdelay $0x4  }
0x548: {  	v4 =	vshll.u32 v3, $0x10;
	v3 =	vand.u32 $0xFFFF0000, v3  }
0x549: {  	v4 =	vmul.f32 v4, v2;
	v3 =	vmul.f32 v3, v2;
	_ =	sdelay $0x1  }
0x54a: {  	[tilespmem:s6+$0xFFFFFF80] =	vst v4  }
0x54b: {  	[tilespmem:s6+$0xFFFFFF90] =	vst v3  }
0x54c: {  	v3 =	vld [tilespmem:s9+$0xFFFFFFD0];
	_ =	sdelay $0x4  }
0x54d: {  	v4 =	vshll.u32 v3, $0x10;
	v3 =	vand.u32 $0xFFFF0000, v3  }
0x54e: {  	v4 =	vmul.f32 v4, v2;
	v3 =	vmul.f32 v3, v2;
	_ =	sdelay $0x1  }
0x54f: {  	[tilespmem:s6+$0xFFFFFFA0] =	vst v4  }
0x550: {  	[tilespmem:s6+$0xFFFFFFB0] =	vst v3  }
0x551: {  	v3 =	vld [tilespmem:s9+$0xFFFFFFE0];
	_ =	sdelay $0x4  }
0x552: {  	v4 =	vshll.u32 v3, $0x10;
	v3 =	vand.u32 $0xFFFF0000, v3  }
0x553: {  	v4 =	vmul.f32 v4, v2;
	v3 =	vmul.f32 v3, v2;
	_ =	sdelay $0x1  }
0x554: {  	[tilespmem:s6+$0xFFFFFFC0] =	vst v4  }
0x555: {  	[tilespmem:s6+$0xFFFFFFD0] =	vst v3  }
0x556: {  	s12 =	sadd.s32 $0x2, s11;
	v3 =	vld [tilespmem:s9+$0xFFFFFFF0]  }
0x557: {  	v4 =	vmov s12  }
0x558: {  	v4 =	vand.u32 $0x7E, v4  }
0x559: {  	v4 =	vor.u32 v1, v4  }
0x55a: {  	v4 =	vbroadcast v4, $0x0  }
0x55b: {  	v5 =	vshll.u32 v3, $0x10;
	v3 =	vand.u32 $0xFFFF0000, v3  }
0x55c: {  	v5 =	vmul.f32 v5, v2;
	v2 =	vmul.f32 v3, v2;
	_ =	sdelay $0x1  }
0x55d: {  	[tilespmem:s6+$0xFFFFFFE0] =	vst v5  }
0x55e: {  	[tilespmem:s6+$0xFFFFFFF0] =	vst v2  }
0x55f: {  	v2 =	vld.idx.msk [tilespmem:v4+s23+$0x0], $0xffff  }
0x560: {  	v3 =	vld [tilespmem:s9+$0x0];
	_ =	sdelay $0x4  }
0x561: {  	v4 =	vshll.u32 v3, $0x10;
	v3 =	vand.u32 $0xFFFF0000, v3  }
0x562: {  	v4 =	vmul.f32 v4, v2;
	v3 =	vmul.f32 v3, v2;
	_ =	sdelay $0x1  }
0x563: {  	[tilespmem:s6+$0x0] =	vst v4  }
0x564: {  	[tilespmem:s6+$0x10] =	vst v3  }
0x565: {  	v3 =	vld [tilespmem:s9+$0x10];
	_ =	sdelay $0x4  }
0x566: {  	v4 =	vshll.u32 v3, $0x10;
	v3 =	vand.u32 $0xFFFF0000, v3  }
0x567: {  	v4 =	vmul.f32 v4, v2;
	v3 =	vmul.f32 v3, v2;
	_ =	sdelay $0x1  }
0x568: {  	[tilespmem:s6+$0x20] =	vst v4  }
0x569: {  	[tilespmem:s6+$0x30] =	vst v3  }
0x56a: {  	v3 =	vld [tilespmem:s9+$0x20];
	_ =	sdelay $0x4  }
0x56b: {  	v4 =	vshll.u32 v3, $0x10;
	v3 =	vand.u32 $0xFFFF0000, v3  }
0x56c: {  	v4 =	vmul.f32 v4, v2;
	v3 =	vmul.f32 v3, v2;
	_ =	sdelay $0x1  }
0x56d: {  	[tilespmem:s6+$0x40] =	vst v4  }
0x56e: {  	[tilespmem:s6+$0x50] =	vst v3  }
0x56f: {  	s11 =	sadd.s32 $0x3, s11;
	v3 =	vld [tilespmem:s9+$0x30]  }
0x570: {  	v4 =	vmov s11  }
0x571: {  	v4 =	vand.u32 $0x7F, v4  }
0x572: {  	v4 =	vor.u32 v1, v4  }
0x573: {  	v4 =	vbroadcast v4, $0x0  }
0x574: {  	v5 =	vshll.u32 v3, $0x10;
	v3 =	vand.u32 $0xFFFF0000, v3  }
0x575: {  	v5 =	vmul.f32 v5, v2;
	v2 =	vmul.f32 v3, v2;
	_ =	sdelay $0x1  }
0x576: {  	[tilespmem:s6+$0x60] =	vst v5  }
0x577: {  	[tilespmem:s6+$0x70] =	vst v2  }
0x578: {  	v2 =	vld.idx.msk [tilespmem:v4+s23+$0x0], $0xffff  }
0x579: {  	v3 =	vld [tilespmem:s9+$0x40];
	_ =	sdelay $0x4  }
0x57a: {  	v4 =	vshll.u32 v3, $0x10;
	v3 =	vand.u32 $0xFFFF0000, v3  }
0x57b: {  	v4 =	vmul.f32 v4, v2;
	v3 =	vmul.f32 v3, v2;
	_ =	sdelay $0x1  }
0x57c: {  	[tilespmem:s6+$0x80] =	vst v4  }
0x57d: {  	[tilespmem:s6+$0x90] =	vst v3  }
0x57e: {  	v3 =	vld [tilespmem:s9+$0x50];
	_ =	sdelay $0x4  }
.Ltmp7:
0x57f: {  	v4 =	vshll.u32 v3, $0x10;
	v3 =	vand.u32 $0xFFFF0000, v3;
	(pc) =	sbr.rel @p1 .LBB2_17-.Ltmp7, $3  }
0x580: {  	v4 =	vmul.f32 v4, v2;
	v3 =	vmul.f32 v3, v2;
	_ =	sdelay $0x1  }
0x581: {  	[tilespmem:s6+$0xA0] =	vst v4  }
0x582: {  	[tilespmem:s6+$0xB0] =	vst v3  }
0x583: {  	v1 =	vld [tilespmem:s0+$0x60];
	_ =	sdelay $0x4  }
0x584: {  	v3 =	vshll.u32 v1, $0x10  }
0x585: {  	v1 =	vand.u32 $0xFFFF0000, v1;
	v3 =	vmul.f32 v3, v2  }
0x586: {  	v1 =	vmul.f32 v1, v2  }
0x587: {  	[tilespmem:s7+$0xC0] =	vst v3  }
0x588: {  	[tilespmem:s7+$0xD0] =	vst v1  }
0x589: {  	v1 =	vld [tilespmem:s0+$0x70];
	_ =	sdelay $0x4  }
0x58a: {  	v3 =	vshll.u32 v1, $0x10  }
0x58b: {  	v1 =	vand.u32 $0xFFFF0000, v1;
	v3 =	vmul.f32 v3, v2  }
0x58c: {  	s22 =	sadd.s32 $0x1, s22;
	v1 =	vmul.f32 v1, v2  }
0x58d: {  	p1 =	sne.s32 s22, $0x13;
	[tilespmem:s7+$0xE0] =	vst v3  }
.Ltmp8:
0x58e: {  	s31 =	sadd.s32 $0x1400, s30;
	[tilespmem:s7+$0xF0] =	vst v1;
	(pc) =	sbr.rel @p1 .LBB2_14-.Ltmp8, $4  }
0x58f: {  	[spmem:s1] =	stream.indirect.scatter.add.f32 [tilespmem:s20], [sflag:$0x3], $0x80, s31, s24, $0xb8;
	[tilespmem:$0x1F480] =	vst v63  }
0x590: {  	_ =	swait.ge [sflag:s21], $0x4000  }
0x591: {  	[sflag:s21] =	ssyncset.done $0x0  }
0x592: {  	[sflag:s21] =	ssyncadd.s32 $0xFFFFC000  }
0x593: {  	s0 =	simm.s32 $0x0  }
0x594: {  	v1 =	vmov s0  }
0x595: {  	v1 =	vand.u32 $0x7C, v1  }
0x596: {  	v1 =	vor.u32 $0x1300, v1  }
0x597: {  	v1 =	vbroadcast v1, $0x0  }
0x598: {  	_ =	swait.ge [sflag:s26], $0x2000  }
0x599: {  	[sflag:s26] =	ssyncset.done $0x0  }
0x59a: {  	s22 =	simm.s32 $0x1380;
	s0 =	simm.s32 $0x3C80;
	[sflag:s26] =	ssyncadd.s32 $0xFFFFE000  }
0x59b: {  	[tilespmem:s28], [sflag:$0x2] =	stream.indirect.gather [hbm4b:s4+s24], $0x40, s22, s24, $0xb8;
	[tilespmem:$0x1F480] =	vst v63  }
0x59c: {  	v2 =	vld [tilespmem:s0+$0xFFFFFF80]  }
0x59d: {  	v1 =	vld.idx.msk [tilespmem:v1+s23+$0x0], $0xffff;
	_ =	sdelay $0x3  }
0x59e: {  	v3 =	vshll.u32 v2, $0x10  }
0x59f: {  	v2 =	vand.u32 $0xFFFF0000, v2;
	v3 =	vmul.f32 v3, v1  }
0x5a0: {  	s3 =	simm.s32 $0x7D00;
	v2 =	vmul.f32 v2, v1  }
0x5a1: {  	[tilespmem:s3+$0xFFFFFF00] =	vst v3  }
0x5a2: {  	[tilespmem:s3+$0xFFFFFF10] =	vst v2  }
0x5a3: {  	v2 =	vld [tilespmem:s0+$0xFFFFFF90];
	_ =	sdelay $0x4  }
0x5a4: {  	v3 =	vshll.u32 v2, $0x10  }
0x5a5: {  	v2 =	vand.u32 $0xFFFF0000, v2;
	v3 =	vmul.f32 v3, v1  }
0x5a6: {  	v2 =	vmul.f32 v2, v1  }
0x5a7: {  	[tilespmem:s3+$0xFFFFFF20] =	vst v3  }
0x5a8: {  	[tilespmem:s3+$0xFFFFFF30] =	vst v2  }
0x5a9: {  	v2 =	vld [tilespmem:s0+$0xFFFFFFA0];
	_ =	sdelay $0x4  }
0x5aa: {  	v3 =	vshll.u32 v2, $0x10  }
0x5ab: {  	v2 =	vand.u32 $0xFFFF0000, v2;
	v3 =	vmul.f32 v3, v1  }
0x5ac: {  	v2 =	vmul.f32 v2, v1  }
0x5ad: {  	[tilespmem:s3+$0xFFFFFF40] =	vst v3  }
0x5ae: {  	[tilespmem:s3+$0xFFFFFF50] =	vst v2  }
0x5af: {  	v2 =	vld [tilespmem:s0+$0xFFFFFFB0]  }
0x5b0: {  	s6 =	simm.s32 $0x1  }
0x5b1: {  	v3 =	vmov s6  }
0x5b2: {  	v3 =	vand.u32 $0x7D, v3  }
0x5b3: {  	v3 =	vor.u32 $0x1300, v3  }
0x5b4: {  	v3 =	vbroadcast v3, $0x0;
	v4 =	vshll.u32 v2, $0x10  }
0x5b5: {  	v2 =	vand.u32 $0xFFFF0000, v2;
	v4 =	vmul.f32 v4, v1  }
0x5b6: {  	v1 =	vmul.f32 v2, v1  }
0x5b7: {  	[tilespmem:s3+$0xFFFFFF60] =	vst v4  }
0x5b8: {  	[tilespmem:s3+$0xFFFFFF70] =	vst v1  }
0x5b9: {  	v1 =	vld [tilespmem:s0+$0xFFFFFFC0]  }
0x5ba: {  	v2 =	vld.idx.msk [tilespmem:v3+s23+$0x0], $0xffff;
	_ =	sdelay $0x3  }
0x5bb: {  	v3 =	vshll.u32 v1, $0x10  }
0x5bc: {  	v1 =	vand.u32 $0xFFFF0000, v1;
	v3 =	vmul.f32 v3, v2  }
0x5bd: {  	v1 =	vmul.f32 v1, v2  }
0x5be: {  	[tilespmem:s3+$0xFFFFFF80] =	vst v3  }
0x5bf: {  	[tilespmem:s3+$0xFFFFFF90] =	vst v1  }
0x5c0: {  	v1 =	vld [tilespmem:s0+$0xFFFFFFD0];
	_ =	sdelay $0x4  }
0x5c1: {  	v3 =	vshll.u32 v1, $0x10  }
0x5c2: {  	v1 =	vand.u32 $0xFFFF0000, v1;
	v3 =	vmul.f32 v3, v2  }
0x5c3: {  	v1 =	vmul.f32 v1, v2  }
0x5c4: {  	[tilespmem:s3+$0xFFFFFFA0] =	vst v3  }
0x5c5: {  	[tilespmem:s3+$0xFFFFFFB0] =	vst v1  }
0x5c6: {  	v1 =	vld [tilespmem:s0+$0xFFFFFFE0];
	_ =	sdelay $0x4  }
0x5c7: {  	v3 =	vshll.u32 v1, $0x10  }
0x5c8: {  	v1 =	vand.u32 $0xFFFF0000, v1;
	v3 =	vmul.f32 v3, v2  }
0x5c9: {  	v1 =	vmul.f32 v1, v2  }
0x5ca: {  	[tilespmem:s3+$0xFFFFFFC0] =	vst v3  }
0x5cb: {  	[tilespmem:s3+$0xFFFFFFD0] =	vst v1  }
0x5cc: {  	v1 =	vld [tilespmem:s0+$0xFFFFFFF0]  }
0x5cd: {  	s30 =	simm.s32 $0x2  }
0x5ce: {  	v3 =	vmov s30  }
0x5cf: {  	v3 =	vand.u32 $0x7E, v3  }
0x5d0: {  	v3 =	vor.u32 $0x1300, v3  }
0x5d1: {  	v3 =	vbroadcast v3, $0x0;
	v62 =	vshll.u32 v1, $0x10  }
0x5d2: {  	v1 =	vand.u32 $0xFFFF0000, v1;
	v4 =	vmul.f32 v62, v2  }
0x5d3: {  	v1 =	vmul.f32 v1, v2  }
0x5d4: {  	[tilespmem:s3+$0xFFFFFFE0] =	vst v4  }
0x5d5: {  	[tilespmem:s3+$0xFFFFFFF0] =	vst v1  }
0x5d6: {  	v1 =	vld [tilespmem:s0+$0x0]  }
0x5d7: {  	v2 =	vld.idx.msk [tilespmem:v3+s23+$0x0], $0xffff;
	_ =	sdelay $0x3  }
0x5d8: {  	v3 =	vshll.u32 v1, $0x10  }
0x5d9: {  	v1 =	vand.u32 $0xFFFF0000, v1;
	v3 =	vmul.f32 v3, v2  }
0x5da: {  	v1 =	vmul.f32 v1, v2  }
0x5db: {  	[tilespmem:s3+$0x0] =	vst v3  }
0x5dc: {  	[tilespmem:s3+$0x10] =	vst v1  }
0x5dd: {  	v1 =	vld [tilespmem:s0+$0x10];
	_ =	sdelay $0x4  }
0x5de: {  	v3 =	vshll.u32 v1, $0x10  }
0x5df: {  	v1 =	vand.u32 $0xFFFF0000, v1;
	v3 =	vmul.f32 v3, v2  }
0x5e0: {  	v1 =	vmul.f32 v1, v2  }
0x5e1: {  	[tilespmem:s3+$0x20] =	vst v3  }
0x5e2: {  	[tilespmem:s3+$0x30] =	vst v1  }
0x5e3: {  	v1 =	vld [tilespmem:s0+$0x20];
	_ =	sdelay $0x4  }
0x5e4: {  	v3 =	vshll.u32 v1, $0x10  }
0x5e5: {  	v1 =	vand.u32 $0xFFFF0000, v1;
	v3 =	vmul.f32 v3, v2  }
0x5e6: {  	v1 =	vmul.f32 v1, v2  }
0x5e7: {  	[tilespmem:s3+$0x40] =	vst v3  }
0x5e8: {  	[tilespmem:s3+$0x50] =	vst v1  }
0x5e9: {  	v1 =	vld [tilespmem:s0+$0x30]  }
0x5ea: {  	s31 =	simm.s32 $0x3  }
0x5eb: {  	v3 =	vmov s31  }
0x5ec: {  	v3 =	vand.u32 $0x7F, v3  }
0x5ed: {  	v3 =	vor.u32 $0x1300, v3  }
0x5ee: {  	v3 =	vbroadcast v3, $0x0;
	v63 =	vshll.u32 v1, $0x10  }
0x5ef: {  	v1 =	vand.u32 $0xFFFF0000, v1;
	v4 =	vmul.f32 v63, v2  }
0x5f0: {  	v1 =	vmul.f32 v1, v2  }
0x5f1: {  	[tilespmem:s3+$0x60] =	vst v4  }
0x5f2: {  	[tilespmem:s3+$0x70] =	vst v1  }
0x5f3: {  	v2 =	vld [tilespmem:s0+$0x40]  }
0x5f4: {  	v1 =	vld.idx.msk [tilespmem:v3+s23+$0x0], $0xffff;
	_ =	sdelay $0x3  }
0x5f5: {  	v3 =	vshll.u32 v2, $0x10  }
0x5f6: {  	v2 =	vand.u32 $0xFFFF0000, v2;
	v3 =	vmul.f32 v3, v1  }
0x5f7: {  	v2 =	vmul.f32 v2, v1  }
0x5f8: {  	[tilespmem:s3+$0x80] =	vst v3  }
0x5f9: {  	[tilespmem:s3+$0x90] =	vst v2  }
0x5fa: {  	v2 =	vld [tilespmem:s0+$0x50];
	_ =	sdelay $0x4  }
0x5fb: {  	v3 =	vshll.u32 v2, $0x10  }
0x5fc: {  	v2 =	vand.u32 $0xFFFF0000, v2;
	v3 =	vmul.f32 v3, v1  }
0x5fd: {  	v2 =	vmul.f32 v2, v1  }
0x5fe: {  	[tilespmem:s3+$0xA0] =	vst v3  }
0x5ff: {  	s7 =	simm.s32 $0x4;
	s8 =	simm.s32 $0x3C80;
	s6 =	simm.s32 $0x7D00;
	[tilespmem:s3+$0xB0] =	vst v2  }
.LBB2_20:
0x600: {  	p1 =	sne.s32 s7, $0x7C;
	v2 =	vld [tilespmem:s0+$0x60];
	s8 =	sadd.s32 $0x100, s8;
	s3 =	sadd.s32 $0x200, s3  }
0x601: {  	s9 =	smov.u32 s7;
	s7 =	sadd.s32 $0x4, s7;
	_ =	sdelay $0x3  }
0x602: {  	v3 =	vshll.u32 v2, $0x10;
	v2 =	vand.u32 $0xFFFF0000, v2  }
0x603: {  	v3 =	vmul.f32 v3, v1;
	v2 =	vmul.f32 v2, v1;
	_ =	sdelay $0x1  }
0x604: {  	[tilespmem:s6+$0xC0] =	vst v3  }
0x605: {  	[tilespmem:s6+$0xD0] =	vst v2  }
0x606: {  	v2 =	vld [tilespmem:s0+$0x70];
	s0 =	smov.u32 s8;
	_ =	sdelay $0x1  }
0x607: {  	v3 =	vmov s9  }
0x608: {  	v3 =	vand.u32 $0x7C, v3  }
0x609: {  	v3 =	vor.u32 $0x1300, v3  }
0x60a: {  	v3 =	vbroadcast v3, $0x0;
	v4 =	vshll.u32 v2, $0x10;
	v2 =	vand.u32 $0xFFFF0000, v2  }
0x60b: {  	v4 =	vmul.f32 v4, v1;
	v1 =	vmul.f32 v2, v1;
	_ =	sdelay $0x1  }
0x60c: {  	[tilespmem:s6+$0xE0] =	vst v4  }
0x60d: {  	[tilespmem:s6+$0xF0] =	vst v1;
	s6 =	smov.u32 s3  }
0x60e: {  	v1 =	vld [tilespmem:s8+$0xFFFFFF80]  }
0x60f: {  	v2 =	vld.idx.msk [tilespmem:v3+s23+$0x0], $0xffff;
	_ =	sdelay $0x4  }
0x610: {  	v3 =	vshll.u32 v1, $0x10;
	v1 =	vand.u32 $0xFFFF0000, v1  }
0x611: {  	v3 =	vmul.f32 v3, v2;
	v1 =	vmul.f32 v1, v2;
	_ =	sdelay $0x1  }
0x612: {  	[tilespmem:s3+$0xFFFFFF00] =	vst v3  }
0x613: {  	[tilespmem:s3+$0xFFFFFF10] =	vst v1  }
0x614: {  	v1 =	vld [tilespmem:s8+$0xFFFFFF90];
	_ =	sdelay $0x4  }
0x615: {  	v3 =	vshll.u32 v1, $0x10;
	v1 =	vand.u32 $0xFFFF0000, v1  }
0x616: {  	v3 =	vmul.f32 v3, v2;
	v1 =	vmul.f32 v1, v2;
	_ =	sdelay $0x1  }
0x617: {  	[tilespmem:s3+$0xFFFFFF20] =	vst v3  }
0x618: {  	[tilespmem:s3+$0xFFFFFF30] =	vst v1  }
0x619: {  	v1 =	vld [tilespmem:s8+$0xFFFFFFA0];
	_ =	sdelay $0x4  }
0x61a: {  	v3 =	vshll.u32 v1, $0x10;
	v1 =	vand.u32 $0xFFFF0000, v1  }
0x61b: {  	v3 =	vmul.f32 v3, v2;
	v1 =	vmul.f32 v1, v2;
	_ =	sdelay $0x1  }
0x61c: {  	[tilespmem:s3+$0xFFFFFF40] =	vst v3  }
0x61d: {  	[tilespmem:s3+$0xFFFFFF50] =	vst v1  }
0x61e: {  	s11 =	sadd.s32 $0x1, s9;
	v1 =	vld [tilespmem:s8+$0xFFFFFFB0]  }
0x61f: {  	v3 =	vmov s11  }
0x620: {  	v3 =	vand.u32 $0x7D, v3  }
0x621: {  	v3 =	vor.u32 $0x1300, v3  }
0x622: {  	v3 =	vbroadcast v3, $0x0  }
0x623: {  	v4 =	vshll.u32 v1, $0x10;
	v1 =	vand.u32 $0xFFFF0000, v1  }
0x624: {  	v4 =	vmul.f32 v4, v2;
	v1 =	vmul.f32 v1, v2;
	_ =	sdelay $0x1  }
0x625: {  	[tilespmem:s3+$0xFFFFFF60] =	vst v4  }
0x626: {  	[tilespmem:s3+$0xFFFFFF70] =	vst v1  }
0x627: {  	v1 =	vld.idx.msk [tilespmem:v3+s23+$0x0], $0xffff  }
0x628: {  	v2 =	vld [tilespmem:s8+$0xFFFFFFC0];
	_ =	sdelay $0x4  }
0x629: {  	v3 =	vshll.u32 v2, $0x10;
	v2 =	vand.u32 $0xFFFF0000, v2  }
0x62a: {  	v3 =	vmul.f32 v3, v1;
	v2 =	vmul.f32 v2, v1;
	_ =	sdelay $0x1  }
0x62b: {  	[tilespmem:s3+$0xFFFFFF80] =	vst v3  }
0x62c: {  	[tilespmem:s3+$0xFFFFFF90] =	vst v2  }
0x62d: {  	v2 =	vld [tilespmem:s8+$0xFFFFFFD0];
	_ =	sdelay $0x4  }
0x62e: {  	v3 =	vshll.u32 v2, $0x10;
	v2 =	vand.u32 $0xFFFF0000, v2  }
0x62f: {  	v3 =	vmul.f32 v3, v1;
	v2 =	vmul.f32 v2, v1;
	_ =	sdelay $0x1  }
0x630: {  	[tilespmem:s3+$0xFFFFFFA0] =	vst v3  }
0x631: {  	[tilespmem:s3+$0xFFFFFFB0] =	vst v2  }
0x632: {  	v2 =	vld [tilespmem:s8+$0xFFFFFFE0];
	_ =	sdelay $0x4  }
0x633: {  	v3 =	vshll.u32 v2, $0x10;
	v2 =	vand.u32 $0xFFFF0000, v2  }
0x634: {  	v3 =	vmul.f32 v3, v1;
	v2 =	vmul.f32 v2, v1;
	_ =	sdelay $0x1  }
0x635: {  	[tilespmem:s3+$0xFFFFFFC0] =	vst v3  }
0x636: {  	[tilespmem:s3+$0xFFFFFFD0] =	vst v2  }
0x637: {  	s11 =	sadd.s32 $0x2, s9;
	v2 =	vld [tilespmem:s8+$0xFFFFFFF0]  }
0x638: {  	v3 =	vmov s11  }
0x639: {  	v3 =	vand.u32 $0x7E, v3  }
0x63a: {  	v3 =	vor.u32 $0x1300, v3  }
0x63b: {  	v3 =	vbroadcast v3, $0x0  }
0x63c: {  	v4 =	vshll.u32 v2, $0x10;
	v2 =	vand.u32 $0xFFFF0000, v2  }
0x63d: {  	v4 =	vmul.f32 v4, v1;
	v1 =	vmul.f32 v2, v1;
	_ =	sdelay $0x1  }
0x63e: {  	[tilespmem:s3+$0xFFFFFFE0] =	vst v4  }
0x63f: {  	[tilespmem:s3+$0xFFFFFFF0] =	vst v1  }
0x640: {  	v1 =	vld.idx.msk [tilespmem:v3+s23+$0x0], $0xffff  }
0x641: {  	v2 =	vld [tilespmem:s8+$0x0];
	_ =	sdelay $0x4  }
0x642: {  	v3 =	vshll.u32 v2, $0x10;
	v2 =	vand.u32 $0xFFFF0000, v2  }
0x643: {  	v3 =	vmul.f32 v3, v1;
	v2 =	vmul.f32 v2, v1;
	_ =	sdelay $0x1  }
0x644: {  	[tilespmem:s3+$0x0] =	vst v3  }
0x645: {  	[tilespmem:s3+$0x10] =	vst v2  }
0x646: {  	v2 =	vld [tilespmem:s8+$0x10];
	_ =	sdelay $0x4  }
0x647: {  	v3 =	vshll.u32 v2, $0x10;
	v2 =	vand.u32 $0xFFFF0000, v2  }
0x648: {  	v3 =	vmul.f32 v3, v1;
	v2 =	vmul.f32 v2, v1;
	_ =	sdelay $0x1  }
0x649: {  	[tilespmem:s3+$0x20] =	vst v3  }
0x64a: {  	[tilespmem:s3+$0x30] =	vst v2  }
0x64b: {  	v2 =	vld [tilespmem:s8+$0x20];
	_ =	sdelay $0x4  }
0x64c: {  	v3 =	vshll.u32 v2, $0x10;
	v2 =	vand.u32 $0xFFFF0000, v2  }
0x64d: {  	v3 =	vmul.f32 v3, v1;
	v2 =	vmul.f32 v2, v1;
	_ =	sdelay $0x1  }
0x64e: {  	[tilespmem:s3+$0x40] =	vst v3  }
0x64f: {  	[tilespmem:s3+$0x50] =	vst v2  }
0x650: {  	s9 =	sadd.s32 $0x3, s9;
	v2 =	vld [tilespmem:s8+$0x30]  }
0x651: {  	v3 =	vmov s9  }
0x652: {  	v3 =	vand.u32 $0x7F, v3  }
0x653: {  	v3 =	vor.u32 $0x1300, v3  }
0x654: {  	v3 =	vbroadcast v3, $0x0  }
0x655: {  	v4 =	vshll.u32 v2, $0x10;
	v2 =	vand.u32 $0xFFFF0000, v2  }
0x656: {  	v4 =	vmul.f32 v4, v1;
	v1 =	vmul.f32 v2, v1;
	_ =	sdelay $0x1  }
0x657: {  	[tilespmem:s3+$0x60] =	vst v4  }
0x658: {  	[tilespmem:s3+$0x70] =	vst v1  }
0x659: {  	v1 =	vld.idx.msk [tilespmem:v3+s23+$0x0], $0xffff  }
0x65a: {  	v2 =	vld [tilespmem:s8+$0x40];
	_ =	sdelay $0x4  }
0x65b: {  	v3 =	vshll.u32 v2, $0x10;
	v2 =	vand.u32 $0xFFFF0000, v2  }
0x65c: {  	v3 =	vmul.f32 v3, v1;
	v2 =	vmul.f32 v2, v1;
	_ =	sdelay $0x1  }
0x65d: {  	[tilespmem:s3+$0x80] =	vst v3  }
0x65e: {  	[tilespmem:s3+$0x90] =	vst v2  }
0x65f: {  	v2 =	vld [tilespmem:s8+$0x50];
	_ =	sdelay $0x4  }
.Ltmp9:
0x660: {  	v3 =	vshll.u32 v2, $0x10;
	v2 =	vand.u32 $0xFFFF0000, v2;
	(pc) =	sbr.rel @p1 .LBB2_20-.Ltmp9, $3  }
0x661: {  	v3 =	vmul.f32 v3, v1;
	v2 =	vmul.f32 v2, v1;
	_ =	sdelay $0x1  }
0x662: {  	[tilespmem:s3+$0xA0] =	vst v3  }
0x663: {  	[tilespmem:s3+$0xB0] =	vst v2  }
0x664: {  	v2 =	vld [tilespmem:s0+$0x60];
	_ =	sdelay $0x4  }
0x665: {  	v3 =	vshll.u32 v2, $0x10  }
0x666: {  	v2 =	vand.u32 $0xFFFF0000, v2;
	v3 =	vmul.f32 v3, v1  }
0x667: {  	v2 =	vmul.f32 v2, v1  }
0x668: {  	[tilespmem:s6+$0xC0] =	vst v3  }
0x669: {  	[tilespmem:s6+$0xD0] =	vst v2  }
0x66a: {  	v2 =	vld [tilespmem:s0+$0x70];
	_ =	sdelay $0x4  }
0x66b: {  	v3 =	vshll.u32 v2, $0x10  }
0x66c: {  	v2 =	vand.u32 $0xFFFF0000, v2;
	v3 =	vmul.f32 v3, v1  }
0x66d: {  	v1 =	vmul.f32 v2, v1  }
0x66e: {  	s11 =	simm.s32 $0x0;
	[tilespmem:s6+$0xE0] =	vst v3  }
0x66f: {  	s12 =	simm.s32 $0x2700;
	[tilespmem:s6+$0xF0] =	vst v1;
	v1 =	vmov s11  }
0x670: {  	[spmem:s1] =	stream.indirect.scatter.add.f32 [tilespmem:s20], [sflag:$0x3], $0x80, s12, s24, $0xb8;
	v1 =	vand.u32 $0x7C, v1;
	[tilespmem:$0x1F480] =	vst v63  }
0x671: {  	_ =	swait.ge [sflag:s21], $0x4000;
	v1 =	vor.u32 $0x1380, v1  }
0x672: {  	[sflag:s21] =	ssyncset.done $0x0;
	v1 =	vbroadcast v1, $0x0  }
0x673: {  	[sflag:s21] =	ssyncadd.s32 $0xFFFFC000  }
0x674: {  	_ =	swait.ge [sflag:s29], $0x2000  }
0x675: {  	[sflag:s29] =	ssyncset.done $0x0  }
0x676: {  	s0 =	simm.s32 $0x5C80;
	[sflag:s29] =	ssyncadd.s32 $0xFFFFE000  }
0x677: {  	v2 =	vld [tilespmem:s0+$0xFFFFFF80]  }
0x678: {  	v1 =	vld.idx.msk [tilespmem:v1+s23+$0x0], $0xffff;
	_ =	sdelay $0x3  }
0x679: {  	v3 =	vshll.u32 v2, $0x10  }
0x67a: {  	v2 =	vand.u32 $0xFFFF0000, v2;
	v3 =	vmul.f32 v3, v1  }
0x67b: {  	s3 =	simm.s32 $0x7D00;
	v2 =	vmul.f32 v2, v1  }
0x67c: {  	[tilespmem:s3+$0xFFFFFF00] =	vst v3  }
0x67d: {  	[tilespmem:s3+$0xFFFFFF10] =	vst v2  }
0x67e: {  	v2 =	vld [tilespmem:s0+$0xFFFFFF90];
	_ =	sdelay $0x4  }
0x67f: {  	v3 =	vshll.u32 v2, $0x10  }
0x680: {  	v2 =	vand.u32 $0xFFFF0000, v2;
	v3 =	vmul.f32 v3, v1  }
0x681: {  	v2 =	vmul.f32 v2, v1  }
0x682: {  	[tilespmem:s3+$0xFFFFFF20] =	vst v3  }
0x683: {  	[tilespmem:s3+$0xFFFFFF30] =	vst v2  }
0x684: {  	v2 =	vld [tilespmem:s0+$0xFFFFFFA0];
	_ =	sdelay $0x4  }
0x685: {  	v3 =	vshll.u32 v2, $0x10  }
0x686: {  	v2 =	vand.u32 $0xFFFF0000, v2;
	v3 =	vmul.f32 v3, v1  }
0x687: {  	v2 =	vmul.f32 v2, v1  }
0x688: {  	[tilespmem:s3+$0xFFFFFF40] =	vst v3  }
0x689: {  	[tilespmem:s3+$0xFFFFFF50] =	vst v2  }
0x68a: {  	v2 =	vld [tilespmem:s0+$0xFFFFFFB0]  }
0x68b: {  	s22 =	simm.s32 $0x1  }
0x68c: {  	v3 =	vmov s22  }
0x68d: {  	v3 =	vand.u32 $0x7D, v3  }
0x68e: {  	v3 =	vor.u32 $0x1380, v3  }
0x68f: {  	v3 =	vbroadcast v3, $0x0;
	v4 =	vshll.u32 v2, $0x10  }
0x690: {  	v2 =	vand.u32 $0xFFFF0000, v2;
	v4 =	vmul.f32 v4, v1  }
0x691: {  	v1 =	vmul.f32 v2, v1  }
0x692: {  	[tilespmem:s3+$0xFFFFFF60] =	vst v4  }
0x693: {  	[tilespmem:s3+$0xFFFFFF70] =	vst v1  }
0x694: {  	v1 =	vld [tilespmem:s0+$0xFFFFFFC0]  }
0x695: {  	v2 =	vld.idx.msk [tilespmem:v3+s23+$0x0], $0xffff;
	_ =	sdelay $0x3  }
0x696: {  	v3 =	vshll.u32 v1, $0x10  }
0x697: {  	v1 =	vand.u32 $0xFFFF0000, v1;
	v3 =	vmul.f32 v3, v2  }
0x698: {  	v1 =	vmul.f32 v1, v2  }
0x699: {  	[tilespmem:s3+$0xFFFFFF80] =	vst v3  }
0x69a: {  	[tilespmem:s3+$0xFFFFFF90] =	vst v1  }
0x69b: {  	v1 =	vld [tilespmem:s0+$0xFFFFFFD0];
	_ =	sdelay $0x4  }
0x69c: {  	v3 =	vshll.u32 v1, $0x10  }
0x69d: {  	v1 =	vand.u32 $0xFFFF0000, v1;
	v3 =	vmul.f32 v3, v2  }
0x69e: {  	v1 =	vmul.f32 v1, v2  }
0x69f: {  	[tilespmem:s3+$0xFFFFFFA0] =	vst v3  }
0x6a0: {  	[tilespmem:s3+$0xFFFFFFB0] =	vst v1  }
0x6a1: {  	v1 =	vld [tilespmem:s0+$0xFFFFFFE0];
	_ =	sdelay $0x4  }
0x6a2: {  	v3 =	vshll.u32 v1, $0x10  }
0x6a3: {  	v1 =	vand.u32 $0xFFFF0000, v1;
	v3 =	vmul.f32 v3, v2  }
0x6a4: {  	v1 =	vmul.f32 v1, v2  }
0x6a5: {  	[tilespmem:s3+$0xFFFFFFC0] =	vst v3  }
0x6a6: {  	[tilespmem:s3+$0xFFFFFFD0] =	vst v1  }
0x6a7: {  	v1 =	vld [tilespmem:s0+$0xFFFFFFF0]  }
0x6a8: {  	s30 =	simm.s32 $0x2  }
0x6a9: {  	v3 =	vmov s30  }
0x6aa: {  	v3 =	vand.u32 $0x7E, v3  }
0x6ab: {  	v3 =	vor.u32 $0x1380, v3  }
0x6ac: {  	v3 =	vbroadcast v3, $0x0;
	v62 =	vshll.u32 v1, $0x10  }
0x6ad: {  	v1 =	vand.u32 $0xFFFF0000, v1;
	v4 =	vmul.f32 v62, v2  }
0x6ae: {  	v1 =	vmul.f32 v1, v2  }
0x6af: {  	[tilespmem:s3+$0xFFFFFFE0] =	vst v4  }
0x6b0: {  	[tilespmem:s3+$0xFFFFFFF0] =	vst v1  }
0x6b1: {  	v1 =	vld [tilespmem:s0+$0x0]  }
0x6b2: {  	v2 =	vld.idx.msk [tilespmem:v3+s23+$0x0], $0xffff;
	_ =	sdelay $0x3  }
0x6b3: {  	v3 =	vshll.u32 v1, $0x10  }
0x6b4: {  	v1 =	vand.u32 $0xFFFF0000, v1;
	v3 =	vmul.f32 v3, v2  }
0x6b5: {  	v1 =	vmul.f32 v1, v2  }
0x6b6: {  	[tilespmem:s3+$0x0] =	vst v3  }
0x6b7: {  	[tilespmem:s3+$0x10] =	vst v1  }
0x6b8: {  	v1 =	vld [tilespmem:s0+$0x10];
	_ =	sdelay $0x4  }
0x6b9: {  	v3 =	vshll.u32 v1, $0x10  }
0x6ba: {  	v1 =	vand.u32 $0xFFFF0000, v1;
	v3 =	vmul.f32 v3, v2  }
0x6bb: {  	v1 =	vmul.f32 v1, v2  }
0x6bc: {  	[tilespmem:s3+$0x20] =	vst v3  }
0x6bd: {  	[tilespmem:s3+$0x30] =	vst v1  }
0x6be: {  	v1 =	vld [tilespmem:s0+$0x20];
	_ =	sdelay $0x4  }
0x6bf: {  	v3 =	vshll.u32 v1, $0x10  }
0x6c0: {  	v1 =	vand.u32 $0xFFFF0000, v1;
	v3 =	vmul.f32 v3, v2  }
0x6c1: {  	v1 =	vmul.f32 v1, v2  }
0x6c2: {  	[tilespmem:s3+$0x40] =	vst v3  }
0x6c3: {  	[tilespmem:s3+$0x50] =	vst v1  }
0x6c4: {  	v1 =	vld [tilespmem:s0+$0x30]  }
0x6c5: {  	s31 =	simm.s32 $0x3  }
0x6c6: {  	v3 =	vmov s31  }
0x6c7: {  	v3 =	vand.u32 $0x7F, v3  }
0x6c8: {  	v3 =	vor.u32 $0x1380, v3  }
0x6c9: {  	v3 =	vbroadcast v3, $0x0;
	v63 =	vshll.u32 v1, $0x10  }
0x6ca: {  	v1 =	vand.u32 $0xFFFF0000, v1;
	v4 =	vmul.f32 v63, v2  }
0x6cb: {  	v1 =	vmul.f32 v1, v2  }
0x6cc: {  	[tilespmem:s3+$0x60] =	vst v4  }
0x6cd: {  	[tilespmem:s3+$0x70] =	vst v1  }
0x6ce: {  	v2 =	vld [tilespmem:s0+$0x40]  }
0x6cf: {  	v1 =	vld.idx.msk [tilespmem:v3+s23+$0x0], $0xffff;
	_ =	sdelay $0x3  }
0x6d0: {  	v3 =	vshll.u32 v2, $0x10  }
0x6d1: {  	v2 =	vand.u32 $0xFFFF0000, v2;
	v3 =	vmul.f32 v3, v1  }
0x6d2: {  	v2 =	vmul.f32 v2, v1  }
0x6d3: {  	[tilespmem:s3+$0x80] =	vst v3  }
0x6d4: {  	[tilespmem:s3+$0x90] =	vst v2  }
0x6d5: {  	v2 =	vld [tilespmem:s0+$0x50];
	_ =	sdelay $0x4  }
0x6d6: {  	v3 =	vshll.u32 v2, $0x10  }
0x6d7: {  	v2 =	vand.u32 $0xFFFF0000, v2;
	v3 =	vmul.f32 v3, v1  }
0x6d8: {  	v2 =	vmul.f32 v2, v1  }
0x6d9: {  	[tilespmem:s3+$0xA0] =	vst v3  }
0x6da: {  	s7 =	simm.s32 $0x4;
	s8 =	simm.s32 $0x5C80;
	s6 =	simm.s32 $0x7D00;
	[tilespmem:s3+$0xB0] =	vst v2  }
.LBB2_22:
0x6db: {  	p1 =	sne.s32 s7, $0x7C;
	v2 =	vld [tilespmem:s0+$0x60];
	s8 =	sadd.s32 $0x100, s8;
	s3 =	sadd.s32 $0x200, s3  }
0x6dc: {  	s9 =	smov.u32 s7;
	s7 =	sadd.s32 $0x4, s7;
	_ =	sdelay $0x3  }
0x6dd: {  	v3 =	vshll.u32 v2, $0x10;
	v2 =	vand.u32 $0xFFFF0000, v2  }
0x6de: {  	v3 =	vmul.f32 v3, v1;
	v2 =	vmul.f32 v2, v1;
	_ =	sdelay $0x1  }
0x6df: {  	[tilespmem:s6+$0xC0] =	vst v3  }
0x6e0: {  	[tilespmem:s6+$0xD0] =	vst v2  }
0x6e1: {  	v2 =	vld [tilespmem:s0+$0x70];
	s0 =	smov.u32 s8;
	_ =	sdelay $0x1  }
0x6e2: {  	v3 =	vmov s9  }
0x6e3: {  	v3 =	vand.u32 $0x7C, v3  }
0x6e4: {  	v3 =	vor.u32 $0x1380, v3  }
0x6e5: {  	v3 =	vbroadcast v3, $0x0;
	v4 =	vshll.u32 v2, $0x10;
	v2 =	vand.u32 $0xFFFF0000, v2  }
0x6e6: {  	v4 =	vmul.f32 v4, v1;
	v1 =	vmul.f32 v2, v1;
	_ =	sdelay $0x1  }
0x6e7: {  	[tilespmem:s6+$0xE0] =	vst v4  }
0x6e8: {  	[tilespmem:s6+$0xF0] =	vst v1;
	s6 =	smov.u32 s3  }
0x6e9: {  	v1 =	vld [tilespmem:s8+$0xFFFFFF80]  }
0x6ea: {  	v2 =	vld.idx.msk [tilespmem:v3+s23+$0x0], $0xffff;
	_ =	sdelay $0x4  }
0x6eb: {  	v3 =	vshll.u32 v1, $0x10;
	v1 =	vand.u32 $0xFFFF0000, v1  }
0x6ec: {  	v3 =	vmul.f32 v3, v2;
	v1 =	vmul.f32 v1, v2;
	_ =	sdelay $0x1  }
0x6ed: {  	[tilespmem:s3+$0xFFFFFF00] =	vst v3  }
0x6ee: {  	[tilespmem:s3+$0xFFFFFF10] =	vst v1  }
0x6ef: {  	v1 =	vld [tilespmem:s8+$0xFFFFFF90];
	_ =	sdelay $0x4  }
0x6f0: {  	v3 =	vshll.u32 v1, $0x10;
	v1 =	vand.u32 $0xFFFF0000, v1  }
0x6f1: {  	v3 =	vmul.f32 v3, v2;
	v1 =	vmul.f32 v1, v2;
	_ =	sdelay $0x1  }
0x6f2: {  	[tilespmem:s3+$0xFFFFFF20] =	vst v3  }
0x6f3: {  	[tilespmem:s3+$0xFFFFFF30] =	vst v1  }
0x6f4: {  	v1 =	vld [tilespmem:s8+$0xFFFFFFA0];
	_ =	sdelay $0x4  }
0x6f5: {  	v3 =	vshll.u32 v1, $0x10;
	v1 =	vand.u32 $0xFFFF0000, v1  }
0x6f6: {  	v3 =	vmul.f32 v3, v2;
	v1 =	vmul.f32 v1, v2;
	_ =	sdelay $0x1  }
0x6f7: {  	[tilespmem:s3+$0xFFFFFF40] =	vst v3  }
0x6f8: {  	[tilespmem:s3+$0xFFFFFF50] =	vst v1  }
0x6f9: {  	s11 =	sadd.s32 $0x1, s9;
	v1 =	vld [tilespmem:s8+$0xFFFFFFB0]  }
0x6fa: {  	v3 =	vmov s11  }
0x6fb: {  	v3 =	vand.u32 $0x7D, v3  }
0x6fc: {  	v3 =	vor.u32 $0x1380, v3  }
0x6fd: {  	v3 =	vbroadcast v3, $0x0  }
0x6fe: {  	v4 =	vshll.u32 v1, $0x10;
	v1 =	vand.u32 $0xFFFF0000, v1  }
0x6ff: {  	v4 =	vmul.f32 v4, v2;
	v1 =	vmul.f32 v1, v2;
	_ =	sdelay $0x1  }
0x700: {  	[tilespmem:s3+$0xFFFFFF60] =	vst v4  }
0x701: {  	[tilespmem:s3+$0xFFFFFF70] =	vst v1  }
0x702: {  	v1 =	vld.idx.msk [tilespmem:v3+s23+$0x0], $0xffff  }
0x703: {  	v2 =	vld [tilespmem:s8+$0xFFFFFFC0];
	_ =	sdelay $0x4  }
0x704: {  	v3 =	vshll.u32 v2, $0x10;
	v2 =	vand.u32 $0xFFFF0000, v2  }
0x705: {  	v3 =	vmul.f32 v3, v1;
	v2 =	vmul.f32 v2, v1;
	_ =	sdelay $0x1  }
0x706: {  	[tilespmem:s3+$0xFFFFFF80] =	vst v3  }
0x707: {  	[tilespmem:s3+$0xFFFFFF90] =	vst v2  }
0x708: {  	v2 =	vld [tilespmem:s8+$0xFFFFFFD0];
	_ =	sdelay $0x4  }
0x709: {  	v3 =	vshll.u32 v2, $0x10;
	v2 =	vand.u32 $0xFFFF0000, v2  }
0x70a: {  	v3 =	vmul.f32 v3, v1;
	v2 =	vmul.f32 v2, v1;
	_ =	sdelay $0x1  }
0x70b: {  	[tilespmem:s3+$0xFFFFFFA0] =	vst v3  }
0x70c: {  	[tilespmem:s3+$0xFFFFFFB0] =	vst v2  }
0x70d: {  	v2 =	vld [tilespmem:s8+$0xFFFFFFE0];
	_ =	sdelay $0x4  }
0x70e: {  	v3 =	vshll.u32 v2, $0x10;
	v2 =	vand.u32 $0xFFFF0000, v2  }
0x70f: {  	v3 =	vmul.f32 v3, v1;
	v2 =	vmul.f32 v2, v1;
	_ =	sdelay $0x1  }
0x710: {  	[tilespmem:s3+$0xFFFFFFC0] =	vst v3  }
0x711: {  	[tilespmem:s3+$0xFFFFFFD0] =	vst v2  }
0x712: {  	s11 =	sadd.s32 $0x2, s9;
	v2 =	vld [tilespmem:s8+$0xFFFFFFF0]  }
0x713: {  	v3 =	vmov s11  }
0x714: {  	v3 =	vand.u32 $0x7E, v3  }
0x715: {  	v3 =	vor.u32 $0x1380, v3  }
0x716: {  	v3 =	vbroadcast v3, $0x0  }
0x717: {  	v4 =	vshll.u32 v2, $0x10;
	v2 =	vand.u32 $0xFFFF0000, v2  }
0x718: {  	v4 =	vmul.f32 v4, v1;
	v1 =	vmul.f32 v2, v1;
	_ =	sdelay $0x1  }
0x719: {  	[tilespmem:s3+$0xFFFFFFE0] =	vst v4  }
0x71a: {  	[tilespmem:s3+$0xFFFFFFF0] =	vst v1  }
0x71b: {  	v1 =	vld.idx.msk [tilespmem:v3+s23+$0x0], $0xffff  }
0x71c: {  	v2 =	vld [tilespmem:s8+$0x0];
	_ =	sdelay $0x4  }
0x71d: {  	v3 =	vshll.u32 v2, $0x10;
	v2 =	vand.u32 $0xFFFF0000, v2  }
0x71e: {  	v3 =	vmul.f32 v3, v1;
	v2 =	vmul.f32 v2, v1;
	_ =	sdelay $0x1  }
0x71f: {  	[tilespmem:s3+$0x0] =	vst v3  }
0x720: {  	[tilespmem:s3+$0x10] =	vst v2  }
0x721: {  	v2 =	vld [tilespmem:s8+$0x10];
	_ =	sdelay $0x4  }
0x722: {  	v3 =	vshll.u32 v2, $0x10;
	v2 =	vand.u32 $0xFFFF0000, v2  }
0x723: {  	v3 =	vmul.f32 v3, v1;
	v2 =	vmul.f32 v2, v1;
	_ =	sdelay $0x1  }
0x724: {  	[tilespmem:s3+$0x20] =	vst v3  }
0x725: {  	[tilespmem:s3+$0x30] =	vst v2  }
0x726: {  	v2 =	vld [tilespmem:s8+$0x20];
	_ =	sdelay $0x4  }
0x727: {  	v3 =	vshll.u32 v2, $0x10;
	v2 =	vand.u32 $0xFFFF0000, v2  }
0x728: {  	v3 =	vmul.f32 v3, v1;
	v2 =	vmul.f32 v2, v1;
	_ =	sdelay $0x1  }
0x729: {  	[tilespmem:s3+$0x40] =	vst v3  }
0x72a: {  	[tilespmem:s3+$0x50] =	vst v2  }
0x72b: {  	s9 =	sadd.s32 $0x3, s9;
	v2 =	vld [tilespmem:s8+$0x30]  }
0x72c: {  	v3 =	vmov s9  }
0x72d: {  	v3 =	vand.u32 $0x7F, v3  }
0x72e: {  	v3 =	vor.u32 $0x1380, v3  }
0x72f: {  	v3 =	vbroadcast v3, $0x0  }
0x730: {  	v4 =	vshll.u32 v2, $0x10;
	v2 =	vand.u32 $0xFFFF0000, v2  }
0x731: {  	v4 =	vmul.f32 v4, v1;
	v1 =	vmul.f32 v2, v1;
	_ =	sdelay $0x1  }
0x732: {  	[tilespmem:s3+$0x60] =	vst v4  }
0x733: {  	[tilespmem:s3+$0x70] =	vst v1  }
0x734: {  	v1 =	vld.idx.msk [tilespmem:v3+s23+$0x0], $0xffff  }
0x735: {  	v2 =	vld [tilespmem:s8+$0x40];
	_ =	sdelay $0x4  }
0x736: {  	v3 =	vshll.u32 v2, $0x10;
	v2 =	vand.u32 $0xFFFF0000, v2  }
0x737: {  	v3 =	vmul.f32 v3, v1;
	v2 =	vmul.f32 v2, v1;
	_ =	sdelay $0x1  }
0x738: {  	[tilespmem:s3+$0x80] =	vst v3  }
0x739: {  	[tilespmem:s3+$0x90] =	vst v2  }
0x73a: {  	v2 =	vld [tilespmem:s8+$0x50];
	_ =	sdelay $0x4  }
.Ltmp10:
0x73b: {  	v3 =	vshll.u32 v2, $0x10;
	v2 =	vand.u32 $0xFFFF0000, v2;
	(pc) =	sbr.rel @p1 .LBB2_22-.Ltmp10, $3  }
0x73c: {  	v3 =	vmul.f32 v3, v1;
	v2 =	vmul.f32 v2, v1;
	_ =	sdelay $0x1  }
0x73d: {  	[tilespmem:s3+$0xA0] =	vst v3  }
0x73e: {  	[tilespmem:s3+$0xB0] =	vst v2  }
0x73f: {  	v2 =	vld [tilespmem:s0+$0x60];
	_ =	sdelay $0x4  }
0x740: {  	v3 =	vshll.u32 v2, $0x10  }
0x741: {  	v2 =	vand.u32 $0xFFFF0000, v2;
	v3 =	vmul.f32 v3, v1  }
0x742: {  	v2 =	vmul.f32 v2, v1  }
0x743: {  	[tilespmem:s6+$0xC0] =	vst v3  }
0x744: {  	[tilespmem:s6+$0xD0] =	vst v2  }
0x745: {  	v2 =	vld [tilespmem:s0+$0x70];
	_ =	sdelay $0x4  }
0x746: {  	v3 =	vshll.u32 v2, $0x10  }
0x747: {  	v2 =	vand.u32 $0xFFFF0000, v2;
	v3 =	vmul.f32 v3, v1  }
0x748: {  	v1 =	vmul.f32 v2, v1  }
0x749: {  	[tilespmem:s6+$0xE0] =	vst v3  }
0x74a: {  	s30 =	simm.s32 $0x2780;
	[tilespmem:s6+$0xF0] =	vst v1  }
0x74b: {  	[spmem:s1] =	stream.indirect.scatter.add.f32 [tilespmem:s20], [sflag:$0x3], $0x80, s30, s24, $0xb8;
	[tilespmem:$0x1F480] =	vst v63  }
0x74c: {  	_ =	swait.ge [sflag:s21], $0x4000  }
0x74d: {  	s31 =	stileid.u32;
	[sflag:s21] =	ssyncset.done $0x0  }
0x74e: {  	s0 =	sshll.u32 s31, $0x6;
	[sflag:s21] =	ssyncadd.s32 $0xFFFFC000  }
0x74f: {  	s3 =	sshrl.u32 s5, $0x3;
	s0 =	sor.u32 $0x1C03, s0;
	[bflag:$0x0] =	sbarrier.arrive $0xFFFF  }
0x750: {  	[hbm:s17], [sflag:s0] =	dma.local [spmem:s3], $0x2700  }
0x751: {  	_ =	swait.ge [sflag:s21], $0x2700  }
0x752: {  	s2 =	sadd.s32 $0x1, s2;
	[sflag:s21] =	ssyncset.done $0x0  }
0x753: {  	p1 =	sne.s32 s2, s19;
	s3 =	sshrl.u32 @!p0 s10, $0x3;
	[sflag:s21] =	ssyncadd.s32 $0xFFFFD900  }
0x754: {  	[hbm:s18], [sflag:s0] =	dma.local @!p0 [spmem:s3], $0x100  }
.Ltmp11:
0x755: {  	_ = 	snop;
	(pc) =	sbr.rel @p1 .LBB2_1-.Ltmp11, $4  }
0x756: {  	s0 =	simm.s32 @!p0 $0x3  }
0x757: {  	_ =	swait.ge @!p0 [sflag:s0], $0x100  }
0x758: {  	[sflag:s0] =	ssyncset.done @!p0 $0x0  }
0x759: {  	[sflag:s0] =	ssyncadd.s32 @!p0 $0xFFFFFF00  }
0x75a: {  	_ =	sfence.sel $0x180000  }
0x75b: {  	[bflag:$0x0] =	sbarrier.arrive $0xFFFF  }
0x75c: {  	_ =	strace $0x90000047  }
0x75d: {  	s0 =	stileid.u32;
	[bflag:$0x2] =	sbarrier.arrive $0xFFFF  }
0x75e: {  	p0 =	sne.s32 s0, $0x0;
	s0 =	rddreg [dreg:$0x3]  }
0x75f: {  	s0 =	sadd.s32 @!p0 $0x100000, s0  }
0x760: {  	[sflag:s0] =	ssyncadd.tile.s32 @!p0 $0x1;
	_ =	shalt  }
.Lfunc_end2:
_tile_overlayer_lowered:
.L_overlay_start_2:
0x761: {  	(tag) =	ssettag $0x2  }
0x762: {  	s0 =	rddreg [dreg:$0x0];
	s2 =	stileid.u32  }
0x763: {  	s1 =	rddreg [dreg:$0x1];
	p0 =	sne.s32 s2, $0x0  }
0x764: {  	s3 =	rddreg [dreg:$0x2];
	[bflag:$0x3] =	sbarrier.arrive $0xFFFF;
	s2 =	simm.s32 @!p0 $0x1C03  }
0x765: {  	[timem:s3], [sflag:s2] =	dma.local @!p0 [hbm:s0], s1  }
0x766: {  	s0 =	simm.s32 @!p0 $0x3  }
0x767: {  	_ =	swait.ge @!p0 [sflag:s0], s1  }
0x768: {  	s1 =	ssub.s32 @!p0 $0x0, s1;
	[sflag:s0] =	ssyncset.done @!p0 $0x0  }
0x769: {  	[sflag:s0] =	ssyncadd.s32 @!p0 s1  }
0x76a: {  	[bflag:$0x3] =	sbarrier.arrive $0xFFFF  }
0x76b: {  	_ =	shalt  }

</sc_bundles>
